<compile_context>
chip_gen: v7x
topology: tpu7x:2x2x1
jax: 0.10.2.dev20260603
libtpu: 0.0.44.dev20260713+nightly
codegen_flags: <defaults>
</compile_context>

<pallas_src>
import jax
import jax.numpy as jnp
from jax import lax
from jax.experimental import pallas as pl
from jax.experimental.pallas import tpu as pltpu
from jax.experimental.pallas import tpu_sc as plsc

N_NODES = 10000
N_EDGES = 160000
N_REL = 4
IN_DIM = 532
OUT_DIM = 512
OC = 4
LANES = 128
NC = 2
NS = 16
NW = NC * NS
EPW = N_EDGES // NW
BATCH = 128
NB = 40
PAD = NB * BATCH - EPW
TBL = N_REL * N_NODES
AGG_ROWS = 10112
ZSTRIPE = AGG_ROWS // NS
BN = 400


def _proj_body(x_ref, w_ref, o_ref):
    r = pl.program_id(1)
    o_ref[...] = jnp.dot(x_ref[...], w_ref[r],
                         preferred_element_type=jnp.float32)


def _combine_body(x_ref, ws_ref, a0, a1, a2, a3, deg_ref, b_ref, o_ref):
    self_term = jnp.dot(x_ref[...], ws_ref[...],
                        preferred_element_type=jnp.float32)
    agg = jnp.concatenate([a[0] + a[1] for a in (a0, a1, a2, a3)], axis=1)
    dg = deg_ref[0, :, :1] + deg_ref[1, :, :1]
    norm = 1.0 / jnp.maximum(dg, 1.0)
    o_ref[...] = jnp.maximum(self_term + agg * norm + b_ref[...], 0.0)


def _zero_stripe(zbuf, table, zrow):
    for z in range(19):
        pltpu.sync_copy(zbuf, table.at[pl.ds(zrow + z * 32, 32)])
    pltpu.sync_copy(zbuf.at[pl.ds(0, 24)], table.at[pl.ds(zrow + 608, 24)])


def _copyout_stripe(table, out, zrow):
    for qo, qn in ((0, 160), (160, 160), (320, 160), (480, 152)):
        pltpu.sync_copy(table.at[pl.ds(zrow + qo, qn)],
                        out.at[pl.ds(zrow + qo, qn)])


def _fill_zeros(buf, nrows):
    def _body(i, _):
        for k in range(LANES // 16):
            buf[i, pl.ds(k * 16, 16)] = jnp.zeros((16,), jnp.float32)
        return 0
    lax.fori_loop(0, nrows, _body, 0)


def _sc_agg_body(hr, ridxP, dstP, aggp, idxv, dstv, rows, zbuf,
                 aggsp, semA, semB):
    cid = lax.axis_index("c")
    sid = lax.axis_index("s")
    w = cid * NS + sid

    pltpu.sync_copy(ridxP.at[w], idxv)
    pltpu.sync_copy(dstP.at[w], dstv)
    _fill_zeros(zbuf, 32)

    zrow = sid * ZSTRIPE
    _zero_stripe(zbuf, aggsp, zrow)
    plsc.subcore_barrier()

    pltpu.async_copy(hr.at[idxv.at[0]], rows.at[0], semA)

    def _pair(p, _):
        j0 = 2 * p
        j1 = 2 * p + 1
        j2 = jnp.where(j1 + 1 < NB, j1 + 1, 0)
        pltpu.async_copy(hr.at[idxv.at[j1]], rows.at[1], semB)
        pltpu.make_async_copy(hr.at[idxv.at[j0]], rows.at[0], semA).wait()
        pltpu.sync_copy(rows.at[0], aggsp.at[dstv.at[j0]], add=True)
        pltpu.async_copy(hr.at[idxv.at[j2]], rows.at[0], semA)
        pltpu.make_async_copy(hr.at[idxv.at[j1]], rows.at[1], semB).wait()
        pltpu.sync_copy(rows.at[1], aggsp.at[dstv.at[j1]], add=True)
        return 0
    lax.fori_loop(0, NB // 2, _pair, 0)
    pltpu.make_async_copy(hr.at[idxv.at[0]], rows.at[0], semA).wait()
    plsc.subcore_barrier()

    _copyout_stripe(aggsp, aggp.at[cid], zrow)


def _sc_deg_body(dstP, degp, dstv, ones, zbuf, degsp):
    cid = lax.axis_index("c")
    sid = lax.axis_index("s")
    w = cid * NS + sid

    pltpu.sync_copy(dstP.at[w], dstv)
    _fill_zeros(zbuf, 32)

    def _fill_ones(i, _):
        for k in range(LANES // 16):
            ones[i, pl.ds(k * 16, 16)] = jnp.ones((16,), jnp.float32)
        return 0
    lax.fori_loop(0, BATCH, _fill_ones, 0)

    zrow = sid * ZSTRIPE
    _zero_stripe(zbuf, degsp, zrow)
    plsc.subcore_barrier()

    def _deg(j, _):
        pltpu.sync_copy(ones, degsp.at[dstv.at[j]], add=True)
        return 0
    lax.fori_loop(0, NB, _deg, 0)
    plsc.subcore_barrier()

    _copyout_stripe(degsp, degp.at[cid], zrow)


def kernel(x, edge_index, edge_type, W_rel, W_self, b):
    src = edge_index[0]
    dst = edge_index[1]

    W16 = W_rel.reshape(N_REL, IN_DIM, OC, LANES)
    W16 = W16.transpose(0, 2, 1, 3).reshape(N_REL * OC, IN_DIM, LANES)

    ridx = edge_type * N_NODES + src
    wi = jnp.arange(NW, dtype=jnp.int32)[:, None]
    ki = jnp.arange(PAD, dtype=jnp.int32)[None, :]
    pad_ridx = (wi * PAD + ki) % N_NODES
    pad_dst = N_NODES + (wi % NS) + jnp.zeros_like(ki)
    ridxP = jnp.concatenate([ridx.reshape(NW, EPW), pad_ridx], 1)
    ridxP = ridxP.reshape(NW, NB, BATCH)
    dstP = jnp.concatenate([dst.reshape(NW, EPW), pad_dst], 1)
    dstP = dstP.reshape(NW, NB, BATCH)

    mesh = plsc.VectorSubcoreMesh(core_axis_name="c", subcore_axis_name="s")

    sc_deg = pl.kernel(
        _sc_deg_body,
        out_type=[jax.ShapeDtypeStruct((NC, AGG_ROWS, LANES), jnp.float32)],
        mesh=mesh,
        scratch_types=[
            pltpu.VMEM((NB, BATCH), jnp.int32),
            pltpu.VMEM((BATCH, LANES), jnp.float32),
            pltpu.VMEM((32, LANES), jnp.float32),
            pltpu.VMEM_SHARED((AGG_ROWS, LANES), jnp.float32),
        ],
    )
    (degp,) = sc_deg(dstP)

    sc_agg = pl.kernel(
        _sc_agg_body,
        out_type=[jax.ShapeDtypeStruct((NC, AGG_ROWS, LANES), jnp.float32)],
        mesh=mesh,
        scratch_types=[
            pltpu.VMEM((NB, BATCH), jnp.int32),
            pltpu.VMEM((NB, BATCH), jnp.int32),
            pltpu.VMEM((2, BATCH, LANES), jnp.float32),
            pltpu.VMEM((32, LANES), jnp.float32),
            pltpu.VMEM_SHARED((AGG_ROWS, LANES), jnp.float32),
            pltpu.SemaphoreType.DMA,
            pltpu.SemaphoreType.DMA,
        ],
    )

    aggs = []
    for oc in range(OC):
        hr_oc = pl.pallas_call(
            _proj_body,
            grid=(N_NODES // BN, N_REL),
            in_specs=[
                pl.BlockSpec((BN, IN_DIM), lambda i, r: (i, 0)),
                pl.BlockSpec((N_REL, IN_DIM, LANES),
                             lambda i, r, _oc=oc: (0, 0, 0)),
            ],
            out_specs=pl.BlockSpec(
                (BN, LANES),
                lambda i, r: (r * (N_NODES // BN) + i, 0)),
            out_shape=jax.ShapeDtypeStruct((TBL, LANES), jnp.float32),
            compiler_params=pltpu.CompilerParams(
                dimension_semantics=("parallel", "parallel")),
        )(x, lax.slice_in_dim(W16.reshape(N_REL, OC, IN_DIM, LANES),
                              oc, oc + 1, axis=1).reshape(N_REL, IN_DIM, LANES))
        (agg_oc,) = sc_agg(hr_oc, ridxP, dstP)
        aggs.append(agg_oc)

    b2 = b.reshape(1, OUT_DIM)

    agg_spec = pl.BlockSpec((NC, BN, LANES), lambda i: (0, i, 0))
    out = pl.pallas_call(
        _combine_body,
        grid=(N_NODES // BN,),
        in_specs=[
            pl.BlockSpec((BN, IN_DIM), lambda i: (i, 0)),
            pl.BlockSpec((IN_DIM, OUT_DIM), lambda i: (0, 0)),
            agg_spec, agg_spec, agg_spec, agg_spec,
            pl.BlockSpec((NC, BN, LANES), lambda i: (0, i, 0)),
            pl.BlockSpec((1, OUT_DIM), lambda i: (0, 0)),
        ],
        out_specs=pl.BlockSpec((BN, OUT_DIM), lambda i: (i, 0)),
        out_shape=jax.ShapeDtypeStruct((N_NODES, OUT_DIM), jnp.float32),
        compiler_params=pltpu.CompilerParams(
            dimension_semantics=("parallel",)),
    )(x, W_self, aggs[0], aggs[1], aggs[2], aggs[3], degp, b2)
    return out

# --- scband reference (transcript-rebuilt; emitter-appended) ---
"""Pipeline reference for scband-doc-remodel-78305843741025 (READ-ONLY COPY).

The authoritative reference and input builder live on the scoring server;
editing this copy changes nothing except your own understanding.
"""

import jax, jax.numpy as jnp
import numpy as np

N, E, R = 10000, 160000, 4
IN_DIM, OUT_DIM = 532, 512  # emb_size + type_dim -> emb_size


def setup_inputs(seed: int = 0) -> dict:
    key = jax.random.key(seed)
    ks = jax.random.split(key, 6)
    x = jax.random.normal(ks[0], (N, IN_DIM), dtype=jnp.float32)
    edge_index = jax.random.randint(ks[1], (2, E), 0, N, dtype=jnp.int32)
    edge_type = jax.random.randint(ks[2], (E,), 0, R, dtype=jnp.int32)
    W_rel = jax.random.normal(ks[3], (R, IN_DIM, OUT_DIM), dtype=jnp.float32) * 0.02
    W_self = jax.random.normal(ks[4], (IN_DIM, OUT_DIM), dtype=jnp.float32) * 0.02
    b = jnp.zeros((OUT_DIM,), dtype=jnp.float32)
    return {"x": x, "edge_index": edge_index, "edge_type": edge_type,
            "W_rel": W_rel, "W_self": W_self, "b": b}


def reference(x, edge_index, edge_type, W_rel, W_self, b):
    # RGCN_Layer message passing (DocREModel.rgcn core), edge-list formulation:
    # out_v = relu( x_v W_self + (1/deg_v) * sum_{(u,r,v) in E} x_u W_r + b )
    src = edge_index[0]
    dst = edge_index[1]
    # per-relation projection of node features: [R, N, OUT]
    hr = jnp.einsum('ni,rio->rno', x, W_rel)
    # gather per-edge messages by (relation, source node)
    msg = hr[edge_type, src]  # [E, OUT]
    # scatter-add messages to destination nodes
    agg = jax.ops.segment_sum(msg, dst, num_segments=x.shape[0])
    deg = jax.ops.segment_sum(jnp.ones_like(dst, dtype=jnp.float32), dst,
                              num_segments=x.shape[0])
    norm = 1.0 / jnp.maximum(deg, 1.0)
    out = jax.nn.relu(x @ W_self + agg * norm[:, None] + b)
    return out

if __name__ == "__main__":
    import jax
    _d = setup_inputs()
    print(jax.jit(kernel)(*tuple(_d.values())))

</pallas_src>

<mosaic_0001>
#map = affine_map<(d0, d1) -> (0, 0)>
#map1 = affine_map<(d0, d1) -> (0, 0, 0)>
module attributes {stable_mosaic.version = 14 : i64} {
  func.func @_sc_agg_body(%arg0: i32, %arg1: i32, %arg2: memref<40000x128xf32, #tpu.memory_space<hbm>>, %arg3: memref<32x40x128xi32, #tpu.memory_space<hbm>>, %arg4: memref<32x40x128xi32, #tpu.memory_space<hbm>>, %arg5: memref<2x10112x128xf32, #tpu.memory_space<hbm>>, %arg6: memref<40x128xi32, #tpu.memory_space<vmem>>, %arg7: memref<40x128xi32, #tpu.memory_space<vmem>>, %arg8: memref<2x128x128xf32, #tpu.memory_space<vmem>>, %arg9: memref<32x128xf32, #tpu.memory_space<vmem>>, %arg10: memref<10112x128xf32, #tpu.memory_space<vmem_shared>>, %arg11: memref<!tpu.dma_semaphore, #tpu.memory_space<semaphore_mem>>, %arg12: memref<!tpu.dma_semaphore, #tpu.memory_space<semaphore_mem>>) attributes {dimension_semantics = [#tpu.dimension_semantics<core_parallel>, #tpu.dimension_semantics<subcore_parallel>], iteration_bounds = array<i64: 2, 16>, scalar_prefetch = 0 : i64, scratch_operands = 7 : i64, tpu.core_type = #tpu.core_type<sc_vector_subcore>, window_params = [{transform_indices = #map}, {transform_indices = #map1}, {transform_indices = #map1}, {transform_indices = #map1}]} {
    %mul3A = arith.constant 16 : i32
    %mul3A_0 = arith.muli %arg0, %mul3A : i32
    %add3A = arith.addi %mul3A_0, %arg1 : i32
    "tpu.region"() ({
      %run_scoped3A = tpu.sem_alloc : memref<!tpu.dma_semaphore, #tpu.memory_space<semaphore_mem>>
      %dma_start3A_95 = arith.constant 0 : i32
      %dma_start3A_96 = arith.constant 0 : i32
      %dma_start3A_97 = tpu.memref_slice %arg3[%add3A, %dma_start3A_95, %dma_start3A_96] : memref<32x40x128xi32, #tpu.memory_space<hbm>> -> memref<1x40x128xi32, #tpu.memory_space<hbm>>
      %dma_start3A_98 = tpu.memref_squeeze %dma_start3A_97 : memref<1x40x128xi32, #tpu.memory_space<hbm>> -> memref<40x128xi32, #tpu.memory_space<hbm>>
      %dma_start3A_99 = arith.constant 0 : i32
      %dma_start3A_100 = arith.constant 0 : i32
      %dma_start3A_101 = tpu.memref_slice %arg3[%add3A, %dma_start3A_99, %dma_start3A_100] : memref<32x40x128xi32, #tpu.memory_space<hbm>> -> memref<1x40x128xi32, #tpu.memory_space<hbm>>
      %dma_start3A_102 = tpu.memref_squeeze %dma_start3A_101 : memref<1x40x128xi32, #tpu.memory_space<hbm>> -> memref<40x128xi32, #tpu.memory_space<hbm>>
      tpu.enqueue_dma source(%dma_start3A_102 : memref<40x128xi32, #tpu.memory_space<hbm>>) target(%arg6 : memref<40x128xi32, #tpu.memory_space<vmem>>) target_semaphore(%run_scoped3A : memref<!tpu.dma_semaphore, #tpu.memory_space<semaphore_mem>>)
      %dma_wait3A_103 = arith.constant 0 : i32
      %dma_wait3A_104 = arith.constant 0 : i32
      %dma_wait3A_105 = tpu.memref_slice %arg3[%add3A, %dma_wait3A_103, %dma_wait3A_104] : memref<32x40x128xi32, #tpu.memory_space<hbm>> -> memref<1x40x128xi32, #tpu.memory_space<hbm>>
      %dma_wait3A_106 = tpu.memref_squeeze %dma_wait3A_105 : memref<1x40x128xi32, #tpu.memory_space<hbm>> -> memref<40x128xi32, #tpu.memory_space<hbm>>
      %dma_wait3A_107 = arith.constant 0 : i32
      %dma_wait3A_108 = arith.constant 0 : i32
      %dma_wait3A_109 = tpu.memref_slice %arg3[%add3A, %dma_wait3A_107, %dma_wait3A_108] : memref<32x40x128xi32, #tpu.memory_space<hbm>> -> memref<1x40x128xi32, #tpu.memory_space<hbm>>
      %dma_wait3A_110 = tpu.memref_squeeze %dma_wait3A_109 : memref<1x40x128xi32, #tpu.memory_space<hbm>> -> memref<40x128xi32, #tpu.memory_space<hbm>>
      tpu.wait_dma2 semaphore(%run_scoped3A : memref<!tpu.dma_semaphore, #tpu.memory_space<semaphore_mem>>) src(%dma_wait3A_110 : memref<40x128xi32, #tpu.memory_space<hbm>>) dst(%arg6 : memref<40x128xi32, #tpu.memory_space<vmem>>)
      tpu.yield
    }) : () -> ()
    "tpu.region"() ({
      %run_scoped3A = tpu.sem_alloc : memref<!tpu.dma_semaphore, #tpu.memory_space<semaphore_mem>>
      %dma_start3A_95 = arith.constant 0 : i32
      %dma_start3A_96 = arith.constant 0 : i32
      %dma_start3A_97 = tpu.memref_slice %arg4[%add3A, %dma_start3A_95, %dma_start3A_96] : memref<32x40x128xi32, #tpu.memory_space<hbm>> -> memref<1x40x128xi32, #tpu.memory_space<hbm>>
      %dma_start3A_98 = tpu.memref_squeeze %dma_start3A_97 : memref<1x40x128xi32, #tpu.memory_space<hbm>> -> memref<40x128xi32, #tpu.memory_space<hbm>>
      %dma_start3A_99 = arith.constant 0 : i32
      %dma_start3A_100 = arith.constant 0 : i32
      %dma_start3A_101 = tpu.memref_slice %arg4[%add3A, %dma_start3A_99, %dma_start3A_100] : memref<32x40x128xi32, #tpu.memory_space<hbm>> -> memref<1x40x128xi32, #tpu.memory_space<hbm>>
      %dma_start3A_102 = tpu.memref_squeeze %dma_start3A_101 : memref<1x40x128xi32, #tpu.memory_space<hbm>> -> memref<40x128xi32, #tpu.memory_space<hbm>>
      tpu.enqueue_dma source(%dma_start3A_102 : memref<40x128xi32, #tpu.memory_space<hbm>>) target(%arg7 : memref<40x128xi32, #tpu.memory_space<vmem>>) target_semaphore(%run_scoped3A : memref<!tpu.dma_semaphore, #tpu.memory_space<semaphore_mem>>)
      %dma_wait3A_103 = arith.constant 0 : i32
      %dma_wait3A_104 = arith.constant 0 : i32
      %dma_wait3A_105 = tpu.memref_slice %arg4[%add3A, %dma_wait3A_103, %dma_wait3A_104] : memref<32x40x128xi32, #tpu.memory_space<hbm>> -> memref<1x40x128xi32, #tpu.memory_space<hbm>>
      %dma_wait3A_106 = tpu.memref_squeeze %dma_wait3A_105 : memref<1x40x128xi32, #tpu.memory_space<hbm>> -> memref<40x128xi32, #tpu.memory_space<hbm>>
      %dma_wait3A_107 = arith.constant 0 : i32
      %dma_wait3A_108 = arith.constant 0 : i32
      %dma_wait3A_109 = tpu.memref_slice %arg4[%add3A, %dma_wait3A_107, %dma_wait3A_108] : memref<32x40x128xi32, #tpu.memory_space<hbm>> -> memref<1x40x128xi32, #tpu.memory_space<hbm>>
      %dma_wait3A_110 = tpu.memref_squeeze %dma_wait3A_109 : memref<1x40x128xi32, #tpu.memory_space<hbm>> -> memref<40x128xi32, #tpu.memory_space<hbm>>
      tpu.wait_dma2 semaphore(%run_scoped3A : memref<!tpu.dma_semaphore, #tpu.memory_space<semaphore_mem>>) src(%dma_wait3A_110 : memref<40x128xi32, #tpu.memory_space<hbm>>) dst(%arg7 : memref<40x128xi32, #tpu.memory_space<vmem>>)
      tpu.yield
    }) : () -> ()
    %scan3A = arith.constant 0 : i32
    %scan3A_1 = arith.constant 0 : i32
    %scan3A_2 = arith.constant 32 : i32
    %scan3A_3 = arith.addi %scan3A_1, %scan3A_2 : i32
    %scan3A_4 = arith.constant 1 : i32
    %scan3A_5 = scf.for %scan3A_95 = %scan3A_1 to %scan3A_3 step %scan3A_4 iter_args(%scan3A_96 = %scan3A) -> (i32)  : i32 {
      %broadcast_in_dim3A = arith.constant 0.000000e+00 : f32
      %broadcast_in_dim3A_97 = vector.broadcast %broadcast_in_dim3A : f32 to vector<16xf32>
      %swap3A = arith.index_cast %scan3A_95 : i32 to index
      %swap3A_98 = arith.constant 0 : index
      %swap3A_99 = tpu.vector_load %arg9[%swap3A, %swap3A_98] {strides = array<i32>} : memref<32x128xf32, #tpu.memory_space<vmem>>, vector<1x16xf32>,
      %swap3A_100 = vector.shape_cast %swap3A_99 : vector<1x16xf32> to vector<16xf32>
      %swap3A_101 = vector.shape_cast %broadcast_in_dim3A_97 : vector<16xf32> to vector<1x16xf32>
      tpu.vector_store %arg9[%swap3A, %swap3A_98], %swap3A_101 {strides = array<i32>} : memref<32x128xf32, #tpu.memory_space<vmem>>, vector<1x16xf32>,
      %broadcast_in_dim3A_102 = arith.constant 0.000000e+00 : f32
      %broadcast_in_dim3A_103 = vector.broadcast %broadcast_in_dim3A_102 : f32 to vector<16xf32>
      %swap3A_104 = arith.index_cast %scan3A_95 : i32 to index
      %swap3A_105 = arith.constant 16 : index
      %swap3A_106 = tpu.vector_load %arg9[%swap3A_104, %swap3A_105] {strides = array<i32>} : memref<32x128xf32, #tpu.memory_space<vmem>>, vector<1x16xf32>,
      %swap3A_107 = vector.shape_cast %swap3A_106 : vector<1x16xf32> to vector<16xf32>
      %swap3A_108 = vector.shape_cast %broadcast_in_dim3A_103 : vector<16xf32> to vector<1x16xf32>
      tpu.vector_store %arg9[%swap3A_104, %swap3A_105], %swap3A_108 {strides = array<i32>} : memref<32x128xf32, #tpu.memory_space<vmem>>, vector<1x16xf32>,
      %broadcast_in_dim3A_109 = arith.constant 0.000000e+00 : f32
      %broadcast_in_dim3A_110 = vector.broadcast %broadcast_in_dim3A_109 : f32 to vector<16xf32>
      %swap3A_111 = arith.index_cast %scan3A_95 : i32 to index
      %swap3A_112 = arith.constant 32 : index
      %swap3A_113 = tpu.vector_load %arg9[%swap3A_111, %swap3A_112] {strides = array<i32>} : memref<32x128xf32, #tpu.memory_space<vmem>>, vector<1x16xf32>,
      %swap3A_114 = vector.shape_cast %swap3A_113 : vector<1x16xf32> to vector<16xf32>
      %swap3A_115 = vector.shape_cast %broadcast_in_dim3A_110 : vector<16xf32> to vector<1x16xf32>
      tpu.vector_store %arg9[%swap3A_111, %swap3A_112], %swap3A_115 {strides = array<i32>} : memref<32x128xf32, #tpu.memory_space<vmem>>, vector<1x16xf32>,
      %broadcast_in_dim3A_116 = arith.constant 0.000000e+00 : f32
      %broadcast_in_dim3A_117 = vector.broadcast %broadcast_in_dim3A_116 : f32 to vector<16xf32>
      %swap3A_118 = arith.index_cast %scan3A_95 : i32 to index
      %swap3A_119 = arith.constant 48 : index
      %swap3A_120 = tpu.vector_load %arg9[%swap3A_118, %swap3A_119] {strides = array<i32>} : memref<32x128xf32, #tpu.memory_space<vmem>>, vector<1x16xf32>,
      %swap3A_121 = vector.shape_cast %swap3A_120 : vector<1x16xf32> to vector<16xf32>
      %swap3A_122 = vector.shape_cast %broadcast_in_dim3A_117 : vector<16xf32> to vector<1x16xf32>
      tpu.vector_store %arg9[%swap3A_118, %swap3A_119], %swap3A_122 {strides = array<i32>} : memref<32x128xf32, #tpu.memory_space<vmem>>, vector<1x16xf32>,
      %broadcast_in_dim3A_123 = arith.constant 0.000000e+00 : f32
      %broadcast_in_dim3A_124 = vector.broadcast %broadcast_in_dim3A_123 : f32 to vector<16xf32>
      %swap3A_125 = arith.index_cast %scan3A_95 : i32 to index
      %swap3A_126 = arith.constant 64 : index
      %swap3A_127 = tpu.vector_load %arg9[%swap3A_125, %swap3A_126] {strides = array<i32>} : memref<32x128xf32, #tpu.memory_space<vmem>>, vector<1x16xf32>,
      %swap3A_128 = vector.shape_cast %swap3A_127 : vector<1x16xf32> to vector<16xf32>
      %swap3A_129 = vector.shape_cast %broadcast_in_dim3A_124 : vector<16xf32> to vector<1x16xf32>
      tpu.vector_store %arg9[%swap3A_125, %swap3A_126], %swap3A_129 {strides = array<i32>} : memref<32x128xf32, #tpu.memory_space<vmem>>, vector<1x16xf32>,
      %broadcast_in_dim3A_130 = arith.constant 0.000000e+00 : f32
      %broadcast_in_dim3A_131 = vector.broadcast %broadcast_in_dim3A_130 : f32 to vector<16xf32>
      %swap3A_132 = arith.index_cast %scan3A_95 : i32 to index
      %swap3A_133 = arith.constant 80 : index
      %swap3A_134 = tpu.vector_load %arg9[%swap3A_132, %swap3A_133] {strides = array<i32>} : memref<32x128xf32, #tpu.memory_space<vmem>>, vector<1x16xf32>,
      %swap3A_135 = vector.shape_cast %swap3A_134 : vector<1x16xf32> to vector<16xf32>
      %swap3A_136 = vector.shape_cast %broadcast_in_dim3A_131 : vector<16xf32> to vector<1x16xf32>
      tpu.vector_store %arg9[%swap3A_132, %swap3A_133], %swap3A_136 {strides = array<i32>} : memref<32x128xf32, #tpu.memory_space<vmem>>, vector<1x16xf32>,
      %broadcast_in_dim3A_137 = arith.constant 0.000000e+00 : f32
      %broadcast_in_dim3A_138 = vector.broadcast %broadcast_in_dim3A_137 : f32 to vector<16xf32>
      %swap3A_139 = arith.index_cast %scan3A_95 : i32 to index
      %swap3A_140 = arith.constant 96 : index
      %swap3A_141 = tpu.vector_load %arg9[%swap3A_139, %swap3A_140] {strides = array<i32>} : memref<32x128xf32, #tpu.memory_space<vmem>>, vector<1x16xf32>,
      %swap3A_142 = vector.shape_cast %swap3A_141 : vector<1x16xf32> to vector<16xf32>
      %swap3A_143 = vector.shape_cast %broadcast_in_dim3A_138 : vector<16xf32> to vector<1x16xf32>
      tpu.vector_store %arg9[%swap3A_139, %swap3A_140], %swap3A_143 {strides = array<i32>} : memref<32x128xf32, #tpu.memory_space<vmem>>, vector<1x16xf32>,
      %broadcast_in_dim3A_144 = arith.constant 0.000000e+00 : f32
      %broadcast_in_dim3A_145 = vector.broadcast %broadcast_in_dim3A_144 : f32 to vector<16xf32>
      %swap3A_146 = arith.index_cast %scan3A_95 : i32 to index
      %swap3A_147 = arith.constant 112 : index
      %swap3A_148 = tpu.vector_load %arg9[%swap3A_146, %swap3A_147] {strides = array<i32>} : memref<32x128xf32, #tpu.memory_space<vmem>>, vector<1x16xf32>,
      %swap3A_149 = vector.shape_cast %swap3A_148 : vector<1x16xf32> to vector<16xf32>
      %swap3A_150 = vector.shape_cast %broadcast_in_dim3A_145 : vector<16xf32> to vector<1x16xf32>
      tpu.vector_store %arg9[%swap3A_146, %swap3A_147], %swap3A_150 {strides = array<i32>} : memref<32x128xf32, #tpu.memory_space<vmem>>, vector<1x16xf32>,
      %scan3A_151 = arith.constant 0 : i32
      scf.yield %scan3A_151 : i32
    }
    %scan3A_6 = arith.constant 32 : i32
    %mul3A_7 = arith.constant 632 : i32
    %mul3A_8 = arith.muli %arg1, %mul3A_7 : i32
    %add3A_9 = arith.constant 0 : i32
    %add3A_10 = arith.addi %mul3A_8, %add3A_9 : i32
    "tpu.region"() ({
      %run_scoped3A = tpu.sem_alloc : memref<!tpu.dma_semaphore, #tpu.memory_space<semaphore_mem>>
      %dma_start3A_95 = arith.constant 0 : i32
      %dma_start3A_96 = tpu.memref_slice %arg10[%add3A_10, %dma_start3A_95] : memref<10112x128xf32, #tpu.memory_space<vmem_shared>> -> memref<32x128xf32, #tpu.memory_space<vmem_shared>>
      %dma_start3A_97 = arith.constant 0 : i32
      %dma_start3A_98 = tpu.memref_slice %arg10[%add3A_10, %dma_start3A_97] : memref<10112x128xf32, #tpu.memory_space<vmem_shared>> -> memref<32x128xf32, #tpu.memory_space<vmem_shared>>
      tpu.enqueue_dma source(%arg9 : memref<32x128xf32, #tpu.memory_space<vmem>>) target(%dma_start3A_98 : memref<32x128xf32, #tpu.memory_space<vmem_shared>>) target_semaphore(%run_scoped3A : memref<!tpu.dma_semaphore, #tpu.memory_space<semaphore_mem>>)
      %dma_wait3A_99 = arith.constant 0 : i32
      %dma_wait3A_100 = tpu.memref_slice %arg10[%add3A_10, %dma_wait3A_99] : memref<10112x128xf32, #tpu.memory_space<vmem_shared>> -> memref<32x128xf32, #tpu.memory_space<vmem_shared>>
      %dma_wait3A_101 = arith.constant 0 : i32
      %dma_wait3A_102 = tpu.memref_slice %arg10[%add3A_10, %dma_wait3A_101] : memref<10112x128xf32, #tpu.memory_space<vmem_shared>> -> memref<32x128xf32, #tpu.memory_space<vmem_shared>>
      tpu.wait_dma2 semaphore(%run_scoped3A : memref<!tpu.dma_semaphore, #tpu.memory_space<semaphore_mem>>) src(%arg9 : memref<32x128xf32, #tpu.memory_space<vmem>>) dst(%dma_wait3A_102 : memref<32x128xf32, #tpu.memory_space<vmem_shared>>)
      tpu.yield
    }) : () -> ()
    %add3A_11 = arith.constant 32 : i32
    %add3A_12 = arith.addi %mul3A_8, %add3A_11 : i32
    "tpu.region"() ({
      %run_scoped3A = tpu.sem_alloc : memref<!tpu.dma_semaphore, #tpu.memory_space<semaphore_mem>>
      %dma_start3A_95 = arith.constant 0 : i32
      %dma_start3A_96 = tpu.memref_slice %arg10[%add3A_12, %dma_start3A_95] : memref<10112x128xf32, #tpu.memory_space<vmem_shared>> -> memref<32x128xf32, #tpu.memory_space<vmem_shared>>
      %dma_start3A_97 = arith.constant 0 : i32
      %dma_start3A_98 = tpu.memref_slice %arg10[%add3A_12, %dma_start3A_97] : memref<10112x128xf32, #tpu.memory_space<vmem_shared>> -> memref<32x128xf32, #tpu.memory_space<vmem_shared>>
      tpu.enqueue_dma source(%arg9 : memref<32x128xf32, #tpu.memory_space<vmem>>) target(%dma_start3A_98 : memref<32x128xf32, #tpu.memory_space<vmem_shared>>) target_semaphore(%run_scoped3A : memref<!tpu.dma_semaphore, #tpu.memory_space<semaphore_mem>>)
      %dma_wait3A_99 = arith.constant 0 : i32
      %dma_wait3A_100 = tpu.memref_slice %arg10[%add3A_12, %dma_wait3A_99] : memref<10112x128xf32, #tpu.memory_space<vmem_shared>> -> memref<32x128xf32, #tpu.memory_space<vmem_shared>>
      %dma_wait3A_101 = arith.constant 0 : i32
      %dma_wait3A_102 = tpu.memref_slice %arg10[%add3A_12, %dma_wait3A_101] : memref<10112x128xf32, #tpu.memory_space<vmem_shared>> -> memref<32x128xf32, #tpu.memory_space<vmem_shared>>
      tpu.wait_dma2 semaphore(%run_scoped3A : memref<!tpu.dma_semaphore, #tpu.memory_space<semaphore_mem>>) src(%arg9 : memref<32x128xf32, #tpu.memory_space<vmem>>) dst(%dma_wait3A_102 : memref<32x128xf32, #tpu.memory_space<vmem_shared>>)
      tpu.yield
    }) : () -> ()
    %add3A_13 = arith.constant 64 : i32
    %add3A_14 = arith.addi %mul3A_8, %add3A_13 : i32
    "tpu.region"() ({
      %run_scoped3A = tpu.sem_alloc : memref<!tpu.dma_semaphore, #tpu.memory_space<semaphore_mem>>
      %dma_start3A_95 = arith.constant 0 : i32
      %dma_start3A_96 = tpu.memref_slice %arg10[%add3A_14, %dma_start3A_95] : memref<10112x128xf32, #tpu.memory_space<vmem_shared>> -> memref<32x128xf32, #tpu.memory_space<vmem_shared>>
      %dma_start3A_97 = arith.constant 0 : i32
      %dma_start3A_98 = tpu.memref_slice %arg10[%add3A_14, %dma_start3A_97] : memref<10112x128xf32, #tpu.memory_space<vmem_shared>> -> memref<32x128xf32, #tpu.memory_space<vmem_shared>>
      tpu.enqueue_dma source(%arg9 : memref<32x128xf32, #tpu.memory_space<vmem>>) target(%dma_start3A_98 : memref<32x128xf32, #tpu.memory_space<vmem_shared>>) target_semaphore(%run_scoped3A : memref<!tpu.dma_semaphore, #tpu.memory_space<semaphore_mem>>)
      %dma_wait3A_99 = arith.constant 0 : i32
      %dma_wait3A_100 = tpu.memref_slice %arg10[%add3A_14, %dma_wait3A_99] : memref<10112x128xf32, #tpu.memory_space<vmem_shared>> -> memref<32x128xf32, #tpu.memory_space<vmem_shared>>
      %dma_wait3A_101 = arith.constant 0 : i32
      %dma_wait3A_102 = tpu.memref_slice %arg10[%add3A_14, %dma_wait3A_101] : memref<10112x128xf32, #tpu.memory_space<vmem_shared>> -> memref<32x128xf32, #tpu.memory_space<vmem_shared>>
      tpu.wait_dma2 semaphore(%run_scoped3A : memref<!tpu.dma_semaphore, #tpu.memory_space<semaphore_mem>>) src(%arg9 : memref<32x128xf32, #tpu.memory_space<vmem>>) dst(%dma_wait3A_102 : memref<32x128xf32, #tpu.memory_space<vmem_shared>>)
      tpu.yield
    }) : () -> ()
    %add3A_15 = arith.constant 96 : i32
    %add3A_16 = arith.addi %mul3A_8, %add3A_15 : i32
    "tpu.region"() ({
      %run_scoped3A = tpu.sem_alloc : memref<!tpu.dma_semaphore, #tpu.memory_space<semaphore_mem>>
      %dma_start3A_95 = arith.constant 0 : i32
      %dma_start3A_96 = tpu.memref_slice %arg10[%add3A_16, %dma_start3A_95] : memref<10112x128xf32, #tpu.memory_space<vmem_shared>> -> memref<32x128xf32, #tpu.memory_space<vmem_shared>>
      %dma_start3A_97 = arith.constant 0 : i32
      %dma_start3A_98 = tpu.memref_slice %arg10[%add3A_16, %dma_start3A_97] : memref<10112x128xf32, #tpu.memory_space<vmem_shared>> -> memref<32x128xf32, #tpu.memory_space<vmem_shared>>
      tpu.enqueue_dma source(%arg9 : memref<32x128xf32, #tpu.memory_space<vmem>>) target(%dma_start3A_98 : memref<32x128xf32, #tpu.memory_space<vmem_shared>>) target_semaphore(%run_scoped3A : memref<!tpu.dma_semaphore, #tpu.memory_space<semaphore_mem>>)
      %dma_wait3A_99 = arith.constant 0 : i32
      %dma_wait3A_100 = tpu.memref_slice %arg10[%add3A_16, %dma_wait3A_99] : memref<10112x128xf32, #tpu.memory_space<vmem_shared>> -> memref<32x128xf32, #tpu.memory_space<vmem_shared>>
      %dma_wait3A_101 = arith.constant 0 : i32
      %dma_wait3A_102 = tpu.memref_slice %arg10[%add3A_16, %dma_wait3A_101] : memref<10112x128xf32, #tpu.memory_space<vmem_shared>> -> memref<32x128xf32, #tpu.memory_space<vmem_shared>>
      tpu.wait_dma2 semaphore(%run_scoped3A : memref<!tpu.dma_semaphore, #tpu.memory_space<semaphore_mem>>) src(%arg9 : memref<32x128xf32, #tpu.memory_space<vmem>>) dst(%dma_wait3A_102 : memref<32x128xf32, #tpu.memory_space<vmem_shared>>)
      tpu.yield
    }) : () -> ()
    %add3A_17 = arith.constant 128 : i32
    %add3A_18 = arith.addi %mul3A_8, %add3A_17 : i32
    "tpu.region"() ({
      %run_scoped3A = tpu.sem_alloc : memref<!tpu.dma_semaphore, #tpu.memory_space<semaphore_mem>>
      %dma_start3A_95 = arith.constant 0 : i32
      %dma_start3A_96 = tpu.memref_slice %arg10[%add3A_18, %dma_start3A_95] : memref<10112x128xf32, #tpu.memory_space<vmem_shared>> -> memref<32x128xf32, #tpu.memory_space<vmem_shared>>
      %dma_start3A_97 = arith.constant 0 : i32
      %dma_start3A_98 = tpu.memref_slice %arg10[%add3A_18, %dma_start3A_97] : memref<10112x128xf32, #tpu.memory_space<vmem_shared>> -> memref<32x128xf32, #tpu.memory_space<vmem_shared>>
      tpu.enqueue_dma source(%arg9 : memref<32x128xf32, #tpu.memory_space<vmem>>) target(%dma_start3A_98 : memref<32x128xf32, #tpu.memory_space<vmem_shared>>) target_semaphore(%run_scoped3A : memref<!tpu.dma_semaphore, #tpu.memory_space<semaphore_mem>>)
      %dma_wait3A_99 = arith.constant 0 : i32
      %dma_wait3A_100 = tpu.memref_slice %arg10[%add3A_18, %dma_wait3A_99] : memref<10112x128xf32, #tpu.memory_space<vmem_shared>> -> memref<32x128xf32, #tpu.memory_space<vmem_shared>>
      %dma_wait3A_101 = arith.constant 0 : i32
      %dma_wait3A_102 = tpu.memref_slice %arg10[%add3A_18, %dma_wait3A_101] : memref<10112x128xf32, #tpu.memory_space<vmem_shared>> -> memref<32x128xf32, #tpu.memory_space<vmem_shared>>
      tpu.wait_dma2 semaphore(%run_scoped3A : memref<!tpu.dma_semaphore, #tpu.memory_space<semaphore_mem>>) src(%arg9 : memref<32x128xf32, #tpu.memory_space<vmem>>) dst(%dma_wait3A_102 : memref<32x128xf32, #tpu.memory_space<vmem_shared>>)
      tpu.yield
    }) : () -> ()
    %add3A_19 = arith.constant 160 : i32
    %add3A_20 = arith.addi %mul3A_8, %add3A_19 : i32
    "tpu.region"() ({
      %run_scoped3A = tpu.sem_alloc : memref<!tpu.dma_semaphore, #tpu.memory_space<semaphore_mem>>
      %dma_start3A_95 = arith.constant 0 : i32
      %dma_start3A_96 = tpu.memref_slice %arg10[%add3A_20, %dma_start3A_95] : memref<10112x128xf32, #tpu.memory_space<vmem_shared>> -> memref<32x128xf32, #tpu.memory_space<vmem_shared>>
      %dma_start3A_97 = arith.constant 0 : i32
      %dma_start3A_98 = tpu.memref_slice %arg10[%add3A_20, %dma_start3A_97] : memref<10112x128xf32, #tpu.memory_space<vmem_shared>> -> memref<32x128xf32, #tpu.memory_space<vmem_shared>>
      tpu.enqueue_dma source(%arg9 : memref<32x128xf32, #tpu.memory_space<vmem>>) target(%dma_start3A_98 : memref<32x128xf32, #tpu.memory_space<vmem_shared>>) target_semaphore(%run_scoped3A : memref<!tpu.dma_semaphore, #tpu.memory_space<semaphore_mem>>)
      %dma_wait3A_99 = arith.constant 0 : i32
      %dma_wait3A_100 = tpu.memref_slice %arg10[%add3A_20, %dma_wait3A_99] : memref<10112x128xf32, #tpu.memory_space<vmem_shared>> -> memref<32x128xf32, #tpu.memory_space<vmem_shared>>
      %dma_wait3A_101 = arith.constant 0 : i32
      %dma_wait3A_102 = tpu.memref_slice %arg10[%add3A_20, %dma_wait3A_101] : memref<10112x128xf32, #tpu.memory_space<vmem_shared>> -> memref<32x128xf32, #tpu.memory_space<vmem_shared>>
      tpu.wait_dma2 semaphore(%run_scoped3A : memref<!tpu.dma_semaphore, #tpu.memory_space<semaphore_mem>>) src(%arg9 : memref<32x128xf32, #tpu.memory_space<vmem>>) dst(%dma_wait3A_102 : memref<32x128xf32, #tpu.memory_space<vmem_shared>>)
      tpu.yield
    }) : () -> ()
    %add3A_21 = arith.constant 192 : i32
    %add3A_22 = arith.addi %mul3A_8, %add3A_21 : i32
    "tpu.region"() ({
      %run_scoped3A = tpu.sem_alloc : memref<!tpu.dma_semaphore, #tpu.memory_space<semaphore_mem>>
      %dma_start3A_95 = arith.constant 0 : i32
      %dma_start3A_96 = tpu.memref_slice %arg10[%add3A_22, %dma_start3A_95] : memref<10112x128xf32, #tpu.memory_space<vmem_shared>> -> memref<32x128xf32, #tpu.memory_space<vmem_shared>>
      %dma_start3A_97 = arith.constant 0 : i32
      %dma_start3A_98 = tpu.memref_slice %arg10[%add3A_22, %dma_start3A_97] : memref<10112x128xf32, #tpu.memory_space<vmem_shared>> -> memref<32x128xf32, #tpu.memory_space<vmem_shared>>
      tpu.enqueue_dma source(%arg9 : memref<32x128xf32, #tpu.memory_space<vmem>>) target(%dma_start3A_98 : memref<32x128xf32, #tpu.memory_space<vmem_shared>>) target_semaphore(%run_scoped3A : memref<!tpu.dma_semaphore, #tpu.memory_space<semaphore_mem>>)
      %dma_wait3A_99 = arith.constant 0 : i32
      %dma_wait3A_100 = tpu.memref_slice %arg10[%add3A_22, %dma_wait3A_99] : memref<10112x128xf32, #tpu.memory_space<vmem_shared>> -> memref<32x128xf32, #tpu.memory_space<vmem_shared>>
      %dma_wait3A_101 = arith.constant 0 : i32
      %dma_wait3A_102 = tpu.memref_slice %arg10[%add3A_22, %dma_wait3A_101] : memref<10112x128xf32, #tpu.memory_space<vmem_shared>> -> memref<32x128xf32, #tpu.memory_space<vmem_shared>>
      tpu.wait_dma2 semaphore(%run_scoped3A : memref<!tpu.dma_semaphore, #tpu.memory_space<semaphore_mem>>) src(%arg9 : memref<32x128xf32, #tpu.memory_space<vmem>>) dst(%dma_wait3A_102 : memref<32x128xf32, #tpu.memory_space<vmem_shared>>)
      tpu.yield
    }) : () -> ()
    %add3A_23 = arith.constant 224 : i32
    %add3A_24 = arith.addi %mul3A_8, %add3A_23 : i32
    "tpu.region"() ({
      %run_scoped3A = tpu.sem_alloc : memref<!tpu.dma_semaphore, #tpu.memory_space<semaphore_mem>>
      %dma_start3A_95 = arith.constant 0 : i32
      %dma_start3A_96 = tpu.memref_slice %arg10[%add3A_24, %dma_start3A_95] : memref<10112x128xf32, #tpu.memory_space<vmem_shared>> -> memref<32x128xf32, #tpu.memory_space<vmem_shared>>
      %dma_start3A_97 = arith.constant 0 : i32
      %dma_start3A_98 = tpu.memref_slice %arg10[%add3A_24, %dma_start3A_97] : memref<10112x128xf32, #tpu.memory_space<vmem_shared>> -> memref<32x128xf32, #tpu.memory_space<vmem_shared>>
      tpu.enqueue_dma source(%arg9 : memref<32x128xf32, #tpu.memory_space<vmem>>) target(%dma_start3A_98 : memref<32x128xf32, #tpu.memory_space<vmem_shared>>) target_semaphore(%run_scoped3A : memref<!tpu.dma_semaphore, #tpu.memory_space<semaphore_mem>>)
      %dma_wait3A_99 = arith.constant 0 : i32
      %dma_wait3A_100 = tpu.memref_slice %arg10[%add3A_24, %dma_wait3A_99] : memref<10112x128xf32, #tpu.memory_space<vmem_shared>> -> memref<32x128xf32, #tpu.memory_space<vmem_shared>>
      %dma_wait3A_101 = arith.constant 0 : i32
      %dma_wait3A_102 = tpu.memref_slice %arg10[%add3A_24, %dma_wait3A_101] : memref<10112x128xf32, #tpu.memory_space<vmem_shared>> -> memref<32x128xf32, #tpu.memory_space<vmem_shared>>
      tpu.wait_dma2 semaphore(%run_scoped3A : memref<!tpu.dma_semaphore, #tpu.memory_space<semaphore_mem>>) src(%arg9 : memref<32x128xf32, #tpu.memory_space<vmem>>) dst(%dma_wait3A_102 : memref<32x128xf32, #tpu.memory_space<vmem_shared>>)
      tpu.yield
    }) : () -> ()
    %add3A_25 = arith.constant 256 : i32
    %add3A_26 = arith.addi %mul3A_8, %add3A_25 : i32
    "tpu.region"() ({
      %run_scoped3A = tpu.sem_alloc : memref<!tpu.dma_semaphore, #tpu.memory_space<semaphore_mem>>
      %dma_start3A_95 = arith.constant 0 : i32
      %dma_start3A_96 = tpu.memref_slice %arg10[%add3A_26, %dma_start3A_95] : memref<10112x128xf32, #tpu.memory_space<vmem_shared>> -> memref<32x128xf32, #tpu.memory_space<vmem_shared>>
      %dma_start3A_97 = arith.constant 0 : i32
      %dma_start3A_98 = tpu.memref_slice %arg10[%add3A_26, %dma_start3A_97] : memref<10112x128xf32, #tpu.memory_space<vmem_shared>> -> memref<32x128xf32, #tpu.memory_space<vmem_shared>>
      tpu.enqueue_dma source(%arg9 : memref<32x128xf32, #tpu.memory_space<vmem>>) target(%dma_start3A_98 : memref<32x128xf32, #tpu.memory_space<vmem_shared>>) target_semaphore(%run_scoped3A : memref<!tpu.dma_semaphore, #tpu.memory_space<semaphore_mem>>)
      %dma_wait3A_99 = arith.constant 0 : i32
      %dma_wait3A_100 = tpu.memref_slice %arg10[%add3A_26, %dma_wait3A_99] : memref<10112x128xf32, #tpu.memory_space<vmem_shared>> -> memref<32x128xf32, #tpu.memory_space<vmem_shared>>
      %dma_wait3A_101 = arith.constant 0 : i32
      %dma_wait3A_102 = tpu.memref_slice %arg10[%add3A_26, %dma_wait3A_101] : memref<10112x128xf32, #tpu.memory_space<vmem_shared>> -> memref<32x128xf32, #tpu.memory_space<vmem_shared>>
      tpu.wait_dma2 semaphore(%run_scoped3A : memref<!tpu.dma_semaphore, #tpu.memory_space<semaphore_mem>>) src(%arg9 : memref<32x128xf32, #tpu.memory_space<vmem>>) dst(%dma_wait3A_102 : memref<32x128xf32, #tpu.memory_space<vmem_shared>>)
      tpu.yield
    }) : () -> ()
    %add3A_27 = arith.constant 288 : i32
    %add3A_28 = arith.addi %mul3A_8, %add3A_27 : i32
    "tpu.region"() ({
      %run_scoped3A = tpu.sem_alloc : memref<!tpu.dma_semaphore, #tpu.memory_space<semaphore_mem>>
      %dma_start3A_95 = arith.constant 0 : i32
      %dma_start3A_96 = tpu.memref_slice %arg10[%add3A_28, %dma_start3A_95] : memref<10112x128xf32, #tpu.memory_space<vmem_shared>> -> memref<32x128xf32, #tpu.memory_space<vmem_shared>>
      %dma_start3A_97 = arith.constant 0 : i32
      %dma_start3A_98 = tpu.memref_slice %arg10[%add3A_28, %dma_start3A_97] : memref<10112x128xf32, #tpu.memory_space<vmem_shared>> -> memref<32x128xf32, #tpu.memory_space<vmem_shared>>
      tpu.enqueue_dma source(%arg9 : memref<32x128xf32, #tpu.memory_space<vmem>>) target(%dma_start3A_98 : memref<32x128xf32, #tpu.memory_space<vmem_shared>>) target_semaphore(%run_scoped3A : memref<!tpu.dma_semaphore, #tpu.memory_space<semaphore_mem>>)
      %dma_wait3A_99 = arith.constant 0 : i32
      %dma_wait3A_100 = tpu.memref_slice %arg10[%add3A_28, %dma_wait3A_99] : memref<10112x128xf32, #tpu.memory_space<vmem_shared>> -> memref<32x128xf32, #tpu.memory_space<vmem_shared>>
      %dma_wait3A_101 = arith.constant 0 : i32
      %dma_wait3A_102 = tpu.memref_slice %arg10[%add3A_28, %dma_wait3A_101] : memref<10112x128xf32, #tpu.memory_space<vmem_shared>> -> memref<32x128xf32, #tpu.memory_space<vmem_shared>>
      tpu.wait_dma2 semaphore(%run_scoped3A : memref<!tpu.dma_semaphore, #tpu.memory_space<semaphore_mem>>) src(%arg9 : memref<32x128xf32, #tpu.memory_space<vmem>>) dst(%dma_wait3A_102 : memref<32x128xf32, #tpu.memory_space<vmem_shared>>)
      tpu.yield
    }) : () -> ()
    %add3A_29 = arith.constant 320 : i32
    %add3A_30 = arith.addi %mul3A_8, %add3A_29 : i32
    "tpu.region"() ({
      %run_scoped3A = tpu.sem_alloc : memref<!tpu.dma_semaphore, #tpu.memory_space<semaphore_mem>>
      %dma_start3A_95 = arith.constant 0 : i32
      %dma_start3A_96 = tpu.memref_slice %arg10[%add3A_30, %dma_start3A_95] : memref<10112x128xf32, #tpu.memory_space<vmem_shared>> -> memref<32x128xf32, #tpu.memory_space<vmem_shared>>
      %dma_start3A_97 = arith.constant 0 : i32
      %dma_start3A_98 = tpu.memref_slice %arg10[%add3A_30, %dma_start3A_97] : memref<10112x128xf32, #tpu.memory_space<vmem_shared>> -> memref<32x128xf32, #tpu.memory_space<vmem_shared>>
      tpu.enqueue_dma source(%arg9 : memref<32x128xf32, #tpu.memory_space<vmem>>) target(%dma_start3A_98 : memref<32x128xf32, #tpu.memory_space<vmem_shared>>) target_semaphore(%run_scoped3A : memref<!tpu.dma_semaphore, #tpu.memory_space<semaphore_mem>>)
      %dma_wait3A_99 = arith.constant 0 : i32
      %dma_wait3A_100 = tpu.memref_slice %arg10[%add3A_30, %dma_wait3A_99] : memref<10112x128xf32, #tpu.memory_space<vmem_shared>> -> memref<32x128xf32, #tpu.memory_space<vmem_shared>>
      %dma_wait3A_101 = arith.constant 0 : i32
      %dma_wait3A_102 = tpu.memref_slice %arg10[%add3A_30, %dma_wait3A_101] : memref<10112x128xf32, #tpu.memory_space<vmem_shared>> -> memref<32x128xf32, #tpu.memory_space<vmem_shared>>
      tpu.wait_dma2 semaphore(%run_scoped3A : memref<!tpu.dma_semaphore, #tpu.memory_space<semaphore_mem>>) src(%arg9 : memref<32x128xf32, #tpu.memory_space<vmem>>) dst(%dma_wait3A_102 : memref<32x128xf32, #tpu.memory_space<vmem_shared>>)
      tpu.yield
    }) : () -> ()
    %add3A_31 = arith.constant 352 : i32
    %add3A_32 = arith.addi %mul3A_8, %add3A_31 : i32
    "tpu.region"() ({
      %run_scoped3A = tpu.sem_alloc : memref<!tpu.dma_semaphore, #tpu.memory_space<semaphore_mem>>
      %dma_start3A_95 = arith.constant 0 : i32
      %dma_start3A_96 = tpu.memref_slice %arg10[%add3A_32, %dma_start3A_95] : memref<10112x128xf32, #tpu.memory_space<vmem_shared>> -> memref<32x128xf32, #tpu.memory_space<vmem_shared>>
      %dma_start3A_97 = arith.constant 0 : i32
      %dma_start3A_98 = tpu.memref_slice %arg10[%add3A_32, %dma_start3A_97] : memref<10112x128xf32, #tpu.memory_space<vmem_shared>> -> memref<32x128xf32, #tpu.memory_space<vmem_shared>>
      tpu.enqueue_dma source(%arg9 : memref<32x128xf32, #tpu.memory_space<vmem>>) target(%dma_start3A_98 : memref<32x128xf32, #tpu.memory_space<vmem_shared>>) target_semaphore(%run_scoped3A : memref<!tpu.dma_semaphore, #tpu.memory_space<semaphore_mem>>)
      %dma_wait3A_99 = arith.constant 0 : i32
      %dma_wait3A_100 = tpu.memref_slice %arg10[%add3A_32, %dma_wait3A_99] : memref<10112x128xf32, #tpu.memory_space<vmem_shared>> -> memref<32x128xf32, #tpu.memory_space<vmem_shared>>
      %dma_wait3A_101 = arith.constant 0 : i32
      %dma_wait3A_102 = tpu.memref_slice %arg10[%add3A_32, %dma_wait3A_101] : memref<10112x128xf32, #tpu.memory_space<vmem_shared>> -> memref<32x128xf32, #tpu.memory_space<vmem_shared>>
      tpu.wait_dma2 semaphore(%run_scoped3A : memref<!tpu.dma_semaphore, #tpu.memory_space<semaphore_mem>>) src(%arg9 : memref<32x128xf32, #tpu.memory_space<vmem>>) dst(%dma_wait3A_102 : memref<32x128xf32, #tpu.memory_space<vmem_shared>>)
      tpu.yield
    }) : () -> ()
    %add3A_33 = arith.constant 384 : i32
    %add3A_34 = arith.addi %mul3A_8, %add3A_33 : i32
    "tpu.region"() ({
      %run_scoped3A = tpu.sem_alloc : memref<!tpu.dma_semaphore, #tpu.memory_space<semaphore_mem>>
      %dma_start3A_95 = arith.constant 0 : i32
      %dma_start3A_96 = tpu.memref_slice %arg10[%add3A_34, %dma_start3A_95] : memref<10112x128xf32, #tpu.memory_space<vmem_shared>> -> memref<32x128xf32, #tpu.memory_space<vmem_shared>>
      %dma_start3A_97 = arith.constant 0 : i32
      %dma_start3A_98 = tpu.memref_slice %arg10[%add3A_34, %dma_start3A_97] : memref<10112x128xf32, #tpu.memory_space<vmem_shared>> -> memref<32x128xf32, #tpu.memory_space<vmem_shared>>
      tpu.enqueue_dma source(%arg9 : memref<32x128xf32, #tpu.memory_space<vmem>>) target(%dma_start3A_98 : memref<32x128xf32, #tpu.memory_space<vmem_shared>>) target_semaphore(%run_scoped3A : memref<!tpu.dma_semaphore, #tpu.memory_space<semaphore_mem>>)
      %dma_wait3A_99 = arith.constant 0 : i32
      %dma_wait3A_100 = tpu.memref_slice %arg10[%add3A_34, %dma_wait3A_99] : memref<10112x128xf32, #tpu.memory_space<vmem_shared>> -> memref<32x128xf32, #tpu.memory_space<vmem_shared>>
      %dma_wait3A_101 = arith.constant 0 : i32
      %dma_wait3A_102 = tpu.memref_slice %arg10[%add3A_34, %dma_wait3A_101] : memref<10112x128xf32, #tpu.memory_space<vmem_shared>> -> memref<32x128xf32, #tpu.memory_space<vmem_shared>>
      tpu.wait_dma2 semaphore(%run_scoped3A : memref<!tpu.dma_semaphore, #tpu.memory_space<semaphore_mem>>) src(%arg9 : memref<32x128xf32, #tpu.memory_space<vmem>>) dst(%dma_wait3A_102 : memref<32x128xf32, #tpu.memory_space<vmem_shared>>)
      tpu.yield
    }) : () -> ()
    %add3A_35 = arith.constant 416 : i32
    %add3A_36 = arith.addi %mul3A_8, %add3A_35 : i32
    "tpu.region"() ({
      %run_scoped3A = tpu.sem_alloc : memref<!tpu.dma_semaphore, #tpu.memory_space<semaphore_mem>>
      %dma_start3A_95 = arith.constant 0 : i32
      %dma_start3A_96 = tpu.memref_slice %arg10[%add3A_36, %dma_start3A_95] : memref<10112x128xf32, #tpu.memory_space<vmem_shared>> -> memref<32x128xf32, #tpu.memory_space<vmem_shared>>
      %dma_start3A_97 = arith.constant 0 : i32
      %dma_start3A_98 = tpu.memref_slice %arg10[%add3A_36, %dma_start3A_97] : memref<10112x128xf32, #tpu.memory_space<vmem_shared>> -> memref<32x128xf32, #tpu.memory_space<vmem_shared>>
      tpu.enqueue_dma source(%arg9 : memref<32x128xf32, #tpu.memory_space<vmem>>) target(%dma_start3A_98 : memref<32x128xf32, #tpu.memory_space<vmem_shared>>) target_semaphore(%run_scoped3A : memref<!tpu.dma_semaphore, #tpu.memory_space<semaphore_mem>>)
      %dma_wait3A_99 = arith.constant 0 : i32
      %dma_wait3A_100 = tpu.memref_slice %arg10[%add3A_36, %dma_wait3A_99] : memref<10112x128xf32, #tpu.memory_space<vmem_shared>> -> memref<32x128xf32, #tpu.memory_space<vmem_shared>>
      %dma_wait3A_101 = arith.constant 0 : i32
      %dma_wait3A_102 = tpu.memref_slice %arg10[%add3A_36, %dma_wait3A_101] : memref<10112x128xf32, #tpu.memory_space<vmem_shared>> -> memref<32x128xf32, #tpu.memory_space<vmem_shared>>
      tpu.wait_dma2 semaphore(%run_scoped3A : memref<!tpu.dma_semaphore, #tpu.memory_space<semaphore_mem>>) src(%arg9 : memref<32x128xf32, #tpu.memory_space<vmem>>) dst(%dma_wait3A_102 : memref<32x128xf32, #tpu.memory_space<vmem_shared>>)
      tpu.yield
    }) : () -> ()
    %add3A_37 = arith.constant 448 : i32
    %add3A_38 = arith.addi %mul3A_8, %add3A_37 : i32
    "tpu.region"() ({
      %run_scoped3A = tpu.sem_alloc : memref<!tpu.dma_semaphore, #tpu.memory_space<semaphore_mem>>
      %dma_start3A_95 = arith.constant 0 : i32
      %dma_start3A_96 = tpu.memref_slice %arg10[%add3A_38, %dma_start3A_95] : memref<10112x128xf32, #tpu.memory_space<vmem_shared>> -> memref<32x128xf32, #tpu.memory_space<vmem_shared>>
      %dma_start3A_97 = arith.constant 0 : i32
      %dma_start3A_98 = tpu.memref_slice %arg10[%add3A_38, %dma_start3A_97] : memref<10112x128xf32, #tpu.memory_space<vmem_shared>> -> memref<32x128xf32, #tpu.memory_space<vmem_shared>>
      tpu.enqueue_dma source(%arg9 : memref<32x128xf32, #tpu.memory_space<vmem>>) target(%dma_start3A_98 : memref<32x128xf32, #tpu.memory_space<vmem_shared>>) target_semaphore(%run_scoped3A : memref<!tpu.dma_semaphore, #tpu.memory_space<semaphore_mem>>)
      %dma_wait3A_99 = arith.constant 0 : i32
      %dma_wait3A_100 = tpu.memref_slice %arg10[%add3A_38, %dma_wait3A_99] : memref<10112x128xf32, #tpu.memory_space<vmem_shared>> -> memref<32x128xf32, #tpu.memory_space<vmem_shared>>
      %dma_wait3A_101 = arith.constant 0 : i32
      %dma_wait3A_102 = tpu.memref_slice %arg10[%add3A_38, %dma_wait3A_101] : memref<10112x128xf32, #tpu.memory_space<vmem_shared>> -> memref<32x128xf32, #tpu.memory_space<vmem_shared>>
      tpu.wait_dma2 semaphore(%run_scoped3A : memref<!tpu.dma_semaphore, #tpu.memory_space<semaphore_mem>>) src(%arg9 : memref<32x128xf32, #tpu.memory_space<vmem>>) dst(%dma_wait3A_102 : memref<32x128xf32, #tpu.memory_space<vmem_shared>>)
      tpu.yield
    }) : () -> ()
    %add3A_39 = arith.constant 480 : i32
    %add3A_40 = arith.addi %mul3A_8, %add3A_39 : i32
    "tpu.region"() ({
      %run_scoped3A = tpu.sem_alloc : memref<!tpu.dma_semaphore, #tpu.memory_space<semaphore_mem>>
      %dma_start3A_95 = arith.constant 0 : i32
      %dma_start3A_96 = tpu.memref_slice %arg10[%add3A_40, %dma_start3A_95] : memref<10112x128xf32, #tpu.memory_space<vmem_shared>> -> memref<32x128xf32, #tpu.memory_space<vmem_shared>>
      %dma_start3A_97 = arith.constant 0 : i32
      %dma_start3A_98 = tpu.memref_slice %arg10[%add3A_40, %dma_start3A_97] : memref<10112x128xf32, #tpu.memory_space<vmem_shared>> -> memref<32x128xf32, #tpu.memory_space<vmem_shared>>
      tpu.enqueue_dma source(%arg9 : memref<32x128xf32, #tpu.memory_space<vmem>>) target(%dma_start3A_98 : memref<32x128xf32, #tpu.memory_space<vmem_shared>>) target_semaphore(%run_scoped3A : memref<!tpu.dma_semaphore, #tpu.memory_space<semaphore_mem>>)
      %dma_wait3A_99 = arith.constant 0 : i32
      %dma_wait3A_100 = tpu.memref_slice %arg10[%add3A_40, %dma_wait3A_99] : memref<10112x128xf32, #tpu.memory_space<vmem_shared>> -> memref<32x128xf32, #tpu.memory_space<vmem_shared>>
      %dma_wait3A_101 = arith.constant 0 : i32
      %dma_wait3A_102 = tpu.memref_slice %arg10[%add3A_40, %dma_wait3A_101] : memref<10112x128xf32, #tpu.memory_space<vmem_shared>> -> memref<32x128xf32, #tpu.memory_space<vmem_shared>>
      tpu.wait_dma2 semaphore(%run_scoped3A : memref<!tpu.dma_semaphore, #tpu.memory_space<semaphore_mem>>) src(%arg9 : memref<32x128xf32, #tpu.memory_space<vmem>>) dst(%dma_wait3A_102 : memref<32x128xf32, #tpu.memory_space<vmem_shared>>)
      tpu.yield
    }) : () -> ()
    %add3A_41 = arith.constant 512 : i32
    %add3A_42 = arith.addi %mul3A_8, %add3A_41 : i32
    "tpu.region"() ({
      %run_scoped3A = tpu.sem_alloc : memref<!tpu.dma_semaphore, #tpu.memory_space<semaphore_mem>>
      %dma_start3A_95 = arith.constant 0 : i32
      %dma_start3A_96 = tpu.memref_slice %arg10[%add3A_42, %dma_start3A_95] : memref<10112x128xf32, #tpu.memory_space<vmem_shared>> -> memref<32x128xf32, #tpu.memory_space<vmem_shared>>
      %dma_start3A_97 = arith.constant 0 : i32
      %dma_start3A_98 = tpu.memref_slice %arg10[%add3A_42, %dma_start3A_97] : memref<10112x128xf32, #tpu.memory_space<vmem_shared>> -> memref<32x128xf32, #tpu.memory_space<vmem_shared>>
      tpu.enqueue_dma source(%arg9 : memref<32x128xf32, #tpu.memory_space<vmem>>) target(%dma_start3A_98 : memref<32x128xf32, #tpu.memory_space<vmem_shared>>) target_semaphore(%run_scoped3A : memref<!tpu.dma_semaphore, #tpu.memory_space<semaphore_mem>>)
      %dma_wait3A_99 = arith.constant 0 : i32
      %dma_wait3A_100 = tpu.memref_slice %arg10[%add3A_42, %dma_wait3A_99] : memref<10112x128xf32, #tpu.memory_space<vmem_shared>> -> memref<32x128xf32, #tpu.memory_space<vmem_shared>>
      %dma_wait3A_101 = arith.constant 0 : i32
      %dma_wait3A_102 = tpu.memref_slice %arg10[%add3A_42, %dma_wait3A_101] : memref<10112x128xf32, #tpu.memory_space<vmem_shared>> -> memref<32x128xf32, #tpu.memory_space<vmem_shared>>
      tpu.wait_dma2 semaphore(%run_scoped3A : memref<!tpu.dma_semaphore, #tpu.memory_space<semaphore_mem>>) src(%arg9 : memref<32x128xf32, #tpu.memory_space<vmem>>) dst(%dma_wait3A_102 : memref<32x128xf32, #tpu.memory_space<vmem_shared>>)
      tpu.yield
    }) : () -> ()
    %add3A_43 = arith.constant 544 : i32
    %add3A_44 = arith.addi %mul3A_8, %add3A_43 : i32
    "tpu.region"() ({
      %run_scoped3A = tpu.sem_alloc : memref<!tpu.dma_semaphore, #tpu.memory_space<semaphore_mem>>
      %dma_start3A_95 = arith.constant 0 : i32
      %dma_start3A_96 = tpu.memref_slice %arg10[%add3A_44, %dma_start3A_95] : memref<10112x128xf32, #tpu.memory_space<vmem_shared>> -> memref<32x128xf32, #tpu.memory_space<vmem_shared>>
      %dma_start3A_97 = arith.constant 0 : i32
      %dma_start3A_98 = tpu.memref_slice %arg10[%add3A_44, %dma_start3A_97] : memref<10112x128xf32, #tpu.memory_space<vmem_shared>> -> memref<32x128xf32, #tpu.memory_space<vmem_shared>>
      tpu.enqueue_dma source(%arg9 : memref<32x128xf32, #tpu.memory_space<vmem>>) target(%dma_start3A_98 : memref<32x128xf32, #tpu.memory_space<vmem_shared>>) target_semaphore(%run_scoped3A : memref<!tpu.dma_semaphore, #tpu.memory_space<semaphore_mem>>)
      %dma_wait3A_99 = arith.constant 0 : i32
      %dma_wait3A_100 = tpu.memref_slice %arg10[%add3A_44, %dma_wait3A_99] : memref<10112x128xf32, #tpu.memory_space<vmem_shared>> -> memref<32x128xf32, #tpu.memory_space<vmem_shared>>
      %dma_wait3A_101 = arith.constant 0 : i32
      %dma_wait3A_102 = tpu.memref_slice %arg10[%add3A_44, %dma_wait3A_101] : memref<10112x128xf32, #tpu.memory_space<vmem_shared>> -> memref<32x128xf32, #tpu.memory_space<vmem_shared>>
      tpu.wait_dma2 semaphore(%run_scoped3A : memref<!tpu.dma_semaphore, #tpu.memory_space<semaphore_mem>>) src(%arg9 : memref<32x128xf32, #tpu.memory_space<vmem>>) dst(%dma_wait3A_102 : memref<32x128xf32, #tpu.memory_space<vmem_shared>>)
      tpu.yield
    }) : () -> ()
    %add3A_45 = arith.constant 576 : i32
    %add3A_46 = arith.addi %mul3A_8, %add3A_45 : i32
    "tpu.region"() ({
      %run_scoped3A = tpu.sem_alloc : memref<!tpu.dma_semaphore, #tpu.memory_space<semaphore_mem>>
      %dma_start3A_95 = arith.constant 0 : i32
      %dma_start3A_96 = tpu.memref_slice %arg10[%add3A_46, %dma_start3A_95] : memref<10112x128xf32, #tpu.memory_space<vmem_shared>> -> memref<32x128xf32, #tpu.memory_space<vmem_shared>>
      %dma_start3A_97 = arith.constant 0 : i32
      %dma_start3A_98 = tpu.memref_slice %arg10[%add3A_46, %dma_start3A_97] : memref<10112x128xf32, #tpu.memory_space<vmem_shared>> -> memref<32x128xf32, #tpu.memory_space<vmem_shared>>
      tpu.enqueue_dma source(%arg9 : memref<32x128xf32, #tpu.memory_space<vmem>>) target(%dma_start3A_98 : memref<32x128xf32, #tpu.memory_space<vmem_shared>>) target_semaphore(%run_scoped3A : memref<!tpu.dma_semaphore, #tpu.memory_space<semaphore_mem>>)
      %dma_wait3A_99 = arith.constant 0 : i32
      %dma_wait3A_100 = tpu.memref_slice %arg10[%add3A_46, %dma_wait3A_99] : memref<10112x128xf32, #tpu.memory_space<vmem_shared>> -> memref<32x128xf32, #tpu.memory_space<vmem_shared>>
      %dma_wait3A_101 = arith.constant 0 : i32
      %dma_wait3A_102 = tpu.memref_slice %arg10[%add3A_46, %dma_wait3A_101] : memref<10112x128xf32, #tpu.memory_space<vmem_shared>> -> memref<32x128xf32, #tpu.memory_space<vmem_shared>>
      tpu.wait_dma2 semaphore(%run_scoped3A : memref<!tpu.dma_semaphore, #tpu.memory_space<semaphore_mem>>) src(%arg9 : memref<32x128xf32, #tpu.memory_space<vmem>>) dst(%dma_wait3A_102 : memref<32x128xf32, #tpu.memory_space<vmem_shared>>)
      tpu.yield
    }) : () -> ()
    %add3A_47 = arith.constant 608 : i32
    %add3A_48 = arith.addi %mul3A_8, %add3A_47 : i32
    "tpu.region"() ({
      %run_scoped3A = tpu.sem_alloc : memref<!tpu.dma_semaphore, #tpu.memory_space<semaphore_mem>>
      %dma_start3A_95 = arith.constant 0 : i32
      %dma_start3A_96 = arith.constant 0 : i32
      %dma_start3A_97 = tpu.memref_slice %arg9[%dma_start3A_95, %dma_start3A_96] : memref<32x128xf32, #tpu.memory_space<vmem>> -> memref<24x128xf32, #tpu.memory_space<vmem>>
      %dma_start3A_98 = arith.constant 0 : i32
      %dma_start3A_99 = tpu.memref_slice %arg10[%add3A_48, %dma_start3A_98] : memref<10112x128xf32, #tpu.memory_space<vmem_shared>> -> memref<24x128xf32, #tpu.memory_space<vmem_shared>>
      %dma_start3A_100 = arith.constant 0 : i32
      %dma_start3A_101 = tpu.memref_slice %arg10[%add3A_48, %dma_start3A_100] : memref<10112x128xf32, #tpu.memory_space<vmem_shared>> -> memref<24x128xf32, #tpu.memory_space<vmem_shared>>
      %dma_start3A_102 = arith.constant 0 : i32
      %dma_start3A_103 = arith.constant 0 : i32
      %dma_start3A_104 = tpu.memref_slice %arg9[%dma_start3A_102, %dma_start3A_103] : memref<32x128xf32, #tpu.memory_space<vmem>> -> memref<24x128xf32, #tpu.memory_space<vmem>>
      tpu.enqueue_dma source(%dma_start3A_104 : memref<24x128xf32, #tpu.memory_space<vmem>>) target(%dma_start3A_101 : memref<24x128xf32, #tpu.memory_space<vmem_shared>>) target_semaphore(%run_scoped3A : memref<!tpu.dma_semaphore, #tpu.memory_space<semaphore_mem>>)
      %dma_wait3A_105 = arith.constant 0 : i32
      %dma_wait3A_106 = arith.constant 0 : i32
      %dma_wait3A_107 = tpu.memref_slice %arg9[%dma_wait3A_105, %dma_wait3A_106] : memref<32x128xf32, #tpu.memory_space<vmem>> -> memref<24x128xf32, #tpu.memory_space<vmem>>
      %dma_wait3A_108 = arith.constant 0 : i32
      %dma_wait3A_109 = tpu.memref_slice %arg10[%add3A_48, %dma_wait3A_108] : memref<10112x128xf32, #tpu.memory_space<vmem_shared>> -> memref<24x128xf32, #tpu.memory_space<vmem_shared>>
      %dma_wait3A_110 = arith.constant 0 : i32
      %dma_wait3A_111 = tpu.memref_slice %arg10[%add3A_48, %dma_wait3A_110] : memref<10112x128xf32, #tpu.memory_space<vmem_shared>> -> memref<24x128xf32, #tpu.memory_space<vmem_shared>>
      %dma_wait3A_112 = arith.constant 0 : i32
      %dma_wait3A_113 = arith.constant 0 : i32
      %dma_wait3A_114 = tpu.memref_slice %arg9[%dma_wait3A_112, %dma_wait3A_113] : memref<32x128xf32, #tpu.memory_space<vmem>> -> memref<24x128xf32, #tpu.memory_space<vmem>>
      tpu.wait_dma2 semaphore(%run_scoped3A : memref<!tpu.dma_semaphore, #tpu.memory_space<semaphore_mem>>) src(%dma_wait3A_114 : memref<24x128xf32, #tpu.memory_space<vmem>>) dst(%dma_wait3A_111 : memref<24x128xf32, #tpu.memory_space<vmem_shared>>)
      tpu.yield
    }) : () -> ()
    %barrier3A = arith.constant 0 : index
    tpu.barrier barrier_id(%barrier3A)
    %dma_start3A = arith.constant 0 : i32
    %dma_start3A_49 = arith.constant 0 : i32
    %dma_start3A_50 = arith.constant 0 : i32
    %dma_start3A_51 = arith.constant 0 : i32
    %dma_start3A_52 = tpu.memref_slice %arg8[%dma_start3A_49, %dma_start3A_50, %dma_start3A_51] : memref<2x128x128xf32, #tpu.memory_space<vmem>> -> memref<1x128x128xf32, #tpu.memory_space<vmem>>
    %dma_start3A_53 = tpu.memref_squeeze %dma_start3A_52 : memref<1x128x128xf32, #tpu.memory_space<vmem>> -> memref<128x128xf32, #tpu.memory_space<vmem>>
    %dma_start3A_54 = arith.constant 0 : i32
    %dma_start3A_55 = tpu.memref_slice %arg6[%dma_start3A, %dma_start3A_54] : memref<40x128xi32, #tpu.memory_space<vmem>> -> memref<1x128xi32, #tpu.memory_space<vmem>>
    %dma_start3A_56 = tpu.memref_squeeze %dma_start3A_55 : memref<1x128xi32, #tpu.memory_space<vmem>> -> memref<128xi32, #tpu.memory_space<vmem>>
    %dma_start3A_57 = arith.constant 0 : i32
    %dma_start3A_58 = arith.constant 0 : i32
    %dma_start3A_59 = tpu.memref_slice %arg2[%dma_start3A_57, %dma_start3A_58] : memref<40000x128xf32, #tpu.memory_space<hbm>> -> memref<40000x128xf32, #tpu.memory_space<hbm>>
    tpu.enqueue_indirect_dma source(%dma_start3A_59 : memref<40000x128xf32, #tpu.memory_space<hbm>>) target(%dma_start3A_53 : memref<128x128xf32, #tpu.memory_space<vmem>>) offsets(%dma_start3A_56 : memref<128xi32, #tpu.memory_space<vmem>>) semaphore(%arg11 : memref<!tpu.dma_semaphore, #tpu.memory_space<semaphore_mem>>)
    %scan3A_60 = arith.constant 0 : i32
    %scan3A_61 = arith.constant 0 : i32
    %scan3A_62 = arith.constant 20 : i32
    %scan3A_63 = arith.addi %scan3A_61, %scan3A_62 : i32
    %scan3A_64 = arith.constant 1 : i32
    %scan3A_65 = scf.for %scan3A_95 = %scan3A_61 to %scan3A_63 step %scan3A_64 iter_args(%scan3A_96 = %scan3A_60) -> (i32)  : i32 {
      %mul3A_97 = arith.constant 2 : i32
      %mul3A_98 = arith.muli %mul3A_97, %scan3A_95 : i32
      %mul3A_99 = arith.constant 2 : i32
      %mul3A_100 = arith.muli %mul3A_99, %scan3A_95 : i32
      %add3A_101 = arith.constant 1 : i32
      %add3A_102 = arith.addi %mul3A_100, %add3A_101 : i32
      %add3A_103 = arith.constant 1 : i32
      %add3A_104 = arith.addi %add3A_102, %add3A_103 : i32
      %lt3A = arith.constant 40 : i32
      %lt3A_105 = arith.cmpi slt, %add3A_104, %lt3A : i32
      %add3A_106 = arith.constant 1 : i32
      %add3A_107 = arith.addi %add3A_102, %add3A_106 : i32
      %jit3A = arith.constant 0 : i32
      %select_n3A = arith.select %lt3A_105, %add3A_107, %jit3A : i32
      %dma_start3A_108 = arith.constant 1 : i32
      %dma_start3A_109 = arith.constant 0 : i32
      %dma_start3A_110 = arith.constant 0 : i32
      %dma_start3A_111 = tpu.memref_slice %arg8[%dma_start3A_108, %dma_start3A_109, %dma_start3A_110] : memref<2x128x128xf32, #tpu.memory_space<vmem>> -> memref<1x128x128xf32, #tpu.memory_space<vmem>>
      %dma_start3A_112 = tpu.memref_squeeze %dma_start3A_111 : memref<1x128x128xf32, #tpu.memory_space<vmem>> -> memref<128x128xf32, #tpu.memory_space<vmem>>
      %dma_start3A_113 = arith.constant 0 : i32
      %dma_start3A_114 = tpu.memref_slice %arg6[%add3A_102, %dma_start3A_113] : memref<40x128xi32, #tpu.memory_space<vmem>> -> memref<1x128xi32, #tpu.memory_space<vmem>>
      %dma_start3A_115 = tpu.memref_squeeze %dma_start3A_114 : memref<1x128xi32, #tpu.memory_space<vmem>> -> memref<128xi32, #tpu.memory_space<vmem>>
      %dma_start3A_116 = arith.constant 0 : i32
      %dma_start3A_117 = arith.constant 0 : i32
      %dma_start3A_118 = tpu.memref_slice %arg2[%dma_start3A_116, %dma_start3A_117] : memref<40000x128xf32, #tpu.memory_space<hbm>> -> memref<40000x128xf32, #tpu.memory_space<hbm>>
      tpu.enqueue_indirect_dma source(%dma_start3A_118 : memref<40000x128xf32, #tpu.memory_space<hbm>>) target(%dma_start3A_112 : memref<128x128xf32, #tpu.memory_space<vmem>>) offsets(%dma_start3A_115 : memref<128xi32, #tpu.memory_space<vmem>>) semaphore(%arg12 : memref<!tpu.dma_semaphore, #tpu.memory_space<semaphore_mem>>)
      %dma_wait3A_119 = arith.constant 0 : i32
      %dma_wait3A_120 = arith.constant 0 : i32
      %dma_wait3A_121 = arith.constant 0 : i32
      %dma_wait3A_122 = tpu.memref_slice %arg8[%dma_wait3A_119, %dma_wait3A_120, %dma_wait3A_121] : memref<2x128x128xf32, #tpu.memory_space<vmem>> -> memref<1x128x128xf32, #tpu.memory_space<vmem>>
      %dma_wait3A_123 = tpu.memref_squeeze %dma_wait3A_122 : memref<1x128x128xf32, #tpu.memory_space<vmem>> -> memref<128x128xf32, #tpu.memory_space<vmem>>
      %dma_wait3A_124 = arith.constant 0 : i32
      %dma_wait3A_125 = tpu.memref_slice %arg6[%mul3A_98, %dma_wait3A_124] : memref<40x128xi32, #tpu.memory_space<vmem>> -> memref<1x128xi32, #tpu.memory_space<vmem>>
      %dma_wait3A_126 = tpu.memref_squeeze %dma_wait3A_125 : memref<1x128xi32, #tpu.memory_space<vmem>> -> memref<128xi32, #tpu.memory_space<vmem>>
      %dma_wait3A_127 = arith.constant 0 : i32
      %dma_wait3A_128 = arith.constant 0 : i32
      %dma_wait3A_129 = tpu.memref_slice %arg2[%dma_wait3A_127, %dma_wait3A_128] : memref<40000x128xf32, #tpu.memory_space<hbm>> -> memref<40000x128xf32, #tpu.memory_space<hbm>>
      tpu.wait_indirect_dma semaphore(%arg11 : memref<!tpu.dma_semaphore, #tpu.memory_space<semaphore_mem>>) src(%dma_wait3A_129 : memref<40000x128xf32, #tpu.memory_space<hbm>>) dst(%dma_wait3A_123 : memref<128x128xf32, #tpu.memory_space<vmem>>)
      %run_scoped3A = arith.constant 0 : i32
      "tpu.region"() ({
        %run_scoped3A_154 = tpu.sem_alloc : memref<!tpu.dma_semaphore, #tpu.memory_space<semaphore_mem>>
        %dma_start3A_155 = arith.constant 0 : i32
        %dma_start3A_156 = arith.constant 0 : i32
        %dma_start3A_157 = tpu.memref_slice %arg8[%run_scoped3A, %dma_start3A_155, %dma_start3A_156] : memref<2x128x128xf32, #tpu.memory_space<vmem>> -> memref<1x128x128xf32, #tpu.memory_space<vmem>>
        %dma_start3A_158 = tpu.memref_squeeze %dma_start3A_157 : memref<1x128x128xf32, #tpu.memory_space<vmem>> -> memref<128x128xf32, #tpu.memory_space<vmem>>
        %dma_start3A_159 = arith.constant 0 : i32
        %dma_start3A_160 = tpu.memref_slice %arg7[%mul3A_98, %dma_start3A_159] : memref<40x128xi32, #tpu.memory_space<vmem>> -> memref<1x128xi32, #tpu.memory_space<vmem>>
        %dma_start3A_161 = tpu.memref_squeeze %dma_start3A_160 : memref<1x128xi32, #tpu.memory_space<vmem>> -> memref<128xi32, #tpu.memory_space<vmem>>
        %dma_start3A_162 = arith.constant 0 : i32
        %dma_start3A_163 = arith.constant 0 : i32
        %dma_start3A_164 = tpu.memref_slice %arg10[%dma_start3A_162, %dma_start3A_163] : memref<10112x128xf32, #tpu.memory_space<vmem_shared>> -> memref<10112x128xf32, #tpu.memory_space<vmem_shared>>
        tpu.enqueue_indirect_dma source(%dma_start3A_158 : memref<128x128xf32, #tpu.memory_space<vmem>>) target(%dma_start3A_164 : memref<10112x128xf32, #tpu.memory_space<vmem_shared>>) offsets(%dma_start3A_161 : memref<128xi32, #tpu.memory_space<vmem>>) semaphore(%run_scoped3A_154 : memref<!tpu.dma_semaphore, #tpu.memory_space<semaphore_mem>>) {add = true}
        %dma_wait3A_165 = arith.constant 0 : i32
        %dma_wait3A_166 = arith.constant 0 : i32
        %dma_wait3A_167 = tpu.memref_slice %arg8[%run_scoped3A, %dma_wait3A_165, %dma_wait3A_166] : memref<2x128x128xf32, #tpu.memory_space<vmem>> -> memref<1x128x128xf32, #tpu.memory_space<vmem>>
        %dma_wait3A_168 = tpu.memref_squeeze %dma_wait3A_167 : memref<1x128x128xf32, #tpu.memory_space<vmem>> -> memref<128x128xf32, #tpu.memory_space<vmem>>
        %dma_wait3A_169 = arith.constant 0 : i32
        %dma_wait3A_170 = tpu.memref_slice %arg7[%mul3A_98, %dma_wait3A_169] : memref<40x128xi32, #tpu.memory_space<vmem>> -> memref<1x128xi32, #tpu.memory_space<vmem>>
        %dma_wait3A_171 = tpu.memref_squeeze %dma_wait3A_170 : memref<1x128xi32, #tpu.memory_space<vmem>> -> memref<128xi32, #tpu.memory_space<vmem>>
        %dma_wait3A_172 = arith.constant 0 : i32
        %dma_wait3A_173 = arith.constant 0 : i32
        %dma_wait3A_174 = tpu.memref_slice %arg10[%dma_wait3A_172, %dma_wait3A_173] : memref<10112x128xf32, #tpu.memory_space<vmem_shared>> -> memref<10112x128xf32, #tpu.memory_space<vmem_shared>>
        tpu.wait_indirect_dma semaphore(%run_scoped3A_154 : memref<!tpu.dma_semaphore, #tpu.memory_space<semaphore_mem>>) src(%dma_wait3A_168 : memref<128x128xf32, #tpu.memory_space<vmem>>) dst(%dma_wait3A_174 : memref<10112x128xf32, #tpu.memory_space<vmem_shared>>)
        tpu.yield
      }) : () -> ()
      %dma_start3A_130 = arith.constant 0 : i32
      %dma_start3A_131 = arith.constant 0 : i32
      %dma_start3A_132 = arith.constant 0 : i32
      %dma_start3A_133 = tpu.memref_slice %arg8[%dma_start3A_130, %dma_start3A_131, %dma_start3A_132] : memref<2x128x128xf32, #tpu.memory_space<vmem>> -> memref<1x128x128xf32, #tpu.memory_space<vmem>>
      %dma_start3A_134 = tpu.memref_squeeze %dma_start3A_133 : memref<1x128x128xf32, #tpu.memory_space<vmem>> -> memref<128x128xf32, #tpu.memory_space<vmem>>
      %dma_start3A_135 = arith.constant 0 : i32
      %dma_start3A_136 = tpu.memref_slice %arg6[%select_n3A, %dma_start3A_135] : memref<40x128xi32, #tpu.memory_space<vmem>> -> memref<1x128xi32, #tpu.memory_space<vmem>>
      %dma_start3A_137 = tpu.memref_squeeze %dma_start3A_136 : memref<1x128xi32, #tpu.memory_space<vmem>> -> memref<128xi32, #tpu.memory_space<vmem>>
      %dma_start3A_138 = arith.constant 0 : i32
      %dma_start3A_139 = arith.constant 0 : i32
      %dma_start3A_140 = tpu.memref_slice %arg2[%dma_start3A_138, %dma_start3A_139] : memref<40000x128xf32, #tpu.memory_space<hbm>> -> memref<40000x128xf32, #tpu.memory_space<hbm>>
      tpu.enqueue_indirect_dma source(%dma_start3A_140 : memref<40000x128xf32, #tpu.memory_space<hbm>>) target(%dma_start3A_134 : memref<128x128xf32, #tpu.memory_space<vmem>>) offsets(%dma_start3A_137 : memref<128xi32, #tpu.memory_space<vmem>>) semaphore(%arg11 : memref<!tpu.dma_semaphore, #tpu.memory_space<semaphore_mem>>)
      %dma_wait3A_141 = arith.constant 1 : i32
      %dma_wait3A_142 = arith.constant 0 : i32
      %dma_wait3A_143 = arith.constant 0 : i32
      %dma_wait3A_144 = tpu.memref_slice %arg8[%dma_wait3A_141, %dma_wait3A_142, %dma_wait3A_143] : memref<2x128x128xf32, #tpu.memory_space<vmem>> -> memref<1x128x128xf32, #tpu.memory_space<vmem>>
      %dma_wait3A_145 = tpu.memref_squeeze %dma_wait3A_144 : memref<1x128x128xf32, #tpu.memory_space<vmem>> -> memref<128x128xf32, #tpu.memory_space<vmem>>
      %dma_wait3A_146 = arith.constant 0 : i32
      %dma_wait3A_147 = tpu.memref_slice %arg6[%add3A_102, %dma_wait3A_146] : memref<40x128xi32, #tpu.memory_space<vmem>> -> memref<1x128xi32, #tpu.memory_space<vmem>>
      %dma_wait3A_148 = tpu.memref_squeeze %dma_wait3A_147 : memref<1x128xi32, #tpu.memory_space<vmem>> -> memref<128xi32, #tpu.memory_space<vmem>>
      %dma_wait3A_149 = arith.constant 0 : i32
      %dma_wait3A_150 = arith.constant 0 : i32
      %dma_wait3A_151 = tpu.memref_slice %arg2[%dma_wait3A_149, %dma_wait3A_150] : memref<40000x128xf32, #tpu.memory_space<hbm>> -> memref<40000x128xf32, #tpu.memory_space<hbm>>
      tpu.wait_indirect_dma semaphore(%arg12 : memref<!tpu.dma_semaphore, #tpu.memory_space<semaphore_mem>>) src(%dma_wait3A_151 : memref<40000x128xf32, #tpu.memory_space<hbm>>) dst(%dma_wait3A_145 : memref<128x128xf32, #tpu.memory_space<vmem>>)
      %run_scoped3A_152 = arith.constant 1 : i32
      "tpu.region"() ({
        %run_scoped3A_154 = tpu.sem_alloc : memref<!tpu.dma_semaphore, #tpu.memory_space<semaphore_mem>>
        %dma_start3A_155 = arith.constant 0 : i32
        %dma_start3A_156 = arith.constant 0 : i32
        %dma_start3A_157 = tpu.memref_slice %arg8[%run_scoped3A_152, %dma_start3A_155, %dma_start3A_156] : memref<2x128x128xf32, #tpu.memory_space<vmem>> -> memref<1x128x128xf32, #tpu.memory_space<vmem>>
        %dma_start3A_158 = tpu.memref_squeeze %dma_start3A_157 : memref<1x128x128xf32, #tpu.memory_space<vmem>> -> memref<128x128xf32, #tpu.memory_space<vmem>>
        %dma_start3A_159 = arith.constant 0 : i32
        %dma_start3A_160 = tpu.memref_slice %arg7[%add3A_102, %dma_start3A_159] : memref<40x128xi32, #tpu.memory_space<vmem>> -> memref<1x128xi32, #tpu.memory_space<vmem>>
        %dma_start3A_161 = tpu.memref_squeeze %dma_start3A_160 : memref<1x128xi32, #tpu.memory_space<vmem>> -> memref<128xi32, #tpu.memory_space<vmem>>
        %dma_start3A_162 = arith.constant 0 : i32
        %dma_start3A_163 = arith.constant 0 : i32
        %dma_start3A_164 = tpu.memref_slice %arg10[%dma_start3A_162, %dma_start3A_163] : memref<10112x128xf32, #tpu.memory_space<vmem_shared>> -> memref<10112x128xf32, #tpu.memory_space<vmem_shared>>
        tpu.enqueue_indirect_dma source(%dma_start3A_158 : memref<128x128xf32, #tpu.memory_space<vmem>>) target(%dma_start3A_164 : memref<10112x128xf32, #tpu.memory_space<vmem_shared>>) offsets(%dma_start3A_161 : memref<128xi32, #tpu.memory_space<vmem>>) semaphore(%run_scoped3A_154 : memref<!tpu.dma_semaphore, #tpu.memory_space<semaphore_mem>>) {add = true}
        %dma_wait3A_165 = arith.constant 0 : i32
        %dma_wait3A_166 = arith.constant 0 : i32
        %dma_wait3A_167 = tpu.memref_slice %arg8[%run_scoped3A_152, %dma_wait3A_165, %dma_wait3A_166] : memref<2x128x128xf32, #tpu.memory_space<vmem>> -> memref<1x128x128xf32, #tpu.memory_space<vmem>>
        %dma_wait3A_168 = tpu.memref_squeeze %dma_wait3A_167 : memref<1x128x128xf32, #tpu.memory_space<vmem>> -> memref<128x128xf32, #tpu.memory_space<vmem>>
        %dma_wait3A_169 = arith.constant 0 : i32
        %dma_wait3A_170 = tpu.memref_slice %arg7[%add3A_102, %dma_wait3A_169] : memref<40x128xi32, #tpu.memory_space<vmem>> -> memref<1x128xi32, #tpu.memory_space<vmem>>
        %dma_wait3A_171 = tpu.memref_squeeze %dma_wait3A_170 : memref<1x128xi32, #tpu.memory_space<vmem>> -> memref<128xi32, #tpu.memory_space<vmem>>
        %dma_wait3A_172 = arith.constant 0 : i32
        %dma_wait3A_173 = arith.constant 0 : i32
        %dma_wait3A_174 = tpu.memref_slice %arg10[%dma_wait3A_172, %dma_wait3A_173] : memref<10112x128xf32, #tpu.memory_space<vmem_shared>> -> memref<10112x128xf32, #tpu.memory_space<vmem_shared>>
        tpu.wait_indirect_dma semaphore(%run_scoped3A_154 : memref<!tpu.dma_semaphore, #tpu.memory_space<semaphore_mem>>) src(%dma_wait3A_168 : memref<128x128xf32, #tpu.memory_space<vmem>>) dst(%dma_wait3A_174 : memref<10112x128xf32, #tpu.memory_space<vmem_shared>>)
        tpu.yield
      }) : () -> ()
      %scan3A_153 = arith.constant 0 : i32
      scf.yield %scan3A_153 : i32
    }
    %scan3A_66 = arith.constant 20 : i32
    %dma_wait3A = arith.constant 0 : i32
    %dma_wait3A_67 = arith.constant 0 : i32
    %dma_wait3A_68 = arith.constant 0 : i32
    %dma_wait3A_69 = arith.constant 0 : i32
    %dma_wait3A_70 = tpu.memref_slice %arg8[%dma_wait3A_67, %dma_wait3A_68, %dma_wait3A_69] : memref<2x128x128xf32, #tpu.memory_space<vmem>> -> memref<1x128x128xf32, #tpu.memory_space<vmem>>
    %dma_wait3A_71 = tpu.memref_squeeze %dma_wait3A_70 : memref<1x128x128xf32, #tpu.memory_space<vmem>> -> memref<128x128xf32, #tpu.memory_space<vmem>>
    %dma_wait3A_72 = arith.constant 0 : i32
    %dma_wait3A_73 = tpu.memref_slice %arg6[%dma_wait3A, %dma_wait3A_72] : memref<40x128xi32, #tpu.memory_space<vmem>> -> memref<1x128xi32, #tpu.memory_space<vmem>>
    %dma_wait3A_74 = tpu.memref_squeeze %dma_wait3A_73 : memref<1x128xi32, #tpu.memory_space<vmem>> -> memref<128xi32, #tpu.memory_space<vmem>>
    %dma_wait3A_75 = arith.constant 0 : i32
    %dma_wait3A_76 = arith.constant 0 : i32
    %dma_wait3A_77 = tpu.memref_slice %arg2[%dma_wait3A_75, %dma_wait3A_76] : memref<40000x128xf32, #tpu.memory_space<hbm>> -> memref<40000x128xf32, #tpu.memory_space<hbm>>
    tpu.wait_indirect_dma semaphore(%arg11 : memref<!tpu.dma_semaphore, #tpu.memory_space<semaphore_mem>>) src(%dma_wait3A_77 : memref<40000x128xf32, #tpu.memory_space<hbm>>) dst(%dma_wait3A_71 : memref<128x128xf32, #tpu.memory_space<vmem>>)
    %barrier3A_78 = arith.constant 0 : index
    tpu.barrier barrier_id(%barrier3A_78)
    %add3A_79 = arith.constant 0 : i32
    %add3A_80 = arith.addi %mul3A_8, %add3A_79 : i32
    %add3A_81 = arith.constant 0 : i32
    %add3A_82 = arith.addi %mul3A_8, %add3A_81 : i32
    "tpu.region"() ({
      %run_scoped3A = tpu.sem_alloc : memref<!tpu.dma_semaphore, #tpu.memory_space<semaphore_mem>>
      %dma_start3A_95 = arith.constant 0 : i32
      %dma_start3A_96 = arith.constant 0 : i32
      %dma_start3A_97 = tpu.memref_slice %arg5[%arg0, %dma_start3A_95, %dma_start3A_96] : memref<2x10112x128xf32, #tpu.memory_space<hbm>> -> memref<1x10112x128xf32, #tpu.memory_space<hbm>>
      %dma_start3A_98 = tpu.memref_squeeze %dma_start3A_97 : memref<1x10112x128xf32, #tpu.memory_space<hbm>> -> memref<10112x128xf32, #tpu.memory_space<hbm>>
      %dma_start3A_99 = arith.constant 0 : i32
      %dma_start3A_100 = tpu.memref_slice %dma_start3A_98[%add3A_82, %dma_start3A_99] : memref<10112x128xf32, #tpu.memory_space<hbm>> -> memref<160x128xf32, #tpu.memory_space<hbm>>
      %dma_start3A_101 = arith.constant 0 : i32
      %dma_start3A_102 = tpu.memref_slice %arg10[%add3A_80, %dma_start3A_101] : memref<10112x128xf32, #tpu.memory_space<vmem_shared>> -> memref<160x128xf32, #tpu.memory_space<vmem_shared>>
      tpu.enqueue_dma source(%dma_start3A_102 : memref<160x128xf32, #tpu.memory_space<vmem_shared>>) target(%dma_start3A_100 : memref<160x128xf32, #tpu.memory_space<hbm>>) target_semaphore(%run_scoped3A : memref<!tpu.dma_semaphore, #tpu.memory_space<semaphore_mem>>)
      %dma_wait3A_103 = arith.constant 0 : i32
      %dma_wait3A_104 = arith.constant 0 : i32
      %dma_wait3A_105 = tpu.memref_slice %arg5[%arg0, %dma_wait3A_103, %dma_wait3A_104] : memref<2x10112x128xf32, #tpu.memory_space<hbm>> -> memref<1x10112x128xf32, #tpu.memory_space<hbm>>
      %dma_wait3A_106 = tpu.memref_squeeze %dma_wait3A_105 : memref<1x10112x128xf32, #tpu.memory_space<hbm>> -> memref<10112x128xf32, #tpu.memory_space<hbm>>
      %dma_wait3A_107 = arith.constant 0 : i32
      %dma_wait3A_108 = tpu.memref_slice %dma_wait3A_106[%add3A_82, %dma_wait3A_107] : memref<10112x128xf32, #tpu.memory_space<hbm>> -> memref<160x128xf32, #tpu.memory_space<hbm>>
      %dma_wait3A_109 = arith.constant 0 : i32
      %dma_wait3A_110 = tpu.memref_slice %arg10[%add3A_80, %dma_wait3A_109] : memref<10112x128xf32, #tpu.memory_space<vmem_shared>> -> memref<160x128xf32, #tpu.memory_space<vmem_shared>>
      tpu.wait_dma2 semaphore(%run_scoped3A : memref<!tpu.dma_semaphore, #tpu.memory_space<semaphore_mem>>) src(%dma_wait3A_110 : memref<160x128xf32, #tpu.memory_space<vmem_shared>>) dst(%dma_wait3A_108 : memref<160x128xf32, #tpu.memory_space<hbm>>)
      tpu.yield
    }) : () -> ()
    %add3A_83 = arith.constant 160 : i32
    %add3A_84 = arith.addi %mul3A_8, %add3A_83 : i32
    %add3A_85 = arith.constant 160 : i32
    %add3A_86 = arith.addi %mul3A_8, %add3A_85 : i32
    "tpu.region"() ({
      %run_scoped3A = tpu.sem_alloc : memref<!tpu.dma_semaphore, #tpu.memory_space<semaphore_mem>>
      %dma_start3A_95 = arith.constant 0 : i32
      %dma_start3A_96 = arith.constant 0 : i32
      %dma_start3A_97 = tpu.memref_slice %arg5[%arg0, %dma_start3A_95, %dma_start3A_96] : memref<2x10112x128xf32, #tpu.memory_space<hbm>> -> memref<1x10112x128xf32, #tpu.memory_space<hbm>>
      %dma_start3A_98 = tpu.memref_squeeze %dma_start3A_97 : memref<1x10112x128xf32, #tpu.memory_space<hbm>> -> memref<10112x128xf32, #tpu.memory_space<hbm>>
      %dma_start3A_99 = arith.constant 0 : i32
      %dma_start3A_100 = tpu.memref_slice %dma_start3A_98[%add3A_86, %dma_start3A_99] : memref<10112x128xf32, #tpu.memory_space<hbm>> -> memref<160x128xf32, #tpu.memory_space<hbm>>
      %dma_start3A_101 = arith.constant 0 : i32
      %dma_start3A_102 = tpu.memref_slice %arg10[%add3A_84, %dma_start3A_101] : memref<10112x128xf32, #tpu.memory_space<vmem_shared>> -> memref<160x128xf32, #tpu.memory_space<vmem_shared>>
      tpu.enqueue_dma source(%dma_start3A_102 : memref<160x128xf32, #tpu.memory_space<vmem_shared>>) target(%dma_start3A_100 : memref<160x128xf32, #tpu.memory_space<hbm>>) target_semaphore(%run_scoped3A : memref<!tpu.dma_semaphore, #tpu.memory_space<semaphore_mem>>)
      %dma_wait3A_103 = arith.constant 0 : i32
      %dma_wait3A_104 = arith.constant 0 : i32
      %dma_wait3A_105 = tpu.memref_slice %arg5[%arg0, %dma_wait3A_103, %dma_wait3A_104] : memref<2x10112x128xf32, #tpu.memory_space<hbm>> -> memref<1x10112x128xf32, #tpu.memory_space<hbm>>
      %dma_wait3A_106 = tpu.memref_squeeze %dma_wait3A_105 : memref<1x10112x128xf32, #tpu.memory_space<hbm>> -> memref<10112x128xf32, #tpu.memory_space<hbm>>
      %dma_wait3A_107 = arith.constant 0 : i32
      %dma_wait3A_108 = tpu.memref_slice %dma_wait3A_106[%add3A_86, %dma_wait3A_107] : memref<10112x128xf32, #tpu.memory_space<hbm>> -> memref<160x128xf32, #tpu.memory_space<hbm>>
      %dma_wait3A_109 = arith.constant 0 : i32
      %dma_wait3A_110 = tpu.memref_slice %arg10[%add3A_84, %dma_wait3A_109] : memref<10112x128xf32, #tpu.memory_space<vmem_shared>> -> memref<160x128xf32, #tpu.memory_space<vmem_shared>>
      tpu.wait_dma2 semaphore(%run_scoped3A : memref<!tpu.dma_semaphore, #tpu.memory_space<semaphore_mem>>) src(%dma_wait3A_110 : memref<160x128xf32, #tpu.memory_space<vmem_shared>>) dst(%dma_wait3A_108 : memref<160x128xf32, #tpu.memory_space<hbm>>)
      tpu.yield
    }) : () -> ()
    %add3A_87 = arith.constant 320 : i32
    %add3A_88 = arith.addi %mul3A_8, %add3A_87 : i32
    %add3A_89 = arith.constant 320 : i32
    %add3A_90 = arith.addi %mul3A_8, %add3A_89 : i32
    "tpu.region"() ({
      %run_scoped3A = tpu.sem_alloc : memref<!tpu.dma_semaphore, #tpu.memory_space<semaphore_mem>>
      %dma_start3A_95 = arith.constant 0 : i32
      %dma_start3A_96 = arith.constant 0 : i32
      %dma_start3A_97 = tpu.memref_slice %arg5[%arg0, %dma_start3A_95, %dma_start3A_96] : memref<2x10112x128xf32, #tpu.memory_space<hbm>> -> memref<1x10112x128xf32, #tpu.memory_space<hbm>>
      %dma_start3A_98 = tpu.memref_squeeze %dma_start3A_97 : memref<1x10112x128xf32, #tpu.memory_space<hbm>> -> memref<10112x128xf32, #tpu.memory_space<hbm>>
      %dma_start3A_99 = arith.constant 0 : i32
      %dma_start3A_100 = tpu.memref_slice %dma_start3A_98[%add3A_90, %dma_start3A_99] : memref<10112x128xf32, #tpu.memory_space<hbm>> -> memref<160x128xf32, #tpu.memory_space<hbm>>
      %dma_start3A_101 = arith.constant 0 : i32
      %dma_start3A_102 = tpu.memref_slice %arg10[%add3A_88, %dma_start3A_101] : memref<10112x128xf32, #tpu.memory_space<vmem_shared>> -> memref<160x128xf32, #tpu.memory_space<vmem_shared>>
      tpu.enqueue_dma source(%dma_start3A_102 : memref<160x128xf32, #tpu.memory_space<vmem_shared>>) target(%dma_start3A_100 : memref<160x128xf32, #tpu.memory_space<hbm>>) target_semaphore(%run_scoped3A : memref<!tpu.dma_semaphore, #tpu.memory_space<semaphore_mem>>)
      %dma_wait3A_103 = arith.constant 0 : i32
      %dma_wait3A_104 = arith.constant 0 : i32
      %dma_wait3A_105 = tpu.memref_slice %arg5[%arg0, %dma_wait3A_103, %dma_wait3A_104] : memref<2x10112x128xf32, #tpu.memory_space<hbm>> -> memref<1x10112x128xf32, #tpu.memory_space<hbm>>
      %dma_wait3A_106 = tpu.memref_squeeze %dma_wait3A_105 : memref<1x10112x128xf32, #tpu.memory_space<hbm>> -> memref<10112x128xf32, #tpu.memory_space<hbm>>
      %dma_wait3A_107 = arith.constant 0 : i32
      %dma_wait3A_108 = tpu.memref_slice %dma_wait3A_106[%add3A_90, %dma_wait3A_107] : memref<10112x128xf32, #tpu.memory_space<hbm>> -> memref<160x128xf32, #tpu.memory_space<hbm>>
      %dma_wait3A_109 = arith.constant 0 : i32
      %dma_wait3A_110 = tpu.memref_slice %arg10[%add3A_88, %dma_wait3A_109] : memref<10112x128xf32, #tpu.memory_space<vmem_shared>> -> memref<160x128xf32, #tpu.memory_space<vmem_shared>>
      tpu.wait_dma2 semaphore(%run_scoped3A : memref<!tpu.dma_semaphore, #tpu.memory_space<semaphore_mem>>) src(%dma_wait3A_110 : memref<160x128xf32, #tpu.memory_space<vmem_shared>>) dst(%dma_wait3A_108 : memref<160x128xf32, #tpu.memory_space<hbm>>)
      tpu.yield
    }) : () -> ()
    %add3A_91 = arith.constant 480 : i32
    %add3A_92 = arith.addi %mul3A_8, %add3A_91 : i32
    %add3A_93 = arith.constant 480 : i32
    %add3A_94 = arith.addi %mul3A_8, %add3A_93 : i32
    "tpu.region"() ({
      %run_scoped3A = tpu.sem_alloc : memref<!tpu.dma_semaphore, #tpu.memory_space<semaphore_mem>>
      %dma_start3A_95 = arith.constant 0 : i32
      %dma_start3A_96 = arith.constant 0 : i32
      %dma_start3A_97 = tpu.memref_slice %arg5[%arg0, %dma_start3A_95, %dma_start3A_96] : memref<2x10112x128xf32, #tpu.memory_space<hbm>> -> memref<1x10112x128xf32, #tpu.memory_space<hbm>>
      %dma_start3A_98 = tpu.memref_squeeze %dma_start3A_97 : memref<1x10112x128xf32, #tpu.memory_space<hbm>> -> memref<10112x128xf32, #tpu.memory_space<hbm>>
      %dma_start3A_99 = arith.constant 0 : i32
      %dma_start3A_100 = tpu.memref_slice %dma_start3A_98[%add3A_94, %dma_start3A_99] : memref<10112x128xf32, #tpu.memory_space<hbm>> -> memref<152x128xf32, #tpu.memory_space<hbm>>
      %dma_start3A_101 = arith.constant 0 : i32
      %dma_start3A_102 = tpu.memref_slice %arg10[%add3A_92, %dma_start3A_101] : memref<10112x128xf32, #tpu.memory_space<vmem_shared>> -> memref<152x128xf32, #tpu.memory_space<vmem_shared>>
      tpu.enqueue_dma source(%dma_start3A_102 : memref<152x128xf32, #tpu.memory_space<vmem_shared>>) target(%dma_start3A_100 : memref<152x128xf32, #tpu.memory_space<hbm>>) target_semaphore(%run_scoped3A : memref<!tpu.dma_semaphore, #tpu.memory_space<semaphore_mem>>)
      %dma_wait3A_103 = arith.constant 0 : i32
      %dma_wait3A_104 = arith.constant 0 : i32
      %dma_wait3A_105 = tpu.memref_slice %arg5[%arg0, %dma_wait3A_103, %dma_wait3A_104] : memref<2x10112x128xf32, #tpu.memory_space<hbm>> -> memref<1x10112x128xf32, #tpu.memory_space<hbm>>
      %dma_wait3A_106 = tpu.memref_squeeze %dma_wait3A_105 : memref<1x10112x128xf32, #tpu.memory_space<hbm>> -> memref<10112x128xf32, #tpu.memory_space<hbm>>
      %dma_wait3A_107 = arith.constant 0 : i32
      %dma_wait3A_108 = tpu.memref_slice %dma_wait3A_106[%add3A_94, %dma_wait3A_107] : memref<10112x128xf32, #tpu.memory_space<hbm>> -> memref<152x128xf32, #tpu.memory_space<hbm>>
      %dma_wait3A_109 = arith.constant 0 : i32
      %dma_wait3A_110 = tpu.memref_slice %arg10[%add3A_92, %dma_wait3A_109] : memref<10112x128xf32, #tpu.memory_space<vmem_shared>> -> memref<152x128xf32, #tpu.memory_space<vmem_shared>>
      tpu.wait_dma2 semaphore(%run_scoped3A : memref<!tpu.dma_semaphore, #tpu.memory_space<semaphore_mem>>) src(%dma_wait3A_110 : memref<152x128xf32, #tpu.memory_space<vmem_shared>>) dst(%dma_wait3A_108 : memref<152x128xf32, #tpu.memory_space<hbm>>)
      tpu.yield
    }) : () -> ()
    return
  }
}

#map = affine_map<(d0, d1) -> (0, 0)>
#map1 = affine_map<(d0, d1) -> (0, 0, 0)>
module attributes {stable_mosaic.version = 14 : i64} {
  func.func @_sc_agg_body(%arg0: i32, %arg1: i32, %arg2: memref<40000x128xf32, #tpu.memory_space<hbm>>, %arg3: memref<32x40x128xi32, #tpu.memory_space<hbm>>, %arg4: memref<32x40x128xi32, #tpu.memory_space<hbm>>, %arg5: memref<2x10112x128xf32, #tpu.memory_space<hbm>>, %arg6: memref<40x128xi32, #tpu.memory_space<vmem>>, %arg7: memref<40x128xi32, #tpu.memory_space<vmem>>, %arg8: memref<2x128x128xf32, #tpu.memory_space<vmem>>, %arg9: memref<32x128xf32, #tpu.memory_space<vmem>>, %arg10: memref<10112x128xf32, #tpu.memory_space<vmem_shared>>, %arg11: memref<!tpu.dma_semaphore, #tpu.memory_space<semaphore_mem>>, %arg12: memref<!tpu.dma_semaphore, #tpu.memory_space<semaphore_mem>>) attributes {dimension_semantics = [#tpu.dimension_semantics<core_parallel>, #tpu.dimension_semantics<subcore_parallel>], iteration_bounds = array<i64: 2, 16>, scalar_prefetch = 0 : i64, scratch_operands = 7 : i64, tpu.core_type = #tpu.core_type<sc_vector_subcore>, window_params = [{transform_indices = #map}, {transform_indices = #map1}, {transform_indices = #map1}, {transform_indices = #map1}]} {
    %mul3A = arith.constant 16 : i32
    %mul3A_0 = arith.muli %arg0, %mul3A : i32
    %add3A = arith.addi %mul3A_0, %arg1 : i32
    "tpu.region"() ({
      %run_scoped3A = tpu.sem_alloc : memref<!tpu.dma_semaphore, #tpu.memory_space<semaphore_mem>>
      %dma_start3A_95 = arith.constant 0 : i32
      %dma_start3A_96 = arith.constant 0 : i32
      %dma_start3A_97 = tpu.memref_slice %arg3[%add3A, %dma_start3A_95, %dma_start3A_96] : memref<32x40x128xi32, #tpu.memory_space<hbm>> -> memref<1x40x128xi32, #tpu.memory_space<hbm>>
      %dma_start3A_98 = tpu.memref_squeeze %dma_start3A_97 : memref<1x40x128xi32, #tpu.memory_space<hbm>> -> memref<40x128xi32, #tpu.memory_space<hbm>>
      %dma_start3A_99 = arith.constant 0 : i32
      %dma_start3A_100 = arith.constant 0 : i32
      %dma_start3A_101 = tpu.memref_slice %arg3[%add3A, %dma_start3A_99, %dma_start3A_100] : memref<32x40x128xi32, #tpu.memory_space<hbm>> -> memref<1x40x128xi32, #tpu.memory_space<hbm>>
      %dma_start3A_102 = tpu.memref_squeeze %dma_start3A_101 : memref<1x40x128xi32, #tpu.memory_space<hbm>> -> memref<40x128xi32, #tpu.memory_space<hbm>>
      tpu.enqueue_dma source(%dma_start3A_102 : memref<40x128xi32, #tpu.memory_space<hbm>>) target(%arg6 : memref<40x128xi32, #tpu.memory_space<vmem>>) target_semaphore(%run_scoped3A : memref<!tpu.dma_semaphore, #tpu.memory_space<semaphore_mem>>)
      %dma_wait3A_103 = arith.constant 0 : i32
      %dma_wait3A_104 = arith.constant 0 : i32
      %dma_wait3A_105 = tpu.memref_slice %arg3[%add3A, %dma_wait3A_103, %dma_wait3A_104] : memref<32x40x128xi32, #tpu.memory_space<hbm>> -> memref<1x40x128xi32, #tpu.memory_space<hbm>>
      %dma_wait3A_106 = tpu.memref_squeeze %dma_wait3A_105 : memref<1x40x128xi32, #tpu.memory_space<hbm>> -> memref<40x128xi32, #tpu.memory_space<hbm>>
      %dma_wait3A_107 = arith.constant 0 : i32
      %dma_wait3A_108 = arith.constant 0 : i32
      %dma_wait3A_109 = tpu.memref_slice %arg3[%add3A, %dma_wait3A_107, %dma_wait3A_108] : memref<32x40x128xi32, #tpu.memory_space<hbm>> -> memref<1x40x128xi32, #tpu.memory_space<hbm>>
      %dma_wait3A_110 = tpu.memref_squeeze %dma_wait3A_109 : memref<1x40x128xi32, #tpu.memory_space<hbm>> -> memref<40x128xi32, #tpu.memory_space<hbm>>
      tpu.wait_dma2 semaphore(%run_scoped3A : memref<!tpu.dma_semaphore, #tpu.memory_space<semaphore_mem>>) src(%dma_wait3A_110 : memref<40x128xi32, #tpu.memory_space<hbm>>) dst(%arg6 : memref<40x128xi32, #tpu.memory_space<vmem>>)
      tpu.yield
    }) : () -> ()
    "tpu.region"() ({
      %run_scoped3A = tpu.sem_alloc : memref<!tpu.dma_semaphore, #tpu.memory_space<semaphore_mem>>
      %dma_start3A_95 = arith.constant 0 : i32
      %dma_start3A_96 = arith.constant 0 : i32
      %dma_start3A_97 = tpu.memref_slice %arg4[%add3A, %dma_start3A_95, %dma_start3A_96] : memref<32x40x128xi32, #tpu.memory_space<hbm>> -> memref<1x40x128xi32, #tpu.memory_space<hbm>>
      %dma_start3A_98 = tpu.memref_squeeze %dma_start3A_97 : memref<1x40x128xi32, #tpu.memory_space<hbm>> -> memref<40x128xi32, #tpu.memory_space<hbm>>
      %dma_start3A_99 = arith.constant 0 : i32
      %dma_start3A_100 = arith.constant 0 : i32
      %dma_start3A_101 = tpu.memref_slice %arg4[%add3A, %dma_start3A_99, %dma_start3A_100] : memref<32x40x128xi32, #tpu.memory_space<hbm>> -> memref<1x40x128xi32, #tpu.memory_space<hbm>>
      %dma_start3A_102 = tpu.memref_squeeze %dma_start3A_101 : memref<1x40x128xi32, #tpu.memory_space<hbm>> -> memref<40x128xi32, #tpu.memory_space<hbm>>
      tpu.enqueue_dma source(%dma_start3A_102 : memref<40x128xi32, #tpu.memory_space<hbm>>) target(%arg7 : memref<40x128xi32, #tpu.memory_space<vmem>>) target_semaphore(%run_scoped3A : memref<!tpu.dma_semaphore, #tpu.memory_space<semaphore_mem>>)
      %dma_wait3A_103 = arith.constant 0 : i32
      %dma_wait3A_104 = arith.constant 0 : i32
      %dma_wait3A_105 = tpu.memref_slice %arg4[%add3A, %dma_wait3A_103, %dma_wait3A_104] : memref<32x40x128xi32, #tpu.memory_space<hbm>> -> memref<1x40x128xi32, #tpu.memory_space<hbm>>
      %dma_wait3A_106 = tpu.memref_squeeze %dma_wait3A_105 : memref<1x40x128xi32, #tpu.memory_space<hbm>> -> memref<40x128xi32, #tpu.memory_space<hbm>>
      %dma_wait3A_107 = arith.constant 0 : i32
      %dma_wait3A_108 = arith.constant 0 : i32
      %dma_wait3A_109 = tpu.memref_slice %arg4[%add3A, %dma_wait3A_107, %dma_wait3A_108] : memref<32x40x128xi32, #tpu.memory_space<hbm>> -> memref<1x40x128xi32, #tpu.memory_space<hbm>>
      %dma_wait3A_110 = tpu.memref_squeeze %dma_wait3A_109 : memref<1x40x128xi32, #tpu.memory_space<hbm>> -> memref<40x128xi32, #tpu.memory_space<hbm>>
      tpu.wait_dma2 semaphore(%run_scoped3A : memref<!tpu.dma_semaphore, #tpu.memory_space<semaphore_mem>>) src(%dma_wait3A_110 : memref<40x128xi32, #tpu.memory_space<hbm>>) dst(%arg7 : memref<40x128xi32, #tpu.memory_space<vmem>>)
      tpu.yield
    }) : () -> ()
    %scan3A = arith.constant 0 : i32
    %scan3A_1 = arith.constant 0 : i32
    %scan3A_2 = arith.constant 32 : i32
    %scan3A_3 = arith.addi %scan3A_1, %scan3A_2 : i32
    %scan3A_4 = arith.constant 1 : i32
    %scan3A_5 = scf.for %scan3A_95 = %scan3A_1 to %scan3A_3 step %scan3A_4 iter_args(%scan3A_96 = %scan3A) -> (i32)  : i32 {
      %broadcast_in_dim3A = arith.constant 0.000000e+00 : f32
      %broadcast_in_dim3A_97 = vector.broadcast %broadcast_in_dim3A : f32 to vector<16xf32>
      %swap3A = arith.index_cast %scan3A_95 : i32 to index
      %swap3A_98 = arith.constant 0 : index
      %swap3A_99 = tpu.vector_load %arg9[%swap3A, %swap3A_98] {strides = array<i32>} : memref<32x128xf32, #tpu.memory_space<vmem>>, vector<1x16xf32>,
      %swap3A_100 = vector.shape_cast %swap3A_99 : vector<1x16xf32> to vector<16xf32>
      %swap3A_101 = vector.shape_cast %broadcast_in_dim3A_97 : vector<16xf32> to vector<1x16xf32>
      tpu.vector_store %arg9[%swap3A, %swap3A_98], %swap3A_101 {strides = array<i32>} : memref<32x128xf32, #tpu.memory_space<vmem>>, vector<1x16xf32>,
      %broadcast_in_dim3A_102 = arith.constant 0.000000e+00 : f32
      %broadcast_in_dim3A_103 = vector.broadcast %broadcast_in_dim3A_102 : f32 to vector<16xf32>
      %swap3A_104 = arith.index_cast %scan3A_95 : i32 to index
      %swap3A_105 = arith.constant 16 : index
      %swap3A_106 = tpu.vector_load %arg9[%swap3A_104, %swap3A_105] {strides = array<i32>} : memref<32x128xf32, #tpu.memory_space<vmem>>, vector<1x16xf32>,
      %swap3A_107 = vector.shape_cast %swap3A_106 : vector<1x16xf32> to vector<16xf32>
      %swap3A_108 = vector.shape_cast %broadcast_in_dim3A_103 : vector<16xf32> to vector<1x16xf32>
      tpu.vector_store %arg9[%swap3A_104, %swap3A_105], %swap3A_108 {strides = array<i32>} : memref<32x128xf32, #tpu.memory_space<vmem>>, vector<1x16xf32>,
      %broadcast_in_dim3A_109 = arith.constant 0.000000e+00 : f32
      %broadcast_in_dim3A_110 = vector.broadcast %broadcast_in_dim3A_109 : f32 to vector<16xf32>
      %swap3A_111 = arith.index_cast %scan3A_95 : i32 to index
      %swap3A_112 = arith.constant 32 : index
      %swap3A_113 = tpu.vector_load %arg9[%swap3A_111, %swap3A_112] {strides = array<i32>} : memref<32x128xf32, #tpu.memory_space<vmem>>, vector<1x16xf32>,
      %swap3A_114 = vector.shape_cast %swap3A_113 : vector<1x16xf32> to vector<16xf32>
      %swap3A_115 = vector.shape_cast %broadcast_in_dim3A_110 : vector<16xf32> to vector<1x16xf32>
      tpu.vector_store %arg9[%swap3A_111, %swap3A_112], %swap3A_115 {strides = array<i32>} : memref<32x128xf32, #tpu.memory_space<vmem>>, vector<1x16xf32>,
      %broadcast_in_dim3A_116 = arith.constant 0.000000e+00 : f32
      %broadcast_in_dim3A_117 = vector.broadcast %broadcast_in_dim3A_116 : f32 to vector<16xf32>
      %swap3A_118 = arith.index_cast %scan3A_95 : i32 to index
      %swap3A_119 = arith.constant 48 : index
      %swap3A_120 = tpu.vector_load %arg9[%swap3A_118, %swap3A_119] {strides = array<i32>} : memref<32x128xf32, #tpu.memory_space<vmem>>, vector<1x16xf32>,
      %swap3A_121 = vector.shape_cast %swap3A_120 : vector<1x16xf32> to vector<16xf32>
      %swap3A_122 = vector.shape_cast %broadcast_in_dim3A_117 : vector<16xf32> to vector<1x16xf32>
      tpu.vector_store %arg9[%swap3A_118, %swap3A_119], %swap3A_122 {strides = array<i32>} : memref<32x128xf32, #tpu.memory_space<vmem>>, vector<1x16xf32>,
      %broadcast_in_dim3A_123 = arith.constant 0.000000e+00 : f32
      %broadcast_in_dim3A_124 = vector.broadcast %broadcast_in_dim3A_123 : f32 to vector<16xf32>
      %swap3A_125 = arith.index_cast %scan3A_95 : i32 to index
      %swap3A_126 = arith.constant 64 : index
      %swap3A_127 = tpu.vector_load %arg9[%swap3A_125, %swap3A_126] {strides = array<i32>} : memref<32x128xf32, #tpu.memory_space<vmem>>, vector<1x16xf32>,
      %swap3A_128 = vector.shape_cast %swap3A_127 : vector<1x16xf32> to vector<16xf32>
      %swap3A_129 = vector.shape_cast %broadcast_in_dim3A_124 : vector<16xf32> to vector<1x16xf32>
      tpu.vector_store %arg9[%swap3A_125, %swap3A_126], %swap3A_129 {strides = array<i32>} : memref<32x128xf32, #tpu.memory_space<vmem>>, vector<1x16xf32>,
      %broadcast_in_dim3A_130 = arith.constant 0.000000e+00 : f32
      %broadcast_in_dim3A_131 = vector.broadcast %broadcast_in_dim3A_130 : f32 to vector<16xf32>
      %swap3A_132 = arith.index_cast %scan3A_95 : i32 to index
      %swap3A_133 = arith.constant 80 : index
      %swap3A_134 = tpu.vector_load %arg9[%swap3A_132, %swap3A_133] {strides = array<i32>} : memref<32x128xf32, #tpu.memory_space<vmem>>, vector<1x16xf32>,
      %swap3A_135 = vector.shape_cast %swap3A_134 : vector<1x16xf32> to vector<16xf32>
      %swap3A_136 = vector.shape_cast %broadcast_in_dim3A_131 : vector<16xf32> to vector<1x16xf32>
      tpu.vector_store %arg9[%swap3A_132, %swap3A_133], %swap3A_136 {strides = array<i32>} : memref<32x128xf32, #tpu.memory_space<vmem>>, vector<1x16xf32>,
      %broadcast_in_dim3A_137 = arith.constant 0.000000e+00 : f32
      %broadcast_in_dim3A_138 = vector.broadcast %broadcast_in_dim3A_137 : f32 to vector<16xf32>
      %swap3A_139 = arith.index_cast %scan3A_95 : i32 to index
      %swap3A_140 = arith.constant 96 : index
      %swap3A_141 = tpu.vector_load %arg9[%swap3A_139, %swap3A_140] {strides = array<i32>} : memref<32x128xf32, #tpu.memory_space<vmem>>, vector<1x16xf32>,
      %swap3A_142 = vector.shape_cast %swap3A_141 : vector<1x16xf32> to vector<16xf32>
      %swap3A_143 = vector.shape_cast %broadcast_in_dim3A_138 : vector<16xf32> to vector<1x16xf32>
      tpu.vector_store %arg9[%swap3A_139, %swap3A_140], %swap3A_143 {strides = array<i32>} : memref<32x128xf32, #tpu.memory_space<vmem>>, vector<1x16xf32>,
      %broadcast_in_dim3A_144 = arith.constant 0.000000e+00 : f32
      %broadcast_in_dim3A_145 = vector.broadcast %broadcast_in_dim3A_144 : f32 to vector<16xf32>
      %swap3A_146 = arith.index_cast %scan3A_95 : i32 to index
      %swap3A_147 = arith.constant 112 : index
      %swap3A_148 = tpu.vector_load %arg9[%swap3A_146, %swap3A_147] {strides = array<i32>} : memref<32x128xf32, #tpu.memory_space<vmem>>, vector<1x16xf32>,
      %swap3A_149 = vector.shape_cast %swap3A_148 : vector<1x16xf32> to vector<16xf32>
      %swap3A_150 = vector.shape_cast %broadcast_in_dim3A_145 : vector<16xf32> to vector<1x16xf32>
      tpu.vector_store %arg9[%swap3A_146, %swap3A_147], %swap3A_150 {strides = array<i32>} : memref<32x128xf32, #tpu.memory_space<vmem>>, vector<1x16xf32>,
      %scan3A_151 = arith.constant 0 : i32
      scf.yield %scan3A_151 : i32
    }
    %scan3A_6 = arith.constant 32 : i32
    %mul3A_7 = arith.constant 632 : i32
    %mul3A_8 = arith.muli %arg1, %mul3A_7 : i32
    %add3A_9 = arith.constant 0 : i32
    %add3A_10 = arith.addi %mul3A_8, %add3A_9 : i32
    "tpu.region"() ({
      %run_scoped3A = tpu.sem_alloc : memref<!tpu.dma_semaphore, #tpu.memory_space<semaphore_mem>>
      %dma_start3A_95 = arith.constant 0 : i32
      %dma_start3A_96 = tpu.memref_slice %arg10[%add3A_10, %dma_start3A_95] : memref<10112x128xf32, #tpu.memory_space<vmem_shared>> -> memref<32x128xf32, #tpu.memory_space<vmem_shared>>
      %dma_start3A_97 = arith.constant 0 : i32
      %dma_start3A_98 = tpu.memref_slice %arg10[%add3A_10, %dma_start3A_97] : memref<10112x128xf32, #tpu.memory_space<vmem_shared>> -> memref<32x128xf32, #tpu.memory_space<vmem_shared>>
      tpu.enqueue_dma source(%arg9 : memref<32x128xf32, #tpu.memory_space<vmem>>) target(%dma_start3A_98 : memref<32x128xf32, #tpu.memory_space<vmem_shared>>) target_semaphore(%run_scoped3A : memref<!tpu.dma_semaphore, #tpu.memory_space<semaphore_mem>>)
      %dma_wait3A_99 = arith.constant 0 : i32
      %dma_wait3A_100 = tpu.memref_slice %arg10[%add3A_10, %dma_wait3A_99] : memref<10112x128xf32, #tpu.memory_space<vmem_shared>> -> memref<32x128xf32, #tpu.memory_space<vmem_shared>>
      %dma_wait3A_101 = arith.constant 0 : i32
      %dma_wait3A_102 = tpu.memref_slice %arg10[%add3A_10, %dma_wait3A_101] : memref<10112x128xf32, #tpu.memory_space<vmem_shared>> -> memref<32x128xf32, #tpu.memory_space<vmem_shared>>
      tpu.wait_dma2 semaphore(%run_scoped3A : memref<!tpu.dma_semaphore, #tpu.memory_space<semaphore_mem>>) src(%arg9 : memref<32x128xf32, #tpu.memory_space<vmem>>) dst(%dma_wait3A_102 : memref<32x128xf32, #tpu.memory_space<vmem_shared>>)
      tpu.yield
    }) : () -> ()
    %add3A_11 = arith.constant 32 : i32
    %add3A_12 = arith.addi %mul3A_8, %add3A_11 : i32
    "tpu.region"() ({
      %run_scoped3A = tpu.sem_alloc : memref<!tpu.dma_semaphore, #tpu.memory_space<semaphore_mem>>
      %dma_start3A_95 = arith.constant 0 : i32
      %dma_start3A_96 = tpu.memref_slice %arg10[%add3A_12, %dma_start3A_95] : memref<10112x128xf32, #tpu.memory_space<vmem_shared>> -> memref<32x128xf32, #tpu.memory_space<vmem_shared>>
      %dma_start3A_97 = arith.constant 0 : i32
      %dma_start3A_98 = tpu.memref_slice %arg10[%add3A_12, %dma_start3A_97] : memref<10112x128xf32, #tpu.memory_space<vmem_shared>> -> memref<32x128xf32, #tpu.memory_space<vmem_shared>>
      tpu.enqueue_dma source(%arg9 : memref<32x128xf32, #tpu.memory_space<vmem>>) target(%dma_start3A_98 : memref<32x128xf32, #tpu.memory_space<vmem_shared>>) target_semaphore(%run_scoped3A : memref<!tpu.dma_semaphore, #tpu.memory_space<semaphore_mem>>)
      %dma_wait3A_99 = arith.constant 0 : i32
      %dma_wait3A_100 = tpu.memref_slice %arg10[%add3A_12, %dma_wait3A_99] : memref<10112x128xf32, #tpu.memory_space<vmem_shared>> -> memref<32x128xf32, #tpu.memory_space<vmem_shared>>
      %dma_wait3A_101 = arith.constant 0 : i32
      %dma_wait3A_102 = tpu.memref_slice %arg10[%add3A_12, %dma_wait3A_101] : memref<10112x128xf32, #tpu.memory_space<vmem_shared>> -> memref<32x128xf32, #tpu.memory_space<vmem_shared>>
      tpu.wait_dma2 semaphore(%run_scoped3A : memref<!tpu.dma_semaphore, #tpu.memory_space<semaphore_mem>>) src(%arg9 : memref<32x128xf32, #tpu.memory_space<vmem>>) dst(%dma_wait3A_102 : memref<32x128xf32, #tpu.memory_space<vmem_shared>>)
      tpu.yield
    }) : () -> ()
    %add3A_13 = arith.constant 64 : i32
    %add3A_14 = arith.addi %mul3A_8, %add3A_13 : i32
    "tpu.region"() ({
      %run_scoped3A = tpu.sem_alloc : memref<!tpu.dma_semaphore, #tpu.memory_space<semaphore_mem>>
      %dma_start3A_95 = arith.constant 0 : i32
      %dma_start3A_96 = tpu.memref_slice %arg10[%add3A_14, %dma_start3A_95] : memref<10112x128xf32, #tpu.memory_space<vmem_shared>> -> memref<32x128xf32, #tpu.memory_space<vmem_shared>>
      %dma_start3A_97 = arith.constant 0 : i32
      %dma_start3A_98 = tpu.memref_slice %arg10[%add3A_14, %dma_start3A_97] : memref<10112x128xf32, #tpu.memory_space<vmem_shared>> -> memref<32x128xf32, #tpu.memory_space<vmem_shared>>
      tpu.enqueue_dma source(%arg9 : memref<32x128xf32, #tpu.memory_space<vmem>>) target(%dma_start3A_98 : memref<32x128xf32, #tpu.memory_space<vmem_shared>>) target_semaphore(%run_scoped3A : memref<!tpu.dma_semaphore, #tpu.memory_space<semaphore_mem>>)
      %dma_wait3A_99 = arith.constant 0 : i32
      %dma_wait3A_100 = tpu.memref_slice %arg10[%add3A_14, %dma_wait3A_99] : memref<10112x128xf32, #tpu.memory_space<vmem_shared>> -> memref<32x128xf32, #tpu.memory_space<vmem_shared>>
      %dma_wait3A_101 = arith.constant 0 : i32
      %dma_wait3A_102 = tpu.memref_slice %arg10[%add3A_14, %dma_wait3A_101] : memref<10112x128xf32, #tpu.memory_space<vmem_shared>> -> memref<32x128xf32, #tpu.memory_space<vmem_shared>>
      tpu.wait_dma2 semaphore(%run_scoped3A : memref<!tpu.dma_semaphore, #tpu.memory_space<semaphore_mem>>) src(%arg9 : memref<32x128xf32, #tpu.memory_space<vmem>>) dst(%dma_wait3A_102 : memref<32x128xf32, #tpu.memory_space<vmem_shared>>)
      tpu.yield
    }) : () -> ()
    %add3A_15 = arith.constant 96 : i32
    %add3A_16 = arith.addi %mul3A_8, %add3A_15 : i32
    "tpu.region"() ({
      %run_scoped3A = tpu.sem_alloc : memref<!tpu.dma_semaphore, #tpu.memory_space<semaphore_mem>>
      %dma_start3A_95 = arith.constant 0 : i32
      %dma_start3A_96 = tpu.memref_slice %arg10[%add3A_16, %dma_start3A_95] : memref<10112x128xf32, #tpu.memory_space<vmem_shared>> -> memref<32x128xf32, #tpu.memory_space<vmem_shared>>
      %dma_start3A_97 = arith.constant 0 : i32
      %dma_start3A_98 = tpu.memref_slice %arg10[%add3A_16, %dma_start3A_97] : memref<10112x128xf32, #tpu.memory_space<vmem_shared>> -> memref<32x128xf32, #tpu.memory_space<vmem_shared>>
      tpu.enqueue_dma source(%arg9 : memref<32x128xf32, #tpu.memory_space<vmem>>) target(%dma_start3A_98 : memref<32x128xf32, #tpu.memory_space<vmem_shared>>) target_semaphore(%run_scoped3A : memref<!tpu.dma_semaphore, #tpu.memory_space<semaphore_mem>>)
      %dma_wait3A_99 = arith.constant 0 : i32
      %dma_wait3A_100 = tpu.memref_slice %arg10[%add3A_16, %dma_wait3A_99] : memref<10112x128xf32, #tpu.memory_space<vmem_shared>> -> memref<32x128xf32, #tpu.memory_space<vmem_shared>>
      %dma_wait3A_101 = arith.constant 0 : i32
      %dma_wait3A_102 = tpu.memref_slice %arg10[%add3A_16, %dma_wait3A_101] : memref<10112x128xf32, #tpu.memory_space<vmem_shared>> -> memref<32x128xf32, #tpu.memory_space<vmem_shared>>
      tpu.wait_dma2 semaphore(%run_scoped3A : memref<!tpu.dma_semaphore, #tpu.memory_space<semaphore_mem>>) src(%arg9 : memref<32x128xf32, #tpu.memory_space<vmem>>) dst(%dma_wait3A_102 : memref<32x128xf32, #tpu.memory_space<vmem_shared>>)
      tpu.yield
    }) : () -> ()
    %add3A_17 = arith.constant 128 : i32
    %add3A_18 = arith.addi %mul3A_8, %add3A_17 : i32
    "tpu.region"() ({
      %run_scoped3A = tpu.sem_alloc : memref<!tpu.dma_semaphore, #tpu.memory_space<semaphore_mem>>
      %dma_start3A_95 = arith.constant 0 : i32
      %dma_start3A_96 = tpu.memref_slice %arg10[%add3A_18, %dma_start3A_95] : memref<10112x128xf32, #tpu.memory_space<vmem_shared>> -> memref<32x128xf32, #tpu.memory_space<vmem_shared>>
      %dma_start3A_97 = arith.constant 0 : i32
      %dma_start3A_98 = tpu.memref_slice %arg10[%add3A_18, %dma_start3A_97] : memref<10112x128xf32, #tpu.memory_space<vmem_shared>> -> memref<32x128xf32, #tpu.memory_space<vmem_shared>>
      tpu.enqueue_dma source(%arg9 : memref<32x128xf32, #tpu.memory_space<vmem>>) target(%dma_start3A_98 : memref<32x128xf32, #tpu.memory_space<vmem_shared>>) target_semaphore(%run_scoped3A : memref<!tpu.dma_semaphore, #tpu.memory_space<semaphore_mem>>)
      %dma_wait3A_99 = arith.constant 0 : i32
      %dma_wait3A_100 = tpu.memref_slice %arg10[%add3A_18, %dma_wait3A_99] : memref<10112x128xf32, #tpu.memory_space<vmem_shared>> -> memref<32x128xf32, #tpu.memory_space<vmem_shared>>
      %dma_wait3A_101 = arith.constant 0 : i32
      %dma_wait3A_102 = tpu.memref_slice %arg10[%add3A_18, %dma_wait3A_101] : memref<10112x128xf32, #tpu.memory_space<vmem_shared>> -> memref<32x128xf32, #tpu.memory_space<vmem_shared>>
      tpu.wait_dma2 semaphore(%run_scoped3A : memref<!tpu.dma_semaphore, #tpu.memory_space<semaphore_mem>>) src(%arg9 : memref<32x128xf32, #tpu.memory_space<vmem>>) dst(%dma_wait3A_102 : memref<32x128xf32, #tpu.memory_space<vmem_shared>>)
      tpu.yield
    }) : () -> ()
    %add3A_19 = arith.constant 160 : i32
    %add3A_20 = arith.addi %mul3A_8, %add3A_19 : i32
    "tpu.region"() ({
      %run_scoped3A = tpu.sem_alloc : memref<!tpu.dma_semaphore, #tpu.memory_space<semaphore_mem>>
      %dma_start3A_95 = arith.constant 0 : i32
      %dma_start3A_96 = tpu.memref_slice %arg10[%add3A_20, %dma_start3A_95] : memref<10112x128xf32, #tpu.memory_space<vmem_shared>> -> memref<32x128xf32, #tpu.memory_space<vmem_shared>>
      %dma_start3A_97 = arith.constant 0 : i32
      %dma_start3A_98 = tpu.memref_slice %arg10[%add3A_20, %dma_start3A_97] : memref<10112x128xf32, #tpu.memory_space<vmem_shared>> -> memref<32x128xf32, #tpu.memory_space<vmem_shared>>
      tpu.enqueue_dma source(%arg9 : memref<32x128xf32, #tpu.memory_space<vmem>>) target(%dma_start3A_98 : memref<32x128xf32, #tpu.memory_space<vmem_shared>>) target_semaphore(%run_scoped3A : memref<!tpu.dma_semaphore, #tpu.memory_space<semaphore_mem>>)
      %dma_wait3A_99 = arith.constant 0 : i32
      %dma_wait3A_100 = tpu.memref_slice %arg10[%add3A_20, %dma_wait3A_99] : memref<10112x128xf32, #tpu.memory_space<vmem_shared>> -> memref<32x128xf32, #tpu.memory_space<vmem_shared>>
      %dma_wait3A_101 = arith.constant 0 : i32
      %dma_wait3A_102 = tpu.memref_slice %arg10[%add3A_20, %dma_wait3A_101] : memref<10112x128xf32, #tpu.memory_space<vmem_shared>> -> memref<32x128xf32, #tpu.memory_space<vmem_shared>>
      tpu.wait_dma2 semaphore(%run_scoped3A : memref<!tpu.dma_semaphore, #tpu.memory_space<semaphore_mem>>) src(%arg9 : memref<32x128xf32, #tpu.memory_space<vmem>>) dst(%dma_wait3A_102 : memref<32x128xf32, #tpu.memory_space<vmem_shared>>)
      tpu.yield
    }) : () -> ()
    %add3A_21 = arith.constant 192 : i32
    %add3A_22 = arith.addi %mul3A_8, %add3A_21 : i32
    "tpu.region"() ({
      %run_scoped3A = tpu.sem_alloc : memref<!tpu.dma_semaphore, #tpu.memory_space<semaphore_mem>>
      %dma_start3A_95 = arith.constant 0 : i32
      %dma_start3A_96 = tpu.memref_slice %arg10[%add3A_22, %dma_start3A_95] : memref<10112x128xf32, #tpu.memory_space<vmem_shared>> -> memref<32x128xf32, #tpu.memory_space<vmem_shared>>
      %dma_start3A_97 = arith.constant 0 : i32
      %dma_start3A_98 = tpu.memref_slice %arg10[%add3A_22, %dma_start3A_97] : memref<10112x128xf32, #tpu.memory_space<vmem_shared>> -> memref<32x128xf32, #tpu.memory_space<vmem_shared>>
      tpu.enqueue_dma source(%arg9 : memref<32x128xf32, #tpu.memory_space<vmem>>) target(%dma_start3A_98 : memref<32x128xf32, #tpu.memory_space<vmem_shared>>) target_semaphore(%run_scoped3A : memref<!tpu.dma_semaphore, #tpu.memory_space<semaphore_mem>>)
      %dma_wait3A_99 = arith.constant 0 : i32
      %dma_wait3A_100 = tpu.memref_slice %arg10[%add3A_22, %dma_wait3A_99] : memref<10112x128xf32, #tpu.memory_space<vmem_shared>> -> memref<32x128xf32, #tpu.memory_space<vmem_shared>>
      %dma_wait3A_101 = arith.constant 0 : i32
      %dma_wait3A_102 = tpu.memref_slice %arg10[%add3A_22, %dma_wait3A_101] : memref<10112x128xf32, #tpu.memory_space<vmem_shared>> -> memref<32x128xf32, #tpu.memory_space<vmem_shared>>
      tpu.wait_dma2 semaphore(%run_scoped3A : memref<!tpu.dma_semaphore, #tpu.memory_space<semaphore_mem>>) src(%arg9 : memref<32x128xf32, #tpu.memory_space<vmem>>) dst(%dma_wait3A_102 : memref<32x128xf32, #tpu.memory_space<vmem_shared>>)
      tpu.yield
    }) : () -> ()
    %add3A_23 = arith.constant 224 : i32
    %add3A_24 = arith.addi %mul3A_8, %add3A_23 : i32
    "tpu.region"() ({
      %run_scoped3A = tpu.sem_alloc : memref<!tpu.dma_semaphore, #tpu.memory_space<semaphore_mem>>
      %dma_start3A_95 = arith.constant 0 : i32
      %dma_start3A_96 = tpu.memref_slice %arg10[%add3A_24, %dma_start3A_95] : memref<10112x128xf32, #tpu.memory_space<vmem_shared>> -> memref<32x128xf32, #tpu.memory_space<vmem_shared>>
      %dma_start3A_97 = arith.constant 0 : i32
      %dma_start3A_98 = tpu.memref_slice %arg10[%add3A_24, %dma_start3A_97] : memref<10112x128xf32, #tpu.memory_space<vmem_shared>> -> memref<32x128xf32, #tpu.memory_space<vmem_shared>>
      tpu.enqueue_dma source(%arg9 : memref<32x128xf32, #tpu.memory_space<vmem>>) target(%dma_start3A_98 : memref<32x128xf32, #tpu.memory_space<vmem_shared>>) target_semaphore(%run_scoped3A : memref<!tpu.dma_semaphore, #tpu.memory_space<semaphore_mem>>)
      %dma_wait3A_99 = arith.constant 0 : i32
      %dma_wait3A_100 = tpu.memref_slice %arg10[%add3A_24, %dma_wait3A_99] : memref<10112x128xf32, #tpu.memory_space<vmem_shared>> -> memref<32x128xf32, #tpu.memory_space<vmem_shared>>
      %dma_wait3A_101 = arith.constant 0 : i32
      %dma_wait3A_102 = tpu.memref_slice %arg10[%add3A_24, %dma_wait3A_101] : memref<10112x128xf32, #tpu.memory_space<vmem_shared>> -> memref<32x128xf32, #tpu.memory_space<vmem_shared>>
      tpu.wait_dma2 semaphore(%run_scoped3A : memref<!tpu.dma_semaphore, #tpu.memory_space<semaphore_mem>>) src(%arg9 : memref<32x128xf32, #tpu.memory_space<vmem>>) dst(%dma_wait3A_102 : memref<32x128xf32, #tpu.memory_space<vmem_shared>>)
      tpu.yield
    }) : () -> ()
    %add3A_25 = arith.constant 256 : i32
    %add3A_26 = arith.addi %mul3A_8, %add3A_25 : i32
    "tpu.region"() ({
      %run_scoped3A = tpu.sem_alloc : memref<!tpu.dma_semaphore, #tpu.memory_space<semaphore_mem>>
      %dma_start3A_95 = arith.constant 0 : i32
      %dma_start3A_96 = tpu.memref_slice %arg10[%add3A_26, %dma_start3A_95] : memref<10112x128xf32, #tpu.memory_space<vmem_shared>> -> memref<32x128xf32, #tpu.memory_space<vmem_shared>>
      %dma_start3A_97 = arith.constant 0 : i32
      %dma_start3A_98 = tpu.memref_slice %arg10[%add3A_26, %dma_start3A_97] : memref<10112x128xf32, #tpu.memory_space<vmem_shared>> -> memref<32x128xf32, #tpu.memory_space<vmem_shared>>
      tpu.enqueue_dma source(%arg9 : memref<32x128xf32, #tpu.memory_space<vmem>>) target(%dma_start3A_98 : memref<32x128xf32, #tpu.memory_space<vmem_shared>>) target_semaphore(%run_scoped3A : memref<!tpu.dma_semaphore, #tpu.memory_space<semaphore_mem>>)
      %dma_wait3A_99 = arith.constant 0 : i32
      %dma_wait3A_100 = tpu.memref_slice %arg10[%add3A_26, %dma_wait3A_99] : memref<10112x128xf32, #tpu.memory_space<vmem_shared>> -> memref<32x128xf32, #tpu.memory_space<vmem_shared>>
      %dma_wait3A_101 = arith.constant 0 : i32
      %dma_wait3A_102 = tpu.memref_slice %arg10[%add3A_26, %dma_wait3A_101] : memref<10112x128xf32, #tpu.memory_space<vmem_shared>> -> memref<32x128xf32, #tpu.memory_space<vmem_shared>>
      tpu.wait_dma2 semaphore(%run_scoped3A : memref<!tpu.dma_semaphore, #tpu.memory_space<semaphore_mem>>) src(%arg9 : memref<32x128xf32, #tpu.memory_space<vmem>>) dst(%dma_wait3A_102 : memref<32x128xf32, #tpu.memory_space<vmem_shared>>)
      tpu.yield
    }) : () -> ()
    %add3A_27 = arith.constant 288 : i32
    %add3A_28 = arith.addi %mul3A_8, %add3A_27 : i32
    "tpu.region"() ({
      %run_scoped3A = tpu.sem_alloc : memref<!tpu.dma_semaphore, #tpu.memory_space<semaphore_mem>>
      %dma_start3A_95 = arith.constant 0 : i32
      %dma_start3A_96 = tpu.memref_slice %arg10[%add3A_28, %dma_start3A_95] : memref<10112x128xf32, #tpu.memory_space<vmem_shared>> -> memref<32x128xf32, #tpu.memory_space<vmem_shared>>
      %dma_start3A_97 = arith.constant 0 : i32
      %dma_start3A_98 = tpu.memref_slice %arg10[%add3A_28, %dma_start3A_97] : memref<10112x128xf32, #tpu.memory_space<vmem_shared>> -> memref<32x128xf32, #tpu.memory_space<vmem_shared>>
      tpu.enqueue_dma source(%arg9 : memref<32x128xf32, #tpu.memory_space<vmem>>) target(%dma_start3A_98 : memref<32x128xf32, #tpu.memory_space<vmem_shared>>) target_semaphore(%run_scoped3A : memref<!tpu.dma_semaphore, #tpu.memory_space<semaphore_mem>>)
      %dma_wait3A_99 = arith.constant 0 : i32
      %dma_wait3A_100 = tpu.memref_slice %arg10[%add3A_28, %dma_wait3A_99] : memref<10112x128xf32, #tpu.memory_space<vmem_shared>> -> memref<32x128xf32, #tpu.memory_space<vmem_shared>>
      %dma_wait3A_101 = arith.constant 0 : i32
      %dma_wait3A_102 = tpu.memref_slice %arg10[%add3A_28, %dma_wait3A_101] : memref<10112x128xf32, #tpu.memory_space<vmem_shared>> -> memref<32x128xf32, #tpu.memory_space<vmem_shared>>
      tpu.wait_dma2 semaphore(%run_scoped3A : memref<!tpu.dma_semaphore, #tpu.memory_space<semaphore_mem>>) src(%arg9 : memref<32x128xf32, #tpu.memory_space<vmem>>) dst(%dma_wait3A_102 : memref<32x128xf32, #tpu.memory_space<vmem_shared>>)
      tpu.yield
    }) : () -> ()
    %add3A_29 = arith.constant 320 : i32
    %add3A_30 = arith.addi %mul3A_8, %add3A_29 : i32
    "tpu.region"() ({
      %run_scoped3A = tpu.sem_alloc : memref<!tpu.dma_semaphore, #tpu.memory_space<semaphore_mem>>
      %dma_start3A_95 = arith.constant 0 : i32
      %dma_start3A_96 = tpu.memref_slice %arg10[%add3A_30, %dma_start3A_95] : memref<10112x128xf32, #tpu.memory_space<vmem_shared>> -> memref<32x128xf32, #tpu.memory_space<vmem_shared>>
      %dma_start3A_97 = arith.constant 0 : i32
      %dma_start3A_98 = tpu.memref_slice %arg10[%add3A_30, %dma_start3A_97] : memref<10112x128xf32, #tpu.memory_space<vmem_shared>> -> memref<32x128xf32, #tpu.memory_space<vmem_shared>>
      tpu.enqueue_dma source(%arg9 : memref<32x128xf32, #tpu.memory_space<vmem>>) target(%dma_start3A_98 : memref<32x128xf32, #tpu.memory_space<vmem_shared>>) target_semaphore(%run_scoped3A : memref<!tpu.dma_semaphore, #tpu.memory_space<semaphore_mem>>)
      %dma_wait3A_99 = arith.constant 0 : i32
      %dma_wait3A_100 = tpu.memref_slice %arg10[%add3A_30, %dma_wait3A_99] : memref<10112x128xf32, #tpu.memory_space<vmem_shared>> -> memref<32x128xf32, #tpu.memory_space<vmem_shared>>
      %dma_wait3A_101 = arith.constant 0 : i32
      %dma_wait3A_102 = tpu.memref_slice %arg10[%add3A_30, %dma_wait3A_101] : memref<10112x128xf32, #tpu.memory_space<vmem_shared>> -> memref<32x128xf32, #tpu.memory_space<vmem_shared>>
      tpu.wait_dma2 semaphore(%run_scoped3A : memref<!tpu.dma_semaphore, #tpu.memory_space<semaphore_mem>>) src(%arg9 : memref<32x128xf32, #tpu.memory_space<vmem>>) dst(%dma_wait3A_102 : memref<32x128xf32, #tpu.memory_space<vmem_shared>>)
      tpu.yield
    }) : () -> ()
    %add3A_31 = arith.constant 352 : i32
    %add3A_32 = arith.addi %mul3A_8, %add3A_31 : i32
    "tpu.region"() ({
      %run_scoped3A = tpu.sem_alloc : memref<!tpu.dma_semaphore, #tpu.memory_space<semaphore_mem>>
      %dma_start3A_95 = arith.constant 0 : i32
      %dma_start3A_96 = tpu.memref_slice %arg10[%add3A_32, %dma_start3A_95] : memref<10112x128xf32, #tpu.memory_space<vmem_shared>> -> memref<32x128xf32, #tpu.memory_space<vmem_shared>>
      %dma_start3A_97 = arith.constant 0 : i32
      %dma_start3A_98 = tpu.memref_slice %arg10[%add3A_32, %dma_start3A_97] : memref<10112x128xf32, #tpu.memory_space<vmem_shared>> -> memref<32x128xf32, #tpu.memory_space<vmem_shared>>
      tpu.enqueue_dma source(%arg9 : memref<32x128xf32, #tpu.memory_space<vmem>>) target(%dma_start3A_98 : memref<32x128xf32, #tpu.memory_space<vmem_shared>>) target_semaphore(%run_scoped3A : memref<!tpu.dma_semaphore, #tpu.memory_space<semaphore_mem>>)
      %dma_wait3A_99 = arith.constant 0 : i32
      %dma_wait3A_100 = tpu.memref_slice %arg10[%add3A_32, %dma_wait3A_99] : memref<10112x128xf32, #tpu.memory_space<vmem_shared>> -> memref<32x128xf32, #tpu.memory_space<vmem_shared>>
      %dma_wait3A_101 = arith.constant 0 : i32
      %dma_wait3A_102 = tpu.memref_slice %arg10[%add3A_32, %dma_wait3A_101] : memref<10112x128xf32, #tpu.memory_space<vmem_shared>> -> memref<32x128xf32, #tpu.memory_space<vmem_shared>>
      tpu.wait_dma2 semaphore(%run_scoped3A : memref<!tpu.dma_semaphore, #tpu.memory_space<semaphore_mem>>) src(%arg9 : memref<32x128xf32, #tpu.memory_space<vmem>>) dst(%dma_wait3A_102 : memref<32x128xf32, #tpu.memory_space<vmem_shared>>)
      tpu.yield
    }) : () -> ()
    %add3A_33 = arith.constant 384 : i32
    %add3A_34 = arith.addi %mul3A_8, %add3A_33 : i32
    "tpu.region"() ({
      %run_scoped3A = tpu.sem_alloc : memref<!tpu.dma_semaphore, #tpu.memory_space<semaphore_mem>>
      %dma_start3A_95 = arith.constant 0 : i32
      %dma_start3A_96 = tpu.memref_slice %arg10[%add3A_34, %dma_start3A_95] : memref<10112x128xf32, #tpu.memory_space<vmem_shared>> -> memref<32x128xf32, #tpu.memory_space<vmem_shared>>
      %dma_start3A_97 = arith.constant 0 : i32
      %dma_start3A_98 = tpu.memref_slice %arg10[%add3A_34, %dma_start3A_97] : memref<10112x128xf32, #tpu.memory_space<vmem_shared>> -> memref<32x128xf32, #tpu.memory_space<vmem_shared>>
      tpu.enqueue_dma source(%arg9 : memref<32x128xf32, #tpu.memory_space<vmem>>) target(%dma_start3A_98 : memref<32x128xf32, #tpu.memory_space<vmem_shared>>) target_semaphore(%run_scoped3A : memref<!tpu.dma_semaphore, #tpu.memory_space<semaphore_mem>>)
      %dma_wait3A_99 = arith.constant 0 : i32
      %dma_wait3A_100 = tpu.memref_slice %arg10[%add3A_34, %dma_wait3A_99] : memref<10112x128xf32, #tpu.memory_space<vmem_shared>> -> memref<32x128xf32, #tpu.memory_space<vmem_shared>>
      %dma_wait3A_101 = arith.constant 0 : i32
      %dma_wait3A_102 = tpu.memref_slice %arg10[%add3A_34, %dma_wait3A_101] : memref<10112x128xf32, #tpu.memory_space<vmem_shared>> -> memref<32x128xf32, #tpu.memory_space<vmem_shared>>
      tpu.wait_dma2 semaphore(%run_scoped3A : memref<!tpu.dma_semaphore, #tpu.memory_space<semaphore_mem>>) src(%arg9 : memref<32x128xf32, #tpu.memory_space<vmem>>) dst(%dma_wait3A_102 : memref<32x128xf32, #tpu.memory_space<vmem_shared>>)
      tpu.yield
    }) : () -> ()
    %add3A_35 = arith.constant 416 : i32
    %add3A_36 = arith.addi %mul3A_8, %add3A_35 : i32
    "tpu.region"() ({
      %run_scoped3A = tpu.sem_alloc : memref<!tpu.dma_semaphore, #tpu.memory_space<semaphore_mem>>
      %dma_start3A_95 = arith.constant 0 : i32
      %dma_start3A_96 = tpu.memref_slice %arg10[%add3A_36, %dma_start3A_95] : memref<10112x128xf32, #tpu.memory_space<vmem_shared>> -> memref<32x128xf32, #tpu.memory_space<vmem_shared>>
      %dma_start3A_97 = arith.constant 0 : i32
      %dma_start3A_98 = tpu.memref_slice %arg10[%add3A_36, %dma_start3A_97] : memref<10112x128xf32, #tpu.memory_space<vmem_shared>> -> memref<32x128xf32, #tpu.memory_space<vmem_shared>>
      tpu.enqueue_dma source(%arg9 : memref<32x128xf32, #tpu.memory_space<vmem>>) target(%dma_start3A_98 : memref<32x128xf32, #tpu.memory_space<vmem_shared>>) target_semaphore(%run_scoped3A : memref<!tpu.dma_semaphore, #tpu.memory_space<semaphore_mem>>)
      %dma_wait3A_99 = arith.constant 0 : i32
      %dma_wait3A_100 = tpu.memref_slice %arg10[%add3A_36, %dma_wait3A_99] : memref<10112x128xf32, #tpu.memory_space<vmem_shared>> -> memref<32x128xf32, #tpu.memory_space<vmem_shared>>
      %dma_wait3A_101 = arith.constant 0 : i32
      %dma_wait3A_102 = tpu.memref_slice %arg10[%add3A_36, %dma_wait3A_101] : memref<10112x128xf32, #tpu.memory_space<vmem_shared>> -> memref<32x128xf32, #tpu.memory_space<vmem_shared>>
      tpu.wait_dma2 semaphore(%run_scoped3A : memref<!tpu.dma_semaphore, #tpu.memory_space<semaphore_mem>>) src(%arg9 : memref<32x128xf32, #tpu.memory_space<vmem>>) dst(%dma_wait3A_102 : memref<32x128xf32, #tpu.memory_space<vmem_shared>>)
      tpu.yield
    }) : () -> ()
    %add3A_37 = arith.constant 448 : i32
    %add3A_38 = arith.addi %mul3A_8, %add3A_37 : i32
    "tpu.region"() ({
      %run_scoped3A = tpu.sem_alloc : memref<!tpu.dma_semaphore, #tpu.memory_space<semaphore_mem>>
      %dma_start3A_95 = arith.constant 0 : i32
      %dma_start3A_96 = tpu.memref_slice %arg10[%add3A_38, %dma_start3A_95] : memref<10112x128xf32, #tpu.memory_space<vmem_shared>> -> memref<32x128xf32, #tpu.memory_space<vmem_shared>>
      %dma_start3A_97 = arith.constant 0 : i32
      %dma_start3A_98 = tpu.memref_slice %arg10[%add3A_38, %dma_start3A_97] : memref<10112x128xf32, #tpu.memory_space<vmem_shared>> -> memref<32x128xf32, #tpu.memory_space<vmem_shared>>
      tpu.enqueue_dma source(%arg9 : memref<32x128xf32, #tpu.memory_space<vmem>>) target(%dma_start3A_98 : memref<32x128xf32, #tpu.memory_space<vmem_shared>>) target_semaphore(%run_scoped3A : memref<!tpu.dma_semaphore, #tpu.memory_space<semaphore_mem>>)
      %dma_wait3A_99 = arith.constant 0 : i32
      %dma_wait3A_100 = tpu.memref_slice %arg10[%add3A_38, %dma_wait3A_99] : memref<10112x128xf32, #tpu.memory_space<vmem_shared>> -> memref<32x128xf32, #tpu.memory_space<vmem_shared>>
      %dma_wait3A_101 = arith.constant 0 : i32
      %dma_wait3A_102 = tpu.memref_slice %arg10[%add3A_38, %dma_wait3A_101] : memref<10112x128xf32, #tpu.memory_space<vmem_shared>> -> memref<32x128xf32, #tpu.memory_space<vmem_shared>>
      tpu.wait_dma2 semaphore(%run_scoped3A : memref<!tpu.dma_semaphore, #tpu.memory_space<semaphore_mem>>) src(%arg9 : memref<32x128xf32, #tpu.memory_space<vmem>>) dst(%dma_wait3A_102 : memref<32x128xf32, #tpu.memory_space<vmem_shared>>)
      tpu.yield
    }) : () -> ()
    %add3A_39 = arith.constant 480 : i32
    %add3A_40 = arith.addi %mul3A_8, %add3A_39 : i32
    "tpu.region"() ({
      %run_scoped3A = tpu.sem_alloc : memref<!tpu.dma_semaphore, #tpu.memory_space<semaphore_mem>>
      %dma_start3A_95 = arith.constant 0 : i32
      %dma_start3A_96 = tpu.memref_slice %arg10[%add3A_40, %dma_start3A_95] : memref<10112x128xf32, #tpu.memory_space<vmem_shared>> -> memref<32x128xf32, #tpu.memory_space<vmem_shared>>
      %dma_start3A_97 = arith.constant 0 : i32
      %dma_start3A_98 = tpu.memref_slice %arg10[%add3A_40, %dma_start3A_97] : memref<10112x128xf32, #tpu.memory_space<vmem_shared>> -> memref<32x128xf32, #tpu.memory_space<vmem_shared>>
      tpu.enqueue_dma source(%arg9 : memref<32x128xf32, #tpu.memory_space<vmem>>) target(%dma_start3A_98 : memref<32x128xf32, #tpu.memory_space<vmem_shared>>) target_semaphore(%run_scoped3A : memref<!tpu.dma_semaphore, #tpu.memory_space<semaphore_mem>>)
      %dma_wait3A_99 = arith.constant 0 : i32
      %dma_wait3A_100 = tpu.memref_slice %arg10[%add3A_40, %dma_wait3A_99] : memref<10112x128xf32, #tpu.memory_space<vmem_shared>> -> memref<32x128xf32, #tpu.memory_space<vmem_shared>>
      %dma_wait3A_101 = arith.constant 0 : i32
      %dma_wait3A_102 = tpu.memref_slice %arg10[%add3A_40, %dma_wait3A_101] : memref<10112x128xf32, #tpu.memory_space<vmem_shared>> -> memref<32x128xf32, #tpu.memory_space<vmem_shared>>
      tpu.wait_dma2 semaphore(%run_scoped3A : memref<!tpu.dma_semaphore, #tpu.memory_space<semaphore_mem>>) src(%arg9 : memref<32x128xf32, #tpu.memory_space<vmem>>) dst(%dma_wait3A_102 : memref<32x128xf32, #tpu.memory_space<vmem_shared>>)
      tpu.yield
    }) : () -> ()
    %add3A_41 = arith.constant 512 : i32
    %add3A_42 = arith.addi %mul3A_8, %add3A_41 : i32
    "tpu.region"() ({
      %run_scoped3A = tpu.sem_alloc : memref<!tpu.dma_semaphore, #tpu.memory_space<semaphore_mem>>
      %dma_start3A_95 = arith.constant 0 : i32
      %dma_start3A_96 = tpu.memref_slice %arg10[%add3A_42, %dma_start3A_95] : memref<10112x128xf32, #tpu.memory_space<vmem_shared>> -> memref<32x128xf32, #tpu.memory_space<vmem_shared>>
      %dma_start3A_97 = arith.constant 0 : i32
      %dma_start3A_98 = tpu.memref_slice %arg10[%add3A_42, %dma_start3A_97] : memref<10112x128xf32, #tpu.memory_space<vmem_shared>> -> memref<32x128xf32, #tpu.memory_space<vmem_shared>>
      tpu.enqueue_dma source(%arg9 : memref<32x128xf32, #tpu.memory_space<vmem>>) target(%dma_start3A_98 : memref<32x128xf32, #tpu.memory_space<vmem_shared>>) target_semaphore(%run_scoped3A : memref<!tpu.dma_semaphore, #tpu.memory_space<semaphore_mem>>)
      %dma_wait3A_99 = arith.constant 0 : i32
      %dma_wait3A_100 = tpu.memref_slice %arg10[%add3A_42, %dma_wait3A_99] : memref<10112x128xf32, #tpu.memory_space<vmem_shared>> -> memref<32x128xf32, #tpu.memory_space<vmem_shared>>
      %dma_wait3A_101 = arith.constant 0 : i32
      %dma_wait3A_102 = tpu.memref_slice %arg10[%add3A_42, %dma_wait3A_101] : memref<10112x128xf32, #tpu.memory_space<vmem_shared>> -> memref<32x128xf32, #tpu.memory_space<vmem_shared>>
      tpu.wait_dma2 semaphore(%run_scoped3A : memref<!tpu.dma_semaphore, #tpu.memory_space<semaphore_mem>>) src(%arg9 : memref<32x128xf32, #tpu.memory_space<vmem>>) dst(%dma_wait3A_102 : memref<32x128xf32, #tpu.memory_space<vmem_shared>>)
      tpu.yield
    }) : () -> ()
    %add3A_43 = arith.constant 544 : i32
    %add3A_44 = arith.addi %mul3A_8, %add3A_43 : i32
    "tpu.region"() ({
      %run_scoped3A = tpu.sem_alloc : memref<!tpu.dma_semaphore, #tpu.memory_space<semaphore_mem>>
      %dma_start3A_95 = arith.constant 0 : i32
      %dma_start3A_96 = tpu.memref_slice %arg10[%add3A_44, %dma_start3A_95] : memref<10112x128xf32, #tpu.memory_space<vmem_shared>> -> memref<32x128xf32, #tpu.memory_space<vmem_shared>>
      %dma_start3A_97 = arith.constant 0 : i32
      %dma_start3A_98 = tpu.memref_slice %arg10[%add3A_44, %dma_start3A_97] : memref<10112x128xf32, #tpu.memory_space<vmem_shared>> -> memref<32x128xf32, #tpu.memory_space<vmem_shared>>
      tpu.enqueue_dma source(%arg9 : memref<32x128xf32, #tpu.memory_space<vmem>>) target(%dma_start3A_98 : memref<32x128xf32, #tpu.memory_space<vmem_shared>>) target_semaphore(%run_scoped3A : memref<!tpu.dma_semaphore, #tpu.memory_space<semaphore_mem>>)
      %dma_wait3A_99 = arith.constant 0 : i32
      %dma_wait3A_100 = tpu.memref_slice %arg10[%add3A_44, %dma_wait3A_99] : memref<10112x128xf32, #tpu.memory_space<vmem_shared>> -> memref<32x128xf32, #tpu.memory_space<vmem_shared>>
      %dma_wait3A_101 = arith.constant 0 : i32
      %dma_wait3A_102 = tpu.memref_slice %arg10[%add3A_44, %dma_wait3A_101] : memref<10112x128xf32, #tpu.memory_space<vmem_shared>> -> memref<32x128xf32, #tpu.memory_space<vmem_shared>>
      tpu.wait_dma2 semaphore(%run_scoped3A : memref<!tpu.dma_semaphore, #tpu.memory_space<semaphore_mem>>) src(%arg9 : memref<32x128xf32, #tpu.memory_space<vmem>>) dst(%dma_wait3A_102 : memref<32x128xf32, #tpu.memory_space<vmem_shared>>)
      tpu.yield
    }) : () -> ()
    %add3A_45 = arith.constant 576 : i32
    %add3A_46 = arith.addi %mul3A_8, %add3A_45 : i32
    "tpu.region"() ({
      %run_scoped3A = tpu.sem_alloc : memref<!tpu.dma_semaphore, #tpu.memory_space<semaphore_mem>>
      %dma_start3A_95 = arith.constant 0 : i32
      %dma_start3A_96 = tpu.memref_slice %arg10[%add3A_46, %dma_start3A_95] : memref<10112x128xf32, #tpu.memory_space<vmem_shared>> -> memref<32x128xf32, #tpu.memory_space<vmem_shared>>
      %dma_start3A_97 = arith.constant 0 : i32
      %dma_start3A_98 = tpu.memref_slice %arg10[%add3A_46, %dma_start3A_97] : memref<10112x128xf32, #tpu.memory_space<vmem_shared>> -> memref<32x128xf32, #tpu.memory_space<vmem_shared>>
      tpu.enqueue_dma source(%arg9 : memref<32x128xf32, #tpu.memory_space<vmem>>) target(%dma_start3A_98 : memref<32x128xf32, #tpu.memory_space<vmem_shared>>) target_semaphore(%run_scoped3A : memref<!tpu.dma_semaphore, #tpu.memory_space<semaphore_mem>>)
      %dma_wait3A_99 = arith.constant 0 : i32
      %dma_wait3A_100 = tpu.memref_slice %arg10[%add3A_46, %dma_wait3A_99] : memref<10112x128xf32, #tpu.memory_space<vmem_shared>> -> memref<32x128xf32, #tpu.memory_space<vmem_shared>>
      %dma_wait3A_101 = arith.constant 0 : i32
      %dma_wait3A_102 = tpu.memref_slice %arg10[%add3A_46, %dma_wait3A_101] : memref<10112x128xf32, #tpu.memory_space<vmem_shared>> -> memref<32x128xf32, #tpu.memory_space<vmem_shared>>
      tpu.wait_dma2 semaphore(%run_scoped3A : memref<!tpu.dma_semaphore, #tpu.memory_space<semaphore_mem>>) src(%arg9 : memref<32x128xf32, #tpu.memory_space<vmem>>) dst(%dma_wait3A_102 : memref<32x128xf32, #tpu.memory_space<vmem_shared>>)
      tpu.yield
    }) : () -> ()
    %add3A_47 = arith.constant 608 : i32
    %add3A_48 = arith.addi %mul3A_8, %add3A_47 : i32
    "tpu.region"() ({
      %run_scoped3A = tpu.sem_alloc : memref<!tpu.dma_semaphore, #tpu.memory_space<semaphore_mem>>
      %dma_start3A_95 = arith.constant 0 : i32
      %dma_start3A_96 = arith.constant 0 : i32
      %dma_start3A_97 = tpu.memref_slice %arg9[%dma_start3A_95, %dma_start3A_96] : memref<32x128xf32, #tpu.memory_space<vmem>> -> memref<24x128xf32, #tpu.memory_space<vmem>>
      %dma_start3A_98 = arith.constant 0 : i32
      %dma_start3A_99 = tpu.memref_slice %arg10[%add3A_48, %dma_start3A_98] : memref<10112x128xf32, #tpu.memory_space<vmem_shared>> -> memref<24x128xf32, #tpu.memory_space<vmem_shared>>
      %dma_start3A_100 = arith.constant 0 : i32
      %dma_start3A_101 = tpu.memref_slice %arg10[%add3A_48, %dma_start3A_100] : memref<10112x128xf32, #tpu.memory_space<vmem_shared>> -> memref<24x128xf32, #tpu.memory_space<vmem_shared>>
      %dma_start3A_102 = arith.constant 0 : i32
      %dma_start3A_103 = arith.constant 0 : i32
      %dma_start3A_104 = tpu.memref_slice %arg9[%dma_start3A_102, %dma_start3A_103] : memref<32x128xf32, #tpu.memory_space<vmem>> -> memref<24x128xf32, #tpu.memory_space<vmem>>
      tpu.enqueue_dma source(%dma_start3A_104 : memref<24x128xf32, #tpu.memory_space<vmem>>) target(%dma_start3A_101 : memref<24x128xf32, #tpu.memory_space<vmem_shared>>) target_semaphore(%run_scoped3A : memref<!tpu.dma_semaphore, #tpu.memory_space<semaphore_mem>>)
      %dma_wait3A_105 = arith.constant 0 : i32
      %dma_wait3A_106 = arith.constant 0 : i32
      %dma_wait3A_107 = tpu.memref_slice %arg9[%dma_wait3A_105, %dma_wait3A_106] : memref<32x128xf32, #tpu.memory_space<vmem>> -> memref<24x128xf32, #tpu.memory_space<vmem>>
      %dma_wait3A_108 = arith.constant 0 : i32
      %dma_wait3A_109 = tpu.memref_slice %arg10[%add3A_48, %dma_wait3A_108] : memref<10112x128xf32, #tpu.memory_space<vmem_shared>> -> memref<24x128xf32, #tpu.memory_space<vmem_shared>>
      %dma_wait3A_110 = arith.constant 0 : i32
      %dma_wait3A_111 = tpu.memref_slice %arg10[%add3A_48, %dma_wait3A_110] : memref<10112x128xf32, #tpu.memory_space<vmem_shared>> -> memref<24x128xf32, #tpu.memory_space<vmem_shared>>
      %dma_wait3A_112 = arith.constant 0 : i32
      %dma_wait3A_113 = arith.constant 0 : i32
      %dma_wait3A_114 = tpu.memref_slice %arg9[%dma_wait3A_112, %dma_wait3A_113] : memref<32x128xf32, #tpu.memory_space<vmem>> -> memref<24x128xf32, #tpu.memory_space<vmem>>
      tpu.wait_dma2 semaphore(%run_scoped3A : memref<!tpu.dma_semaphore, #tpu.memory_space<semaphore_mem>>) src(%dma_wait3A_114 : memref<24x128xf32, #tpu.memory_space<vmem>>) dst(%dma_wait3A_111 : memref<24x128xf32, #tpu.memory_space<vmem_shared>>)
      tpu.yield
    }) : () -> ()
    %barrier3A = arith.constant 0 : index
    tpu.barrier barrier_id(%barrier3A)
    %dma_start3A = arith.constant 0 : i32
    %dma_start3A_49 = arith.constant 0 : i32
    %dma_start3A_50 = arith.constant 0 : i32
    %dma_start3A_51 = arith.constant 0 : i32
    %dma_start3A_52 = tpu.memref_slice %arg8[%dma_start3A_49, %dma_start3A_50, %dma_start3A_51] : memref<2x128x128xf32, #tpu.memory_space<vmem>> -> memref<1x128x128xf32, #tpu.memory_space<vmem>>
    %dma_start3A_53 = tpu.memref_squeeze %dma_start3A_52 : memref<1x128x128xf32, #tpu.memory_space<vmem>> -> memref<128x128xf32, #tpu.memory_space<vmem>>
    %dma_start3A_54 = arith.constant 0 : i32
    %dma_start3A_55 = tpu.memref_slice %arg6[%dma_start3A, %dma_start3A_54] : memref<40x128xi32, #tpu.memory_space<vmem>> -> memref<1x128xi32, #tpu.memory_space<vmem>>
    %dma_start3A_56 = tpu.memref_squeeze %dma_start3A_55 : memref<1x128xi32, #tpu.memory_space<vmem>> -> memref<128xi32, #tpu.memory_space<vmem>>
    %dma_start3A_57 = arith.constant 0 : i32
    %dma_start3A_58 = arith.constant 0 : i32
    %dma_start3A_59 = tpu.memref_slice %arg2[%dma_start3A_57, %dma_start3A_58] : memref<40000x128xf32, #tpu.memory_space<hbm>> -> memref<40000x128xf32, #tpu.memory_space<hbm>>
    tpu.enqueue_indirect_dma source(%dma_start3A_59 : memref<40000x128xf32, #tpu.memory_space<hbm>>) target(%dma_start3A_53 : memref<128x128xf32, #tpu.memory_space<vmem>>) offsets(%dma_start3A_56 : memref<128xi32, #tpu.memory_space<vmem>>) semaphore(%arg11 : memref<!tpu.dma_semaphore, #tpu.memory_space<semaphore_mem>>)
    %scan3A_60 = arith.constant 0 : i32
    %scan3A_61 = arith.constant 0 : i32
    %scan3A_62 = arith.constant 20 : i32
    %scan3A_63 = arith.addi %scan3A_61, %scan3A_62 : i32
    %scan3A_64 = arith.constant 1 : i32
    %scan3A_65 = scf.for %scan3A_95 = %scan3A_61 to %scan3A_63 step %scan3A_64 iter_args(%scan3A_96 = %scan3A_60) -> (i32)  : i32 {
      %mul3A_97 = arith.constant 2 : i32
      %mul3A_98 = arith.muli %mul3A_97, %scan3A_95 : i32
      %mul3A_99 = arith.constant 2 : i32
      %mul3A_100 = arith.muli %mul3A_99, %scan3A_95 : i32
      %add3A_101 = arith.constant 1 : i32
      %add3A_102 = arith.addi %mul3A_100, %add3A_101 : i32
      %add3A_103 = arith.constant 1 : i32
      %add3A_104 = arith.addi %add3A_102, %add3A_103 : i32
      %lt3A = arith.constant 40 : i32
      %lt3A_105 = arith.cmpi slt, %add3A_104, %lt3A : i32
      %add3A_106 = arith.constant 1 : i32
      %add3A_107 = arith.addi %add3A_102, %add3A_106 : i32
      %jit3A = arith.constant 0 : i32
      %select_n3A = arith.select %lt3A_105, %add3A_107, %jit3A : i32
      %dma_start3A_108 = arith.constant 1 : i32
      %dma_start3A_109 = arith.constant 0 : i32
      %dma_start3A_110 = arith.constant 0 : i32
      %dma_start3A_111 = tpu.memref_slice %arg8[%dma_start3A_108, %dma_start3A_109, %dma_start3A_110] : memref<2x128x128xf32, #tpu.memory_space<vmem>> -> memref<1x128x128xf32, #tpu.memory_space<vmem>>
      %dma_start3A_112 = tpu.memref_squeeze %dma_start3A_111 : memref<1x128x128xf32, #tpu.memory_space<vmem>> -> memref<128x128xf32, #tpu.memory_space<vmem>>
      %dma_start3A_113 = arith.constant 0 : i32
      %dma_start3A_114 = tpu.memref_slice %arg6[%add3A_102, %dma_start3A_113] : memref<40x128xi32, #tpu.memory_space<vmem>> -> memref<1x128xi32, #tpu.memory_space<vmem>>
      %dma_start3A_115 = tpu.memref_squeeze %dma_start3A_114 : memref<1x128xi32, #tpu.memory_space<vmem>> -> memref<128xi32, #tpu.memory_space<vmem>>
      %dma_start3A_116 = arith.constant 0 : i32
      %dma_start3A_117 = arith.constant 0 : i32
      %dma_start3A_118 = tpu.memref_slice %arg2[%dma_start3A_116, %dma_start3A_117] : memref<40000x128xf32, #tpu.memory_space<hbm>> -> memref<40000x128xf32, #tpu.memory_space<hbm>>
      tpu.enqueue_indirect_dma source(%dma_start3A_118 : memref<40000x128xf32, #tpu.memory_space<hbm>>) target(%dma_start3A_112 : memref<128x128xf32, #tpu.memory_space<vmem>>) offsets(%dma_start3A_115 : memref<128xi32, #tpu.memory_space<vmem>>) semaphore(%arg12 : memref<!tpu.dma_semaphore, #tpu.memory_space<semaphore_mem>>)
      %dma_wait3A_119 = arith.constant 0 : i32
      %dma_wait3A_120 = arith.constant 0 : i32
      %dma_wait3A_121 = arith.constant 0 : i32
      %dma_wait3A_122 = tpu.memref_slice %arg8[%dma_wait3A_119, %dma_wait3A_120, %dma_wait3A_121] : memref<2x128x128xf32, #tpu.memory_space<vmem>> -> memref<1x128x128xf32, #tpu.memory_space<vmem>>
      %dma_wait3A_123 = tpu.memref_squeeze %dma_wait3A_122 : memref<1x128x128xf32, #tpu.memory_space<vmem>> -> memref<128x128xf32, #tpu.memory_space<vmem>>
      %dma_wait3A_124 = arith.constant 0 : i32
      %dma_wait3A_125 = tpu.memref_slice %arg6[%mul3A_98, %dma_wait3A_124] : memref<40x128xi32, #tpu.memory_space<vmem>> -> memref<1x128xi32, #tpu.memory_space<vmem>>
      %dma_wait3A_126 = tpu.memref_squeeze %dma_wait3A_125 : memref<1x128xi32, #tpu.memory_space<vmem>> -> memref<128xi32, #tpu.memory_space<vmem>>
      %dma_wait3A_127 = arith.constant 0 : i32
      %dma_wait3A_128 = arith.constant 0 : i32
      %dma_wait3A_129 = tpu.memref_slice %arg2[%dma_wait3A_127, %dma_wait3A_128] : memref<40000x128xf32, #tpu.memory_space<hbm>> -> memref<40000x128xf32, #tpu.memory_space<hbm>>
      tpu.wait_indirect_dma semaphore(%arg11 : memref<!tpu.dma_semaphore, #tpu.memory_space<semaphore_mem>>) src(%dma_wait3A_129 : memref<40000x128xf32, #tpu.memory_space<hbm>>) dst(%dma_wait3A_123 : memref<128x128xf32, #tpu.memory_space<vmem>>)
      %run_scoped3A = arith.constant 0 : i32
      "tpu.region"() ({
        %run_scoped3A_154 = tpu.sem_alloc : memref<!tpu.dma_semaphore, #tpu.memory_space<semaphore_mem>>
        %dma_start3A_155 = arith.constant 0 : i32
        %dma_start3A_156 = arith.constant 0 : i32
        %dma_start3A_157 = tpu.memref_slice %arg8[%run_scoped3A, %dma_start3A_155, %dma_start3A_156] : memref<2x128x128xf32, #tpu.memory_space<vmem>> -> memref<1x128x128xf32, #tpu.memory_space<vmem>>
        %dma_start3A_158 = tpu.memref_squeeze %dma_start3A_157 : memref<1x128x128xf32, #tpu.memory_space<vmem>> -> memref<128x128xf32, #tpu.memory_space<vmem>>
        %dma_start3A_159 = arith.constant 0 : i32
        %dma_start3A_160 = tpu.memref_slice %arg7[%mul3A_98, %dma_start3A_159] : memref<40x128xi32, #tpu.memory_space<vmem>> -> memref<1x128xi32, #tpu.memory_space<vmem>>
        %dma_start3A_161 = tpu.memref_squeeze %dma_start3A_160 : memref<1x128xi32, #tpu.memory_space<vmem>> -> memref<128xi32, #tpu.memory_space<vmem>>
        %dma_start3A_162 = arith.constant 0 : i32
        %dma_start3A_163 = arith.constant 0 : i32
        %dma_start3A_164 = tpu.memref_slice %arg10[%dma_start3A_162, %dma_start3A_163] : memref<10112x128xf32, #tpu.memory_space<vmem_shared>> -> memref<10112x128xf32, #tpu.memory_space<vmem_shared>>
        tpu.enqueue_indirect_dma source(%dma_start3A_158 : memref<128x128xf32, #tpu.memory_space<vmem>>) target(%dma_start3A_164 : memref<10112x128xf32, #tpu.memory_space<vmem_shared>>) offsets(%dma_start3A_161 : memref<128xi32, #tpu.memory_space<vmem>>) semaphore(%run_scoped3A_154 : memref<!tpu.dma_semaphore, #tpu.memory_space<semaphore_mem>>) {add = true}
        %dma_wait3A_165 = arith.constant 0 : i32
        %dma_wait3A_166 = arith.constant 0 : i32
        %dma_wait3A_167 = tpu.memref_slice %arg8[%run_scoped3A, %dma_wait3A_165, %dma_wait3A_166] : memref<2x128x128xf32, #tpu.memory_space<vmem>> -> memref<1x128x128xf32, #tpu.memory_space<vmem>>
        %dma_wait3A_168 = tpu.memref_squeeze %dma_wait3A_167 : memref<1x128x128xf32, #tpu.memory_space<vmem>> -> memref<128x128xf32, #tpu.memory_space<vmem>>
        %dma_wait3A_169 = arith.constant 0 : i32
        %dma_wait3A_170 = tpu.memref_slice %arg7[%mul3A_98, %dma_wait3A_169] : memref<40x128xi32, #tpu.memory_space<vmem>> -> memref<1x128xi32, #tpu.memory_space<vmem>>
        %dma_wait3A_171 = tpu.memref_squeeze %dma_wait3A_170 : memref<1x128xi32, #tpu.memory_space<vmem>> -> memref<128xi32, #tpu.memory_space<vmem>>
        %dma_wait3A_172 = arith.constant 0 : i32
        %dma_wait3A_173 = arith.constant 0 : i32
        %dma_wait3A_174 = tpu.memref_slice %arg10[%dma_wait3A_172, %dma_wait3A_173] : memref<10112x128xf32, #tpu.memory_space<vmem_shared>> -> memref<10112x128xf32, #tpu.memory_space<vmem_shared>>
        tpu.wait_indirect_dma semaphore(%run_scoped3A_154 : memref<!tpu.dma_semaphore, #tpu.memory_space<semaphore_mem>>) src(%dma_wait3A_168 : memref<128x128xf32, #tpu.memory_space<vmem>>) dst(%dma_wait3A_174 : memref<10112x128xf32, #tpu.memory_space<vmem_shared>>)
        tpu.yield
      }) : () -> ()
      %dma_start3A_130 = arith.constant 0 : i32
      %dma_start3A_131 = arith.constant 0 : i32
      %dma_start3A_132 = arith.constant 0 : i32
      %dma_start3A_133 = tpu.memref_slice %arg8[%dma_start3A_130, %dma_start3A_131, %dma_start3A_132] : memref<2x128x128xf32, #tpu.memory_space<vmem>> -> memref<1x128x128xf32, #tpu.memory_space<vmem>>
      %dma_start3A_134 = tpu.memref_squeeze %dma_start3A_133 : memref<1x128x128xf32, #tpu.memory_space<vmem>> -> memref<128x128xf32, #tpu.memory_space<vmem>>
      %dma_start3A_135 = arith.constant 0 : i32
      %dma_start3A_136 = tpu.memref_slice %arg6[%select_n3A, %dma_start3A_135] : memref<40x128xi32, #tpu.memory_space<vmem>> -> memref<1x128xi32, #tpu.memory_space<vmem>>
      %dma_start3A_137 = tpu.memref_squeeze %dma_start3A_136 : memref<1x128xi32, #tpu.memory_space<vmem>> -> memref<128xi32, #tpu.memory_space<vmem>>
      %dma_start3A_138 = arith.constant 0 : i32
      %dma_start3A_139 = arith.constant 0 : i32
      %dma_start3A_140 = tpu.memref_slice %arg2[%dma_start3A_138, %dma_start3A_139] : memref<40000x128xf32, #tpu.memory_space<hbm>> -> memref<40000x128xf32, #tpu.memory_space<hbm>>
      tpu.enqueue_indirect_dma source(%dma_start3A_140 : memref<40000x128xf32, #tpu.memory_space<hbm>>) target(%dma_start3A_134 : memref<128x128xf32, #tpu.memory_space<vmem>>) offsets(%dma_start3A_137 : memref<128xi32, #tpu.memory_space<vmem>>) semaphore(%arg11 : memref<!tpu.dma_semaphore, #tpu.memory_space<semaphore_mem>>)
      %dma_wait3A_141 = arith.constant 1 : i32
      %dma_wait3A_142 = arith.constant 0 : i32
      %dma_wait3A_143 = arith.constant 0 : i32
      %dma_wait3A_144 = tpu.memref_slice %arg8[%dma_wait3A_141, %dma_wait3A_142, %dma_wait3A_143] : memref<2x128x128xf32, #tpu.memory_space<vmem>> -> memref<1x128x128xf32, #tpu.memory_space<vmem>>
      %dma_wait3A_145 = tpu.memref_squeeze %dma_wait3A_144 : memref<1x128x128xf32, #tpu.memory_space<vmem>> -> memref<128x128xf32, #tpu.memory_space<vmem>>
      %dma_wait3A_146 = arith.constant 0 : i32
      %dma_wait3A_147 = tpu.memref_slice %arg6[%add3A_102, %dma_wait3A_146] : memref<40x128xi32, #tpu.memory_space<vmem>> -> memref<1x128xi32, #tpu.memory_space<vmem>>
      %dma_wait3A_148 = tpu.memref_squeeze %dma_wait3A_147 : memref<1x128xi32, #tpu.memory_space<vmem>> -> memref<128xi32, #tpu.memory_space<vmem>>
      %dma_wait3A_149 = arith.constant 0 : i32
      %dma_wait3A_150 = arith.constant 0 : i32
      %dma_wait3A_151 = tpu.memref_slice %arg2[%dma_wait3A_149, %dma_wait3A_150] : memref<40000x128xf32, #tpu.memory_space<hbm>> -> memref<40000x128xf32, #tpu.memory_space<hbm>>
      tpu.wait_indirect_dma semaphore(%arg12 : memref<!tpu.dma_semaphore, #tpu.memory_space<semaphore_mem>>) src(%dma_wait3A_151 : memref<40000x128xf32, #tpu.memory_space<hbm>>) dst(%dma_wait3A_145 : memref<128x128xf32, #tpu.memory_space<vmem>>)
      %run_scoped3A_152 = arith.constant 1 : i32
      "tpu.region"() ({
        %run_scoped3A_154 = tpu.sem_alloc : memref<!tpu.dma_semaphore, #tpu.memory_space<semaphore_mem>>
        %dma_start3A_155 = arith.constant 0 : i32
        %dma_start3A_156 = arith.constant 0 : i32
        %dma_start3A_157 = tpu.memref_slice %arg8[%run_scoped3A_152, %dma_start3A_155, %dma_start3A_156] : memref<2x128x128xf32, #tpu.memory_space<vmem>> -> memref<1x128x128xf32, #tpu.memory_space<vmem>>
        %dma_start3A_158 = tpu.memref_squeeze %dma_start3A_157 : memref<1x128x128xf32, #tpu.memory_space<vmem>> -> memref<128x128xf32, #tpu.memory_space<vmem>>
        %dma_start3A_159 = arith.constant 0 : i32
        %dma_start3A_160 = tpu.memref_slice %arg7[%add3A_102, %dma_start3A_159] : memref<40x128xi32, #tpu.memory_space<vmem>> -> memref<1x128xi32, #tpu.memory_space<vmem>>
        %dma_start3A_161 = tpu.memref_squeeze %dma_start3A_160 : memref<1x128xi32, #tpu.memory_space<vmem>> -> memref<128xi32, #tpu.memory_space<vmem>>
        %dma_start3A_162 = arith.constant 0 : i32
        %dma_start3A_163 = arith.constant 0 : i32
        %dma_start3A_164 = tpu.memref_slice %arg10[%dma_start3A_162, %dma_start3A_163] : memref<10112x128xf32, #tpu.memory_space<vmem_shared>> -> memref<10112x128xf32, #tpu.memory_space<vmem_shared>>
        tpu.enqueue_indirect_dma source(%dma_start3A_158 : memref<128x128xf32, #tpu.memory_space<vmem>>) target(%dma_start3A_164 : memref<10112x128xf32, #tpu.memory_space<vmem_shared>>) offsets(%dma_start3A_161 : memref<128xi32, #tpu.memory_space<vmem>>) semaphore(%run_scoped3A_154 : memref<!tpu.dma_semaphore, #tpu.memory_space<semaphore_mem>>) {add = true}
        %dma_wait3A_165 = arith.constant 0 : i32
        %dma_wait3A_166 = arith.constant 0 : i32
        %dma_wait3A_167 = tpu.memref_slice %arg8[%run_scoped3A_152, %dma_wait3A_165, %dma_wait3A_166] : memref<2x128x128xf32, #tpu.memory_space<vmem>> -> memref<1x128x128xf32, #tpu.memory_space<vmem>>
        %dma_wait3A_168 = tpu.memref_squeeze %dma_wait3A_167 : memref<1x128x128xf32, #tpu.memory_space<vmem>> -> memref<128x128xf32, #tpu.memory_space<vmem>>
        %dma_wait3A_169 = arith.constant 0 : i32
        %dma_wait3A_170 = tpu.memref_slice %arg7[%add3A_102, %dma_wait3A_169] : memref<40x128xi32, #tpu.memory_space<vmem>> -> memref<1x128xi32, #tpu.memory_space<vmem>>
        %dma_wait3A_171 = tpu.memref_squeeze %dma_wait3A_170 : memref<1x128xi32, #tpu.memory_space<vmem>> -> memref<128xi32, #tpu.memory_space<vmem>>
        %dma_wait3A_172 = arith.constant 0 : i32
        %dma_wait3A_173 = arith.constant 0 : i32
        %dma_wait3A_174 = tpu.memref_slice %arg10[%dma_wait3A_172, %dma_wait3A_173] : memref<10112x128xf32, #tpu.memory_space<vmem_shared>> -> memref<10112x128xf32, #tpu.memory_space<vmem_shared>>
        tpu.wait_indirect_dma semaphore(%run_scoped3A_154 : memref<!tpu.dma_semaphore, #tpu.memory_space<semaphore_mem>>) src(%dma_wait3A_168 : memref<128x128xf32, #tpu.memory_space<vmem>>) dst(%dma_wait3A_174 : memref<10112x128xf32, #tpu.memory_space<vmem_shared>>)
        tpu.yield
      }) : () -> ()
      %scan3A_153 = arith.constant 0 : i32
      scf.yield %scan3A_153 : i32
    }
    %scan3A_66 = arith.constant 20 : i32
    %dma_wait3A = arith.constant 0 : i32
    %dma_wait3A_67 = arith.constant 0 : i32
    %dma_wait3A_68 = arith.constant 0 : i32
    %dma_wait3A_69 = arith.constant 0 : i32
    %dma_wait3A_70 = tpu.memref_slice %arg8[%dma_wait3A_67, %dma_wait3A_68, %dma_wait3A_69] : memref<2x128x128xf32, #tpu.memory_space<vmem>> -> memref<1x128x128xf32, #tpu.memory_space<vmem>>
    %dma_wait3A_71 = tpu.memref_squeeze %dma_wait3A_70 : memref<1x128x128xf32, #tpu.memory_space<vmem>> -> memref<128x128xf32, #tpu.memory_space<vmem>>
    %dma_wait3A_72 = arith.constant 0 : i32
    %dma_wait3A_73 = tpu.memref_slice %arg6[%dma_wait3A, %dma_wait3A_72] : memref<40x128xi32, #tpu.memory_space<vmem>> -> memref<1x128xi32, #tpu.memory_space<vmem>>
    %dma_wait3A_74 = tpu.memref_squeeze %dma_wait3A_73 : memref<1x128xi32, #tpu.memory_space<vmem>> -> memref<128xi32, #tpu.memory_space<vmem>>
    %dma_wait3A_75 = arith.constant 0 : i32
    %dma_wait3A_76 = arith.constant 0 : i32
    %dma_wait3A_77 = tpu.memref_slice %arg2[%dma_wait3A_75, %dma_wait3A_76] : memref<40000x128xf32, #tpu.memory_space<hbm>> -> memref<40000x128xf32, #tpu.memory_space<hbm>>
    tpu.wait_indirect_dma semaphore(%arg11 : memref<!tpu.dma_semaphore, #tpu.memory_space<semaphore_mem>>) src(%dma_wait3A_77 : memref<40000x128xf32, #tpu.memory_space<hbm>>) dst(%dma_wait3A_71 : memref<128x128xf32, #tpu.memory_space<vmem>>)
    %barrier3A_78 = arith.constant 0 : index
    tpu.barrier barrier_id(%barrier3A_78)
    %add3A_79 = arith.constant 0 : i32
    %add3A_80 = arith.addi %mul3A_8, %add3A_79 : i32
    %add3A_81 = arith.constant 0 : i32
    %add3A_82 = arith.addi %mul3A_8, %add3A_81 : i32
    "tpu.region"() ({
      %run_scoped3A = tpu.sem_alloc : memref<!tpu.dma_semaphore, #tpu.memory_space<semaphore_mem>>
      %dma_start3A_95 = arith.constant 0 : i32
      %dma_start3A_96 = arith.constant 0 : i32
      %dma_start3A_97 = tpu.memref_slice %arg5[%arg0, %dma_start3A_95, %dma_start3A_96] : memref<2x10112x128xf32, #tpu.memory_space<hbm>> -> memref<1x10112x128xf32, #tpu.memory_space<hbm>>
      %dma_start3A_98 = tpu.memref_squeeze %dma_start3A_97 : memref<1x10112x128xf32, #tpu.memory_space<hbm>> -> memref<10112x128xf32, #tpu.memory_space<hbm>>
      %dma_start3A_99 = arith.constant 0 : i32
      %dma_start3A_100 = tpu.memref_slice %dma_start3A_98[%add3A_82, %dma_start3A_99] : memref<10112x128xf32, #tpu.memory_space<hbm>> -> memref<160x128xf32, #tpu.memory_space<hbm>>
      %dma_start3A_101 = arith.constant 0 : i32
      %dma_start3A_102 = tpu.memref_slice %arg10[%add3A_80, %dma_start3A_101] : memref<10112x128xf32, #tpu.memory_space<vmem_shared>> -> memref<160x128xf32, #tpu.memory_space<vmem_shared>>
      tpu.enqueue_dma source(%dma_start3A_102 : memref<160x128xf32, #tpu.memory_space<vmem_shared>>) target(%dma_start3A_100 : memref<160x128xf32, #tpu.memory_space<hbm>>) target_semaphore(%run_scoped3A : memref<!tpu.dma_semaphore, #tpu.memory_space<semaphore_mem>>)
      %dma_wait3A_103 = arith.constant 0 : i32
      %dma_wait3A_104 = arith.constant 0 : i32
      %dma_wait3A_105 = tpu.memref_slice %arg5[%arg0, %dma_wait3A_103, %dma_wait3A_104] : memref<2x10112x128xf32, #tpu.memory_space<hbm>> -> memref<1x10112x128xf32, #tpu.memory_space<hbm>>
      %dma_wait3A_106 = tpu.memref_squeeze %dma_wait3A_105 : memref<1x10112x128xf32, #tpu.memory_space<hbm>> -> memref<10112x128xf32, #tpu.memory_space<hbm>>
      %dma_wait3A_107 = arith.constant 0 : i32
      %dma_wait3A_108 = tpu.memref_slice %dma_wait3A_106[%add3A_82, %dma_wait3A_107] : memref<10112x128xf32, #tpu.memory_space<hbm>> -> memref<160x128xf32, #tpu.memory_space<hbm>>
      %dma_wait3A_109 = arith.constant 0 : i32
      %dma_wait3A_110 = tpu.memref_slice %arg10[%add3A_80, %dma_wait3A_109] : memref<10112x128xf32, #tpu.memory_space<vmem_shared>> -> memref<160x128xf32, #tpu.memory_space<vmem_shared>>
      tpu.wait_dma2 semaphore(%run_scoped3A : memref<!tpu.dma_semaphore, #tpu.memory_space<semaphore_mem>>) src(%dma_wait3A_110 : memref<160x128xf32, #tpu.memory_space<vmem_shared>>) dst(%dma_wait3A_108 : memref<160x128xf32, #tpu.memory_space<hbm>>)
      tpu.yield
    }) : () -> ()
    %add3A_83 = arith.constant 160 : i32
    %add3A_84 = arith.addi %mul3A_8, %add3A_83 : i32
    %add3A_85 = arith.constant 160 : i32
    %add3A_86 = arith.addi %mul3A_8, %add3A_85 : i32
    "tpu.region"() ({
      %run_scoped3A = tpu.sem_alloc : memref<!tpu.dma_semaphore, #tpu.memory_space<semaphore_mem>>
      %dma_start3A_95 = arith.constant 0 : i32
      %dma_start3A_96 = arith.constant 0 : i32
      %dma_start3A_97 = tpu.memref_slice %arg5[%arg0, %dma_start3A_95, %dma_start3A_96] : memref<2x10112x128xf32, #tpu.memory_space<hbm>> -> memref<1x10112x128xf32, #tpu.memory_space<hbm>>
      %dma_start3A_98 = tpu.memref_squeeze %dma_start3A_97 : memref<1x10112x128xf32, #tpu.memory_space<hbm>> -> memref<10112x128xf32, #tpu.memory_space<hbm>>
      %dma_start3A_99 = arith.constant 0 : i32
      %dma_start3A_100 = tpu.memref_slice %dma_start3A_98[%add3A_86, %dma_start3A_99] : memref<10112x128xf32, #tpu.memory_space<hbm>> -> memref<160x128xf32, #tpu.memory_space<hbm>>
      %dma_start3A_101 = arith.constant 0 : i32
      %dma_start3A_102 = tpu.memref_slice %arg10[%add3A_84, %dma_start3A_101] : memref<10112x128xf32, #tpu.memory_space<vmem_shared>> -> memref<160x128xf32, #tpu.memory_space<vmem_shared>>
      tpu.enqueue_dma source(%dma_start3A_102 : memref<160x128xf32, #tpu.memory_space<vmem_shared>>) target(%dma_start3A_100 : memref<160x128xf32, #tpu.memory_space<hbm>>) target_semaphore(%run_scoped3A : memref<!tpu.dma_semaphore, #tpu.memory_space<semaphore_mem>>)
      %dma_wait3A_103 = arith.constant 0 : i32
      %dma_wait3A_104 = arith.constant 0 : i32
      %dma_wait3A_105 = tpu.memref_slice %arg5[%arg0, %dma_wait3A_103, %dma_wait3A_104] : memref<2x10112x128xf32, #tpu.memory_space<hbm>> -> memref<1x10112x128xf32, #tpu.memory_space<hbm>>
      %dma_wait3A_106 = tpu.memref_squeeze %dma_wait3A_105 : memref<1x10112x128xf32, #tpu.memory_space<hbm>> -> memref<10112x128xf32, #tpu.memory_space<hbm>>
      %dma_wait3A_107 = arith.constant 0 : i32
      %dma_wait3A_108 = tpu.memref_slice %dma_wait3A_106[%add3A_86, %dma_wait3A_107] : memref<10112x128xf32, #tpu.memory_space<hbm>> -> memref<160x128xf32, #tpu.memory_space<hbm>>
      %dma_wait3A_109 = arith.constant 0 : i32
      %dma_wait3A_110 = tpu.memref_slice %arg10[%add3A_84, %dma_wait3A_109] : memref<10112x128xf32, #tpu.memory_space<vmem_shared>> -> memref<160x128xf32, #tpu.memory_space<vmem_shared>>
      tpu.wait_dma2 semaphore(%run_scoped3A : memref<!tpu.dma_semaphore, #tpu.memory_space<semaphore_mem>>) src(%dma_wait3A_110 : memref<160x128xf32, #tpu.memory_space<vmem_shared>>) dst(%dma_wait3A_108 : memref<160x128xf32, #tpu.memory_space<hbm>>)
      tpu.yield
    }) : () -> ()
    %add3A_87 = arith.constant 320 : i32
    %add3A_88 = arith.addi %mul3A_8, %add3A_87 : i32
    %add3A_89 = arith.constant 320 : i32
    %add3A_90 = arith.addi %mul3A_8, %add3A_89 : i32
    "tpu.region"() ({
      %run_scoped3A = tpu.sem_alloc : memref<!tpu.dma_semaphore, #tpu.memory_space<semaphore_mem>>
      %dma_start3A_95 = arith.constant 0 : i32
      %dma_start3A_96 = arith.constant 0 : i32
      %dma_start3A_97 = tpu.memref_slice %arg5[%arg0, %dma_start3A_95, %dma_start3A_96] : memref<2x10112x128xf32, #tpu.memory_space<hbm>> -> memref<1x10112x128xf32, #tpu.memory_space<hbm>>
      %dma_start3A_98 = tpu.memref_squeeze %dma_start3A_97 : memref<1x10112x128xf32, #tpu.memory_space<hbm>> -> memref<10112x128xf32, #tpu.memory_space<hbm>>
      %dma_start3A_99 = arith.constant 0 : i32
      %dma_start3A_100 = tpu.memref_slice %dma_start3A_98[%add3A_90, %dma_start3A_99] : memref<10112x128xf32, #tpu.memory_space<hbm>> -> memref<160x128xf32, #tpu.memory_space<hbm>>
      %dma_start3A_101 = arith.constant 0 : i32
      %dma_start3A_102 = tpu.memref_slice %arg10[%add3A_88, %dma_start3A_101] : memref<10112x128xf32, #tpu.memory_space<vmem_shared>> -> memref<160x128xf32, #tpu.memory_space<vmem_shared>>
      tpu.enqueue_dma source(%dma_start3A_102 : memref<160x128xf32, #tpu.memory_space<vmem_shared>>) target(%dma_start3A_100 : memref<160x128xf32, #tpu.memory_space<hbm>>) target_semaphore(%run_scoped3A : memref<!tpu.dma_semaphore, #tpu.memory_space<semaphore_mem>>)
      %dma_wait3A_103 = arith.constant 0 : i32
      %dma_wait3A_104 = arith.constant 0 : i32
      %dma_wait3A_105 = tpu.memref_slice %arg5[%arg0, %dma_wait3A_103, %dma_wait3A_104] : memref<2x10112x128xf32, #tpu.memory_space<hbm>> -> memref<1x10112x128xf32, #tpu.memory_space<hbm>>
      %dma_wait3A_106 = tpu.memref_squeeze %dma_wait3A_105 : memref<1x10112x128xf32, #tpu.memory_space<hbm>> -> memref<10112x128xf32, #tpu.memory_space<hbm>>
      %dma_wait3A_107 = arith.constant 0 : i32
      %dma_wait3A_108 = tpu.memref_slice %dma_wait3A_106[%add3A_90, %dma_wait3A_107] : memref<10112x128xf32, #tpu.memory_space<hbm>> -> memref<160x128xf32, #tpu.memory_space<hbm>>
      %dma_wait3A_109 = arith.constant 0 : i32
      %dma_wait3A_110 = tpu.memref_slice %arg10[%add3A_88, %dma_wait3A_109] : memref<10112x128xf32, #tpu.memory_space<vmem_shared>> -> memref<160x128xf32, #tpu.memory_space<vmem_shared>>
      tpu.wait_dma2 semaphore(%run_scoped3A : memref<!tpu.dma_semaphore, #tpu.memory_space<semaphore_mem>>) src(%dma_wait3A_110 : memref<160x128xf32, #tpu.memory_space<vmem_shared>>) dst(%dma_wait3A_108 : memref<160x128xf32, #tpu.memory_space<hbm>>)
      tpu.yield
    }) : () -> ()
    %add3A_91 = arith.constant 480 : i32
    %add3A_92 = arith.addi %mul3A_8, %add3A_91 : i32
    %add3A_93 = arith.constant 480 : i32
    %add3A_94 = arith.addi %mul3A_8, %add3A_93 : i32
    "tpu.region"() ({
      %run_scoped3A = tpu.sem_alloc : memref<!tpu.dma_semaphore, #tpu.memory_space<semaphore_mem>>
      %dma_start3A_95 = arith.constant 0 : i32
      %dma_start3A_96 = arith.constant 0 : i32
      %dma_start3A_97 = tpu.memref_slice %arg5[%arg0, %dma_start3A_95, %dma_start3A_96] : memref<2x10112x128xf32, #tpu.memory_space<hbm>> -> memref<1x10112x128xf32, #tpu.memory_space<hbm>>
      %dma_start3A_98 = tpu.memref_squeeze %dma_start3A_97 : memref<1x10112x128xf32, #tpu.memory_space<hbm>> -> memref<10112x128xf32, #tpu.memory_space<hbm>>
      %dma_start3A_99 = arith.constant 0 : i32
      %dma_start3A_100 = tpu.memref_slice %dma_start3A_98[%add3A_94, %dma_start3A_99] : memref<10112x128xf32, #tpu.memory_space<hbm>> -> memref<152x128xf32, #tpu.memory_space<hbm>>
      %dma_start3A_101 = arith.constant 0 : i32
      %dma_start3A_102 = tpu.memref_slice %arg10[%add3A_92, %dma_start3A_101] : memref<10112x128xf32, #tpu.memory_space<vmem_shared>> -> memref<152x128xf32, #tpu.memory_space<vmem_shared>>
      tpu.enqueue_dma source(%dma_start3A_102 : memref<152x128xf32, #tpu.memory_space<vmem_shared>>) target(%dma_start3A_100 : memref<152x128xf32, #tpu.memory_space<hbm>>) target_semaphore(%run_scoped3A : memref<!tpu.dma_semaphore, #tpu.memory_space<semaphore_mem>>)
      %dma_wait3A_103 = arith.constant 0 : i32
      %dma_wait3A_104 = arith.constant 0 : i32
      %dma_wait3A_105 = tpu.memref_slice %arg5[%arg0, %dma_wait3A_103, %dma_wait3A_104] : memref<2x10112x128xf32, #tpu.memory_space<hbm>> -> memref<1x10112x128xf32, #tpu.memory_space<hbm>>
      %dma_wait3A_106 = tpu.memref_squeeze %dma_wait3A_105 : memref<1x10112x128xf32, #tpu.memory_space<hbm>> -> memref<10112x128xf32, #tpu.memory_space<hbm>>
      %dma_wait3A_107 = arith.constant 0 : i32
      %dma_wait3A_108 = tpu.memref_slice %dma_wait3A_106[%add3A_94, %dma_wait3A_107] : memref<10112x128xf32, #tpu.memory_space<hbm>> -> memref<152x128xf32, #tpu.memory_space<hbm>>
      %dma_wait3A_109 = arith.constant 0 : i32
      %dma_wait3A_110 = tpu.memref_slice %arg10[%add3A_92, %dma_wait3A_109] : memref<10112x128xf32, #tpu.memory_space<vmem_shared>> -> memref<152x128xf32, #tpu.memory_space<vmem_shared>>
      tpu.wait_dma2 semaphore(%run_scoped3A : memref<!tpu.dma_semaphore, #tpu.memory_space<semaphore_mem>>) src(%dma_wait3A_110 : memref<152x128xf32, #tpu.memory_space<vmem_shared>>) dst(%dma_wait3A_108 : memref<152x128xf32, #tpu.memory_space<hbm>>)
      tpu.yield
    }) : () -> ()
    return
  }
}

#map = affine_map<(d0, d1) -> (0, 0)>
#map1 = affine_map<(d0, d1) -> (0, 0, 0)>
module attributes {stable_mosaic.version = 14 : i64} {
  func.func @_sc_agg_body(%arg0: i32, %arg1: i32, %arg2: memref<40000x128xf32, #tpu.memory_space<hbm>>, %arg3: memref<32x40x128xi32, #tpu.memory_space<hbm>>, %arg4: memref<32x40x128xi32, #tpu.memory_space<hbm>>, %arg5: memref<2x10112x128xf32, #tpu.memory_space<hbm>>, %arg6: memref<40x128xi32, #tpu.memory_space<vmem>>, %arg7: memref<40x128xi32, #tpu.memory_space<vmem>>, %arg8: memref<2x128x128xf32, #tpu.memory_space<vmem>>, %arg9: memref<32x128xf32, #tpu.memory_space<vmem>>, %arg10: memref<10112x128xf32, #tpu.memory_space<vmem_shared>>, %arg11: memref<!tpu.dma_semaphore, #tpu.memory_space<semaphore_mem>>, %arg12: memref<!tpu.dma_semaphore, #tpu.memory_space<semaphore_mem>>) attributes {dimension_semantics = [#tpu.dimension_semantics<core_parallel>, #tpu.dimension_semantics<subcore_parallel>], iteration_bounds = array<i64: 2, 16>, scalar_prefetch = 0 : i64, scratch_operands = 7 : i64, tpu.core_type = #tpu.core_type<sc_vector_subcore>, window_params = [{transform_indices = #map}, {transform_indices = #map1}, {transform_indices = #map1}, {transform_indices = #map1}]} {
    %mul3A = arith.constant 16 : i32
    %mul3A_0 = arith.muli %arg0, %mul3A : i32
    %add3A = arith.addi %mul3A_0, %arg1 : i32
    "tpu.region"() ({
      %run_scoped3A = tpu.sem_alloc : memref<!tpu.dma_semaphore, #tpu.memory_space<semaphore_mem>>
      %dma_start3A_95 = arith.constant 0 : i32
      %dma_start3A_96 = arith.constant 0 : i32
      %dma_start3A_97 = tpu.memref_slice %arg3[%add3A, %dma_start3A_95, %dma_start3A_96] : memref<32x40x128xi32, #tpu.memory_space<hbm>> -> memref<1x40x128xi32, #tpu.memory_space<hbm>>
      %dma_start3A_98 = tpu.memref_squeeze %dma_start3A_97 : memref<1x40x128xi32, #tpu.memory_space<hbm>> -> memref<40x128xi32, #tpu.memory_space<hbm>>
      %dma_start3A_99 = arith.constant 0 : i32
      %dma_start3A_100 = arith.constant 0 : i32
      %dma_start3A_101 = tpu.memref_slice %arg3[%add3A, %dma_start3A_99, %dma_start3A_100] : memref<32x40x128xi32, #tpu.memory_space<hbm>> -> memref<1x40x128xi32, #tpu.memory_space<hbm>>
      %dma_start3A_102 = tpu.memref_squeeze %dma_start3A_101 : memref<1x40x128xi32, #tpu.memory_space<hbm>> -> memref<40x128xi32, #tpu.memory_space<hbm>>
      tpu.enqueue_dma source(%dma_start3A_102 : memref<40x128xi32, #tpu.memory_space<hbm>>) target(%arg6 : memref<40x128xi32, #tpu.memory_space<vmem>>) target_semaphore(%run_scoped3A : memref<!tpu.dma_semaphore, #tpu.memory_space<semaphore_mem>>)
      %dma_wait3A_103 = arith.constant 0 : i32
      %dma_wait3A_104 = arith.constant 0 : i32
      %dma_wait3A_105 = tpu.memref_slice %arg3[%add3A, %dma_wait3A_103, %dma_wait3A_104] : memref<32x40x128xi32, #tpu.memory_space<hbm>> -> memref<1x40x128xi32, #tpu.memory_space<hbm>>
      %dma_wait3A_106 = tpu.memref_squeeze %dma_wait3A_105 : memref<1x40x128xi32, #tpu.memory_space<hbm>> -> memref<40x128xi32, #tpu.memory_space<hbm>>
      %dma_wait3A_107 = arith.constant 0 : i32
      %dma_wait3A_108 = arith.constant 0 : i32
      %dma_wait3A_109 = tpu.memref_slice %arg3[%add3A, %dma_wait3A_107, %dma_wait3A_108] : memref<32x40x128xi32, #tpu.memory_space<hbm>> -> memref<1x40x128xi32, #tpu.memory_space<hbm>>
      %dma_wait3A_110 = tpu.memref_squeeze %dma_wait3A_109 : memref<1x40x128xi32, #tpu.memory_space<hbm>> -> memref<40x128xi32, #tpu.memory_space<hbm>>
      tpu.wait_dma2 semaphore(%run_scoped3A : memref<!tpu.dma_semaphore, #tpu.memory_space<semaphore_mem>>) src(%dma_wait3A_110 : memref<40x128xi32, #tpu.memory_space<hbm>>) dst(%arg6 : memref<40x128xi32, #tpu.memory_space<vmem>>)
      tpu.yield
    }) : () -> ()
    "tpu.region"() ({
      %run_scoped3A = tpu.sem_alloc : memref<!tpu.dma_semaphore, #tpu.memory_space<semaphore_mem>>
      %dma_start3A_95 = arith.constant 0 : i32
      %dma_start3A_96 = arith.constant 0 : i32
      %dma_start3A_97 = tpu.memref_slice %arg4[%add3A, %dma_start3A_95, %dma_start3A_96] : memref<32x40x128xi32, #tpu.memory_space<hbm>> -> memref<1x40x128xi32, #tpu.memory_space<hbm>>
      %dma_start3A_98 = tpu.memref_squeeze %dma_start3A_97 : memref<1x40x128xi32, #tpu.memory_space<hbm>> -> memref<40x128xi32, #tpu.memory_space<hbm>>
      %dma_start3A_99 = arith.constant 0 : i32
      %dma_start3A_100 = arith.constant 0 : i32
      %dma_start3A_101 = tpu.memref_slice %arg4[%add3A, %dma_start3A_99, %dma_start3A_100] : memref<32x40x128xi32, #tpu.memory_space<hbm>> -> memref<1x40x128xi32, #tpu.memory_space<hbm>>
      %dma_start3A_102 = tpu.memref_squeeze %dma_start3A_101 : memref<1x40x128xi32, #tpu.memory_space<hbm>> -> memref<40x128xi32, #tpu.memory_space<hbm>>
      tpu.enqueue_dma source(%dma_start3A_102 : memref<40x128xi32, #tpu.memory_space<hbm>>) target(%arg7 : memref<40x128xi32, #tpu.memory_space<vmem>>) target_semaphore(%run_scoped3A : memref<!tpu.dma_semaphore, #tpu.memory_space<semaphore_mem>>)
      %dma_wait3A_103 = arith.constant 0 : i32
      %dma_wait3A_104 = arith.constant 0 : i32
      %dma_wait3A_105 = tpu.memref_slice %arg4[%add3A, %dma_wait3A_103, %dma_wait3A_104] : memref<32x40x128xi32, #tpu.memory_space<hbm>> -> memref<1x40x128xi32, #tpu.memory_space<hbm>>
      %dma_wait3A_106 = tpu.memref_squeeze %dma_wait3A_105 : memref<1x40x128xi32, #tpu.memory_space<hbm>> -> memref<40x128xi32, #tpu.memory_space<hbm>>
      %dma_wait3A_107 = arith.constant 0 : i32
      %dma_wait3A_108 = arith.constant 0 : i32
      %dma_wait3A_109 = tpu.memref_slice %arg4[%add3A, %dma_wait3A_107, %dma_wait3A_108] : memref<32x40x128xi32, #tpu.memory_space<hbm>> -> memref<1x40x128xi32, #tpu.memory_space<hbm>>
      %dma_wait3A_110 = tpu.memref_squeeze %dma_wait3A_109 : memref<1x40x128xi32, #tpu.memory_space<hbm>> -> memref<40x128xi32, #tpu.memory_space<hbm>>
      tpu.wait_dma2 semaphore(%run_scoped3A : memref<!tpu.dma_semaphore, #tpu.memory_space<semaphore_mem>>) src(%dma_wait3A_110 : memref<40x128xi32, #tpu.memory_space<hbm>>) dst(%arg7 : memref<40x128xi32, #tpu.memory_space<vmem>>)
      tpu.yield
    }) : () -> ()
    %scan3A = arith.constant 0 : i32
    %scan3A_1 = arith.constant 0 : i32
    %scan3A_2 = arith.constant 32 : i32
    %scan3A_3 = arith.addi %scan3A_1, %scan3A_2 : i32
    %scan3A_4 = arith.constant 1 : i32
    %scan3A_5 = scf.for %scan3A_95 = %scan3A_1 to %scan3A_3 step %scan3A_4 iter_args(%scan3A_96 = %scan3A) -> (i32)  : i32 {
      %broadcast_in_dim3A = arith.constant 0.000000e+00 : f32
      %broadcast_in_dim3A_97 = vector.broadcast %broadcast_in_dim3A : f32 to vector<16xf32>
      %swap3A = arith.index_cast %scan3A_95 : i32 to index
      %swap3A_98 = arith.constant 0 : index
      %swap3A_99 = tpu.vector_load %arg9[%swap3A, %swap3A_98] {strides = array<i32>} : memref<32x128xf32, #tpu.memory_space<vmem>>, vector<1x16xf32>,
      %swap3A_100 = vector.shape_cast %swap3A_99 : vector<1x16xf32> to vector<16xf32>
      %swap3A_101 = vector.shape_cast %broadcast_in_dim3A_97 : vector<16xf32> to vector<1x16xf32>
      tpu.vector_store %arg9[%swap3A, %swap3A_98], %swap3A_101 {strides = array<i32>} : memref<32x128xf32, #tpu.memory_space<vmem>>, vector<1x16xf32>,
      %broadcast_in_dim3A_102 = arith.constant 0.000000e+00 : f32
      %broadcast_in_dim3A_103 = vector.broadcast %broadcast_in_dim3A_102 : f32 to vector<16xf32>
      %swap3A_104 = arith.index_cast %scan3A_95 : i32 to index
      %swap3A_105 = arith.constant 16 : index
      %swap3A_106 = tpu.vector_load %arg9[%swap3A_104, %swap3A_105] {strides = array<i32>} : memref<32x128xf32, #tpu.memory_space<vmem>>, vector<1x16xf32>,
      %swap3A_107 = vector.shape_cast %swap3A_106 : vector<1x16xf32> to vector<16xf32>
      %swap3A_108 = vector.shape_cast %broadcast_in_dim3A_103 : vector<16xf32> to vector<1x16xf32>
      tpu.vector_store %arg9[%swap3A_104, %swap3A_105], %swap3A_108 {strides = array<i32>} : memref<32x128xf32, #tpu.memory_space<vmem>>, vector<1x16xf32>,
      %broadcast_in_dim3A_109 = arith.constant 0.000000e+00 : f32
      %broadcast_in_dim3A_110 = vector.broadcast %broadcast_in_dim3A_109 : f32 to vector<16xf32>
      %swap3A_111 = arith.index_cast %scan3A_95 : i32 to index
      %swap3A_112 = arith.constant 32 : index
      %swap3A_113 = tpu.vector_load %arg9[%swap3A_111, %swap3A_112] {strides = array<i32>} : memref<32x128xf32, #tpu.memory_space<vmem>>, vector<1x16xf32>,
      %swap3A_114 = vector.shape_cast %swap3A_113 : vector<1x16xf32> to vector<16xf32>
      %swap3A_115 = vector.shape_cast %broadcast_in_dim3A_110 : vector<16xf32> to vector<1x16xf32>
      tpu.vector_store %arg9[%swap3A_111, %swap3A_112], %swap3A_115 {strides = array<i32>} : memref<32x128xf32, #tpu.memory_space<vmem>>, vector<1x16xf32>,
      %broadcast_in_dim3A_116 = arith.constant 0.000000e+00 : f32
      %broadcast_in_dim3A_117 = vector.broadcast %broadcast_in_dim3A_116 : f32 to vector<16xf32>
      %swap3A_118 = arith.index_cast %scan3A_95 : i32 to index
      %swap3A_119 = arith.constant 48 : index
      %swap3A_120 = tpu.vector_load %arg9[%swap3A_118, %swap3A_119] {strides = array<i32>} : memref<32x128xf32, #tpu.memory_space<vmem>>, vector<1x16xf32>,
      %swap3A_121 = vector.shape_cast %swap3A_120 : vector<1x16xf32> to vector<16xf32>
      %swap3A_122 = vector.shape_cast %broadcast_in_dim3A_117 : vector<16xf32> to vector<1x16xf32>
      tpu.vector_store %arg9[%swap3A_118, %swap3A_119], %swap3A_122 {strides = array<i32>} : memref<32x128xf32, #tpu.memory_space<vmem>>, vector<1x16xf32>,
      %broadcast_in_dim3A_123 = arith.constant 0.000000e+00 : f32
      %broadcast_in_dim3A_124 = vector.broadcast %broadcast_in_dim3A_123 : f32 to vector<16xf32>
      %swap3A_125 = arith.index_cast %scan3A_95 : i32 to index
      %swap3A_126 = arith.constant 64 : index
      %swap3A_127 = tpu.vector_load %arg9[%swap3A_125, %swap3A_126] {strides = array<i32>} : memref<32x128xf32, #tpu.memory_space<vmem>>, vector<1x16xf32>,
      %swap3A_128 = vector.shape_cast %swap3A_127 : vector<1x16xf32> to vector<16xf32>
      %swap3A_129 = vector.shape_cast %broadcast_in_dim3A_124 : vector<16xf32> to vector<1x16xf32>
      tpu.vector_store %arg9[%swap3A_125, %swap3A_126], %swap3A_129 {strides = array<i32>} : memref<32x128xf32, #tpu.memory_space<vmem>>, vector<1x16xf32>,
      %broadcast_in_dim3A_130 = arith.constant 0.000000e+00 : f32
      %broadcast_in_dim3A_131 = vector.broadcast %broadcast_in_dim3A_130 : f32 to vector<16xf32>
      %swap3A_132 = arith.index_cast %scan3A_95 : i32 to index
      %swap3A_133 = arith.constant 80 : index
      %swap3A_134 = tpu.vector_load %arg9[%swap3A_132, %swap3A_133] {strides = array<i32>} : memref<32x128xf32, #tpu.memory_space<vmem>>, vector<1x16xf32>,
      %swap3A_135 = vector.shape_cast %swap3A_134 : vector<1x16xf32> to vector<16xf32>
      %swap3A_136 = vector.shape_cast %broadcast_in_dim3A_131 : vector<16xf32> to vector<1x16xf32>
      tpu.vector_store %arg9[%swap3A_132, %swap3A_133], %swap3A_136 {strides = array<i32>} : memref<32x128xf32, #tpu.memory_space<vmem>>, vector<1x16xf32>,
      %broadcast_in_dim3A_137 = arith.constant 0.000000e+00 : f32
      %broadcast_in_dim3A_138 = vector.broadcast %broadcast_in_dim3A_137 : f32 to vector<16xf32>
      %swap3A_139 = arith.index_cast %scan3A_95 : i32 to index
      %swap3A_140 = arith.constant 96 : index
      %swap3A_141 = tpu.vector_load %arg9[%swap3A_139, %swap3A_140] {strides = array<i32>} : memref<32x128xf32, #tpu.memory_space<vmem>>, vector<1x16xf32>,
      %swap3A_142 = vector.shape_cast %swap3A_141 : vector<1x16xf32> to vector<16xf32>
      %swap3A_143 = vector.shape_cast %broadcast_in_dim3A_138 : vector<16xf32> to vector<1x16xf32>
      tpu.vector_store %arg9[%swap3A_139, %swap3A_140], %swap3A_143 {strides = array<i32>} : memref<32x128xf32, #tpu.memory_space<vmem>>, vector<1x16xf32>,
      %broadcast_in_dim3A_144 = arith.constant 0.000000e+00 : f32
      %broadcast_in_dim3A_145 = vector.broadcast %broadcast_in_dim3A_144 : f32 to vector<16xf32>
      %swap3A_146 = arith.index_cast %scan3A_95 : i32 to index
      %swap3A_147 = arith.constant 112 : index
      %swap3A_148 = tpu.vector_load %arg9[%swap3A_146, %swap3A_147] {strides = array<i32>} : memref<32x128xf32, #tpu.memory_space<vmem>>, vector<1x16xf32>,
      %swap3A_149 = vector.shape_cast %swap3A_148 : vector<1x16xf32> to vector<16xf32>
      %swap3A_150 = vector.shape_cast %broadcast_in_dim3A_145 : vector<16xf32> to vector<1x16xf32>
      tpu.vector_store %arg9[%swap3A_146, %swap3A_147], %swap3A_150 {strides = array<i32>} : memref<32x128xf32, #tpu.memory_space<vmem>>, vector<1x16xf32>,
      %scan3A_151 = arith.constant 0 : i32
      scf.yield %scan3A_151 : i32
    }
    %scan3A_6 = arith.constant 32 : i32
    %mul3A_7 = arith.constant 632 : i32
    %mul3A_8 = arith.muli %arg1, %mul3A_7 : i32
    %add3A_9 = arith.constant 0 : i32
    %add3A_10 = arith.addi %mul3A_8, %add3A_9 : i32
    "tpu.region"() ({
      %run_scoped3A = tpu.sem_alloc : memref<!tpu.dma_semaphore, #tpu.memory_space<semaphore_mem>>
      %dma_start3A_95 = arith.constant 0 : i32
      %dma_start3A_96 = tpu.memref_slice %arg10[%add3A_10, %dma_start3A_95] : memref<10112x128xf32, #tpu.memory_space<vmem_shared>> -> memref<32x128xf32, #tpu.memory_space<vmem_shared>>
      %dma_start3A_97 = arith.constant 0 : i32
      %dma_start3A_98 = tpu.memref_slice %arg10[%add3A_10, %dma_start3A_97] : memref<10112x128xf32, #tpu.memory_space<vmem_shared>> -> memref<32x128xf32, #tpu.memory_space<vmem_shared>>
      tpu.enqueue_dma source(%arg9 : memref<32x128xf32, #tpu.memory_space<vmem>>) target(%dma_start3A_98 : memref<32x128xf32, #tpu.memory_space<vmem_shared>>) target_semaphore(%run_scoped3A : memref<!tpu.dma_semaphore, #tpu.memory_space<semaphore_mem>>)
      %dma_wait3A_99 = arith.constant 0 : i32
      %dma_wait3A_100 = tpu.memref_slice %arg10[%add3A_10, %dma_wait3A_99] : memref<10112x128xf32, #tpu.memory_space<vmem_shared>> -> memref<32x128xf32, #tpu.memory_space<vmem_shared>>
      %dma_wait3A_101 = arith.constant 0 : i32
      %dma_wait3A_102 = tpu.memref_slice %arg10[%add3A_10, %dma_wait3A_101] : memref<10112x128xf32, #tpu.memory_space<vmem_shared>> -> memref<32x128xf32, #tpu.memory_space<vmem_shared>>
      tpu.wait_dma2 semaphore(%run_scoped3A : memref<!tpu.dma_semaphore, #tpu.memory_space<semaphore_mem>>) src(%arg9 : memref<32x128xf32, #tpu.memory_space<vmem>>) dst(%dma_wait3A_102 : memref<32x128xf32, #tpu.memory_space<vmem_shared>>)
      tpu.yield
    }) : () -> ()
    %add3A_11 = arith.constant 32 : i32
    %add3A_12 = arith.addi %mul3A_8, %add3A_11 : i32
    "tpu.region"() ({
      %run_scoped3A = tpu.sem_alloc : memref<!tpu.dma_semaphore, #tpu.memory_space<semaphore_mem>>
      %dma_start3A_95 = arith.constant 0 : i32
      %dma_start3A_96 = tpu.memref_slice %arg10[%add3A_12, %dma_start3A_95] : memref<10112x128xf32, #tpu.memory_space<vmem_shared>> -> memref<32x128xf32, #tpu.memory_space<vmem_shared>>
      %dma_start3A_97 = arith.constant 0 : i32
      %dma_start3A_98 = tpu.memref_slice %arg10[%add3A_12, %dma_start3A_97] : memref<10112x128xf32, #tpu.memory_space<vmem_shared>> -> memref<32x128xf32, #tpu.memory_space<vmem_shared>>
      tpu.enqueue_dma source(%arg9 : memref<32x128xf32, #tpu.memory_space<vmem>>) target(%dma_start3A_98 : memref<32x128xf32, #tpu.memory_space<vmem_shared>>) target_semaphore(%run_scoped3A : memref<!tpu.dma_semaphore, #tpu.memory_space<semaphore_mem>>)
      %dma_wait3A_99 = arith.constant 0 : i32
      %dma_wait3A_100 = tpu.memref_slice %arg10[%add3A_12, %dma_wait3A_99] : memref<10112x128xf32, #tpu.memory_space<vmem_shared>> -> memref<32x128xf32, #tpu.memory_space<vmem_shared>>
      %dma_wait3A_101 = arith.constant 0 : i32
      %dma_wait3A_102 = tpu.memref_slice %arg10[%add3A_12, %dma_wait3A_101] : memref<10112x128xf32, #tpu.memory_space<vmem_shared>> -> memref<32x128xf32, #tpu.memory_space<vmem_shared>>
      tpu.wait_dma2 semaphore(%run_scoped3A : memref<!tpu.dma_semaphore, #tpu.memory_space<semaphore_mem>>) src(%arg9 : memref<32x128xf32, #tpu.memory_space<vmem>>) dst(%dma_wait3A_102 : memref<32x128xf32, #tpu.memory_space<vmem_shared>>)
      tpu.yield
    }) : () -> ()
    %add3A_13 = arith.constant 64 : i32
    %add3A_14 = arith.addi %mul3A_8, %add3A_13 : i32
    "tpu.region"() ({
      %run_scoped3A = tpu.sem_alloc : memref<!tpu.dma_semaphore, #tpu.memory_space<semaphore_mem>>
      %dma_start3A_95 = arith.constant 0 : i32
      %dma_start3A_96 = tpu.memref_slice %arg10[%add3A_14, %dma_start3A_95] : memref<10112x128xf32, #tpu.memory_space<vmem_shared>> -> memref<32x128xf32, #tpu.memory_space<vmem_shared>>
      %dma_start3A_97 = arith.constant 0 : i32
      %dma_start3A_98 = tpu.memref_slice %arg10[%add3A_14, %dma_start3A_97] : memref<10112x128xf32, #tpu.memory_space<vmem_shared>> -> memref<32x128xf32, #tpu.memory_space<vmem_shared>>
      tpu.enqueue_dma source(%arg9 : memref<32x128xf32, #tpu.memory_space<vmem>>) target(%dma_start3A_98 : memref<32x128xf32, #tpu.memory_space<vmem_shared>>) target_semaphore(%run_scoped3A : memref<!tpu.dma_semaphore, #tpu.memory_space<semaphore_mem>>)
      %dma_wait3A_99 = arith.constant 0 : i32
      %dma_wait3A_100 = tpu.memref_slice %arg10[%add3A_14, %dma_wait3A_99] : memref<10112x128xf32, #tpu.memory_space<vmem_shared>> -> memref<32x128xf32, #tpu.memory_space<vmem_shared>>
      %dma_wait3A_101 = arith.constant 0 : i32
      %dma_wait3A_102 = tpu.memref_slice %arg10[%add3A_14, %dma_wait3A_101] : memref<10112x128xf32, #tpu.memory_space<vmem_shared>> -> memref<32x128xf32, #tpu.memory_space<vmem_shared>>
      tpu.wait_dma2 semaphore(%run_scoped3A : memref<!tpu.dma_semaphore, #tpu.memory_space<semaphore_mem>>) src(%arg9 : memref<32x128xf32, #tpu.memory_space<vmem>>) dst(%dma_wait3A_102 : memref<32x128xf32, #tpu.memory_space<vmem_shared>>)
      tpu.yield
    }) : () -> ()
    %add3A_15 = arith.constant 96 : i32
    %add3A_16 = arith.addi %mul3A_8, %add3A_15 : i32
    "tpu.region"() ({
      %run_scoped3A = tpu.sem_alloc : memref<!tpu.dma_semaphore, #tpu.memory_space<semaphore_mem>>
      %dma_start3A_95 = arith.constant 0 : i32
      %dma_start3A_96 = tpu.memref_slice %arg10[%add3A_16, %dma_start3A_95] : memref<10112x128xf32, #tpu.memory_space<vmem_shared>> -> memref<32x128xf32, #tpu.memory_space<vmem_shared>>
      %dma_start3A_97 = arith.constant 0 : i32
      %dma_start3A_98 = tpu.memref_slice %arg10[%add3A_16, %dma_start3A_97] : memref<10112x128xf32, #tpu.memory_space<vmem_shared>> -> memref<32x128xf32, #tpu.memory_space<vmem_shared>>
      tpu.enqueue_dma source(%arg9 : memref<32x128xf32, #tpu.memory_space<vmem>>) target(%dma_start3A_98 : memref<32x128xf32, #tpu.memory_space<vmem_shared>>) target_semaphore(%run_scoped3A : memref<!tpu.dma_semaphore, #tpu.memory_space<semaphore_mem>>)
      %dma_wait3A_99 = arith.constant 0 : i32
      %dma_wait3A_100 = tpu.memref_slice %arg10[%add3A_16, %dma_wait3A_99] : memref<10112x128xf32, #tpu.memory_space<vmem_shared>> -> memref<32x128xf32, #tpu.memory_space<vmem_shared>>
      %dma_wait3A_101 = arith.constant 0 : i32
      %dma_wait3A_102 = tpu.memref_slice %arg10[%add3A_16, %dma_wait3A_101] : memref<10112x128xf32, #tpu.memory_space<vmem_shared>> -> memref<32x128xf32, #tpu.memory_space<vmem_shared>>
      tpu.wait_dma2 semaphore(%run_scoped3A : memref<!tpu.dma_semaphore, #tpu.memory_space<semaphore_mem>>) src(%arg9 : memref<32x128xf32, #tpu.memory_space<vmem>>) dst(%dma_wait3A_102 : memref<32x128xf32, #tpu.memory_space<vmem_shared>>)
      tpu.yield
    }) : () -> ()
    %add3A_17 = arith.constant 128 : i32
    %add3A_18 = arith.addi %mul3A_8, %add3A_17 : i32
    "tpu.region"() ({
      %run_scoped3A = tpu.sem_alloc : memref<!tpu.dma_semaphore, #tpu.memory_space<semaphore_mem>>
      %dma_start3A_95 = arith.constant 0 : i32
      %dma_start3A_96 = tpu.memref_slice %arg10[%add3A_18, %dma_start3A_95] : memref<10112x128xf32, #tpu.memory_space<vmem_shared>> -> memref<32x128xf32, #tpu.memory_space<vmem_shared>>
      %dma_start3A_97 = arith.constant 0 : i32
      %dma_start3A_98 = tpu.memref_slice %arg10[%add3A_18, %dma_start3A_97] : memref<10112x128xf32, #tpu.memory_space<vmem_shared>> -> memref<32x128xf32, #tpu.memory_space<vmem_shared>>
      tpu.enqueue_dma source(%arg9 : memref<32x128xf32, #tpu.memory_space<vmem>>) target(%dma_start3A_98 : memref<32x128xf32, #tpu.memory_space<vmem_shared>>) target_semaphore(%run_scoped3A : memref<!tpu.dma_semaphore, #tpu.memory_space<semaphore_mem>>)
      %dma_wait3A_99 = arith.constant 0 : i32
      %dma_wait3A_100 = tpu.memref_slice %arg10[%add3A_18, %dma_wait3A_99] : memref<10112x128xf32, #tpu.memory_space<vmem_shared>> -> memref<32x128xf32, #tpu.memory_space<vmem_shared>>
      %dma_wait3A_101 = arith.constant 0 : i32
      %dma_wait3A_102 = tpu.memref_slice %arg10[%add3A_18, %dma_wait3A_101] : memref<10112x128xf32, #tpu.memory_space<vmem_shared>> -> memref<32x128xf32, #tpu.memory_space<vmem_shared>>
      tpu.wait_dma2 semaphore(%run_scoped3A : memref<!tpu.dma_semaphore, #tpu.memory_space<semaphore_mem>>) src(%arg9 : memref<32x128xf32, #tpu.memory_space<vmem>>) dst(%dma_wait3A_102 : memref<32x128xf32, #tpu.memory_space<vmem_shared>>)
      tpu.yield
    }) : () -> ()
    %add3A_19 = arith.constant 160 : i32
    %add3A_20 = arith.addi %mul3A_8, %add3A_19 : i32
    "tpu.region"() ({
      %run_scoped3A = tpu.sem_alloc : memref<!tpu.dma_semaphore, #tpu.memory_space<semaphore_mem>>
      %dma_start3A_95 = arith.constant 0 : i32
      %dma_start3A_96 = tpu.memref_slice %arg10[%add3A_20, %dma_start3A_95] : memref<10112x128xf32, #tpu.memory_space<vmem_shared>> -> memref<32x128xf32, #tpu.memory_space<vmem_shared>>
      %dma_start3A_97 = arith.constant 0 : i32
      %dma_start3A_98 = tpu.memref_slice %arg10[%add3A_20, %dma_start3A_97] : memref<10112x128xf32, #tpu.memory_space<vmem_shared>> -> memref<32x128xf32, #tpu.memory_space<vmem_shared>>
      tpu.enqueue_dma source(%arg9 : memref<32x128xf32, #tpu.memory_space<vmem>>) target(%dma_start3A_98 : memref<32x128xf32, #tpu.memory_space<vmem_shared>>) target_semaphore(%run_scoped3A : memref<!tpu.dma_semaphore, #tpu.memory_space<semaphore_mem>>)
      %dma_wait3A_99 = arith.constant 0 : i32
      %dma_wait3A_100 = tpu.memref_slice %arg10[%add3A_20, %dma_wait3A_99] : memref<10112x128xf32, #tpu.memory_space<vmem_shared>> -> memref<32x128xf32, #tpu.memory_space<vmem_shared>>
      %dma_wait3A_101 = arith.constant 0 : i32
      %dma_wait3A_102 = tpu.memref_slice %arg10[%add3A_20, %dma_wait3A_101] : memref<10112x128xf32, #tpu.memory_space<vmem_shared>> -> memref<32x128xf32, #tpu.memory_space<vmem_shared>>
      tpu.wait_dma2 semaphore(%run_scoped3A : memref<!tpu.dma_semaphore, #tpu.memory_space<semaphore_mem>>) src(%arg9 : memref<32x128xf32, #tpu.memory_space<vmem>>) dst(%dma_wait3A_102 : memref<32x128xf32, #tpu.memory_space<vmem_shared>>)
      tpu.yield
    }) : () -> ()
    %add3A_21 = arith.constant 192 : i32
    %add3A_22 = arith.addi %mul3A_8, %add3A_21 : i32
    "tpu.region"() ({
      %run_scoped3A = tpu.sem_alloc : memref<!tpu.dma_semaphore, #tpu.memory_space<semaphore_mem>>
      %dma_start3A_95 = arith.constant 0 : i32
      %dma_start3A_96 = tpu.memref_slice %arg10[%add3A_22, %dma_start3A_95] : memref<10112x128xf32, #tpu.memory_space<vmem_shared>> -> memref<32x128xf32, #tpu.memory_space<vmem_shared>>
      %dma_start3A_97 = arith.constant 0 : i32
      %dma_start3A_98 = tpu.memref_slice %arg10[%add3A_22, %dma_start3A_97] : memref<10112x128xf32, #tpu.memory_space<vmem_shared>> -> memref<32x128xf32, #tpu.memory_space<vmem_shared>>
      tpu.enqueue_dma source(%arg9 : memref<32x128xf32, #tpu.memory_space<vmem>>) target(%dma_start3A_98 : memref<32x128xf32, #tpu.memory_space<vmem_shared>>) target_semaphore(%run_scoped3A : memref<!tpu.dma_semaphore, #tpu.memory_space<semaphore_mem>>)
      %dma_wait3A_99 = arith.constant 0 : i32
      %dma_wait3A_100 = tpu.memref_slice %arg10[%add3A_22, %dma_wait3A_99] : memref<10112x128xf32, #tpu.memory_space<vmem_shared>> -> memref<32x128xf32, #tpu.memory_space<vmem_shared>>
      %dma_wait3A_101 = arith.constant 0 : i32
      %dma_wait3A_102 = tpu.memref_slice %arg10[%add3A_22, %dma_wait3A_101] : memref<10112x128xf32, #tpu.memory_space<vmem_shared>> -> memref<32x128xf32, #tpu.memory_space<vmem_shared>>
      tpu.wait_dma2 semaphore(%run_scoped3A : memref<!tpu.dma_semaphore, #tpu.memory_space<semaphore_mem>>) src(%arg9 : memref<32x128xf32, #tpu.memory_space<vmem>>) dst(%dma_wait3A_102 : memref<32x128xf32, #tpu.memory_space<vmem_shared>>)
      tpu.yield
    }) : () -> ()
    %add3A_23 = arith.constant 224 : i32
    %add3A_24 = arith.addi %mul3A_8, %add3A_23 : i32
    "tpu.region"() ({
      %run_scoped3A = tpu.sem_alloc : memref<!tpu.dma_semaphore, #tpu.memory_space<semaphore_mem>>
      %dma_start3A_95 = arith.constant 0 : i32
      %dma_start3A_96 = tpu.memref_slice %arg10[%add3A_24, %dma_start3A_95] : memref<10112x128xf32, #tpu.memory_space<vmem_shared>> -> memref<32x128xf32, #tpu.memory_space<vmem_shared>>
      %dma_start3A_97 = arith.constant 0 : i32
      %dma_start3A_98 = tpu.memref_slice %arg10[%add3A_24, %dma_start3A_97] : memref<10112x128xf32, #tpu.memory_space<vmem_shared>> -> memref<32x128xf32, #tpu.memory_space<vmem_shared>>
      tpu.enqueue_dma source(%arg9 : memref<32x128xf32, #tpu.memory_space<vmem>>) target(%dma_start3A_98 : memref<32x128xf32, #tpu.memory_space<vmem_shared>>) target_semaphore(%run_scoped3A : memref<!tpu.dma_semaphore, #tpu.memory_space<semaphore_mem>>)
      %dma_wait3A_99 = arith.constant 0 : i32
      %dma_wait3A_100 = tpu.memref_slice %arg10[%add3A_24, %dma_wait3A_99] : memref<10112x128xf32, #tpu.memory_space<vmem_shared>> -> memref<32x128xf32, #tpu.memory_space<vmem_shared>>
      %dma_wait3A_101 = arith.constant 0 : i32
      %dma_wait3A_102 = tpu.memref_slice %arg10[%add3A_24, %dma_wait3A_101] : memref<10112x128xf32, #tpu.memory_space<vmem_shared>> -> memref<32x128xf32, #tpu.memory_space<vmem_shared>>
      tpu.wait_dma2 semaphore(%run_scoped3A : memref<!tpu.dma_semaphore, #tpu.memory_space<semaphore_mem>>) src(%arg9 : memref<32x128xf32, #tpu.memory_space<vmem>>) dst(%dma_wait3A_102 : memref<32x128xf32, #tpu.memory_space<vmem_shared>>)
      tpu.yield
    }) : () -> ()
    %add3A_25 = arith.constant 256 : i32
    %add3A_26 = arith.addi %mul3A_8, %add3A_25 : i32
    "tpu.region"() ({
      %run_scoped3A = tpu.sem_alloc : memref<!tpu.dma_semaphore, #tpu.memory_space<semaphore_mem>>
      %dma_start3A_95 = arith.constant 0 : i32
      %dma_start3A_96 = tpu.memref_slice %arg10[%add3A_26, %dma_start3A_95] : memref<10112x128xf32, #tpu.memory_space<vmem_shared>> -> memref<32x128xf32, #tpu.memory_space<vmem_shared>>
      %dma_start3A_97 = arith.constant 0 : i32
      %dma_start3A_98 = tpu.memref_slice %arg10[%add3A_26, %dma_start3A_97] : memref<10112x128xf32, #tpu.memory_space<vmem_shared>> -> memref<32x128xf32, #tpu.memory_space<vmem_shared>>
      tpu.enqueue_dma source(%arg9 : memref<32x128xf32, #tpu.memory_space<vmem>>) target(%dma_start3A_98 : memref<32x128xf32, #tpu.memory_space<vmem_shared>>) target_semaphore(%run_scoped3A : memref<!tpu.dma_semaphore, #tpu.memory_space<semaphore_mem>>)
      %dma_wait3A_99 = arith.constant 0 : i32
      %dma_wait3A_100 = tpu.memref_slice %arg10[%add3A_26, %dma_wait3A_99] : memref<10112x128xf32, #tpu.memory_space<vmem_shared>> -> memref<32x128xf32, #tpu.memory_space<vmem_shared>>
      %dma_wait3A_101 = arith.constant 0 : i32
      %dma_wait3A_102 = tpu.memref_slice %arg10[%add3A_26, %dma_wait3A_101] : memref<10112x128xf32, #tpu.memory_space<vmem_shared>> -> memref<32x128xf32, #tpu.memory_space<vmem_shared>>
      tpu.wait_dma2 semaphore(%run_scoped3A : memref<!tpu.dma_semaphore, #tpu.memory_space<semaphore_mem>>) src(%arg9 : memref<32x128xf32, #tpu.memory_space<vmem>>) dst(%dma_wait3A_102 : memref<32x128xf32, #tpu.memory_space<vmem_shared>>)
      tpu.yield
    }) : () -> ()
    %add3A_27 = arith.constant 288 : i32
    %add3A_28 = arith.addi %mul3A_8, %add3A_27 : i32
    "tpu.region"() ({
      %run_scoped3A = tpu.sem_alloc : memref<!tpu.dma_semaphore, #tpu.memory_space<semaphore_mem>>
      %dma_start3A_95 = arith.constant 0 : i32
      %dma_start3A_96 = tpu.memref_slice %arg10[%add3A_28, %dma_start3A_95] : memref<10112x128xf32, #tpu.memory_space<vmem_shared>> -> memref<32x128xf32, #tpu.memory_space<vmem_shared>>
      %dma_start3A_97 = arith.constant 0 : i32
      %dma_start3A_98 = tpu.memref_slice %arg10[%add3A_28, %dma_start3A_97] : memref<10112x128xf32, #tpu.memory_space<vmem_shared>> -> memref<32x128xf32, #tpu.memory_space<vmem_shared>>
      tpu.enqueue_dma source(%arg9 : memref<32x128xf32, #tpu.memory_space<vmem>>) target(%dma_start3A_98 : memref<32x128xf32, #tpu.memory_space<vmem_shared>>) target_semaphore(%run_scoped3A : memref<!tpu.dma_semaphore, #tpu.memory_space<semaphore_mem>>)
      %dma_wait3A_99 = arith.constant 0 : i32
      %dma_wait3A_100 = tpu.memref_slice %arg10[%add3A_28, %dma_wait3A_99] : memref<10112x128xf32, #tpu.memory_space<vmem_shared>> -> memref<32x128xf32, #tpu.memory_space<vmem_shared>>
      %dma_wait3A_101 = arith.constant 0 : i32
      %dma_wait3A_102 = tpu.memref_slice %arg10[%add3A_28, %dma_wait3A_101] : memref<10112x128xf32, #tpu.memory_space<vmem_shared>> -> memref<32x128xf32, #tpu.memory_space<vmem_shared>>
      tpu.wait_dma2 semaphore(%run_scoped3A : memref<!tpu.dma_semaphore, #tpu.memory_space<semaphore_mem>>) src(%arg9 : memref<32x128xf32, #tpu.memory_space<vmem>>) dst(%dma_wait3A_102 : memref<32x128xf32, #tpu.memory_space<vmem_shared>>)
      tpu.yield
    }) : () -> ()
    %add3A_29 = arith.constant 320 : i32
    %add3A_30 = arith.addi %mul3A_8, %add3A_29 : i32
    "tpu.region"() ({
      %run_scoped3A = tpu.sem_alloc : memref<!tpu.dma_semaphore, #tpu.memory_space<semaphore_mem>>
      %dma_start3A_95 = arith.constant 0 : i32
      %dma_start3A_96 = tpu.memref_slice %arg10[%add3A_30, %dma_start3A_95] : memref<10112x128xf32, #tpu.memory_space<vmem_shared>> -> memref<32x128xf32, #tpu.memory_space<vmem_shared>>
      %dma_start3A_97 = arith.constant 0 : i32
      %dma_start3A_98 = tpu.memref_slice %arg10[%add3A_30, %dma_start3A_97] : memref<10112x128xf32, #tpu.memory_space<vmem_shared>> -> memref<32x128xf32, #tpu.memory_space<vmem_shared>>
      tpu.enqueue_dma source(%arg9 : memref<32x128xf32, #tpu.memory_space<vmem>>) target(%dma_start3A_98 : memref<32x128xf32, #tpu.memory_space<vmem_shared>>) target_semaphore(%run_scoped3A : memref<!tpu.dma_semaphore, #tpu.memory_space<semaphore_mem>>)
      %dma_wait3A_99 = arith.constant 0 : i32
      %dma_wait3A_100 = tpu.memref_slice %arg10[%add3A_30, %dma_wait3A_99] : memref<10112x128xf32, #tpu.memory_space<vmem_shared>> -> memref<32x128xf32, #tpu.memory_space<vmem_shared>>
      %dma_wait3A_101 = arith.constant 0 : i32
      %dma_wait3A_102 = tpu.memref_slice %arg10[%add3A_30, %dma_wait3A_101] : memref<10112x128xf32, #tpu.memory_space<vmem_shared>> -> memref<32x128xf32, #tpu.memory_space<vmem_shared>>
      tpu.wait_dma2 semaphore(%run_scoped3A : memref<!tpu.dma_semaphore, #tpu.memory_space<semaphore_mem>>) src(%arg9 : memref<32x128xf32, #tpu.memory_space<vmem>>) dst(%dma_wait3A_102 : memref<32x128xf32, #tpu.memory_space<vmem_shared>>)
      tpu.yield
    }) : () -> ()
    %add3A_31 = arith.constant 352 : i32
    %add3A_32 = arith.addi %mul3A_8, %add3A_31 : i32
    "tpu.region"() ({
      %run_scoped3A = tpu.sem_alloc : memref<!tpu.dma_semaphore, #tpu.memory_space<semaphore_mem>>
      %dma_start3A_95 = arith.constant 0 : i32
      %dma_start3A_96 = tpu.memref_slice %arg10[%add3A_32, %dma_start3A_95] : memref<10112x128xf32, #tpu.memory_space<vmem_shared>> -> memref<32x128xf32, #tpu.memory_space<vmem_shared>>
      %dma_start3A_97 = arith.constant 0 : i32
      %dma_start3A_98 = tpu.memref_slice %arg10[%add3A_32, %dma_start3A_97] : memref<10112x128xf32, #tpu.memory_space<vmem_shared>> -> memref<32x128xf32, #tpu.memory_space<vmem_shared>>
      tpu.enqueue_dma source(%arg9 : memref<32x128xf32, #tpu.memory_space<vmem>>) target(%dma_start3A_98 : memref<32x128xf32, #tpu.memory_space<vmem_shared>>) target_semaphore(%run_scoped3A : memref<!tpu.dma_semaphore, #tpu.memory_space<semaphore_mem>>)
      %dma_wait3A_99 = arith.constant 0 : i32
      %dma_wait3A_100 = tpu.memref_slice %arg10[%add3A_32, %dma_wait3A_99] : memref<10112x128xf32, #tpu.memory_space<vmem_shared>> -> memref<32x128xf32, #tpu.memory_space<vmem_shared>>
      %dma_wait3A_101 = arith.constant 0 : i32
      %dma_wait3A_102 = tpu.memref_slice %arg10[%add3A_32, %dma_wait3A_101] : memref<10112x128xf32, #tpu.memory_space<vmem_shared>> -> memref<32x128xf32, #tpu.memory_space<vmem_shared>>
      tpu.wait_dma2 semaphore(%run_scoped3A : memref<!tpu.dma_semaphore, #tpu.memory_space<semaphore_mem>>) src(%arg9 : memref<32x128xf32, #tpu.memory_space<vmem>>) dst(%dma_wait3A_102 : memref<32x128xf32, #tpu.memory_space<vmem_shared>>)
      tpu.yield
    }) : () -> ()
    %add3A_33 = arith.constant 384 : i32
    %add3A_34 = arith.addi %mul3A_8, %add3A_33 : i32
    "tpu.region"() ({
      %run_scoped3A = tpu.sem_alloc : memref<!tpu.dma_semaphore, #tpu.memory_space<semaphore_mem>>
      %dma_start3A_95 = arith.constant 0 : i32
      %dma_start3A_96 = tpu.memref_slice %arg10[%add3A_34, %dma_start3A_95] : memref<10112x128xf32, #tpu.memory_space<vmem_shared>> -> memref<32x128xf32, #tpu.memory_space<vmem_shared>>
      %dma_start3A_97 = arith.constant 0 : i32
      %dma_start3A_98 = tpu.memref_slice %arg10[%add3A_34, %dma_start3A_97] : memref<10112x128xf32, #tpu.memory_space<vmem_shared>> -> memref<32x128xf32, #tpu.memory_space<vmem_shared>>
      tpu.enqueue_dma source(%arg9 : memref<32x128xf32, #tpu.memory_space<vmem>>) target(%dma_start3A_98 : memref<32x128xf32, #tpu.memory_space<vmem_shared>>) target_semaphore(%run_scoped3A : memref<!tpu.dma_semaphore, #tpu.memory_space<semaphore_mem>>)
      %dma_wait3A_99 = arith.constant 0 : i32
      %dma_wait3A_100 = tpu.memref_slice %arg10[%add3A_34, %dma_wait3A_99] : memref<10112x128xf32, #tpu.memory_space<vmem_shared>> -> memref<32x128xf32, #tpu.memory_space<vmem_shared>>
      %dma_wait3A_101 = arith.constant 0 : i32
      %dma_wait3A_102 = tpu.memref_slice %arg10[%add3A_34, %dma_wait3A_101] : memref<10112x128xf32, #tpu.memory_space<vmem_shared>> -> memref<32x128xf32, #tpu.memory_space<vmem_shared>>
      tpu.wait_dma2 semaphore(%run_scoped3A : memref<!tpu.dma_semaphore, #tpu.memory_space<semaphore_mem>>) src(%arg9 : memref<32x128xf32, #tpu.memory_space<vmem>>) dst(%dma_wait3A_102 : memref<32x128xf32, #tpu.memory_space<vmem_shared>>)
      tpu.yield
    }) : () -> ()
    %add3A_35 = arith.constant 416 : i32
    %add3A_36 = arith.addi %mul3A_8, %add3A_35 : i32
    "tpu.region"() ({
      %run_scoped3A = tpu.sem_alloc : memref<!tpu.dma_semaphore, #tpu.memory_space<semaphore_mem>>
      %dma_start3A_95 = arith.constant 0 : i32
      %dma_start3A_96 = tpu.memref_slice %arg10[%add3A_36, %dma_start3A_95] : memref<10112x128xf32, #tpu.memory_space<vmem_shared>> -> memref<32x128xf32, #tpu.memory_space<vmem_shared>>
      %dma_start3A_97 = arith.constant 0 : i32
      %dma_start3A_98 = tpu.memref_slice %arg10[%add3A_36, %dma_start3A_97] : memref<10112x128xf32, #tpu.memory_space<vmem_shared>> -> memref<32x128xf32, #tpu.memory_space<vmem_shared>>
      tpu.enqueue_dma source(%arg9 : memref<32x128xf32, #tpu.memory_space<vmem>>) target(%dma_start3A_98 : memref<32x128xf32, #tpu.memory_space<vmem_shared>>) target_semaphore(%run_scoped3A : memref<!tpu.dma_semaphore, #tpu.memory_space<semaphore_mem>>)
      %dma_wait3A_99 = arith.constant 0 : i32
      %dma_wait3A_100 = tpu.memref_slice %arg10[%add3A_36, %dma_wait3A_99] : memref<10112x128xf32, #tpu.memory_space<vmem_shared>> -> memref<32x128xf32, #tpu.memory_space<vmem_shared>>
      %dma_wait3A_101 = arith.constant 0 : i32
      %dma_wait3A_102 = tpu.memref_slice %arg10[%add3A_36, %dma_wait3A_101] : memref<10112x128xf32, #tpu.memory_space<vmem_shared>> -> memref<32x128xf32, #tpu.memory_space<vmem_shared>>
      tpu.wait_dma2 semaphore(%run_scoped3A : memref<!tpu.dma_semaphore, #tpu.memory_space<semaphore_mem>>) src(%arg9 : memref<32x128xf32, #tpu.memory_space<vmem>>) dst(%dma_wait3A_102 : memref<32x128xf32, #tpu.memory_space<vmem_shared>>)
      tpu.yield
    }) : () -> ()
    %add3A_37 = arith.constant 448 : i32
    %add3A_38 = arith.addi %mul3A_8, %add3A_37 : i32
    "tpu.region"() ({
      %run_scoped3A = tpu.sem_alloc : memref<!tpu.dma_semaphore, #tpu.memory_space<semaphore_mem>>
      %dma_start3A_95 = arith.constant 0 : i32
      %dma_start3A_96 = tpu.memref_slice %arg10[%add3A_38, %dma_start3A_95] : memref<10112x128xf32, #tpu.memory_space<vmem_shared>> -> memref<32x128xf32, #tpu.memory_space<vmem_shared>>
      %dma_start3A_97 = arith.constant 0 : i32
      %dma_start3A_98 = tpu.memref_slice %arg10[%add3A_38, %dma_start3A_97] : memref<10112x128xf32, #tpu.memory_space<vmem_shared>> -> memref<32x128xf32, #tpu.memory_space<vmem_shared>>
      tpu.enqueue_dma source(%arg9 : memref<32x128xf32, #tpu.memory_space<vmem>>) target(%dma_start3A_98 : memref<32x128xf32, #tpu.memory_space<vmem_shared>>) target_semaphore(%run_scoped3A : memref<!tpu.dma_semaphore, #tpu.memory_space<semaphore_mem>>)
      %dma_wait3A_99 = arith.constant 0 : i32
      %dma_wait3A_100 = tpu.memref_slice %arg10[%add3A_38, %dma_wait3A_99] : memref<10112x128xf32, #tpu.memory_space<vmem_shared>> -> memref<32x128xf32, #tpu.memory_space<vmem_shared>>
      %dma_wait3A_101 = arith.constant 0 : i32
      %dma_wait3A_102 = tpu.memref_slice %arg10[%add3A_38, %dma_wait3A_101] : memref<10112x128xf32, #tpu.memory_space<vmem_shared>> -> memref<32x128xf32, #tpu.memory_space<vmem_shared>>
      tpu.wait_dma2 semaphore(%run_scoped3A : memref<!tpu.dma_semaphore, #tpu.memory_space<semaphore_mem>>) src(%arg9 : memref<32x128xf32, #tpu.memory_space<vmem>>) dst(%dma_wait3A_102 : memref<32x128xf32, #tpu.memory_space<vmem_shared>>)
      tpu.yield
    }) : () -> ()
    %add3A_39 = arith.constant 480 : i32
    %add3A_40 = arith.addi %mul3A_8, %add3A_39 : i32
    "tpu.region"() ({
      %run_scoped3A = tpu.sem_alloc : memref<!tpu.dma_semaphore, #tpu.memory_space<semaphore_mem>>
      %dma_start3A_95 = arith.constant 0 : i32
      %dma_start3A_96 = tpu.memref_slice %arg10[%add3A_40, %dma_start3A_95] : memref<10112x128xf32, #tpu.memory_space<vmem_shared>> -> memref<32x128xf32, #tpu.memory_space<vmem_shared>>
      %dma_start3A_97 = arith.constant 0 : i32
      %dma_start3A_98 = tpu.memref_slice %arg10[%add3A_40, %dma_start3A_97] : memref<10112x128xf32, #tpu.memory_space<vmem_shared>> -> memref<32x128xf32, #tpu.memory_space<vmem_shared>>
      tpu.enqueue_dma source(%arg9 : memref<32x128xf32, #tpu.memory_space<vmem>>) target(%dma_start3A_98 : memref<32x128xf32, #tpu.memory_space<vmem_shared>>) target_semaphore(%run_scoped3A : memref<!tpu.dma_semaphore, #tpu.memory_space<semaphore_mem>>)
      %dma_wait3A_99 = arith.constant 0 : i32
      %dma_wait3A_100 = tpu.memref_slice %arg10[%add3A_40, %dma_wait3A_99] : memref<10112x128xf32, #tpu.memory_space<vmem_shared>> -> memref<32x128xf32, #tpu.memory_space<vmem_shared>>
      %dma_wait3A_101 = arith.constant 0 : i32
      %dma_wait3A_102 = tpu.memref_slice %arg10[%add3A_40, %dma_wait3A_101] : memref<10112x128xf32, #tpu.memory_space<vmem_shared>> -> memref<32x128xf32, #tpu.memory_space<vmem_shared>>
      tpu.wait_dma2 semaphore(%run_scoped3A : memref<!tpu.dma_semaphore, #tpu.memory_space<semaphore_mem>>) src(%arg9 : memref<32x128xf32, #tpu.memory_space<vmem>>) dst(%dma_wait3A_102 : memref<32x128xf32, #tpu.memory_space<vmem_shared>>)
      tpu.yield
    }) : () -> ()
    %add3A_41 = arith.constant 512 : i32
    %add3A_42 = arith.addi %mul3A_8, %add3A_41 : i32
    "tpu.region"() ({
      %run_scoped3A = tpu.sem_alloc : memref<!tpu.dma_semaphore, #tpu.memory_space<semaphore_mem>>
      %dma_start3A_95 = arith.constant 0 : i32
      %dma_start3A_96 = tpu.memref_slice %arg10[%add3A_42, %dma_start3A_95] : memref<10112x128xf32, #tpu.memory_space<vmem_shared>> -> memref<32x128xf32, #tpu.memory_space<vmem_shared>>
      %dma_start3A_97 = arith.constant 0 : i32
      %dma_start3A_98 = tpu.memref_slice %arg10[%add3A_42, %dma_start3A_97] : memref<10112x128xf32, #tpu.memory_space<vmem_shared>> -> memref<32x128xf32, #tpu.memory_space<vmem_shared>>
      tpu.enqueue_dma source(%arg9 : memref<32x128xf32, #tpu.memory_space<vmem>>) target(%dma_start3A_98 : memref<32x128xf32, #tpu.memory_space<vmem_shared>>) target_semaphore(%run_scoped3A : memref<!tpu.dma_semaphore, #tpu.memory_space<semaphore_mem>>)
      %dma_wait3A_99 = arith.constant 0 : i32
      %dma_wait3A_100 = tpu.memref_slice %arg10[%add3A_42, %dma_wait3A_99] : memref<10112x128xf32, #tpu.memory_space<vmem_shared>> -> memref<32x128xf32, #tpu.memory_space<vmem_shared>>
      %dma_wait3A_101 = arith.constant 0 : i32
      %dma_wait3A_102 = tpu.memref_slice %arg10[%add3A_42, %dma_wait3A_101] : memref<10112x128xf32, #tpu.memory_space<vmem_shared>> -> memref<32x128xf32, #tpu.memory_space<vmem_shared>>
      tpu.wait_dma2 semaphore(%run_scoped3A : memref<!tpu.dma_semaphore, #tpu.memory_space<semaphore_mem>>) src(%arg9 : memref<32x128xf32, #tpu.memory_space<vmem>>) dst(%dma_wait3A_102 : memref<32x128xf32, #tpu.memory_space<vmem_shared>>)
      tpu.yield
    }) : () -> ()
    %add3A_43 = arith.constant 544 : i32
    %add3A_44 = arith.addi %mul3A_8, %add3A_43 : i32
    "tpu.region"() ({
      %run_scoped3A = tpu.sem_alloc : memref<!tpu.dma_semaphore, #tpu.memory_space<semaphore_mem>>
      %dma_start3A_95 = arith.constant 0 : i32
      %dma_start3A_96 = tpu.memref_slice %arg10[%add3A_44, %dma_start3A_95] : memref<10112x128xf32, #tpu.memory_space<vmem_shared>> -> memref<32x128xf32, #tpu.memory_space<vmem_shared>>
      %dma_start3A_97 = arith.constant 0 : i32
      %dma_start3A_98 = tpu.memref_slice %arg10[%add3A_44, %dma_start3A_97] : memref<10112x128xf32, #tpu.memory_space<vmem_shared>> -> memref<32x128xf32, #tpu.memory_space<vmem_shared>>
      tpu.enqueue_dma source(%arg9 : memref<32x128xf32, #tpu.memory_space<vmem>>) target(%dma_start3A_98 : memref<32x128xf32, #tpu.memory_space<vmem_shared>>) target_semaphore(%run_scoped3A : memref<!tpu.dma_semaphore, #tpu.memory_space<semaphore_mem>>)
      %dma_wait3A_99 = arith.constant 0 : i32
      %dma_wait3A_100 = tpu.memref_slice %arg10[%add3A_44, %dma_wait3A_99] : memref<10112x128xf32, #tpu.memory_space<vmem_shared>> -> memref<32x128xf32, #tpu.memory_space<vmem_shared>>
      %dma_wait3A_101 = arith.constant 0 : i32
      %dma_wait3A_102 = tpu.memref_slice %arg10[%add3A_44, %dma_wait3A_101] : memref<10112x128xf32, #tpu.memory_space<vmem_shared>> -> memref<32x128xf32, #tpu.memory_space<vmem_shared>>
      tpu.wait_dma2 semaphore(%run_scoped3A : memref<!tpu.dma_semaphore, #tpu.memory_space<semaphore_mem>>) src(%arg9 : memref<32x128xf32, #tpu.memory_space<vmem>>) dst(%dma_wait3A_102 : memref<32x128xf32, #tpu.memory_space<vmem_shared>>)
      tpu.yield
    }) : () -> ()
    %add3A_45 = arith.constant 576 : i32
    %add3A_46 = arith.addi %mul3A_8, %add3A_45 : i32
    "tpu.region"() ({
      %run_scoped3A = tpu.sem_alloc : memref<!tpu.dma_semaphore, #tpu.memory_space<semaphore_mem>>
      %dma_start3A_95 = arith.constant 0 : i32
      %dma_start3A_96 = tpu.memref_slice %arg10[%add3A_46, %dma_start3A_95] : memref<10112x128xf32, #tpu.memory_space<vmem_shared>> -> memref<32x128xf32, #tpu.memory_space<vmem_shared>>
      %dma_start3A_97 = arith.constant 0 : i32
      %dma_start3A_98 = tpu.memref_slice %arg10[%add3A_46, %dma_start3A_97] : memref<10112x128xf32, #tpu.memory_space<vmem_shared>> -> memref<32x128xf32, #tpu.memory_space<vmem_shared>>
      tpu.enqueue_dma source(%arg9 : memref<32x128xf32, #tpu.memory_space<vmem>>) target(%dma_start3A_98 : memref<32x128xf32, #tpu.memory_space<vmem_shared>>) target_semaphore(%run_scoped3A : memref<!tpu.dma_semaphore, #tpu.memory_space<semaphore_mem>>)
      %dma_wait3A_99 = arith.constant 0 : i32
      %dma_wait3A_100 = tpu.memref_slice %arg10[%add3A_46, %dma_wait3A_99] : memref<10112x128xf32, #tpu.memory_space<vmem_shared>> -> memref<32x128xf32, #tpu.memory_space<vmem_shared>>
      %dma_wait3A_101 = arith.constant 0 : i32
      %dma_wait3A_102 = tpu.memref_slice %arg10[%add3A_46, %dma_wait3A_101] : memref<10112x128xf32, #tpu.memory_space<vmem_shared>> -> memref<32x128xf32, #tpu.memory_space<vmem_shared>>
      tpu.wait_dma2 semaphore(%run_scoped3A : memref<!tpu.dma_semaphore, #tpu.memory_space<semaphore_mem>>) src(%arg9 : memref<32x128xf32, #tpu.memory_space<vmem>>) dst(%dma_wait3A_102 : memref<32x128xf32, #tpu.memory_space<vmem_shared>>)
      tpu.yield
    }) : () -> ()
    %add3A_47 = arith.constant 608 : i32
    %add3A_48 = arith.addi %mul3A_8, %add3A_47 : i32
    "tpu.region"() ({
      %run_scoped3A = tpu.sem_alloc : memref<!tpu.dma_semaphore, #tpu.memory_space<semaphore_mem>>
      %dma_start3A_95 = arith.constant 0 : i32
      %dma_start3A_96 = arith.constant 0 : i32
      %dma_start3A_97 = tpu.memref_slice %arg9[%dma_start3A_95, %dma_start3A_96] : memref<32x128xf32, #tpu.memory_space<vmem>> -> memref<24x128xf32, #tpu.memory_space<vmem>>
      %dma_start3A_98 = arith.constant 0 : i32
      %dma_start3A_99 = tpu.memref_slice %arg10[%add3A_48, %dma_start3A_98] : memref<10112x128xf32, #tpu.memory_space<vmem_shared>> -> memref<24x128xf32, #tpu.memory_space<vmem_shared>>
      %dma_start3A_100 = arith.constant 0 : i32
      %dma_start3A_101 = tpu.memref_slice %arg10[%add3A_48, %dma_start3A_100] : memref<10112x128xf32, #tpu.memory_space<vmem_shared>> -> memref<24x128xf32, #tpu.memory_space<vmem_shared>>
      %dma_start3A_102 = arith.constant 0 : i32
      %dma_start3A_103 = arith.constant 0 : i32
      %dma_start3A_104 = tpu.memref_slice %arg9[%dma_start3A_102, %dma_start3A_103] : memref<32x128xf32, #tpu.memory_space<vmem>> -> memref<24x128xf32, #tpu.memory_space<vmem>>
      tpu.enqueue_dma source(%dma_start3A_104 : memref<24x128xf32, #tpu.memory_space<vmem>>) target(%dma_start3A_101 : memref<24x128xf32, #tpu.memory_space<vmem_shared>>) target_semaphore(%run_scoped3A : memref<!tpu.dma_semaphore, #tpu.memory_space<semaphore_mem>>)
      %dma_wait3A_105 = arith.constant 0 : i32
      %dma_wait3A_106 = arith.constant 0 : i32
      %dma_wait3A_107 = tpu.memref_slice %arg9[%dma_wait3A_105, %dma_wait3A_106] : memref<32x128xf32, #tpu.memory_space<vmem>> -> memref<24x128xf32, #tpu.memory_space<vmem>>
      %dma_wait3A_108 = arith.constant 0 : i32
      %dma_wait3A_109 = tpu.memref_slice %arg10[%add3A_48, %dma_wait3A_108] : memref<10112x128xf32, #tpu.memory_space<vmem_shared>> -> memref<24x128xf32, #tpu.memory_space<vmem_shared>>
      %dma_wait3A_110 = arith.constant 0 : i32
      %dma_wait3A_111 = tpu.memref_slice %arg10[%add3A_48, %dma_wait3A_110] : memref<10112x128xf32, #tpu.memory_space<vmem_shared>> -> memref<24x128xf32, #tpu.memory_space<vmem_shared>>
      %dma_wait3A_112 = arith.constant 0 : i32
      %dma_wait3A_113 = arith.constant 0 : i32
      %dma_wait3A_114 = tpu.memref_slice %arg9[%dma_wait3A_112, %dma_wait3A_113] : memref<32x128xf32, #tpu.memory_space<vmem>> -> memref<24x128xf32, #tpu.memory_space<vmem>>
      tpu.wait_dma2 semaphore(%run_scoped3A : memref<!tpu.dma_semaphore, #tpu.memory_space<semaphore_mem>>) src(%dma_wait3A_114 : memref<24x128xf32, #tpu.memory_space<vmem>>) dst(%dma_wait3A_111 : memref<24x128xf32, #tpu.memory_space<vmem_shared>>)
      tpu.yield
    }) : () -> ()
    %barrier3A = arith.constant 0 : index
    tpu.barrier barrier_id(%barrier3A)
    %dma_start3A = arith.constant 0 : i32
    %dma_start3A_49 = arith.constant 0 : i32
    %dma_start3A_50 = arith.constant 0 : i32
    %dma_start3A_51 = arith.constant 0 : i32
    %dma_start3A_52 = tpu.memref_slice %arg8[%dma_start3A_49, %dma_start3A_50, %dma_start3A_51] : memref<2x128x128xf32, #tpu.memory_space<vmem>> -> memref<1x128x128xf32, #tpu.memory_space<vmem>>
    %dma_start3A_53 = tpu.memref_squeeze %dma_start3A_52 : memref<1x128x128xf32, #tpu.memory_space<vmem>> -> memref<128x128xf32, #tpu.memory_space<vmem>>
    %dma_start3A_54 = arith.constant 0 : i32
    %dma_start3A_55 = tpu.memref_slice %arg6[%dma_start3A, %dma_start3A_54] : memref<40x128xi32, #tpu.memory_space<vmem>> -> memref<1x128xi32, #tpu.memory_space<vmem>>
    %dma_start3A_56 = tpu.memref_squeeze %dma_start3A_55 : memref<1x128xi32, #tpu.memory_space<vmem>> -> memref<128xi32, #tpu.memory_space<vmem>>
    %dma_start3A_57 = arith.constant 0 : i32
    %dma_start3A_58 = arith.constant 0 : i32
    %dma_start3A_59 = tpu.memref_slice %arg2[%dma_start3A_57, %dma_start3A_58] : memref<40000x128xf32, #tpu.memory_space<hbm>> -> memref<40000x128xf32, #tpu.memory_space<hbm>>
    tpu.enqueue_indirect_dma source(%dma_start3A_59 : memref<40000x128xf32, #tpu.memory_space<hbm>>) target(%dma_start3A_53 : memref<128x128xf32, #tpu.memory_space<vmem>>) offsets(%dma_start3A_56 : memref<128xi32, #tpu.memory_space<vmem>>) semaphore(%arg11 : memref<!tpu.dma_semaphore, #tpu.memory_space<semaphore_mem>>)
    %scan3A_60 = arith.constant 0 : i32
    %scan3A_61 = arith.constant 0 : i32
    %scan3A_62 = arith.constant 20 : i32
    %scan3A_63 = arith.addi %scan3A_61, %scan3A_62 : i32
    %scan3A_64 = arith.constant 1 : i32
    %scan3A_65 = scf.for %scan3A_95 = %scan3A_61 to %scan3A_63 step %scan3A_64 iter_args(%scan3A_96 = %scan3A_60) -> (i32)  : i32 {
      %mul3A_97 = arith.constant 2 : i32
      %mul3A_98 = arith.muli %mul3A_97, %scan3A_95 : i32
      %mul3A_99 = arith.constant 2 : i32
      %mul3A_100 = arith.muli %mul3A_99, %scan3A_95 : i32
      %add3A_101 = arith.constant 1 : i32
      %add3A_102 = arith.addi %mul3A_100, %add3A_101 : i32
      %add3A_103 = arith.constant 1 : i32
      %add3A_104 = arith.addi %add3A_102, %add3A_103 : i32
      %lt3A = arith.constant 40 : i32
      %lt3A_105 = arith.cmpi slt, %add3A_104, %lt3A : i32
      %add3A_106 = arith.constant 1 : i32
      %add3A_107 = arith.addi %add3A_102, %add3A_106 : i32
      %jit3A = arith.constant 0 : i32
      %select_n3A = arith.select %lt3A_105, %add3A_107, %jit3A : i32
      %dma_start3A_108 = arith.constant 1 : i32
      %dma_start3A_109 = arith.constant 0 : i32
      %dma_start3A_110 = arith.constant 0 : i32
      %dma_start3A_111 = tpu.memref_slice %arg8[%dma_start3A_108, %dma_start3A_109, %dma_start3A_110] : memref<2x128x128xf32, #tpu.memory_space<vmem>> -> memref<1x128x128xf32, #tpu.memory_space<vmem>>
      %dma_start3A_112 = tpu.memref_squeeze %dma_start3A_111 : memref<1x128x128xf32, #tpu.memory_space<vmem>> -> memref<128x128xf32, #tpu.memory_space<vmem>>
      %dma_start3A_113 = arith.constant 0 : i32
      %dma_start3A_114 = tpu.memref_slice %arg6[%add3A_102, %dma_start3A_113] : memref<40x128xi32, #tpu.memory_space<vmem>> -> memref<1x128xi32, #tpu.memory_space<vmem>>
      %dma_start3A_115 = tpu.memref_squeeze %dma_start3A_114 : memref<1x128xi32, #tpu.memory_space<vmem>> -> memref<128xi32, #tpu.memory_space<vmem>>
      %dma_start3A_116 = arith.constant 0 : i32
      %dma_start3A_117 = arith.constant 0 : i32
      %dma_start3A_118 = tpu.memref_slice %arg2[%dma_start3A_116, %dma_start3A_117] : memref<40000x128xf32, #tpu.memory_space<hbm>> -> memref<40000x128xf32, #tpu.memory_space<hbm>>
      tpu.enqueue_indirect_dma source(%dma_start3A_118 : memref<40000x128xf32, #tpu.memory_space<hbm>>) target(%dma_start3A_112 : memref<128x128xf32, #tpu.memory_space<vmem>>) offsets(%dma_start3A_115 : memref<128xi32, #tpu.memory_space<vmem>>) semaphore(%arg12 : memref<!tpu.dma_semaphore, #tpu.memory_space<semaphore_mem>>)
      %dma_wait3A_119 = arith.constant 0 : i32
      %dma_wait3A_120 = arith.constant 0 : i32
      %dma_wait3A_121 = arith.constant 0 : i32
      %dma_wait3A_122 = tpu.memref_slice %arg8[%dma_wait3A_119, %dma_wait3A_120, %dma_wait3A_121] : memref<2x128x128xf32, #tpu.memory_space<vmem>> -> memref<1x128x128xf32, #tpu.memory_space<vmem>>
      %dma_wait3A_123 = tpu.memref_squeeze %dma_wait3A_122 : memref<1x128x128xf32, #tpu.memory_space<vmem>> -> memref<128x128xf32, #tpu.memory_space<vmem>>
      %dma_wait3A_124 = arith.constant 0 : i32
      %dma_wait3A_125 = tpu.memref_slice %arg6[%mul3A_98, %dma_wait3A_124] : memref<40x128xi32, #tpu.memory_space<vmem>> -> memref<1x128xi32, #tpu.memory_space<vmem>>
      %dma_wait3A_126 = tpu.memref_squeeze %dma_wait3A_125 : memref<1x128xi32, #tpu.memory_space<vmem>> -> memref<128xi32, #tpu.memory_space<vmem>>
      %dma_wait3A_127 = arith.constant 0 : i32
      %dma_wait3A_128 = arith.constant 0 : i32
      %dma_wait3A_129 = tpu.memref_slice %arg2[%dma_wait3A_127, %dma_wait3A_128] : memref<40000x128xf32, #tpu.memory_space<hbm>> -> memref<40000x128xf32, #tpu.memory_space<hbm>>
      tpu.wait_indirect_dma semaphore(%arg11 : memref<!tpu.dma_semaphore, #tpu.memory_space<semaphore_mem>>) src(%dma_wait3A_129 : memref<40000x128xf32, #tpu.memory_space<hbm>>) dst(%dma_wait3A_123 : memref<128x128xf32, #tpu.memory_space<vmem>>)
      %run_scoped3A = arith.constant 0 : i32
      "tpu.region"() ({
        %run_scoped3A_154 = tpu.sem_alloc : memref<!tpu.dma_semaphore, #tpu.memory_space<semaphore_mem>>
        %dma_start3A_155 = arith.constant 0 : i32
        %dma_start3A_156 = arith.constant 0 : i32
        %dma_start3A_157 = tpu.memref_slice %arg8[%run_scoped3A, %dma_start3A_155, %dma_start3A_156] : memref<2x128x128xf32, #tpu.memory_space<vmem>> -> memref<1x128x128xf32, #tpu.memory_space<vmem>>
        %dma_start3A_158 = tpu.memref_squeeze %dma_start3A_157 : memref<1x128x128xf32, #tpu.memory_space<vmem>> -> memref<128x128xf32, #tpu.memory_space<vmem>>
        %dma_start3A_159 = arith.constant 0 : i32
        %dma_start3A_160 = tpu.memref_slice %arg7[%mul3A_98, %dma_start3A_159] : memref<40x128xi32, #tpu.memory_space<vmem>> -> memref<1x128xi32, #tpu.memory_space<vmem>>
        %dma_start3A_161 = tpu.memref_squeeze %dma_start3A_160 : memref<1x128xi32, #tpu.memory_space<vmem>> -> memref<128xi32, #tpu.memory_space<vmem>>
        %dma_start3A_162 = arith.constant 0 : i32
        %dma_start3A_163 = arith.constant 0 : i32
        %dma_start3A_164 = tpu.memref_slice %arg10[%dma_start3A_162, %dma_start3A_163] : memref<10112x128xf32, #tpu.memory_space<vmem_shared>> -> memref<10112x128xf32, #tpu.memory_space<vmem_shared>>
        tpu.enqueue_indirect_dma source(%dma_start3A_158 : memref<128x128xf32, #tpu.memory_space<vmem>>) target(%dma_start3A_164 : memref<10112x128xf32, #tpu.memory_space<vmem_shared>>) offsets(%dma_start3A_161 : memref<128xi32, #tpu.memory_space<vmem>>) semaphore(%run_scoped3A_154 : memref<!tpu.dma_semaphore, #tpu.memory_space<semaphore_mem>>) {add = true}
        %dma_wait3A_165 = arith.constant 0 : i32
        %dma_wait3A_166 = arith.constant 0 : i32
        %dma_wait3A_167 = tpu.memref_slice %arg8[%run_scoped3A, %dma_wait3A_165, %dma_wait3A_166] : memref<2x128x128xf32, #tpu.memory_space<vmem>> -> memref<1x128x128xf32, #tpu.memory_space<vmem>>
        %dma_wait3A_168 = tpu.memref_squeeze %dma_wait3A_167 : memref<1x128x128xf32, #tpu.memory_space<vmem>> -> memref<128x128xf32, #tpu.memory_space<vmem>>
        %dma_wait3A_169 = arith.constant 0 : i32
        %dma_wait3A_170 = tpu.memref_slice %arg7[%mul3A_98, %dma_wait3A_169] : memref<40x128xi32, #tpu.memory_space<vmem>> -> memref<1x128xi32, #tpu.memory_space<vmem>>
        %dma_wait3A_171 = tpu.memref_squeeze %dma_wait3A_170 : memref<1x128xi32, #tpu.memory_space<vmem>> -> memref<128xi32, #tpu.memory_space<vmem>>
        %dma_wait3A_172 = arith.constant 0 : i32
        %dma_wait3A_173 = arith.constant 0 : i32
        %dma_wait3A_174 = tpu.memref_slice %arg10[%dma_wait3A_172, %dma_wait3A_173] : memref<10112x128xf32, #tpu.memory_space<vmem_shared>> -> memref<10112x128xf32, #tpu.memory_space<vmem_shared>>
        tpu.wait_indirect_dma semaphore(%run_scoped3A_154 : memref<!tpu.dma_semaphore, #tpu.memory_space<semaphore_mem>>) src(%dma_wait3A_168 : memref<128x128xf32, #tpu.memory_space<vmem>>) dst(%dma_wait3A_174 : memref<10112x128xf32, #tpu.memory_space<vmem_shared>>)
        tpu.yield
      }) : () -> ()
      %dma_start3A_130 = arith.constant 0 : i32
      %dma_start3A_131 = arith.constant 0 : i32
      %dma_start3A_132 = arith.constant 0 : i32
      %dma_start3A_133 = tpu.memref_slice %arg8[%dma_start3A_130, %dma_start3A_131, %dma_start3A_132] : memref<2x128x128xf32, #tpu.memory_space<vmem>> -> memref<1x128x128xf32, #tpu.memory_space<vmem>>
      %dma_start3A_134 = tpu.memref_squeeze %dma_start3A_133 : memref<1x128x128xf32, #tpu.memory_space<vmem>> -> memref<128x128xf32, #tpu.memory_space<vmem>>
      %dma_start3A_135 = arith.constant 0 : i32
      %dma_start3A_136 = tpu.memref_slice %arg6[%select_n3A, %dma_start3A_135] : memref<40x128xi32, #tpu.memory_space<vmem>> -> memref<1x128xi32, #tpu.memory_space<vmem>>
      %dma_start3A_137 = tpu.memref_squeeze %dma_start3A_136 : memref<1x128xi32, #tpu.memory_space<vmem>> -> memref<128xi32, #tpu.memory_space<vmem>>
      %dma_start3A_138 = arith.constant 0 : i32
      %dma_start3A_139 = arith.constant 0 : i32
      %dma_start3A_140 = tpu.memref_slice %arg2[%dma_start3A_138, %dma_start3A_139] : memref<40000x128xf32, #tpu.memory_space<hbm>> -> memref<40000x128xf32, #tpu.memory_space<hbm>>
      tpu.enqueue_indirect_dma source(%dma_start3A_140 : memref<40000x128xf32, #tpu.memory_space<hbm>>) target(%dma_start3A_134 : memref<128x128xf32, #tpu.memory_space<vmem>>) offsets(%dma_start3A_137 : memref<128xi32, #tpu.memory_space<vmem>>) semaphore(%arg11 : memref<!tpu.dma_semaphore, #tpu.memory_space<semaphore_mem>>)
      %dma_wait3A_141 = arith.constant 1 : i32
      %dma_wait3A_142 = arith.constant 0 : i32
      %dma_wait3A_143 = arith.constant 0 : i32
      %dma_wait3A_144 = tpu.memref_slice %arg8[%dma_wait3A_141, %dma_wait3A_142, %dma_wait3A_143] : memref<2x128x128xf32, #tpu.memory_space<vmem>> -> memref<1x128x128xf32, #tpu.memory_space<vmem>>
      %dma_wait3A_145 = tpu.memref_squeeze %dma_wait3A_144 : memref<1x128x128xf32, #tpu.memory_space<vmem>> -> memref<128x128xf32, #tpu.memory_space<vmem>>
      %dma_wait3A_146 = arith.constant 0 : i32
      %dma_wait3A_147 = tpu.memref_slice %arg6[%add3A_102, %dma_wait3A_146] : memref<40x128xi32, #tpu.memory_space<vmem>> -> memref<1x128xi32, #tpu.memory_space<vmem>>
      %dma_wait3A_148 = tpu.memref_squeeze %dma_wait3A_147 : memref<1x128xi32, #tpu.memory_space<vmem>> -> memref<128xi32, #tpu.memory_space<vmem>>
      %dma_wait3A_149 = arith.constant 0 : i32
      %dma_wait3A_150 = arith.constant 0 : i32
      %dma_wait3A_151 = tpu.memref_slice %arg2[%dma_wait3A_149, %dma_wait3A_150] : memref<40000x128xf32, #tpu.memory_space<hbm>> -> memref<40000x128xf32, #tpu.memory_space<hbm>>
      tpu.wait_indirect_dma semaphore(%arg12 : memref<!tpu.dma_semaphore, #tpu.memory_space<semaphore_mem>>) src(%dma_wait3A_151 : memref<40000x128xf32, #tpu.memory_space<hbm>>) dst(%dma_wait3A_145 : memref<128x128xf32, #tpu.memory_space<vmem>>)
      %run_scoped3A_152 = arith.constant 1 : i32
      "tpu.region"() ({
        %run_scoped3A_154 = tpu.sem_alloc : memref<!tpu.dma_semaphore, #tpu.memory_space<semaphore_mem>>
        %dma_start3A_155 = arith.constant 0 : i32
        %dma_start3A_156 = arith.constant 0 : i32
        %dma_start3A_157 = tpu.memref_slice %arg8[%run_scoped3A_152, %dma_start3A_155, %dma_start3A_156] : memref<2x128x128xf32, #tpu.memory_space<vmem>> -> memref<1x128x128xf32, #tpu.memory_space<vmem>>
        %dma_start3A_158 = tpu.memref_squeeze %dma_start3A_157 : memref<1x128x128xf32, #tpu.memory_space<vmem>> -> memref<128x128xf32, #tpu.memory_space<vmem>>
        %dma_start3A_159 = arith.constant 0 : i32
        %dma_start3A_160 = tpu.memref_slice %arg7[%add3A_102, %dma_start3A_159] : memref<40x128xi32, #tpu.memory_space<vmem>> -> memref<1x128xi32, #tpu.memory_space<vmem>>
        %dma_start3A_161 = tpu.memref_squeeze %dma_start3A_160 : memref<1x128xi32, #tpu.memory_space<vmem>> -> memref<128xi32, #tpu.memory_space<vmem>>
        %dma_start3A_162 = arith.constant 0 : i32
        %dma_start3A_163 = arith.constant 0 : i32
        %dma_start3A_164 = tpu.memref_slice %arg10[%dma_start3A_162, %dma_start3A_163] : memref<10112x128xf32, #tpu.memory_space<vmem_shared>> -> memref<10112x128xf32, #tpu.memory_space<vmem_shared>>
        tpu.enqueue_indirect_dma source(%dma_start3A_158 : memref<128x128xf32, #tpu.memory_space<vmem>>) target(%dma_start3A_164 : memref<10112x128xf32, #tpu.memory_space<vmem_shared>>) offsets(%dma_start3A_161 : memref<128xi32, #tpu.memory_space<vmem>>) semaphore(%run_scoped3A_154 : memref<!tpu.dma_semaphore, #tpu.memory_space<semaphore_mem>>) {add = true}
        %dma_wait3A_165 = arith.constant 0 : i32
        %dma_wait3A_166 = arith.constant 0 : i32
        %dma_wait3A_167 = tpu.memref_slice %arg8[%run_scoped3A_152, %dma_wait3A_165, %dma_wait3A_166] : memref<2x128x128xf32, #tpu.memory_space<vmem>> -> memref<1x128x128xf32, #tpu.memory_space<vmem>>
        %dma_wait3A_168 = tpu.memref_squeeze %dma_wait3A_167 : memref<1x128x128xf32, #tpu.memory_space<vmem>> -> memref<128x128xf32, #tpu.memory_space<vmem>>
        %dma_wait3A_169 = arith.constant 0 : i32
        %dma_wait3A_170 = tpu.memref_slice %arg7[%add3A_102, %dma_wait3A_169] : memref<40x128xi32, #tpu.memory_space<vmem>> -> memref<1x128xi32, #tpu.memory_space<vmem>>
        %dma_wait3A_171 = tpu.memref_squeeze %dma_wait3A_170 : memref<1x128xi32, #tpu.memory_space<vmem>> -> memref<128xi32, #tpu.memory_space<vmem>>
        %dma_wait3A_172 = arith.constant 0 : i32
        %dma_wait3A_173 = arith.constant 0 : i32
        %dma_wait3A_174 = tpu.memref_slice %arg10[%dma_wait3A_172, %dma_wait3A_173] : memref<10112x128xf32, #tpu.memory_space<vmem_shared>> -> memref<10112x128xf32, #tpu.memory_space<vmem_shared>>
        tpu.wait_indirect_dma semaphore(%run_scoped3A_154 : memref<!tpu.dma_semaphore, #tpu.memory_space<semaphore_mem>>) src(%dma_wait3A_168 : memref<128x128xf32, #tpu.memory_space<vmem>>) dst(%dma_wait3A_174 : memref<10112x128xf32, #tpu.memory_space<vmem_shared>>)
        tpu.yield
      }) : () -> ()
      %scan3A_153 = arith.constant 0 : i32
      scf.yield %scan3A_153 : i32
    }
    %scan3A_66 = arith.constant 20 : i32
    %dma_wait3A = arith.constant 0 : i32
    %dma_wait3A_67 = arith.constant 0 : i32
    %dma_wait3A_68 = arith.constant 0 : i32
    %dma_wait3A_69 = arith.constant 0 : i32
    %dma_wait3A_70 = tpu.memref_slice %arg8[%dma_wait3A_67, %dma_wait3A_68, %dma_wait3A_69] : memref<2x128x128xf32, #tpu.memory_space<vmem>> -> memref<1x128x128xf32, #tpu.memory_space<vmem>>
    %dma_wait3A_71 = tpu.memref_squeeze %dma_wait3A_70 : memref<1x128x128xf32, #tpu.memory_space<vmem>> -> memref<128x128xf32, #tpu.memory_space<vmem>>
    %dma_wait3A_72 = arith.constant 0 : i32
    %dma_wait3A_73 = tpu.memref_slice %arg6[%dma_wait3A, %dma_wait3A_72] : memref<40x128xi32, #tpu.memory_space<vmem>> -> memref<1x128xi32, #tpu.memory_space<vmem>>
    %dma_wait3A_74 = tpu.memref_squeeze %dma_wait3A_73 : memref<1x128xi32, #tpu.memory_space<vmem>> -> memref<128xi32, #tpu.memory_space<vmem>>
    %dma_wait3A_75 = arith.constant 0 : i32
    %dma_wait3A_76 = arith.constant 0 : i32
    %dma_wait3A_77 = tpu.memref_slice %arg2[%dma_wait3A_75, %dma_wait3A_76] : memref<40000x128xf32, #tpu.memory_space<hbm>> -> memref<40000x128xf32, #tpu.memory_space<hbm>>
    tpu.wait_indirect_dma semaphore(%arg11 : memref<!tpu.dma_semaphore, #tpu.memory_space<semaphore_mem>>) src(%dma_wait3A_77 : memref<40000x128xf32, #tpu.memory_space<hbm>>) dst(%dma_wait3A_71 : memref<128x128xf32, #tpu.memory_space<vmem>>)
    %barrier3A_78 = arith.constant 0 : index
    tpu.barrier barrier_id(%barrier3A_78)
    %add3A_79 = arith.constant 0 : i32
    %add3A_80 = arith.addi %mul3A_8, %add3A_79 : i32
    %add3A_81 = arith.constant 0 : i32
    %add3A_82 = arith.addi %mul3A_8, %add3A_81 : i32
    "tpu.region"() ({
      %run_scoped3A = tpu.sem_alloc : memref<!tpu.dma_semaphore, #tpu.memory_space<semaphore_mem>>
      %dma_start3A_95 = arith.constant 0 : i32
      %dma_start3A_96 = arith.constant 0 : i32
      %dma_start3A_97 = tpu.memref_slice %arg5[%arg0, %dma_start3A_95, %dma_start3A_96] : memref<2x10112x128xf32, #tpu.memory_space<hbm>> -> memref<1x10112x128xf32, #tpu.memory_space<hbm>>
      %dma_start3A_98 = tpu.memref_squeeze %dma_start3A_97 : memref<1x10112x128xf32, #tpu.memory_space<hbm>> -> memref<10112x128xf32, #tpu.memory_space<hbm>>
      %dma_start3A_99 = arith.constant 0 : i32
      %dma_start3A_100 = tpu.memref_slice %dma_start3A_98[%add3A_82, %dma_start3A_99] : memref<10112x128xf32, #tpu.memory_space<hbm>> -> memref<160x128xf32, #tpu.memory_space<hbm>>
      %dma_start3A_101 = arith.constant 0 : i32
      %dma_start3A_102 = tpu.memref_slice %arg10[%add3A_80, %dma_start3A_101] : memref<10112x128xf32, #tpu.memory_space<vmem_shared>> -> memref<160x128xf32, #tpu.memory_space<vmem_shared>>
      tpu.enqueue_dma source(%dma_start3A_102 : memref<160x128xf32, #tpu.memory_space<vmem_shared>>) target(%dma_start3A_100 : memref<160x128xf32, #tpu.memory_space<hbm>>) target_semaphore(%run_scoped3A : memref<!tpu.dma_semaphore, #tpu.memory_space<semaphore_mem>>)
      %dma_wait3A_103 = arith.constant 0 : i32
      %dma_wait3A_104 = arith.constant 0 : i32
      %dma_wait3A_105 = tpu.memref_slice %arg5[%arg0, %dma_wait3A_103, %dma_wait3A_104] : memref<2x10112x128xf32, #tpu.memory_space<hbm>> -> memref<1x10112x128xf32, #tpu.memory_space<hbm>>
      %dma_wait3A_106 = tpu.memref_squeeze %dma_wait3A_105 : memref<1x10112x128xf32, #tpu.memory_space<hbm>> -> memref<10112x128xf32, #tpu.memory_space<hbm>>
      %dma_wait3A_107 = arith.constant 0 : i32
      %dma_wait3A_108 = tpu.memref_slice %dma_wait3A_106[%add3A_82, %dma_wait3A_107] : memref<10112x128xf32, #tpu.memory_space<hbm>> -> memref<160x128xf32, #tpu.memory_space<hbm>>
      %dma_wait3A_109 = arith.constant 0 : i32
      %dma_wait3A_110 = tpu.memref_slice %arg10[%add3A_80, %dma_wait3A_109] : memref<10112x128xf32, #tpu.memory_space<vmem_shared>> -> memref<160x128xf32, #tpu.memory_space<vmem_shared>>
      tpu.wait_dma2 semaphore(%run_scoped3A : memref<!tpu.dma_semaphore, #tpu.memory_space<semaphore_mem>>) src(%dma_wait3A_110 : memref<160x128xf32, #tpu.memory_space<vmem_shared>>) dst(%dma_wait3A_108 : memref<160x128xf32, #tpu.memory_space<hbm>>)
      tpu.yield
    }) : () -> ()
    %add3A_83 = arith.constant 160 : i32
    %add3A_84 = arith.addi %mul3A_8, %add3A_83 : i32
    %add3A_85 = arith.constant 160 : i32
    %add3A_86 = arith.addi %mul3A_8, %add3A_85 : i32
    "tpu.region"() ({
      %run_scoped3A = tpu.sem_alloc : memref<!tpu.dma_semaphore, #tpu.memory_space<semaphore_mem>>
      %dma_start3A_95 = arith.constant 0 : i32
      %dma_start3A_96 = arith.constant 0 : i32
      %dma_start3A_97 = tpu.memref_slice %arg5[%arg0, %dma_start3A_95, %dma_start3A_96] : memref<2x10112x128xf32, #tpu.memory_space<hbm>> -> memref<1x10112x128xf32, #tpu.memory_space<hbm>>
      %dma_start3A_98 = tpu.memref_squeeze %dma_start3A_97 : memref<1x10112x128xf32, #tpu.memory_space<hbm>> -> memref<10112x128xf32, #tpu.memory_space<hbm>>
      %dma_start3A_99 = arith.constant 0 : i32
      %dma_start3A_100 = tpu.memref_slice %dma_start3A_98[%add3A_86, %dma_start3A_99] : memref<10112x128xf32, #tpu.memory_space<hbm>> -> memref<160x128xf32, #tpu.memory_space<hbm>>
      %dma_start3A_101 = arith.constant 0 : i32
      %dma_start3A_102 = tpu.memref_slice %arg10[%add3A_84, %dma_start3A_101] : memref<10112x128xf32, #tpu.memory_space<vmem_shared>> -> memref<160x128xf32, #tpu.memory_space<vmem_shared>>
      tpu.enqueue_dma source(%dma_start3A_102 : memref<160x128xf32, #tpu.memory_space<vmem_shared>>) target(%dma_start3A_100 : memref<160x128xf32, #tpu.memory_space<hbm>>) target_semaphore(%run_scoped3A : memref<!tpu.dma_semaphore, #tpu.memory_space<semaphore_mem>>)
      %dma_wait3A_103 = arith.constant 0 : i32
      %dma_wait3A_104 = arith.constant 0 : i32
      %dma_wait3A_105 = tpu.memref_slice %arg5[%arg0, %dma_wait3A_103, %dma_wait3A_104] : memref<2x10112x128xf32, #tpu.memory_space<hbm>> -> memref<1x10112x128xf32, #tpu.memory_space<hbm>>
      %dma_wait3A_106 = tpu.memref_squeeze %dma_wait3A_105 : memref<1x10112x128xf32, #tpu.memory_space<hbm>> -> memref<10112x128xf32, #tpu.memory_space<hbm>>
      %dma_wait3A_107 = arith.constant 0 : i32
      %dma_wait3A_108 = tpu.memref_slice %dma_wait3A_106[%add3A_86, %dma_wait3A_107] : memref<10112x128xf32, #tpu.memory_space<hbm>> -> memref<160x128xf32, #tpu.memory_space<hbm>>
      %dma_wait3A_109 = arith.constant 0 : i32
      %dma_wait3A_110 = tpu.memref_slice %arg10[%add3A_84, %dma_wait3A_109] : memref<10112x128xf32, #tpu.memory_space<vmem_shared>> -> memref<160x128xf32, #tpu.memory_space<vmem_shared>>
      tpu.wait_dma2 semaphore(%run_scoped3A : memref<!tpu.dma_semaphore, #tpu.memory_space<semaphore_mem>>) src(%dma_wait3A_110 : memref<160x128xf32, #tpu.memory_space<vmem_shared>>) dst(%dma_wait3A_108 : memref<160x128xf32, #tpu.memory_space<hbm>>)
      tpu.yield
    }) : () -> ()
    %add3A_87 = arith.constant 320 : i32
    %add3A_88 = arith.addi %mul3A_8, %add3A_87 : i32
    %add3A_89 = arith.constant 320 : i32
    %add3A_90 = arith.addi %mul3A_8, %add3A_89 : i32
    "tpu.region"() ({
      %run_scoped3A = tpu.sem_alloc : memref<!tpu.dma_semaphore, #tpu.memory_space<semaphore_mem>>
      %dma_start3A_95 = arith.constant 0 : i32
      %dma_start3A_96 = arith.constant 0 : i32
      %dma_start3A_97 = tpu.memref_slice %arg5[%arg0, %dma_start3A_95, %dma_start3A_96] : memref<2x10112x128xf32, #tpu.memory_space<hbm>> -> memref<1x10112x128xf32, #tpu.memory_space<hbm>>
      %dma_start3A_98 = tpu.memref_squeeze %dma_start3A_97 : memref<1x10112x128xf32, #tpu.memory_space<hbm>> -> memref<10112x128xf32, #tpu.memory_space<hbm>>
      %dma_start3A_99 = arith.constant 0 : i32
      %dma_start3A_100 = tpu.memref_slice %dma_start3A_98[%add3A_90, %dma_start3A_99] : memref<10112x128xf32, #tpu.memory_space<hbm>> -> memref<160x128xf32, #tpu.memory_space<hbm>>
      %dma_start3A_101 = arith.constant 0 : i32
      %dma_start3A_102 = tpu.memref_slice %arg10[%add3A_88, %dma_start3A_101] : memref<10112x128xf32, #tpu.memory_space<vmem_shared>> -> memref<160x128xf32, #tpu.memory_space<vmem_shared>>
      tpu.enqueue_dma source(%dma_start3A_102 : memref<160x128xf32, #tpu.memory_space<vmem_shared>>) target(%dma_start3A_100 : memref<160x128xf32, #tpu.memory_space<hbm>>) target_semaphore(%run_scoped3A : memref<!tpu.dma_semaphore, #tpu.memory_space<semaphore_mem>>)
      %dma_wait3A_103 = arith.constant 0 : i32
      %dma_wait3A_104 = arith.constant 0 : i32
      %dma_wait3A_105 = tpu.memref_slice %arg5[%arg0, %dma_wait3A_103, %dma_wait3A_104] : memref<2x10112x128xf32, #tpu.memory_space<hbm>> -> memref<1x10112x128xf32, #tpu.memory_space<hbm>>
      %dma_wait3A_106 = tpu.memref_squeeze %dma_wait3A_105 : memref<1x10112x128xf32, #tpu.memory_space<hbm>> -> memref<10112x128xf32, #tpu.memory_space<hbm>>
      %dma_wait3A_107 = arith.constant 0 : i32
      %dma_wait3A_108 = tpu.memref_slice %dma_wait3A_106[%add3A_90, %dma_wait3A_107] : memref<10112x128xf32, #tpu.memory_space<hbm>> -> memref<160x128xf32, #tpu.memory_space<hbm>>
      %dma_wait3A_109 = arith.constant 0 : i32
      %dma_wait3A_110 = tpu.memref_slice %arg10[%add3A_88, %dma_wait3A_109] : memref<10112x128xf32, #tpu.memory_space<vmem_shared>> -> memref<160x128xf32, #tpu.memory_space<vmem_shared>>
      tpu.wait_dma2 semaphore(%run_scoped3A : memref<!tpu.dma_semaphore, #tpu.memory_space<semaphore_mem>>) src(%dma_wait3A_110 : memref<160x128xf32, #tpu.memory_space<vmem_shared>>) dst(%dma_wait3A_108 : memref<160x128xf32, #tpu.memory_space<hbm>>)
      tpu.yield
    }) : () -> ()
    %add3A_91 = arith.constant 480 : i32
    %add3A_92 = arith.addi %mul3A_8, %add3A_91 : i32
    %add3A_93 = arith.constant 480 : i32
    %add3A_94 = arith.addi %mul3A_8, %add3A_93 : i32
    "tpu.region"() ({
      %run_scoped3A = tpu.sem_alloc : memref<!tpu.dma_semaphore, #tpu.memory_space<semaphore_mem>>
      %dma_start3A_95 = arith.constant 0 : i32
      %dma_start3A_96 = arith.constant 0 : i32
      %dma_start3A_97 = tpu.memref_slice %arg5[%arg0, %dma_start3A_95, %dma_start3A_96] : memref<2x10112x128xf32, #tpu.memory_space<hbm>> -> memref<1x10112x128xf32, #tpu.memory_space<hbm>>
      %dma_start3A_98 = tpu.memref_squeeze %dma_start3A_97 : memref<1x10112x128xf32, #tpu.memory_space<hbm>> -> memref<10112x128xf32, #tpu.memory_space<hbm>>
      %dma_start3A_99 = arith.constant 0 : i32
      %dma_start3A_100 = tpu.memref_slice %dma_start3A_98[%add3A_94, %dma_start3A_99] : memref<10112x128xf32, #tpu.memory_space<hbm>> -> memref<152x128xf32, #tpu.memory_space<hbm>>
      %dma_start3A_101 = arith.constant 0 : i32
      %dma_start3A_102 = tpu.memref_slice %arg10[%add3A_92, %dma_start3A_101] : memref<10112x128xf32, #tpu.memory_space<vmem_shared>> -> memref<152x128xf32, #tpu.memory_space<vmem_shared>>
      tpu.enqueue_dma source(%dma_start3A_102 : memref<152x128xf32, #tpu.memory_space<vmem_shared>>) target(%dma_start3A_100 : memref<152x128xf32, #tpu.memory_space<hbm>>) target_semaphore(%run_scoped3A : memref<!tpu.dma_semaphore, #tpu.memory_space<semaphore_mem>>)
      %dma_wait3A_103 = arith.constant 0 : i32
      %dma_wait3A_104 = arith.constant 0 : i32
      %dma_wait3A_105 = tpu.memref_slice %arg5[%arg0, %dma_wait3A_103, %dma_wait3A_104] : memref<2x10112x128xf32, #tpu.memory_space<hbm>> -> memref<1x10112x128xf32, #tpu.memory_space<hbm>>
      %dma_wait3A_106 = tpu.memref_squeeze %dma_wait3A_105 : memref<1x10112x128xf32, #tpu.memory_space<hbm>> -> memref<10112x128xf32, #tpu.memory_space<hbm>>
      %dma_wait3A_107 = arith.constant 0 : i32
      %dma_wait3A_108 = tpu.memref_slice %dma_wait3A_106[%add3A_94, %dma_wait3A_107] : memref<10112x128xf32, #tpu.memory_space<hbm>> -> memref<152x128xf32, #tpu.memory_space<hbm>>
      %dma_wait3A_109 = arith.constant 0 : i32
      %dma_wait3A_110 = tpu.memref_slice %arg10[%add3A_92, %dma_wait3A_109] : memref<10112x128xf32, #tpu.memory_space<vmem_shared>> -> memref<152x128xf32, #tpu.memory_space<vmem_shared>>
      tpu.wait_dma2 semaphore(%run_scoped3A : memref<!tpu.dma_semaphore, #tpu.memory_space<semaphore_mem>>) src(%dma_wait3A_110 : memref<152x128xf32, #tpu.memory_space<vmem_shared>>) dst(%dma_wait3A_108 : memref<152x128xf32, #tpu.memory_space<hbm>>)
      tpu.yield
    }) : () -> ()
    return
  }
}

#map = affine_map<(d0, d1) -> (0, 0)>
#map1 = affine_map<(d0, d1) -> (0, 0, 0)>
module attributes {stable_mosaic.version = 14 : i64} {
  func.func @_sc_agg_body(%arg0: i32, %arg1: i32, %arg2: memref<40000x128xf32, #tpu.memory_space<hbm>>, %arg3: memref<32x40x128xi32, #tpu.memory_space<hbm>>, %arg4: memref<32x40x128xi32, #tpu.memory_space<hbm>>, %arg5: memref<2x10112x128xf32, #tpu.memory_space<hbm>>, %arg6: memref<40x128xi32, #tpu.memory_space<vmem>>, %arg7: memref<40x128xi32, #tpu.memory_space<vmem>>, %arg8: memref<2x128x128xf32, #tpu.memory_space<vmem>>, %arg9: memref<32x128xf32, #tpu.memory_space<vmem>>, %arg10: memref<10112x128xf32, #tpu.memory_space<vmem_shared>>, %arg11: memref<!tpu.dma_semaphore, #tpu.memory_space<semaphore_mem>>, %arg12: memref<!tpu.dma_semaphore, #tpu.memory_space<semaphore_mem>>) attributes {dimension_semantics = [#tpu.dimension_semantics<core_parallel>, #tpu.dimension_semantics<subcore_parallel>], iteration_bounds = array<i64: 2, 16>, scalar_prefetch = 0 : i64, scratch_operands = 7 : i64, tpu.core_type = #tpu.core_type<sc_vector_subcore>, window_params = [{transform_indices = #map}, {transform_indices = #map1}, {transform_indices = #map1}, {transform_indices = #map1}]} {
    %mul3A = arith.constant 16 : i32
    %mul3A_0 = arith.muli %arg0, %mul3A : i32
    %add3A = arith.addi %mul3A_0, %arg1 : i32
    "tpu.region"() ({
      %run_scoped3A = tpu.sem_alloc : memref<!tpu.dma_semaphore, #tpu.memory_space<semaphore_mem>>
      %dma_start3A_95 = arith.constant 0 : i32
      %dma_start3A_96 = arith.constant 0 : i32
      %dma_start3A_97 = tpu.memref_slice %arg3[%add3A, %dma_start3A_95, %dma_start3A_96] : memref<32x40x128xi32, #tpu.memory_space<hbm>> -> memref<1x40x128xi32, #tpu.memory_space<hbm>>
      %dma_start3A_98 = tpu.memref_squeeze %dma_start3A_97 : memref<1x40x128xi32, #tpu.memory_space<hbm>> -> memref<40x128xi32, #tpu.memory_space<hbm>>
      %dma_start3A_99 = arith.constant 0 : i32
      %dma_start3A_100 = arith.constant 0 : i32
      %dma_start3A_101 = tpu.memref_slice %arg3[%add3A, %dma_start3A_99, %dma_start3A_100] : memref<32x40x128xi32, #tpu.memory_space<hbm>> -> memref<1x40x128xi32, #tpu.memory_space<hbm>>
      %dma_start3A_102 = tpu.memref_squeeze %dma_start3A_101 : memref<1x40x128xi32, #tpu.memory_space<hbm>> -> memref<40x128xi32, #tpu.memory_space<hbm>>
      tpu.enqueue_dma source(%dma_start3A_102 : memref<40x128xi32, #tpu.memory_space<hbm>>) target(%arg6 : memref<40x128xi32, #tpu.memory_space<vmem>>) target_semaphore(%run_scoped3A : memref<!tpu.dma_semaphore, #tpu.memory_space<semaphore_mem>>)
      %dma_wait3A_103 = arith.constant 0 : i32
      %dma_wait3A_104 = arith.constant 0 : i32
      %dma_wait3A_105 = tpu.memref_slice %arg3[%add3A, %dma_wait3A_103, %dma_wait3A_104] : memref<32x40x128xi32, #tpu.memory_space<hbm>> -> memref<1x40x128xi32, #tpu.memory_space<hbm>>
      %dma_wait3A_106 = tpu.memref_squeeze %dma_wait3A_105 : memref<1x40x128xi32, #tpu.memory_space<hbm>> -> memref<40x128xi32, #tpu.memory_space<hbm>>
      %dma_wait3A_107 = arith.constant 0 : i32
      %dma_wait3A_108 = arith.constant 0 : i32
      %dma_wait3A_109 = tpu.memref_slice %arg3[%add3A, %dma_wait3A_107, %dma_wait3A_108] : memref<32x40x128xi32, #tpu.memory_space<hbm>> -> memref<1x40x128xi32, #tpu.memory_space<hbm>>
      %dma_wait3A_110 = tpu.memref_squeeze %dma_wait3A_109 : memref<1x40x128xi32, #tpu.memory_space<hbm>> -> memref<40x128xi32, #tpu.memory_space<hbm>>
      tpu.wait_dma2 semaphore(%run_scoped3A : memref<!tpu.dma_semaphore, #tpu.memory_space<semaphore_mem>>) src(%dma_wait3A_110 : memref<40x128xi32, #tpu.memory_space<hbm>>) dst(%arg6 : memref<40x128xi32, #tpu.memory_space<vmem>>)
      tpu.yield
    }) : () -> ()
    "tpu.region"() ({
      %run_scoped3A = tpu.sem_alloc : memref<!tpu.dma_semaphore, #tpu.memory_space<semaphore_mem>>
      %dma_start3A_95 = arith.constant 0 : i32
      %dma_start3A_96 = arith.constant 0 : i32
      %dma_start3A_97 = tpu.memref_slice %arg4[%add3A, %dma_start3A_95, %dma_start3A_96] : memref<32x40x128xi32, #tpu.memory_space<hbm>> -> memref<1x40x128xi32, #tpu.memory_space<hbm>>
      %dma_start3A_98 = tpu.memref_squeeze %dma_start3A_97 : memref<1x40x128xi32, #tpu.memory_space<hbm>> -> memref<40x128xi32, #tpu.memory_space<hbm>>
      %dma_start3A_99 = arith.constant 0 : i32
      %dma_start3A_100 = arith.constant 0 : i32
      %dma_start3A_101 = tpu.memref_slice %arg4[%add3A, %dma_start3A_99, %dma_start3A_100] : memref<32x40x128xi32, #tpu.memory_space<hbm>> -> memref<1x40x128xi32, #tpu.memory_space<hbm>>
      %dma_start3A_102 = tpu.memref_squeeze %dma_start3A_101 : memref<1x40x128xi32, #tpu.memory_space<hbm>> -> memref<40x128xi32, #tpu.memory_space<hbm>>
      tpu.enqueue_dma source(%dma_start3A_102 : memref<40x128xi32, #tpu.memory_space<hbm>>) target(%arg7 : memref<40x128xi32, #tpu.memory_space<vmem>>) target_semaphore(%run_scoped3A : memref<!tpu.dma_semaphore, #tpu.memory_space<semaphore_mem>>)
      %dma_wait3A_103 = arith.constant 0 : i32
      %dma_wait3A_104 = arith.constant 0 : i32
      %dma_wait3A_105 = tpu.memref_slice %arg4[%add3A, %dma_wait3A_103, %dma_wait3A_104] : memref<32x40x128xi32, #tpu.memory_space<hbm>> -> memref<1x40x128xi32, #tpu.memory_space<hbm>>
      %dma_wait3A_106 = tpu.memref_squeeze %dma_wait3A_105 : memref<1x40x128xi32, #tpu.memory_space<hbm>> -> memref<40x128xi32, #tpu.memory_space<hbm>>
      %dma_wait3A_107 = arith.constant 0 : i32
      %dma_wait3A_108 = arith.constant 0 : i32
      %dma_wait3A_109 = tpu.memref_slice %arg4[%add3A, %dma_wait3A_107, %dma_wait3A_108] : memref<32x40x128xi32, #tpu.memory_space<hbm>> -> memref<1x40x128xi32, #tpu.memory_space<hbm>>
      %dma_wait3A_110 = tpu.memref_squeeze %dma_wait3A_109 : memref<1x40x128xi32, #tpu.memory_space<hbm>> -> memref<40x128xi32, #tpu.memory_space<hbm>>
      tpu.wait_dma2 semaphore(%run_scoped3A : memref<!tpu.dma_semaphore, #tpu.memory_space<semaphore_mem>>) src(%dma_wait3A_110 : memref<40x128xi32, #tpu.memory_space<hbm>>) dst(%arg7 : memref<40x128xi32, #tpu.memory_space<vmem>>)
      tpu.yield
    }) : () -> ()
    %scan3A = arith.constant 0 : i32
    %scan3A_1 = arith.constant 0 : i32
    %scan3A_2 = arith.constant 32 : i32
    %scan3A_3 = arith.addi %scan3A_1, %scan3A_2 : i32
    %scan3A_4 = arith.constant 1 : i32
    %scan3A_5 = scf.for %scan3A_95 = %scan3A_1 to %scan3A_3 step %scan3A_4 iter_args(%scan3A_96 = %scan3A) -> (i32)  : i32 {
      %broadcast_in_dim3A = arith.constant 0.000000e+00 : f32
      %broadcast_in_dim3A_97 = vector.broadcast %broadcast_in_dim3A : f32 to vector<16xf32>
      %swap3A = arith.index_cast %scan3A_95 : i32 to index
      %swap3A_98 = arith.constant 0 : index
      %swap3A_99 = tpu.vector_load %arg9[%swap3A, %swap3A_98] {strides = array<i32>} : memref<32x128xf32, #tpu.memory_space<vmem>>, vector<1x16xf32>,
      %swap3A_100 = vector.shape_cast %swap3A_99 : vector<1x16xf32> to vector<16xf32>
      %swap3A_101 = vector.shape_cast %broadcast_in_dim3A_97 : vector<16xf32> to vector<1x16xf32>
      tpu.vector_store %arg9[%swap3A, %swap3A_98], %swap3A_101 {strides = array<i32>} : memref<32x128xf32, #tpu.memory_space<vmem>>, vector<1x16xf32>,
      %broadcast_in_dim3A_102 = arith.constant 0.000000e+00 : f32
      %broadcast_in_dim3A_103 = vector.broadcast %broadcast_in_dim3A_102 : f32 to vector<16xf32>
      %swap3A_104 = arith.index_cast %scan3A_95 : i32 to index
      %swap3A_105 = arith.constant 16 : index
      %swap3A_106 = tpu.vector_load %arg9[%swap3A_104, %swap3A_105] {strides = array<i32>} : memref<32x128xf32, #tpu.memory_space<vmem>>, vector<1x16xf32>,
      %swap3A_107 = vector.shape_cast %swap3A_106 : vector<1x16xf32> to vector<16xf32>
      %swap3A_108 = vector.shape_cast %broadcast_in_dim3A_103 : vector<16xf32> to vector<1x16xf32>
      tpu.vector_store %arg9[%swap3A_104, %swap3A_105], %swap3A_108 {strides = array<i32>} : memref<32x128xf32, #tpu.memory_space<vmem>>, vector<1x16xf32>,
      %broadcast_in_dim3A_109 = arith.constant 0.000000e+00 : f32
      %broadcast_in_dim3A_110 = vector.broadcast %broadcast_in_dim3A_109 : f32 to vector<16xf32>
      %swap3A_111 = arith.index_cast %scan3A_95 : i32 to index
      %swap3A_112 = arith.constant 32 : index
      %swap3A_113 = tpu.vector_load %arg9[%swap3A_111, %swap3A_112] {strides = array<i32>} : memref<32x128xf32, #tpu.memory_space<vmem>>, vector<1x16xf32>,
      %swap3A_114 = vector.shape_cast %swap3A_113 : vector<1x16xf32> to vector<16xf32>
      %swap3A_115 = vector.shape_cast %broadcast_in_dim3A_110 : vector<16xf32> to vector<1x16xf32>
      tpu.vector_store %arg9[%swap3A_111, %swap3A_112], %swap3A_115 {strides = array<i32>} : memref<32x128xf32, #tpu.memory_space<vmem>>, vector<1x16xf32>,
      %broadcast_in_dim3A_116 = arith.constant 0.000000e+00 : f32
      %broadcast_in_dim3A_117 = vector.broadcast %broadcast_in_dim3A_116 : f32 to vector<16xf32>
      %swap3A_118 = arith.index_cast %scan3A_95 : i32 to index
      %swap3A_119 = arith.constant 48 : index
      %swap3A_120 = tpu.vector_load %arg9[%swap3A_118, %swap3A_119] {strides = array<i32>} : memref<32x128xf32, #tpu.memory_space<vmem>>, vector<1x16xf32>,
      %swap3A_121 = vector.shape_cast %swap3A_120 : vector<1x16xf32> to vector<16xf32>
      %swap3A_122 = vector.shape_cast %broadcast_in_dim3A_117 : vector<16xf32> to vector<1x16xf32>
      tpu.vector_store %arg9[%swap3A_118, %swap3A_119], %swap3A_122 {strides = array<i32>} : memref<32x128xf32, #tpu.memory_space<vmem>>, vector<1x16xf32>,
      %broadcast_in_dim3A_123 = arith.constant 0.000000e+00 : f32
      %broadcast_in_dim3A_124 = vector.broadcast %broadcast_in_dim3A_123 : f32 to vector<16xf32>
      %swap3A_125 = arith.index_cast %scan3A_95 : i32 to index
      %swap3A_126 = arith.constant 64 : index
      %swap3A_127 = tpu.vector_load %arg9[%swap3A_125, %swap3A_126] {strides = array<i32>} : memref<32x128xf32, #tpu.memory_space<vmem>>, vector<1x16xf32>,
      %swap3A_128 = vector.shape_cast %swap3A_127 : vector<1x16xf32> to vector<16xf32>
      %swap3A_129 = vector.shape_cast %broadcast_in_dim3A_124 : vector<16xf32> to vector<1x16xf32>
      tpu.vector_store %arg9[%swap3A_125, %swap3A_126], %swap3A_129 {strides = array<i32>} : memref<32x128xf32, #tpu.memory_space<vmem>>, vector<1x16xf32>,
      %broadcast_in_dim3A_130 = arith.constant 0.000000e+00 : f32
      %broadcast_in_dim3A_131 = vector.broadcast %broadcast_in_dim3A_130 : f32 to vector<16xf32>
      %swap3A_132 = arith.index_cast %scan3A_95 : i32 to index
      %swap3A_133 = arith.constant 80 : index
      %swap3A_134 = tpu.vector_load %arg9[%swap3A_132, %swap3A_133] {strides = array<i32>} : memref<32x128xf32, #tpu.memory_space<vmem>>, vector<1x16xf32>,
      %swap3A_135 = vector.shape_cast %swap3A_134 : vector<1x16xf32> to vector<16xf32>
      %swap3A_136 = vector.shape_cast %broadcast_in_dim3A_131 : vector<16xf32> to vector<1x16xf32>
      tpu.vector_store %arg9[%swap3A_132, %swap3A_133], %swap3A_136 {strides = array<i32>} : memref<32x128xf32, #tpu.memory_space<vmem>>, vector<1x16xf32>,
      %broadcast_in_dim3A_137 = arith.constant 0.000000e+00 : f32
      %broadcast_in_dim3A_138 = vector.broadcast %broadcast_in_dim3A_137 : f32 to vector<16xf32>
      %swap3A_139 = arith.index_cast %scan3A_95 : i32 to index
      %swap3A_140 = arith.constant 96 : index
      %swap3A_141 = tpu.vector_load %arg9[%swap3A_139, %swap3A_140] {strides = array<i32>} : memref<32x128xf32, #tpu.memory_space<vmem>>, vector<1x16xf32>,
      %swap3A_142 = vector.shape_cast %swap3A_141 : vector<1x16xf32> to vector<16xf32>
      %swap3A_143 = vector.shape_cast %broadcast_in_dim3A_138 : vector<16xf32> to vector<1x16xf32>
      tpu.vector_store %arg9[%swap3A_139, %swap3A_140], %swap3A_143 {strides = array<i32>} : memref<32x128xf32, #tpu.memory_space<vmem>>, vector<1x16xf32>,
      %broadcast_in_dim3A_144 = arith.constant 0.000000e+00 : f32
      %broadcast_in_dim3A_145 = vector.broadcast %broadcast_in_dim3A_144 : f32 to vector<16xf32>
      %swap3A_146 = arith.index_cast %scan3A_95 : i32 to index
      %swap3A_147 = arith.constant 112 : index
      %swap3A_148 = tpu.vector_load %arg9[%swap3A_146, %swap3A_147] {strides = array<i32>} : memref<32x128xf32, #tpu.memory_space<vmem>>, vector<1x16xf32>,
      %swap3A_149 = vector.shape_cast %swap3A_148 : vector<1x16xf32> to vector<16xf32>
      %swap3A_150 = vector.shape_cast %broadcast_in_dim3A_145 : vector<16xf32> to vector<1x16xf32>
      tpu.vector_store %arg9[%swap3A_146, %swap3A_147], %swap3A_150 {strides = array<i32>} : memref<32x128xf32, #tpu.memory_space<vmem>>, vector<1x16xf32>,
      %scan3A_151 = arith.constant 0 : i32
      scf.yield %scan3A_151 : i32
    }
    %scan3A_6 = arith.constant 32 : i32
    %mul3A_7 = arith.constant 632 : i32
    %mul3A_8 = arith.muli %arg1, %mul3A_7 : i32
    %add3A_9 = arith.constant 0 : i32
    %add3A_10 = arith.addi %mul3A_8, %add3A_9 : i32
    "tpu.region"() ({
      %run_scoped3A = tpu.sem_alloc : memref<!tpu.dma_semaphore, #tpu.memory_space<semaphore_mem>>
      %dma_start3A_95 = arith.constant 0 : i32
      %dma_start3A_96 = tpu.memref_slice %arg10[%add3A_10, %dma_start3A_95] : memref<10112x128xf32, #tpu.memory_space<vmem_shared>> -> memref<32x128xf32, #tpu.memory_space<vmem_shared>>
      %dma_start3A_97 = arith.constant 0 : i32
      %dma_start3A_98 = tpu.memref_slice %arg10[%add3A_10, %dma_start3A_97] : memref<10112x128xf32, #tpu.memory_space<vmem_shared>> -> memref<32x128xf32, #tpu.memory_space<vmem_shared>>
      tpu.enqueue_dma source(%arg9 : memref<32x128xf32, #tpu.memory_space<vmem>>) target(%dma_start3A_98 : memref<32x128xf32, #tpu.memory_space<vmem_shared>>) target_semaphore(%run_scoped3A : memref<!tpu.dma_semaphore, #tpu.memory_space<semaphore_mem>>)
      %dma_wait3A_99 = arith.constant 0 : i32
      %dma_wait3A_100 = tpu.memref_slice %arg10[%add3A_10, %dma_wait3A_99] : memref<10112x128xf32, #tpu.memory_space<vmem_shared>> -> memref<32x128xf32, #tpu.memory_space<vmem_shared>>
      %dma_wait3A_101 = arith.constant 0 : i32
      %dma_wait3A_102 = tpu.memref_slice %arg10[%add3A_10, %dma_wait3A_101] : memref<10112x128xf32, #tpu.memory_space<vmem_shared>> -> memref<32x128xf32, #tpu.memory_space<vmem_shared>>
      tpu.wait_dma2 semaphore(%run_scoped3A : memref<!tpu.dma_semaphore, #tpu.memory_space<semaphore_mem>>) src(%arg9 : memref<32x128xf32, #tpu.memory_space<vmem>>) dst(%dma_wait3A_102 : memref<32x128xf32, #tpu.memory_space<vmem_shared>>)
      tpu.yield
    }) : () -> ()
    %add3A_11 = arith.constant 32 : i32
    %add3A_12 = arith.addi %mul3A_8, %add3A_11 : i32
    "tpu.region"() ({
      %run_scoped3A = tpu.sem_alloc : memref<!tpu.dma_semaphore, #tpu.memory_space<semaphore_mem>>
      %dma_start3A_95 = arith.constant 0 : i32
      %dma_start3A_96 = tpu.memref_slice %arg10[%add3A_12, %dma_start3A_95] : memref<10112x128xf32, #tpu.memory_space<vmem_shared>> -> memref<32x128xf32, #tpu.memory_space<vmem_shared>>
      %dma_start3A_97 = arith.constant 0 : i32
      %dma_start3A_98 = tpu.memref_slice %arg10[%add3A_12, %dma_start3A_97] : memref<10112x128xf32, #tpu.memory_space<vmem_shared>> -> memref<32x128xf32, #tpu.memory_space<vmem_shared>>
      tpu.enqueue_dma source(%arg9 : memref<32x128xf32, #tpu.memory_space<vmem>>) target(%dma_start3A_98 : memref<32x128xf32, #tpu.memory_space<vmem_shared>>) target_semaphore(%run_scoped3A : memref<!tpu.dma_semaphore, #tpu.memory_space<semaphore_mem>>)
      %dma_wait3A_99 = arith.constant 0 : i32
      %dma_wait3A_100 = tpu.memref_slice %arg10[%add3A_12, %dma_wait3A_99] : memref<10112x128xf32, #tpu.memory_space<vmem_shared>> -> memref<32x128xf32, #tpu.memory_space<vmem_shared>>
      %dma_wait3A_101 = arith.constant 0 : i32
      %dma_wait3A_102 = tpu.memref_slice %arg10[%add3A_12, %dma_wait3A_101] : memref<10112x128xf32, #tpu.memory_space<vmem_shared>> -> memref<32x128xf32, #tpu.memory_space<vmem_shared>>
      tpu.wait_dma2 semaphore(%run_scoped3A : memref<!tpu.dma_semaphore, #tpu.memory_space<semaphore_mem>>) src(%arg9 : memref<32x128xf32, #tpu.memory_space<vmem>>) dst(%dma_wait3A_102 : memref<32x128xf32, #tpu.memory_space<vmem_shared>>)
      tpu.yield
    }) : () -> ()
    %add3A_13 = arith.constant 64 : i32
    %add3A_14 = arith.addi %mul3A_8, %add3A_13 : i32
    "tpu.region"() ({
      %run_scoped3A = tpu.sem_alloc : memref<!tpu.dma_semaphore, #tpu.memory_space<semaphore_mem>>
      %dma_start3A_95 = arith.constant 0 : i32
      %dma_start3A_96 = tpu.memref_slice %arg10[%add3A_14, %dma_start3A_95] : memref<10112x128xf32, #tpu.memory_space<vmem_shared>> -> memref<32x128xf32, #tpu.memory_space<vmem_shared>>
      %dma_start3A_97 = arith.constant 0 : i32
      %dma_start3A_98 = tpu.memref_slice %arg10[%add3A_14, %dma_start3A_97] : memref<10112x128xf32, #tpu.memory_space<vmem_shared>> -> memref<32x128xf32, #tpu.memory_space<vmem_shared>>
      tpu.enqueue_dma source(%arg9 : memref<32x128xf32, #tpu.memory_space<vmem>>) target(%dma_start3A_98 : memref<32x128xf32, #tpu.memory_space<vmem_shared>>) target_semaphore(%run_scoped3A : memref<!tpu.dma_semaphore, #tpu.memory_space<semaphore_mem>>)
      %dma_wait3A_99 = arith.constant 0 : i32
      %dma_wait3A_100 = tpu.memref_slice %arg10[%add3A_14, %dma_wait3A_99] : memref<10112x128xf32, #tpu.memory_space<vmem_shared>> -> memref<32x128xf32, #tpu.memory_space<vmem_shared>>
      %dma_wait3A_101 = arith.constant 0 : i32
      %dma_wait3A_102 = tpu.memref_slice %arg10[%add3A_14, %dma_wait3A_101] : memref<10112x128xf32, #tpu.memory_space<vmem_shared>> -> memref<32x128xf32, #tpu.memory_space<vmem_shared>>
      tpu.wait_dma2 semaphore(%run_scoped3A : memref<!tpu.dma_semaphore, #tpu.memory_space<semaphore_mem>>) src(%arg9 : memref<32x128xf32, #tpu.memory_space<vmem>>) dst(%dma_wait3A_102 : memref<32x128xf32, #tpu.memory_space<vmem_shared>>)
      tpu.yield
    }) : () -> ()
    %add3A_15 = arith.constant 96 : i32
    %add3A_16 = arith.addi %mul3A_8, %add3A_15 : i32
    "tpu.region"() ({
      %run_scoped3A = tpu.sem_alloc : memref<!tpu.dma_semaphore, #tpu.memory_space<semaphore_mem>>
      %dma_start3A_95 = arith.constant 0 : i32
      %dma_start3A_96 = tpu.memref_slice %arg10[%add3A_16, %dma_start3A_95] : memref<10112x128xf32, #tpu.memory_space<vmem_shared>> -> memref<32x128xf32, #tpu.memory_space<vmem_shared>>
      %dma_start3A_97 = arith.constant 0 : i32
      %dma_start3A_98 = tpu.memref_slice %arg10[%add3A_16, %dma_start3A_97] : memref<10112x128xf32, #tpu.memory_space<vmem_shared>> -> memref<32x128xf32, #tpu.memory_space<vmem_shared>>
      tpu.enqueue_dma source(%arg9 : memref<32x128xf32, #tpu.memory_space<vmem>>) target(%dma_start3A_98 : memref<32x128xf32, #tpu.memory_space<vmem_shared>>) target_semaphore(%run_scoped3A : memref<!tpu.dma_semaphore, #tpu.memory_space<semaphore_mem>>)
      %dma_wait3A_99 = arith.constant 0 : i32
      %dma_wait3A_100 = tpu.memref_slice %arg10[%add3A_16, %dma_wait3A_99] : memref<10112x128xf32, #tpu.memory_space<vmem_shared>> -> memref<32x128xf32, #tpu.memory_space<vmem_shared>>
      %dma_wait3A_101 = arith.constant 0 : i32
      %dma_wait3A_102 = tpu.memref_slice %arg10[%add3A_16, %dma_wait3A_101] : memref<10112x128xf32, #tpu.memory_space<vmem_shared>> -> memref<32x128xf32, #tpu.memory_space<vmem_shared>>
      tpu.wait_dma2 semaphore(%run_scoped3A : memref<!tpu.dma_semaphore, #tpu.memory_space<semaphore_mem>>) src(%arg9 : memref<32x128xf32, #tpu.memory_space<vmem>>) dst(%dma_wait3A_102 : memref<32x128xf32, #tpu.memory_space<vmem_shared>>)
      tpu.yield
    }) : () -> ()
    %add3A_17 = arith.constant 128 : i32
    %add3A_18 = arith.addi %mul3A_8, %add3A_17 : i32
    "tpu.region"() ({
      %run_scoped3A = tpu.sem_alloc : memref<!tpu.dma_semaphore, #tpu.memory_space<semaphore_mem>>
      %dma_start3A_95 = arith.constant 0 : i32
      %dma_start3A_96 = tpu.memref_slice %arg10[%add3A_18, %dma_start3A_95] : memref<10112x128xf32, #tpu.memory_space<vmem_shared>> -> memref<32x128xf32, #tpu.memory_space<vmem_shared>>
      %dma_start3A_97 = arith.constant 0 : i32
      %dma_start3A_98 = tpu.memref_slice %arg10[%add3A_18, %dma_start3A_97] : memref<10112x128xf32, #tpu.memory_space<vmem_shared>> -> memref<32x128xf32, #tpu.memory_space<vmem_shared>>
      tpu.enqueue_dma source(%arg9 : memref<32x128xf32, #tpu.memory_space<vmem>>) target(%dma_start3A_98 : memref<32x128xf32, #tpu.memory_space<vmem_shared>>) target_semaphore(%run_scoped3A : memref<!tpu.dma_semaphore, #tpu.memory_space<semaphore_mem>>)
      %dma_wait3A_99 = arith.constant 0 : i32
      %dma_wait3A_100 = tpu.memref_slice %arg10[%add3A_18, %dma_wait3A_99] : memref<10112x128xf32, #tpu.memory_space<vmem_shared>> -> memref<32x128xf32, #tpu.memory_space<vmem_shared>>
      %dma_wait3A_101 = arith.constant 0 : i32
      %dma_wait3A_102 = tpu.memref_slice %arg10[%add3A_18, %dma_wait3A_101] : memref<10112x128xf32, #tpu.memory_space<vmem_shared>> -> memref<32x128xf32, #tpu.memory_space<vmem_shared>>
      tpu.wait_dma2 semaphore(%run_scoped3A : memref<!tpu.dma_semaphore, #tpu.memory_space<semaphore_mem>>) src(%arg9 : memref<32x128xf32, #tpu.memory_space<vmem>>) dst(%dma_wait3A_102 : memref<32x128xf32, #tpu.memory_space<vmem_shared>>)
      tpu.yield
    }) : () -> ()
    %add3A_19 = arith.constant 160 : i32
    %add3A_20 = arith.addi %mul3A_8, %add3A_19 : i32
    "tpu.region"() ({
      %run_scoped3A = tpu.sem_alloc : memref<!tpu.dma_semaphore, #tpu.memory_space<semaphore_mem>>
      %dma_start3A_95 = arith.constant 0 : i32
      %dma_start3A_96 = tpu.memref_slice %arg10[%add3A_20, %dma_start3A_95] : memref<10112x128xf32, #tpu.memory_space<vmem_shared>> -> memref<32x128xf32, #tpu.memory_space<vmem_shared>>
      %dma_start3A_97 = arith.constant 0 : i32
      %dma_start3A_98 = tpu.memref_slice %arg10[%add3A_20, %dma_start3A_97] : memref<10112x128xf32, #tpu.memory_space<vmem_shared>> -> memref<32x128xf32, #tpu.memory_space<vmem_shared>>
      tpu.enqueue_dma source(%arg9 : memref<32x128xf32, #tpu.memory_space<vmem>>) target(%dma_start3A_98 : memref<32x128xf32, #tpu.memory_space<vmem_shared>>) target_semaphore(%run_scoped3A : memref<!tpu.dma_semaphore, #tpu.memory_space<semaphore_mem>>)
      %dma_wait3A_99 = arith.constant 0 : i32
      %dma_wait3A_100 = tpu.memref_slice %arg10[%add3A_20, %dma_wait3A_99] : memref<10112x128xf32, #tpu.memory_space<vmem_shared>> -> memref<32x128xf32, #tpu.memory_space<vmem_shared>>
      %dma_wait3A_101 = arith.constant 0 : i32
      %dma_wait3A_102 = tpu.memref_slice %arg10[%add3A_20, %dma_wait3A_101] : memref<10112x128xf32, #tpu.memory_space<vmem_shared>> -> memref<32x128xf32, #tpu.memory_space<vmem_shared>>
      tpu.wait_dma2 semaphore(%run_scoped3A : memref<!tpu.dma_semaphore, #tpu.memory_space<semaphore_mem>>) src(%arg9 : memref<32x128xf32, #tpu.memory_space<vmem>>) dst(%dma_wait3A_102 : memref<32x128xf32, #tpu.memory_space<vmem_shared>>)
      tpu.yield
    }) : () -> ()
    %add3A_21 = arith.constant 192 : i32
    %add3A_22 = arith.addi %mul3A_8, %add3A_21 : i32
    "tpu.region"() ({
      %run_scoped3A = tpu.sem_alloc : memref<!tpu.dma_semaphore, #tpu.memory_space<semaphore_mem>>
      %dma_start3A_95 = arith.constant 0 : i32
      %dma_start3A_96 = tpu.memref_slice %arg10[%add3A_22, %dma_start3A_95] : memref<10112x128xf32, #tpu.memory_space<vmem_shared>> -> memref<32x128xf32, #tpu.memory_space<vmem_shared>>
      %dma_start3A_97 = arith.constant 0 : i32
      %dma_start3A_98 = tpu.memref_slice %arg10[%add3A_22, %dma_start3A_97] : memref<10112x128xf32, #tpu.memory_space<vmem_shared>> -> memref<32x128xf32, #tpu.memory_space<vmem_shared>>
      tpu.enqueue_dma source(%arg9 : memref<32x128xf32, #tpu.memory_space<vmem>>) target(%dma_start3A_98 : memref<32x128xf32, #tpu.memory_space<vmem_shared>>) target_semaphore(%run_scoped3A : memref<!tpu.dma_semaphore, #tpu.memory_space<semaphore_mem>>)
      %dma_wait3A_99 = arith.constant 0 : i32
      %dma_wait3A_100 = tpu.memref_slice %arg10[%add3A_22, %dma_wait3A_99] : memref<10112x128xf32, #tpu.memory_space<vmem_shared>> -> memref<32x128xf32, #tpu.memory_space<vmem_shared>>
      %dma_wait3A_101 = arith.constant 0 : i32
      %dma_wait3A_102 = tpu.memref_slice %arg10[%add3A_22, %dma_wait3A_101] : memref<10112x128xf32, #tpu.memory_space<vmem_shared>> -> memref<32x128xf32, #tpu.memory_space<vmem_shared>>
      tpu.wait_dma2 semaphore(%run_scoped3A : memref<!tpu.dma_semaphore, #tpu.memory_space<semaphore_mem>>) src(%arg9 : memref<32x128xf32, #tpu.memory_space<vmem>>) dst(%dma_wait3A_102 : memref<32x128xf32, #tpu.memory_space<vmem_shared>>)
      tpu.yield
    }) : () -> ()
    %add3A_23 = arith.constant 224 : i32
    %add3A_24 = arith.addi %mul3A_8, %add3A_23 : i32
    "tpu.region"() ({
      %run_scoped3A = tpu.sem_alloc : memref<!tpu.dma_semaphore, #tpu.memory_space<semaphore_mem>>
      %dma_start3A_95 = arith.constant 0 : i32
      %dma_start3A_96 = tpu.memref_slice %arg10[%add3A_24, %dma_start3A_95] : memref<10112x128xf32, #tpu.memory_space<vmem_shared>> -> memref<32x128xf32, #tpu.memory_space<vmem_shared>>
      %dma_start3A_97 = arith.constant 0 : i32
      %dma_start3A_98 = tpu.memref_slice %arg10[%add3A_24, %dma_start3A_97] : memref<10112x128xf32, #tpu.memory_space<vmem_shared>> -> memref<32x128xf32, #tpu.memory_space<vmem_shared>>
      tpu.enqueue_dma source(%arg9 : memref<32x128xf32, #tpu.memory_space<vmem>>) target(%dma_start3A_98 : memref<32x128xf32, #tpu.memory_space<vmem_shared>>) target_semaphore(%run_scoped3A : memref<!tpu.dma_semaphore, #tpu.memory_space<semaphore_mem>>)
      %dma_wait3A_99 = arith.constant 0 : i32
      %dma_wait3A_100 = tpu.memref_slice %arg10[%add3A_24, %dma_wait3A_99] : memref<10112x128xf32, #tpu.memory_space<vmem_shared>> -> memref<32x128xf32, #tpu.memory_space<vmem_shared>>
      %dma_wait3A_101 = arith.constant 0 : i32
      %dma_wait3A_102 = tpu.memref_slice %arg10[%add3A_24, %dma_wait3A_101] : memref<10112x128xf32, #tpu.memory_space<vmem_shared>> -> memref<32x128xf32, #tpu.memory_space<vmem_shared>>
      tpu.wait_dma2 semaphore(%run_scoped3A : memref<!tpu.dma_semaphore, #tpu.memory_space<semaphore_mem>>) src(%arg9 : memref<32x128xf32, #tpu.memory_space<vmem>>) dst(%dma_wait3A_102 : memref<32x128xf32, #tpu.memory_space<vmem_shared>>)
      tpu.yield
    }) : () -> ()
    %add3A_25 = arith.constant 256 : i32
    %add3A_26 = arith.addi %mul3A_8, %add3A_25 : i32
    "tpu.region"() ({
      %run_scoped3A = tpu.sem_alloc : memref<!tpu.dma_semaphore, #tpu.memory_space<semaphore_mem>>
      %dma_start3A_95 = arith.constant 0 : i32
      %dma_start3A_96 = tpu.memref_slice %arg10[%add3A_26, %dma_start3A_95] : memref<10112x128xf32, #tpu.memory_space<vmem_shared>> -> memref<32x128xf32, #tpu.memory_space<vmem_shared>>
      %dma_start3A_97 = arith.constant 0 : i32
      %dma_start3A_98 = tpu.memref_slice %arg10[%add3A_26, %dma_start3A_97] : memref<10112x128xf32, #tpu.memory_space<vmem_shared>> -> memref<32x128xf32, #tpu.memory_space<vmem_shared>>
      tpu.enqueue_dma source(%arg9 : memref<32x128xf32, #tpu.memory_space<vmem>>) target(%dma_start3A_98 : memref<32x128xf32, #tpu.memory_space<vmem_shared>>) target_semaphore(%run_scoped3A : memref<!tpu.dma_semaphore, #tpu.memory_space<semaphore_mem>>)
      %dma_wait3A_99 = arith.constant 0 : i32
      %dma_wait3A_100 = tpu.memref_slice %arg10[%add3A_26, %dma_wait3A_99] : memref<10112x128xf32, #tpu.memory_space<vmem_shared>> -> memref<32x128xf32, #tpu.memory_space<vmem_shared>>
      %dma_wait3A_101 = arith.constant 0 : i32
      %dma_wait3A_102 = tpu.memref_slice %arg10[%add3A_26, %dma_wait3A_101] : memref<10112x128xf32, #tpu.memory_space<vmem_shared>> -> memref<32x128xf32, #tpu.memory_space<vmem_shared>>
      tpu.wait_dma2 semaphore(%run_scoped3A : memref<!tpu.dma_semaphore, #tpu.memory_space<semaphore_mem>>) src(%arg9 : memref<32x128xf32, #tpu.memory_space<vmem>>) dst(%dma_wait3A_102 : memref<32x128xf32, #tpu.memory_space<vmem_shared>>)
      tpu.yield
    }) : () -> ()
    %add3A_27 = arith.constant 288 : i32
    %add3A_28 = arith.addi %mul3A_8, %add3A_27 : i32
    "tpu.region"() ({
      %run_scoped3A = tpu.sem_alloc : memref<!tpu.dma_semaphore, #tpu.memory_space<semaphore_mem>>
      %dma_start3A_95 = arith.constant 0 : i32
      %dma_start3A_96 = tpu.memref_slice %arg10[%add3A_28, %dma_start3A_95] : memref<10112x128xf32, #tpu.memory_space<vmem_shared>> -> memref<32x128xf32, #tpu.memory_space<vmem_shared>>
      %dma_start3A_97 = arith.constant 0 : i32
      %dma_start3A_98 = tpu.memref_slice %arg10[%add3A_28, %dma_start3A_97] : memref<10112x128xf32, #tpu.memory_space<vmem_shared>> -> memref<32x128xf32, #tpu.memory_space<vmem_shared>>
      tpu.enqueue_dma source(%arg9 : memref<32x128xf32, #tpu.memory_space<vmem>>) target(%dma_start3A_98 : memref<32x128xf32, #tpu.memory_space<vmem_shared>>) target_semaphore(%run_scoped3A : memref<!tpu.dma_semaphore, #tpu.memory_space<semaphore_mem>>)
      %dma_wait3A_99 = arith.constant 0 : i32
      %dma_wait3A_100 = tpu.memref_slice %arg10[%add3A_28, %dma_wait3A_99] : memref<10112x128xf32, #tpu.memory_space<vmem_shared>> -> memref<32x128xf32, #tpu.memory_space<vmem_shared>>
      %dma_wait3A_101 = arith.constant 0 : i32
      %dma_wait3A_102 = tpu.memref_slice %arg10[%add3A_28, %dma_wait3A_101] : memref<10112x128xf32, #tpu.memory_space<vmem_shared>> -> memref<32x128xf32, #tpu.memory_space<vmem_shared>>
      tpu.wait_dma2 semaphore(%run_scoped3A : memref<!tpu.dma_semaphore, #tpu.memory_space<semaphore_mem>>) src(%arg9 : memref<32x128xf32, #tpu.memory_space<vmem>>) dst(%dma_wait3A_102 : memref<32x128xf32, #tpu.memory_space<vmem_shared>>)
      tpu.yield
    }) : () -> ()
    %add3A_29 = arith.constant 320 : i32
    %add3A_30 = arith.addi %mul3A_8, %add3A_29 : i32
    "tpu.region"() ({
      %run_scoped3A = tpu.sem_alloc : memref<!tpu.dma_semaphore, #tpu.memory_space<semaphore_mem>>
      %dma_start3A_95 = arith.constant 0 : i32
      %dma_start3A_96 = tpu.memref_slice %arg10[%add3A_30, %dma_start3A_95] : memref<10112x128xf32, #tpu.memory_space<vmem_shared>> -> memref<32x128xf32, #tpu.memory_space<vmem_shared>>
      %dma_start3A_97 = arith.constant 0 : i32
      %dma_start3A_98 = tpu.memref_slice %arg10[%add3A_30, %dma_start3A_97] : memref<10112x128xf32, #tpu.memory_space<vmem_shared>> -> memref<32x128xf32, #tpu.memory_space<vmem_shared>>
      tpu.enqueue_dma source(%arg9 : memref<32x128xf32, #tpu.memory_space<vmem>>) target(%dma_start3A_98 : memref<32x128xf32, #tpu.memory_space<vmem_shared>>) target_semaphore(%run_scoped3A : memref<!tpu.dma_semaphore, #tpu.memory_space<semaphore_mem>>)
      %dma_wait3A_99 = arith.constant 0 : i32
      %dma_wait3A_100 = tpu.memref_slice %arg10[%add3A_30, %dma_wait3A_99] : memref<10112x128xf32, #tpu.memory_space<vmem_shared>> -> memref<32x128xf32, #tpu.memory_space<vmem_shared>>
      %dma_wait3A_101 = arith.constant 0 : i32
      %dma_wait3A_102 = tpu.memref_slice %arg10[%add3A_30, %dma_wait3A_101] : memref<10112x128xf32, #tpu.memory_space<vmem_shared>> -> memref<32x128xf32, #tpu.memory_space<vmem_shared>>
      tpu.wait_dma2 semaphore(%run_scoped3A : memref<!tpu.dma_semaphore, #tpu.memory_space<semaphore_mem>>) src(%arg9 : memref<32x128xf32, #tpu.memory_space<vmem>>) dst(%dma_wait3A_102 : memref<32x128xf32, #tpu.memory_space<vmem_shared>>)
      tpu.yield
    }) : () -> ()
    %add3A_31 = arith.constant 352 : i32
    %add3A_32 = arith.addi %mul3A_8, %add3A_31 : i32
    "tpu.region"() ({
      %run_scoped3A = tpu.sem_alloc : memref<!tpu.dma_semaphore, #tpu.memory_space<semaphore_mem>>
      %dma_start3A_95 = arith.constant 0 : i32
      %dma_start3A_96 = tpu.memref_slice %arg10[%add3A_32, %dma_start3A_95] : memref<10112x128xf32, #tpu.memory_space<vmem_shared>> -> memref<32x128xf32, #tpu.memory_space<vmem_shared>>
      %dma_start3A_97 = arith.constant 0 : i32
      %dma_start3A_98 = tpu.memref_slice %arg10[%add3A_32, %dma_start3A_97] : memref<10112x128xf32, #tpu.memory_space<vmem_shared>> -> memref<32x128xf32, #tpu.memory_space<vmem_shared>>
      tpu.enqueue_dma source(%arg9 : memref<32x128xf32, #tpu.memory_space<vmem>>) target(%dma_start3A_98 : memref<32x128xf32, #tpu.memory_space<vmem_shared>>) target_semaphore(%run_scoped3A : memref<!tpu.dma_semaphore, #tpu.memory_space<semaphore_mem>>)
      %dma_wait3A_99 = arith.constant 0 : i32
      %dma_wait3A_100 = tpu.memref_slice %arg10[%add3A_32, %dma_wait3A_99] : memref<10112x128xf32, #tpu.memory_space<vmem_shared>> -> memref<32x128xf32, #tpu.memory_space<vmem_shared>>
      %dma_wait3A_101 = arith.constant 0 : i32
      %dma_wait3A_102 = tpu.memref_slice %arg10[%add3A_32, %dma_wait3A_101] : memref<10112x128xf32, #tpu.memory_space<vmem_shared>> -> memref<32x128xf32, #tpu.memory_space<vmem_shared>>
      tpu.wait_dma2 semaphore(%run_scoped3A : memref<!tpu.dma_semaphore, #tpu.memory_space<semaphore_mem>>) src(%arg9 : memref<32x128xf32, #tpu.memory_space<vmem>>) dst(%dma_wait3A_102 : memref<32x128xf32, #tpu.memory_space<vmem_shared>>)
      tpu.yield
    }) : () -> ()
    %add3A_33 = arith.constant 384 : i32
    %add3A_34 = arith.addi %mul3A_8, %add3A_33 : i32
    "tpu.region"() ({
      %run_scoped3A = tpu.sem_alloc : memref<!tpu.dma_semaphore, #tpu.memory_space<semaphore_mem>>
      %dma_start3A_95 = arith.constant 0 : i32
      %dma_start3A_96 = tpu.memref_slice %arg10[%add3A_34, %dma_start3A_95] : memref<10112x128xf32, #tpu.memory_space<vmem_shared>> -> memref<32x128xf32, #tpu.memory_space<vmem_shared>>
      %dma_start3A_97 = arith.constant 0 : i32
      %dma_start3A_98 = tpu.memref_slice %arg10[%add3A_34, %dma_start3A_97] : memref<10112x128xf32, #tpu.memory_space<vmem_shared>> -> memref<32x128xf32, #tpu.memory_space<vmem_shared>>
      tpu.enqueue_dma source(%arg9 : memref<32x128xf32, #tpu.memory_space<vmem>>) target(%dma_start3A_98 : memref<32x128xf32, #tpu.memory_space<vmem_shared>>) target_semaphore(%run_scoped3A : memref<!tpu.dma_semaphore, #tpu.memory_space<semaphore_mem>>)
      %dma_wait3A_99 = arith.constant 0 : i32
      %dma_wait3A_100 = tpu.memref_slice %arg10[%add3A_34, %dma_wait3A_99] : memref<10112x128xf32, #tpu.memory_space<vmem_shared>> -> memref<32x128xf32, #tpu.memory_space<vmem_shared>>
      %dma_wait3A_101 = arith.constant 0 : i32
      %dma_wait3A_102 = tpu.memref_slice %arg10[%add3A_34, %dma_wait3A_101] : memref<10112x128xf32, #tpu.memory_space<vmem_shared>> -> memref<32x128xf32, #tpu.memory_space<vmem_shared>>
      tpu.wait_dma2 semaphore(%run_scoped3A : memref<!tpu.dma_semaphore, #tpu.memory_space<semaphore_mem>>) src(%arg9 : memref<32x128xf32, #tpu.memory_space<vmem>>) dst(%dma_wait3A_102 : memref<32x128xf32, #tpu.memory_space<vmem_shared>>)
      tpu.yield
    }) : () -> ()
    %add3A_35 = arith.constant 416 : i32
    %add3A_36 = arith.addi %mul3A_8, %add3A_35 : i32
    "tpu.region"() ({
      %run_scoped3A = tpu.sem_alloc : memref<!tpu.dma_semaphore, #tpu.memory_space<semaphore_mem>>
      %dma_start3A_95 = arith.constant 0 : i32
      %dma_start3A_96 = tpu.memref_slice %arg10[%add3A_36, %dma_start3A_95] : memref<10112x128xf32, #tpu.memory_space<vmem_shared>> -> memref<32x128xf32, #tpu.memory_space<vmem_shared>>
      %dma_start3A_97 = arith.constant 0 : i32
      %dma_start3A_98 = tpu.memref_slice %arg10[%add3A_36, %dma_start3A_97] : memref<10112x128xf32, #tpu.memory_space<vmem_shared>> -> memref<32x128xf32, #tpu.memory_space<vmem_shared>>
      tpu.enqueue_dma source(%arg9 : memref<32x128xf32, #tpu.memory_space<vmem>>) target(%dma_start3A_98 : memref<32x128xf32, #tpu.memory_space<vmem_shared>>) target_semaphore(%run_scoped3A : memref<!tpu.dma_semaphore, #tpu.memory_space<semaphore_mem>>)
      %dma_wait3A_99 = arith.constant 0 : i32
      %dma_wait3A_100 = tpu.memref_slice %arg10[%add3A_36, %dma_wait3A_99] : memref<10112x128xf32, #tpu.memory_space<vmem_shared>> -> memref<32x128xf32, #tpu.memory_space<vmem_shared>>
      %dma_wait3A_101 = arith.constant 0 : i32
      %dma_wait3A_102 = tpu.memref_slice %arg10[%add3A_36, %dma_wait3A_101] : memref<10112x128xf32, #tpu.memory_space<vmem_shared>> -> memref<32x128xf32, #tpu.memory_space<vmem_shared>>
      tpu.wait_dma2 semaphore(%run_scoped3A : memref<!tpu.dma_semaphore, #tpu.memory_space<semaphore_mem>>) src(%arg9 : memref<32x128xf32, #tpu.memory_space<vmem>>) dst(%dma_wait3A_102 : memref<32x128xf32, #tpu.memory_space<vmem_shared>>)
      tpu.yield
    }) : () -> ()
    %add3A_37 = arith.constant 448 : i32
    %add3A_38 = arith.addi %mul3A_8, %add3A_37 : i32
    "tpu.region"() ({
      %run_scoped3A = tpu.sem_alloc : memref<!tpu.dma_semaphore, #tpu.memory_space<semaphore_mem>>
      %dma_start3A_95 = arith.constant 0 : i32
      %dma_start3A_96 = tpu.memref_slice %arg10[%add3A_38, %dma_start3A_95] : memref<10112x128xf32, #tpu.memory_space<vmem_shared>> -> memref<32x128xf32, #tpu.memory_space<vmem_shared>>
      %dma_start3A_97 = arith.constant 0 : i32
      %dma_start3A_98 = tpu.memref_slice %arg10[%add3A_38, %dma_start3A_97] : memref<10112x128xf32, #tpu.memory_space<vmem_shared>> -> memref<32x128xf32, #tpu.memory_space<vmem_shared>>
      tpu.enqueue_dma source(%arg9 : memref<32x128xf32, #tpu.memory_space<vmem>>) target(%dma_start3A_98 : memref<32x128xf32, #tpu.memory_space<vmem_shared>>) target_semaphore(%run_scoped3A : memref<!tpu.dma_semaphore, #tpu.memory_space<semaphore_mem>>)
      %dma_wait3A_99 = arith.constant 0 : i32
      %dma_wait3A_100 = tpu.memref_slice %arg10[%add3A_38, %dma_wait3A_99] : memref<10112x128xf32, #tpu.memory_space<vmem_shared>> -> memref<32x128xf32, #tpu.memory_space<vmem_shared>>
      %dma_wait3A_101 = arith.constant 0 : i32
      %dma_wait3A_102 = tpu.memref_slice %arg10[%add3A_38, %dma_wait3A_101] : memref<10112x128xf32, #tpu.memory_space<vmem_shared>> -> memref<32x128xf32, #tpu.memory_space<vmem_shared>>
      tpu.wait_dma2 semaphore(%run_scoped3A : memref<!tpu.dma_semaphore, #tpu.memory_space<semaphore_mem>>) src(%arg9 : memref<32x128xf32, #tpu.memory_space<vmem>>) dst(%dma_wait3A_102 : memref<32x128xf32, #tpu.memory_space<vmem_shared>>)
      tpu.yield
    }) : () -> ()
    %add3A_39 = arith.constant 480 : i32
    %add3A_40 = arith.addi %mul3A_8, %add3A_39 : i32
    "tpu.region"() ({
      %run_scoped3A = tpu.sem_alloc : memref<!tpu.dma_semaphore, #tpu.memory_space<semaphore_mem>>
      %dma_start3A_95 = arith.constant 0 : i32
      %dma_start3A_96 = tpu.memref_slice %arg10[%add3A_40, %dma_start3A_95] : memref<10112x128xf32, #tpu.memory_space<vmem_shared>> -> memref<32x128xf32, #tpu.memory_space<vmem_shared>>
      %dma_start3A_97 = arith.constant 0 : i32
      %dma_start3A_98 = tpu.memref_slice %arg10[%add3A_40, %dma_start3A_97] : memref<10112x128xf32, #tpu.memory_space<vmem_shared>> -> memref<32x128xf32, #tpu.memory_space<vmem_shared>>
      tpu.enqueue_dma source(%arg9 : memref<32x128xf32, #tpu.memory_space<vmem>>) target(%dma_start3A_98 : memref<32x128xf32, #tpu.memory_space<vmem_shared>>) target_semaphore(%run_scoped3A : memref<!tpu.dma_semaphore, #tpu.memory_space<semaphore_mem>>)
      %dma_wait3A_99 = arith.constant 0 : i32
      %dma_wait3A_100 = tpu.memref_slice %arg10[%add3A_40, %dma_wait3A_99] : memref<10112x128xf32, #tpu.memory_space<vmem_shared>> -> memref<32x128xf32, #tpu.memory_space<vmem_shared>>
      %dma_wait3A_101 = arith.constant 0 : i32
      %dma_wait3A_102 = tpu.memref_slice %arg10[%add3A_40, %dma_wait3A_101] : memref<10112x128xf32, #tpu.memory_space<vmem_shared>> -> memref<32x128xf32, #tpu.memory_space<vmem_shared>>
      tpu.wait_dma2 semaphore(%run_scoped3A : memref<!tpu.dma_semaphore, #tpu.memory_space<semaphore_mem>>) src(%arg9 : memref<32x128xf32, #tpu.memory_space<vmem>>) dst(%dma_wait3A_102 : memref<32x128xf32, #tpu.memory_space<vmem_shared>>)
      tpu.yield
    }) : () -> ()
    %add3A_41 = arith.constant 512 : i32
    %add3A_42 = arith.addi %mul3A_8, %add3A_41 : i32
    "tpu.region"() ({
      %run_scoped3A = tpu.sem_alloc : memref<!tpu.dma_semaphore, #tpu.memory_space<semaphore_mem>>
      %dma_start3A_95 = arith.constant 0 : i32
      %dma_start3A_96 = tpu.memref_slice %arg10[%add3A_42, %dma_start3A_95] : memref<10112x128xf32, #tpu.memory_space<vmem_shared>> -> memref<32x128xf32, #tpu.memory_space<vmem_shared>>
      %dma_start3A_97 = arith.constant 0 : i32
      %dma_start3A_98 = tpu.memref_slice %arg10[%add3A_42, %dma_start3A_97] : memref<10112x128xf32, #tpu.memory_space<vmem_shared>> -> memref<32x128xf32, #tpu.memory_space<vmem_shared>>
      tpu.enqueue_dma source(%arg9 : memref<32x128xf32, #tpu.memory_space<vmem>>) target(%dma_start3A_98 : memref<32x128xf32, #tpu.memory_space<vmem_shared>>) target_semaphore(%run_scoped3A : memref<!tpu.dma_semaphore, #tpu.memory_space<semaphore_mem>>)
      %dma_wait3A_99 = arith.constant 0 : i32
      %dma_wait3A_100 = tpu.memref_slice %arg10[%add3A_42, %dma_wait3A_99] : memref<10112x128xf32, #tpu.memory_space<vmem_shared>> -> memref<32x128xf32, #tpu.memory_space<vmem_shared>>
      %dma_wait3A_101 = arith.constant 0 : i32
      %dma_wait3A_102 = tpu.memref_slice %arg10[%add3A_42, %dma_wait3A_101] : memref<10112x128xf32, #tpu.memory_space<vmem_shared>> -> memref<32x128xf32, #tpu.memory_space<vmem_shared>>
      tpu.wait_dma2 semaphore(%run_scoped3A : memref<!tpu.dma_semaphore, #tpu.memory_space<semaphore_mem>>) src(%arg9 : memref<32x128xf32, #tpu.memory_space<vmem>>) dst(%dma_wait3A_102 : memref<32x128xf32, #tpu.memory_space<vmem_shared>>)
      tpu.yield
    }) : () -> ()
    %add3A_43 = arith.constant 544 : i32
    %add3A_44 = arith.addi %mul3A_8, %add3A_43 : i32
    "tpu.region"() ({
      %run_scoped3A = tpu.sem_alloc : memref<!tpu.dma_semaphore, #tpu.memory_space<semaphore_mem>>
      %dma_start3A_95 = arith.constant 0 : i32
      %dma_start3A_96 = tpu.memref_slice %arg10[%add3A_44, %dma_start3A_95] : memref<10112x128xf32, #tpu.memory_space<vmem_shared>> -> memref<32x128xf32, #tpu.memory_space<vmem_shared>>
      %dma_start3A_97 = arith.constant 0 : i32
      %dma_start3A_98 = tpu.memref_slice %arg10[%add3A_44, %dma_start3A_97] : memref<10112x128xf32, #tpu.memory_space<vmem_shared>> -> memref<32x128xf32, #tpu.memory_space<vmem_shared>>
      tpu.enqueue_dma source(%arg9 : memref<32x128xf32, #tpu.memory_space<vmem>>) target(%dma_start3A_98 : memref<32x128xf32, #tpu.memory_space<vmem_shared>>) target_semaphore(%run_scoped3A : memref<!tpu.dma_semaphore, #tpu.memory_space<semaphore_mem>>)
      %dma_wait3A_99 = arith.constant 0 : i32
      %dma_wait3A_100 = tpu.memref_slice %arg10[%add3A_44, %dma_wait3A_99] : memref<10112x128xf32, #tpu.memory_space<vmem_shared>> -> memref<32x128xf32, #tpu.memory_space<vmem_shared>>
      %dma_wait3A_101 = arith.constant 0 : i32
      %dma_wait3A_102 = tpu.memref_slice %arg10[%add3A_44, %dma_wait3A_101] : memref<10112x128xf32, #tpu.memory_space<vmem_shared>> -> memref<32x128xf32, #tpu.memory_space<vmem_shared>>
      tpu.wait_dma2 semaphore(%run_scoped3A : memref<!tpu.dma_semaphore, #tpu.memory_space<semaphore_mem>>) src(%arg9 : memref<32x128xf32, #tpu.memory_space<vmem>>) dst(%dma_wait3A_102 : memref<32x128xf32, #tpu.memory_space<vmem_shared>>)
      tpu.yield
    }) : () -> ()
    %add3A_45 = arith.constant 576 : i32
    %add3A_46 = arith.addi %mul3A_8, %add3A_45 : i32
    "tpu.region"() ({
      %run_scoped3A = tpu.sem_alloc : memref<!tpu.dma_semaphore, #tpu.memory_space<semaphore_mem>>
      %dma_start3A_95 = arith.constant 0 : i32
      %dma_start3A_96 = tpu.memref_slice %arg10[%add3A_46, %dma_start3A_95] : memref<10112x128xf32, #tpu.memory_space<vmem_shared>> -> memref<32x128xf32, #tpu.memory_space<vmem_shared>>
      %dma_start3A_97 = arith.constant 0 : i32
      %dma_start3A_98 = tpu.memref_slice %arg10[%add3A_46, %dma_start3A_97] : memref<10112x128xf32, #tpu.memory_space<vmem_shared>> -> memref<32x128xf32, #tpu.memory_space<vmem_shared>>
      tpu.enqueue_dma source(%arg9 : memref<32x128xf32, #tpu.memory_space<vmem>>) target(%dma_start3A_98 : memref<32x128xf32, #tpu.memory_space<vmem_shared>>) target_semaphore(%run_scoped3A : memref<!tpu.dma_semaphore, #tpu.memory_space<semaphore_mem>>)
      %dma_wait3A_99 = arith.constant 0 : i32
      %dma_wait3A_100 = tpu.memref_slice %arg10[%add3A_46, %dma_wait3A_99] : memref<10112x128xf32, #tpu.memory_space<vmem_shared>> -> memref<32x128xf32, #tpu.memory_space<vmem_shared>>
      %dma_wait3A_101 = arith.constant 0 : i32
      %dma_wait3A_102 = tpu.memref_slice %arg10[%add3A_46, %dma_wait3A_101] : memref<10112x128xf32, #tpu.memory_space<vmem_shared>> -> memref<32x128xf32, #tpu.memory_space<vmem_shared>>
      tpu.wait_dma2 semaphore(%run_scoped3A : memref<!tpu.dma_semaphore, #tpu.memory_space<semaphore_mem>>) src(%arg9 : memref<32x128xf32, #tpu.memory_space<vmem>>) dst(%dma_wait3A_102 : memref<32x128xf32, #tpu.memory_space<vmem_shared>>)
      tpu.yield
    }) : () -> ()
    %add3A_47 = arith.constant 608 : i32
    %add3A_48 = arith.addi %mul3A_8, %add3A_47 : i32
    "tpu.region"() ({
      %run_scoped3A = tpu.sem_alloc : memref<!tpu.dma_semaphore, #tpu.memory_space<semaphore_mem>>
      %dma_start3A_95 = arith.constant 0 : i32
      %dma_start3A_96 = arith.constant 0 : i32
      %dma_start3A_97 = tpu.memref_slice %arg9[%dma_start3A_95, %dma_start3A_96] : memref<32x128xf32, #tpu.memory_space<vmem>> -> memref<24x128xf32, #tpu.memory_space<vmem>>
      %dma_start3A_98 = arith.constant 0 : i32
      %dma_start3A_99 = tpu.memref_slice %arg10[%add3A_48, %dma_start3A_98] : memref<10112x128xf32, #tpu.memory_space<vmem_shared>> -> memref<24x128xf32, #tpu.memory_space<vmem_shared>>
      %dma_start3A_100 = arith.constant 0 : i32
      %dma_start3A_101 = tpu.memref_slice %arg10[%add3A_48, %dma_start3A_100] : memref<10112x128xf32, #tpu.memory_space<vmem_shared>> -> memref<24x128xf32, #tpu.memory_space<vmem_shared>>
      %dma_start3A_102 = arith.constant 0 : i32
      %dma_start3A_103 = arith.constant 0 : i32
      %dma_start3A_104 = tpu.memref_slice %arg9[%dma_start3A_102, %dma_start3A_103] : memref<32x128xf32, #tpu.memory_space<vmem>> -> memref<24x128xf32, #tpu.memory_space<vmem>>
      tpu.enqueue_dma source(%dma_start3A_104 : memref<24x128xf32, #tpu.memory_space<vmem>>) target(%dma_start3A_101 : memref<24x128xf32, #tpu.memory_space<vmem_shared>>) target_semaphore(%run_scoped3A : memref<!tpu.dma_semaphore, #tpu.memory_space<semaphore_mem>>)
      %dma_wait3A_105 = arith.constant 0 : i32
      %dma_wait3A_106 = arith.constant 0 : i32
      %dma_wait3A_107 = tpu.memref_slice %arg9[%dma_wait3A_105, %dma_wait3A_106] : memref<32x128xf32, #tpu.memory_space<vmem>> -> memref<24x128xf32, #tpu.memory_space<vmem>>
      %dma_wait3A_108 = arith.constant 0 : i32
      %dma_wait3A_109 = tpu.memref_slice %arg10[%add3A_48, %dma_wait3A_108] : memref<10112x128xf32, #tpu.memory_space<vmem_shared>> -> memref<24x128xf32, #tpu.memory_space<vmem_shared>>
      %dma_wait3A_110 = arith.constant 0 : i32
      %dma_wait3A_111 = tpu.memref_slice %arg10[%add3A_48, %dma_wait3A_110] : memref<10112x128xf32, #tpu.memory_space<vmem_shared>> -> memref<24x128xf32, #tpu.memory_space<vmem_shared>>
      %dma_wait3A_112 = arith.constant 0 : i32
      %dma_wait3A_113 = arith.constant 0 : i32
      %dma_wait3A_114 = tpu.memref_slice %arg9[%dma_wait3A_112, %dma_wait3A_113] : memref<32x128xf32, #tpu.memory_space<vmem>> -> memref<24x128xf32, #tpu.memory_space<vmem>>
      tpu.wait_dma2 semaphore(%run_scoped3A : memref<!tpu.dma_semaphore, #tpu.memory_space<semaphore_mem>>) src(%dma_wait3A_114 : memref<24x128xf32, #tpu.memory_space<vmem>>) dst(%dma_wait3A_111 : memref<24x128xf32, #tpu.memory_space<vmem_shared>>)
      tpu.yield
    }) : () -> ()
    %barrier3A = arith.constant 0 : index
    tpu.barrier barrier_id(%barrier3A)
    %dma_start3A = arith.constant 0 : i32
    %dma_start3A_49 = arith.constant 0 : i32
    %dma_start3A_50 = arith.constant 0 : i32
    %dma_start3A_51 = arith.constant 0 : i32
    %dma_start3A_52 = tpu.memref_slice %arg8[%dma_start3A_49, %dma_start3A_50, %dma_start3A_51] : memref<2x128x128xf32, #tpu.memory_space<vmem>> -> memref<1x128x128xf32, #tpu.memory_space<vmem>>
    %dma_start3A_53 = tpu.memref_squeeze %dma_start3A_52 : memref<1x128x128xf32, #tpu.memory_space<vmem>> -> memref<128x128xf32, #tpu.memory_space<vmem>>
    %dma_start3A_54 = arith.constant 0 : i32
    %dma_start3A_55 = tpu.memref_slice %arg6[%dma_start3A, %dma_start3A_54] : memref<40x128xi32, #tpu.memory_space<vmem>> -> memref<1x128xi32, #tpu.memory_space<vmem>>
    %dma_start3A_56 = tpu.memref_squeeze %dma_start3A_55 : memref<1x128xi32, #tpu.memory_space<vmem>> -> memref<128xi32, #tpu.memory_space<vmem>>
    %dma_start3A_57 = arith.constant 0 : i32
    %dma_start3A_58 = arith.constant 0 : i32
    %dma_start3A_59 = tpu.memref_slice %arg2[%dma_start3A_57, %dma_start3A_58] : memref<40000x128xf32, #tpu.memory_space<hbm>> -> memref<40000x128xf32, #tpu.memory_space<hbm>>
    tpu.enqueue_indirect_dma source(%dma_start3A_59 : memref<40000x128xf32, #tpu.memory_space<hbm>>) target(%dma_start3A_53 : memref<128x128xf32, #tpu.memory_space<vmem>>) offsets(%dma_start3A_56 : memref<128xi32, #tpu.memory_space<vmem>>) semaphore(%arg11 : memref<!tpu.dma_semaphore, #tpu.memory_space<semaphore_mem>>)
    %scan3A_60 = arith.constant 0 : i32
    %scan3A_61 = arith.constant 0 : i32
    %scan3A_62 = arith.constant 20 : i32
    %scan3A_63 = arith.addi %scan3A_61, %scan3A_62 : i32
    %scan3A_64 = arith.constant 1 : i32
    %scan3A_65 = scf.for %scan3A_95 = %scan3A_61 to %scan3A_63 step %scan3A_64 iter_args(%scan3A_96 = %scan3A_60) -> (i32)  : i32 {
      %mul3A_97 = arith.constant 2 : i32
      %mul3A_98 = arith.muli %mul3A_97, %scan3A_95 : i32
      %mul3A_99 = arith.constant 2 : i32
      %mul3A_100 = arith.muli %mul3A_99, %scan3A_95 : i32
      %add3A_101 = arith.constant 1 : i32
      %add3A_102 = arith.addi %mul3A_100, %add3A_101 : i32
      %add3A_103 = arith.constant 1 : i32
      %add3A_104 = arith.addi %add3A_102, %add3A_103 : i32
      %lt3A = arith.constant 40 : i32
      %lt3A_105 = arith.cmpi slt, %add3A_104, %lt3A : i32
      %add3A_106 = arith.constant 1 : i32
      %add3A_107 = arith.addi %add3A_102, %add3A_106 : i32
      %jit3A = arith.constant 0 : i32
      %select_n3A = arith.select %lt3A_105, %add3A_107, %jit3A : i32
      %dma_start3A_108 = arith.constant 1 : i32
      %dma_start3A_109 = arith.constant 0 : i32
      %dma_start3A_110 = arith.constant 0 : i32
      %dma_start3A_111 = tpu.memref_slice %arg8[%dma_start3A_108, %dma_start3A_109, %dma_start3A_110] : memref<2x128x128xf32, #tpu.memory_space<vmem>> -> memref<1x128x128xf32, #tpu.memory_space<vmem>>
      %dma_start3A_112 = tpu.memref_squeeze %dma_start3A_111 : memref<1x128x128xf32, #tpu.memory_space<vmem>> -> memref<128x128xf32, #tpu.memory_space<vmem>>
      %dma_start3A_113 = arith.constant 0 : i32
      %dma_start3A_114 = tpu.memref_slice %arg6[%add3A_102, %dma_start3A_113] : memref<40x128xi32, #tpu.memory_space<vmem>> -> memref<1x128xi32, #tpu.memory_space<vmem>>
      %dma_start3A_115 = tpu.memref_squeeze %dma_start3A_114 : memref<1x128xi32, #tpu.memory_space<vmem>> -> memref<128xi32, #tpu.memory_space<vmem>>
      %dma_start3A_116 = arith.constant 0 : i32
      %dma_start3A_117 = arith.constant 0 : i32
      %dma_start3A_118 = tpu.memref_slice %arg2[%dma_start3A_116, %dma_start3A_117] : memref<40000x128xf32, #tpu.memory_space<hbm>> -> memref<40000x128xf32, #tpu.memory_space<hbm>>
      tpu.enqueue_indirect_dma source(%dma_start3A_118 : memref<40000x128xf32, #tpu.memory_space<hbm>>) target(%dma_start3A_112 : memref<128x128xf32, #tpu.memory_space<vmem>>) offsets(%dma_start3A_115 : memref<128xi32, #tpu.memory_space<vmem>>) semaphore(%arg12 : memref<!tpu.dma_semaphore, #tpu.memory_space<semaphore_mem>>)
      %dma_wait3A_119 = arith.constant 0 : i32
      %dma_wait3A_120 = arith.constant 0 : i32
      %dma_wait3A_121 = arith.constant 0 : i32
      %dma_wait3A_122 = tpu.memref_slice %arg8[%dma_wait3A_119, %dma_wait3A_120, %dma_wait3A_121] : memref<2x128x128xf32, #tpu.memory_space<vmem>> -> memref<1x128x128xf32, #tpu.memory_space<vmem>>
      %dma_wait3A_123 = tpu.memref_squeeze %dma_wait3A_122 : memref<1x128x128xf32, #tpu.memory_space<vmem>> -> memref<128x128xf32, #tpu.memory_space<vmem>>
      %dma_wait3A_124 = arith.constant 0 : i32
      %dma_wait3A_125 = tpu.memref_slice %arg6[%mul3A_98, %dma_wait3A_124] : memref<40x128xi32, #tpu.memory_space<vmem>> -> memref<1x128xi32, #tpu.memory_space<vmem>>
      %dma_wait3A_126 = tpu.memref_squeeze %dma_wait3A_125 : memref<1x128xi32, #tpu.memory_space<vmem>> -> memref<128xi32, #tpu.memory_space<vmem>>
      %dma_wait3A_127 = arith.constant 0 : i32
      %dma_wait3A_128 = arith.constant 0 : i32
      %dma_wait3A_129 = tpu.memref_slice %arg2[%dma_wait3A_127, %dma_wait3A_128] : memref<40000x128xf32, #tpu.memory_space<hbm>> -> memref<40000x128xf32, #tpu.memory_space<hbm>>
      tpu.wait_indirect_dma semaphore(%arg11 : memref<!tpu.dma_semaphore, #tpu.memory_space<semaphore_mem>>) src(%dma_wait3A_129 : memref<40000x128xf32, #tpu.memory_space<hbm>>) dst(%dma_wait3A_123 : memref<128x128xf32, #tpu.memory_space<vmem>>)
      %run_scoped3A = arith.constant 0 : i32
      "tpu.region"() ({
        %run_scoped3A_154 = tpu.sem_alloc : memref<!tpu.dma_semaphore, #tpu.memory_space<semaphore_mem>>
        %dma_start3A_155 = arith.constant 0 : i32
        %dma_start3A_156 = arith.constant 0 : i32
        %dma_start3A_157 = tpu.memref_slice %arg8[%run_scoped3A, %dma_start3A_155, %dma_start3A_156] : memref<2x128x128xf32, #tpu.memory_space<vmem>> -> memref<1x128x128xf32, #tpu.memory_space<vmem>>
        %dma_start3A_158 = tpu.memref_squeeze %dma_start3A_157 : memref<1x128x128xf32, #tpu.memory_space<vmem>> -> memref<128x128xf32, #tpu.memory_space<vmem>>
        %dma_start3A_159 = arith.constant 0 : i32
        %dma_start3A_160 = tpu.memref_slice %arg7[%mul3A_98, %dma_start3A_159] : memref<40x128xi32, #tpu.memory_space<vmem>> -> memref<1x128xi32, #tpu.memory_space<vmem>>
        %dma_start3A_161 = tpu.memref_squeeze %dma_start3A_160 : memref<1x128xi32, #tpu.memory_space<vmem>> -> memref<128xi32, #tpu.memory_space<vmem>>
        %dma_start3A_162 = arith.constant 0 : i32
        %dma_start3A_163 = arith.constant 0 : i32
        %dma_start3A_164 = tpu.memref_slice %arg10[%dma_start3A_162, %dma_start3A_163] : memref<10112x128xf32, #tpu.memory_space<vmem_shared>> -> memref<10112x128xf32, #tpu.memory_space<vmem_shared>>
        tpu.enqueue_indirect_dma source(%dma_start3A_158 : memref<128x128xf32, #tpu.memory_space<vmem>>) target(%dma_start3A_164 : memref<10112x128xf32, #tpu.memory_space<vmem_shared>>) offsets(%dma_start3A_161 : memref<128xi32, #tpu.memory_space<vmem>>) semaphore(%run_scoped3A_154 : memref<!tpu.dma_semaphore, #tpu.memory_space<semaphore_mem>>) {add = true}
        %dma_wait3A_165 = arith.constant 0 : i32
        %dma_wait3A_166 = arith.constant 0 : i32
        %dma_wait3A_167 = tpu.memref_slice %arg8[%run_scoped3A, %dma_wait3A_165, %dma_wait3A_166] : memref<2x128x128xf32, #tpu.memory_space<vmem>> -> memref<1x128x128xf32, #tpu.memory_space<vmem>>
        %dma_wait3A_168 = tpu.memref_squeeze %dma_wait3A_167 : memref<1x128x128xf32, #tpu.memory_space<vmem>> -> memref<128x128xf32, #tpu.memory_space<vmem>>
        %dma_wait3A_169 = arith.constant 0 : i32
        %dma_wait3A_170 = tpu.memref_slice %arg7[%mul3A_98, %dma_wait3A_169] : memref<40x128xi32, #tpu.memory_space<vmem>> -> memref<1x128xi32, #tpu.memory_space<vmem>>
        %dma_wait3A_171 = tpu.memref_squeeze %dma_wait3A_170 : memref<1x128xi32, #tpu.memory_space<vmem>> -> memref<128xi32, #tpu.memory_space<vmem>>
        %dma_wait3A_172 = arith.constant 0 : i32
        %dma_wait3A_173 = arith.constant 0 : i32
        %dma_wait3A_174 = tpu.memref_slice %arg10[%dma_wait3A_172, %dma_wait3A_173] : memref<10112x128xf32, #tpu.memory_space<vmem_shared>> -> memref<10112x128xf32, #tpu.memory_space<vmem_shared>>
        tpu.wait_indirect_dma semaphore(%run_scoped3A_154 : memref<!tpu.dma_semaphore, #tpu.memory_space<semaphore_mem>>) src(%dma_wait3A_168 : memref<128x128xf32, #tpu.memory_space<vmem>>) dst(%dma_wait3A_174 : memref<10112x128xf32, #tpu.memory_space<vmem_shared>>)
        tpu.yield
      }) : () -> ()
      %dma_start3A_130 = arith.constant 0 : i32
      %dma_start3A_131 = arith.constant 0 : i32
      %dma_start3A_132 = arith.constant 0 : i32
      %dma_start3A_133 = tpu.memref_slice %arg8[%dma_start3A_130, %dma_start3A_131, %dma_start3A_132] : memref<2x128x128xf32, #tpu.memory_space<vmem>> -> memref<1x128x128xf32, #tpu.memory_space<vmem>>
      %dma_start3A_134 = tpu.memref_squeeze %dma_start3A_133 : memref<1x128x128xf32, #tpu.memory_space<vmem>> -> memref<128x128xf32, #tpu.memory_space<vmem>>
      %dma_start3A_135 = arith.constant 0 : i32
      %dma_start3A_136 = tpu.memref_slice %arg6[%select_n3A, %dma_start3A_135] : memref<40x128xi32, #tpu.memory_space<vmem>> -> memref<1x128xi32, #tpu.memory_space<vmem>>
      %dma_start3A_137 = tpu.memref_squeeze %dma_start3A_136 : memref<1x128xi32, #tpu.memory_space<vmem>> -> memref<128xi32, #tpu.memory_space<vmem>>
      %dma_start3A_138 = arith.constant 0 : i32
      %dma_start3A_139 = arith.constant 0 : i32
      %dma_start3A_140 = tpu.memref_slice %arg2[%dma_start3A_138, %dma_start3A_139] : memref<40000x128xf32, #tpu.memory_space<hbm>> -> memref<40000x128xf32, #tpu.memory_space<hbm>>
      tpu.enqueue_indirect_dma source(%dma_start3A_140 : memref<40000x128xf32, #tpu.memory_space<hbm>>) target(%dma_start3A_134 : memref<128x128xf32, #tpu.memory_space<vmem>>) offsets(%dma_start3A_137 : memref<128xi32, #tpu.memory_space<vmem>>) semaphore(%arg11 : memref<!tpu.dma_semaphore, #tpu.memory_space<semaphore_mem>>)
      %dma_wait3A_141 = arith.constant 1 : i32
      %dma_wait3A_142 = arith.constant 0 : i32
      %dma_wait3A_143 = arith.constant 0 : i32
      %dma_wait3A_144 = tpu.memref_slice %arg8[%dma_wait3A_141, %dma_wait3A_142, %dma_wait3A_143] : memref<2x128x128xf32, #tpu.memory_space<vmem>> -> memref<1x128x128xf32, #tpu.memory_space<vmem>>
      %dma_wait3A_145 = tpu.memref_squeeze %dma_wait3A_144 : memref<1x128x128xf32, #tpu.memory_space<vmem>> -> memref<128x128xf32, #tpu.memory_space<vmem>>
      %dma_wait3A_146 = arith.constant 0 : i32
      %dma_wait3A_147 = tpu.memref_slice %arg6[%add3A_102, %dma_wait3A_146] : memref<40x128xi32, #tpu.memory_space<vmem>> -> memref<1x128xi32, #tpu.memory_space<vmem>>
      %dma_wait3A_148 = tpu.memref_squeeze %dma_wait3A_147 : memref<1x128xi32, #tpu.memory_space<vmem>> -> memref<128xi32, #tpu.memory_space<vmem>>
      %dma_wait3A_149 = arith.constant 0 : i32
      %dma_wait3A_150 = arith.constant 0 : i32
      %dma_wait3A_151 = tpu.memref_slice %arg2[%dma_wait3A_149, %dma_wait3A_150] : memref<40000x128xf32, #tpu.memory_space<hbm>> -> memref<40000x128xf32, #tpu.memory_space<hbm>>
      tpu.wait_indirect_dma semaphore(%arg12 : memref<!tpu.dma_semaphore, #tpu.memory_space<semaphore_mem>>) src(%dma_wait3A_151 : memref<40000x128xf32, #tpu.memory_space<hbm>>) dst(%dma_wait3A_145 : memref<128x128xf32, #tpu.memory_space<vmem>>)
      %run_scoped3A_152 = arith.constant 1 : i32
      "tpu.region"() ({
        %run_scoped3A_154 = tpu.sem_alloc : memref<!tpu.dma_semaphore, #tpu.memory_space<semaphore_mem>>
        %dma_start3A_155 = arith.constant 0 : i32
        %dma_start3A_156 = arith.constant 0 : i32
        %dma_start3A_157 = tpu.memref_slice %arg8[%run_scoped3A_152, %dma_start3A_155, %dma_start3A_156] : memref<2x128x128xf32, #tpu.memory_space<vmem>> -> memref<1x128x128xf32, #tpu.memory_space<vmem>>
        %dma_start3A_158 = tpu.memref_squeeze %dma_start3A_157 : memref<1x128x128xf32, #tpu.memory_space<vmem>> -> memref<128x128xf32, #tpu.memory_space<vmem>>
        %dma_start3A_159 = arith.constant 0 : i32
        %dma_start3A_160 = tpu.memref_slice %arg7[%add3A_102, %dma_start3A_159] : memref<40x128xi32, #tpu.memory_space<vmem>> -> memref<1x128xi32, #tpu.memory_space<vmem>>
        %dma_start3A_161 = tpu.memref_squeeze %dma_start3A_160 : memref<1x128xi32, #tpu.memory_space<vmem>> -> memref<128xi32, #tpu.memory_space<vmem>>
        %dma_start3A_162 = arith.constant 0 : i32
        %dma_start3A_163 = arith.constant 0 : i32
        %dma_start3A_164 = tpu.memref_slice %arg10[%dma_start3A_162, %dma_start3A_163] : memref<10112x128xf32, #tpu.memory_space<vmem_shared>> -> memref<10112x128xf32, #tpu.memory_space<vmem_shared>>
        tpu.enqueue_indirect_dma source(%dma_start3A_158 : memref<128x128xf32, #tpu.memory_space<vmem>>) target(%dma_start3A_164 : memref<10112x128xf32, #tpu.memory_space<vmem_shared>>) offsets(%dma_start3A_161 : memref<128xi32, #tpu.memory_space<vmem>>) semaphore(%run_scoped3A_154 : memref<!tpu.dma_semaphore, #tpu.memory_space<semaphore_mem>>) {add = true}
        %dma_wait3A_165 = arith.constant 0 : i32
        %dma_wait3A_166 = arith.constant 0 : i32
        %dma_wait3A_167 = tpu.memref_slice %arg8[%run_scoped3A_152, %dma_wait3A_165, %dma_wait3A_166] : memref<2x128x128xf32, #tpu.memory_space<vmem>> -> memref<1x128x128xf32, #tpu.memory_space<vmem>>
        %dma_wait3A_168 = tpu.memref_squeeze %dma_wait3A_167 : memref<1x128x128xf32, #tpu.memory_space<vmem>> -> memref<128x128xf32, #tpu.memory_space<vmem>>
        %dma_wait3A_169 = arith.constant 0 : i32
        %dma_wait3A_170 = tpu.memref_slice %arg7[%add3A_102, %dma_wait3A_169] : memref<40x128xi32, #tpu.memory_space<vmem>> -> memref<1x128xi32, #tpu.memory_space<vmem>>
        %dma_wait3A_171 = tpu.memref_squeeze %dma_wait3A_170 : memref<1x128xi32, #tpu.memory_space<vmem>> -> memref<128xi32, #tpu.memory_space<vmem>>
        %dma_wait3A_172 = arith.constant 0 : i32
        %dma_wait3A_173 = arith.constant 0 : i32
        %dma_wait3A_174 = tpu.memref_slice %arg10[%dma_wait3A_172, %dma_wait3A_173] : memref<10112x128xf32, #tpu.memory_space<vmem_shared>> -> memref<10112x128xf32, #tpu.memory_space<vmem_shared>>
        tpu.wait_indirect_dma semaphore(%run_scoped3A_154 : memref<!tpu.dma_semaphore, #tpu.memory_space<semaphore_mem>>) src(%dma_wait3A_168 : memref<128x128xf32, #tpu.memory_space<vmem>>) dst(%dma_wait3A_174 : memref<10112x128xf32, #tpu.memory_space<vmem_shared>>)
        tpu.yield
      }) : () -> ()
      %scan3A_153 = arith.constant 0 : i32
      scf.yield %scan3A_153 : i32
    }
    %scan3A_66 = arith.constant 20 : i32
    %dma_wait3A = arith.constant 0 : i32
    %dma_wait3A_67 = arith.constant 0 : i32
    %dma_wait3A_68 = arith.constant 0 : i32
    %dma_wait3A_69 = arith.constant 0 : i32
    %dma_wait3A_70 = tpu.memref_slice %arg8[%dma_wait3A_67, %dma_wait3A_68, %dma_wait3A_69] : memref<2x128x128xf32, #tpu.memory_space<vmem>> -> memref<1x128x128xf32, #tpu.memory_space<vmem>>
    %dma_wait3A_71 = tpu.memref_squeeze %dma_wait3A_70 : memref<1x128x128xf32, #tpu.memory_space<vmem>> -> memref<128x128xf32, #tpu.memory_space<vmem>>
    %dma_wait3A_72 = arith.constant 0 : i32
    %dma_wait3A_73 = tpu.memref_slice %arg6[%dma_wait3A, %dma_wait3A_72] : memref<40x128xi32, #tpu.memory_space<vmem>> -> memref<1x128xi32, #tpu.memory_space<vmem>>
    %dma_wait3A_74 = tpu.memref_squeeze %dma_wait3A_73 : memref<1x128xi32, #tpu.memory_space<vmem>> -> memref<128xi32, #tpu.memory_space<vmem>>
    %dma_wait3A_75 = arith.constant 0 : i32
    %dma_wait3A_76 = arith.constant 0 : i32
    %dma_wait3A_77 = tpu.memref_slice %arg2[%dma_wait3A_75, %dma_wait3A_76] : memref<40000x128xf32, #tpu.memory_space<hbm>> -> memref<40000x128xf32, #tpu.memory_space<hbm>>
    tpu.wait_indirect_dma semaphore(%arg11 : memref<!tpu.dma_semaphore, #tpu.memory_space<semaphore_mem>>) src(%dma_wait3A_77 : memref<40000x128xf32, #tpu.memory_space<hbm>>) dst(%dma_wait3A_71 : memref<128x128xf32, #tpu.memory_space<vmem>>)
    %barrier3A_78 = arith.constant 0 : index
    tpu.barrier barrier_id(%barrier3A_78)
    %add3A_79 = arith.constant 0 : i32
    %add3A_80 = arith.addi %mul3A_8, %add3A_79 : i32
    %add3A_81 = arith.constant 0 : i32
    %add3A_82 = arith.addi %mul3A_8, %add3A_81 : i32
    "tpu.region"() ({
      %run_scoped3A = tpu.sem_alloc : memref<!tpu.dma_semaphore, #tpu.memory_space<semaphore_mem>>
      %dma_start3A_95 = arith.constant 0 : i32
      %dma_start3A_96 = arith.constant 0 : i32
      %dma_start3A_97 = tpu.memref_slice %arg5[%arg0, %dma_start3A_95, %dma_start3A_96] : memref<2x10112x128xf32, #tpu.memory_space<hbm>> -> memref<1x10112x128xf32, #tpu.memory_space<hbm>>
      %dma_start3A_98 = tpu.memref_squeeze %dma_start3A_97 : memref<1x10112x128xf32, #tpu.memory_space<hbm>> -> memref<10112x128xf32, #tpu.memory_space<hbm>>
      %dma_start3A_99 = arith.constant 0 : i32
      %dma_start3A_100 = tpu.memref_slice %dma_start3A_98[%add3A_82, %dma_start3A_99] : memref<10112x128xf32, #tpu.memory_space<hbm>> -> memref<160x128xf32, #tpu.memory_space<hbm>>
      %dma_start3A_101 = arith.constant 0 : i32
      %dma_start3A_102 = tpu.memref_slice %arg10[%add3A_80, %dma_start3A_101] : memref<10112x128xf32, #tpu.memory_space<vmem_shared>> -> memref<160x128xf32, #tpu.memory_space<vmem_shared>>
      tpu.enqueue_dma source(%dma_start3A_102 : memref<160x128xf32, #tpu.memory_space<vmem_shared>>) target(%dma_start3A_100 : memref<160x128xf32, #tpu.memory_space<hbm>>) target_semaphore(%run_scoped3A : memref<!tpu.dma_semaphore, #tpu.memory_space<semaphore_mem>>)
      %dma_wait3A_103 = arith.constant 0 : i32
      %dma_wait3A_104 = arith.constant 0 : i32
      %dma_wait3A_105 = tpu.memref_slice %arg5[%arg0, %dma_wait3A_103, %dma_wait3A_104] : memref<2x10112x128xf32, #tpu.memory_space<hbm>> -> memref<1x10112x128xf32, #tpu.memory_space<hbm>>
      %dma_wait3A_106 = tpu.memref_squeeze %dma_wait3A_105 : memref<1x10112x128xf32, #tpu.memory_space<hbm>> -> memref<10112x128xf32, #tpu.memory_space<hbm>>
      %dma_wait3A_107 = arith.constant 0 : i32
      %dma_wait3A_108 = tpu.memref_slice %dma_wait3A_106[%add3A_82, %dma_wait3A_107] : memref<10112x128xf32, #tpu.memory_space<hbm>> -> memref<160x128xf32, #tpu.memory_space<hbm>>
      %dma_wait3A_109 = arith.constant 0 : i32
      %dma_wait3A_110 = tpu.memref_slice %arg10[%add3A_80, %dma_wait3A_109] : memref<10112x128xf32, #tpu.memory_space<vmem_shared>> -> memref<160x128xf32, #tpu.memory_space<vmem_shared>>
      tpu.wait_dma2 semaphore(%run_scoped3A : memref<!tpu.dma_semaphore, #tpu.memory_space<semaphore_mem>>) src(%dma_wait3A_110 : memref<160x128xf32, #tpu.memory_space<vmem_shared>>) dst(%dma_wait3A_108 : memref<160x128xf32, #tpu.memory_space<hbm>>)
      tpu.yield
    }) : () -> ()
    %add3A_83 = arith.constant 160 : i32
    %add3A_84 = arith.addi %mul3A_8, %add3A_83 : i32
    %add3A_85 = arith.constant 160 : i32
    %add3A_86 = arith.addi %mul3A_8, %add3A_85 : i32
    "tpu.region"() ({
      %run_scoped3A = tpu.sem_alloc : memref<!tpu.dma_semaphore, #tpu.memory_space<semaphore_mem>>
      %dma_start3A_95 = arith.constant 0 : i32
      %dma_start3A_96 = arith.constant 0 : i32
      %dma_start3A_97 = tpu.memref_slice %arg5[%arg0, %dma_start3A_95, %dma_start3A_96] : memref<2x10112x128xf32, #tpu.memory_space<hbm>> -> memref<1x10112x128xf32, #tpu.memory_space<hbm>>
      %dma_start3A_98 = tpu.memref_squeeze %dma_start3A_97 : memref<1x10112x128xf32, #tpu.memory_space<hbm>> -> memref<10112x128xf32, #tpu.memory_space<hbm>>
      %dma_start3A_99 = arith.constant 0 : i32
      %dma_start3A_100 = tpu.memref_slice %dma_start3A_98[%add3A_86, %dma_start3A_99] : memref<10112x128xf32, #tpu.memory_space<hbm>> -> memref<160x128xf32, #tpu.memory_space<hbm>>
      %dma_start3A_101 = arith.constant 0 : i32
      %dma_start3A_102 = tpu.memref_slice %arg10[%add3A_84, %dma_start3A_101] : memref<10112x128xf32, #tpu.memory_space<vmem_shared>> -> memref<160x128xf32, #tpu.memory_space<vmem_shared>>
      tpu.enqueue_dma source(%dma_start3A_102 : memref<160x128xf32, #tpu.memory_space<vmem_shared>>) target(%dma_start3A_100 : memref<160x128xf32, #tpu.memory_space<hbm>>) target_semaphore(%run_scoped3A : memref<!tpu.dma_semaphore, #tpu.memory_space<semaphore_mem>>)
      %dma_wait3A_103 = arith.constant 0 : i32
      %dma_wait3A_104 = arith.constant 0 : i32
      %dma_wait3A_105 = tpu.memref_slice %arg5[%arg0, %dma_wait3A_103, %dma_wait3A_104] : memref<2x10112x128xf32, #tpu.memory_space<hbm>> -> memref<1x10112x128xf32, #tpu.memory_space<hbm>>
      %dma_wait3A_106 = tpu.memref_squeeze %dma_wait3A_105 : memref<1x10112x128xf32, #tpu.memory_space<hbm>> -> memref<10112x128xf32, #tpu.memory_space<hbm>>
      %dma_wait3A_107 = arith.constant 0 : i32
      %dma_wait3A_108 = tpu.memref_slice %dma_wait3A_106[%add3A_86, %dma_wait3A_107] : memref<10112x128xf32, #tpu.memory_space<hbm>> -> memref<160x128xf32, #tpu.memory_space<hbm>>
      %dma_wait3A_109 = arith.constant 0 : i32
      %dma_wait3A_110 = tpu.memref_slice %arg10[%add3A_84, %dma_wait3A_109] : memref<10112x128xf32, #tpu.memory_space<vmem_shared>> -> memref<160x128xf32, #tpu.memory_space<vmem_shared>>
      tpu.wait_dma2 semaphore(%run_scoped3A : memref<!tpu.dma_semaphore, #tpu.memory_space<semaphore_mem>>) src(%dma_wait3A_110 : memref<160x128xf32, #tpu.memory_space<vmem_shared>>) dst(%dma_wait3A_108 : memref<160x128xf32, #tpu.memory_space<hbm>>)
      tpu.yield
    }) : () -> ()
    %add3A_87 = arith.constant 320 : i32
    %add3A_88 = arith.addi %mul3A_8, %add3A_87 : i32
    %add3A_89 = arith.constant 320 : i32
    %add3A_90 = arith.addi %mul3A_8, %add3A_89 : i32
    "tpu.region"() ({
      %run_scoped3A = tpu.sem_alloc : memref<!tpu.dma_semaphore, #tpu.memory_space<semaphore_mem>>
      %dma_start3A_95 = arith.constant 0 : i32
      %dma_start3A_96 = arith.constant 0 : i32
      %dma_start3A_97 = tpu.memref_slice %arg5[%arg0, %dma_start3A_95, %dma_start3A_96] : memref<2x10112x128xf32, #tpu.memory_space<hbm>> -> memref<1x10112x128xf32, #tpu.memory_space<hbm>>
      %dma_start3A_98 = tpu.memref_squeeze %dma_start3A_97 : memref<1x10112x128xf32, #tpu.memory_space<hbm>> -> memref<10112x128xf32, #tpu.memory_space<hbm>>
      %dma_start3A_99 = arith.constant 0 : i32
      %dma_start3A_100 = tpu.memref_slice %dma_start3A_98[%add3A_90, %dma_start3A_99] : memref<10112x128xf32, #tpu.memory_space<hbm>> -> memref<160x128xf32, #tpu.memory_space<hbm>>
      %dma_start3A_101 = arith.constant 0 : i32
      %dma_start3A_102 = tpu.memref_slice %arg10[%add3A_88, %dma_start3A_101] : memref<10112x128xf32, #tpu.memory_space<vmem_shared>> -> memref<160x128xf32, #tpu.memory_space<vmem_shared>>
      tpu.enqueue_dma source(%dma_start3A_102 : memref<160x128xf32, #tpu.memory_space<vmem_shared>>) target(%dma_start3A_100 : memref<160x128xf32, #tpu.memory_space<hbm>>) target_semaphore(%run_scoped3A : memref<!tpu.dma_semaphore, #tpu.memory_space<semaphore_mem>>)
      %dma_wait3A_103 = arith.constant 0 : i32
      %dma_wait3A_104 = arith.constant 0 : i32
      %dma_wait3A_105 = tpu.memref_slice %arg5[%arg0, %dma_wait3A_103, %dma_wait3A_104] : memref<2x10112x128xf32, #tpu.memory_space<hbm>> -> memref<1x10112x128xf32, #tpu.memory_space<hbm>>
      %dma_wait3A_106 = tpu.memref_squeeze %dma_wait3A_105 : memref<1x10112x128xf32, #tpu.memory_space<hbm>> -> memref<10112x128xf32, #tpu.memory_space<hbm>>
      %dma_wait3A_107 = arith.constant 0 : i32
      %dma_wait3A_108 = tpu.memref_slice %dma_wait3A_106[%add3A_90, %dma_wait3A_107] : memref<10112x128xf32, #tpu.memory_space<hbm>> -> memref<160x128xf32, #tpu.memory_space<hbm>>
      %dma_wait3A_109 = arith.constant 0 : i32
      %dma_wait3A_110 = tpu.memref_slice %arg10[%add3A_88, %dma_wait3A_109] : memref<10112x128xf32, #tpu.memory_space<vmem_shared>> -> memref<160x128xf32, #tpu.memory_space<vmem_shared>>
      tpu.wait_dma2 semaphore(%run_scoped3A : memref<!tpu.dma_semaphore, #tpu.memory_space<semaphore_mem>>) src(%dma_wait3A_110 : memref<160x128xf32, #tpu.memory_space<vmem_shared>>) dst(%dma_wait3A_108 : memref<160x128xf32, #tpu.memory_space<hbm>>)
      tpu.yield
    }) : () -> ()
    %add3A_91 = arith.constant 480 : i32
    %add3A_92 = arith.addi %mul3A_8, %add3A_91 : i32
    %add3A_93 = arith.constant 480 : i32
    %add3A_94 = arith.addi %mul3A_8, %add3A_93 : i32
    "tpu.region"() ({
      %run_scoped3A = tpu.sem_alloc : memref<!tpu.dma_semaphore, #tpu.memory_space<semaphore_mem>>
      %dma_start3A_95 = arith.constant 0 : i32
      %dma_start3A_96 = arith.constant 0 : i32
      %dma_start3A_97 = tpu.memref_slice %arg5[%arg0, %dma_start3A_95, %dma_start3A_96] : memref<2x10112x128xf32, #tpu.memory_space<hbm>> -> memref<1x10112x128xf32, #tpu.memory_space<hbm>>
      %dma_start3A_98 = tpu.memref_squeeze %dma_start3A_97 : memref<1x10112x128xf32, #tpu.memory_space<hbm>> -> memref<10112x128xf32, #tpu.memory_space<hbm>>
      %dma_start3A_99 = arith.constant 0 : i32
      %dma_start3A_100 = tpu.memref_slice %dma_start3A_98[%add3A_94, %dma_start3A_99] : memref<10112x128xf32, #tpu.memory_space<hbm>> -> memref<152x128xf32, #tpu.memory_space<hbm>>
      %dma_start3A_101 = arith.constant 0 : i32
      %dma_start3A_102 = tpu.memref_slice %arg10[%add3A_92, %dma_start3A_101] : memref<10112x128xf32, #tpu.memory_space<vmem_shared>> -> memref<152x128xf32, #tpu.memory_space<vmem_shared>>
      tpu.enqueue_dma source(%dma_start3A_102 : memref<152x128xf32, #tpu.memory_space<vmem_shared>>) target(%dma_start3A_100 : memref<152x128xf32, #tpu.memory_space<hbm>>) target_semaphore(%run_scoped3A : memref<!tpu.dma_semaphore, #tpu.memory_space<semaphore_mem>>)
      %dma_wait3A_103 = arith.constant 0 : i32
      %dma_wait3A_104 = arith.constant 0 : i32
      %dma_wait3A_105 = tpu.memref_slice %arg5[%arg0, %dma_wait3A_103, %dma_wait3A_104] : memref<2x10112x128xf32, #tpu.memory_space<hbm>> -> memref<1x10112x128xf32, #tpu.memory_space<hbm>>
      %dma_wait3A_106 = tpu.memref_squeeze %dma_wait3A_105 : memref<1x10112x128xf32, #tpu.memory_space<hbm>> -> memref<10112x128xf32, #tpu.memory_space<hbm>>
      %dma_wait3A_107 = arith.constant 0 : i32
      %dma_wait3A_108 = tpu.memref_slice %dma_wait3A_106[%add3A_94, %dma_wait3A_107] : memref<10112x128xf32, #tpu.memory_space<hbm>> -> memref<152x128xf32, #tpu.memory_space<hbm>>
      %dma_wait3A_109 = arith.constant 0 : i32
      %dma_wait3A_110 = tpu.memref_slice %arg10[%add3A_92, %dma_wait3A_109] : memref<10112x128xf32, #tpu.memory_space<vmem_shared>> -> memref<152x128xf32, #tpu.memory_space<vmem_shared>>
      tpu.wait_dma2 semaphore(%run_scoped3A : memref<!tpu.dma_semaphore, #tpu.memory_space<semaphore_mem>>) src(%dma_wait3A_110 : memref<152x128xf32, #tpu.memory_space<vmem_shared>>) dst(%dma_wait3A_108 : memref<152x128xf32, #tpu.memory_space<hbm>>)
      tpu.yield
    }) : () -> ()
    return
  }
}

#map = affine_map<(d0, d1) -> (0, 0, 0)>
module attributes {stable_mosaic.version = 14 : i64} {
  func.func @_sc_deg_body(%arg0: i32, %arg1: i32, %arg2: memref<32x40x128xi32, #tpu.memory_space<hbm>>, %arg3: memref<2x10112x128xf32, #tpu.memory_space<hbm>>, %arg4: memref<40x128xi32, #tpu.memory_space<vmem>>, %arg5: memref<128x128xf32, #tpu.memory_space<vmem>>, %arg6: memref<32x128xf32, #tpu.memory_space<vmem>>, %arg7: memref<10112x128xf32, #tpu.memory_space<vmem_shared>>) attributes {dimension_semantics = [#tpu.dimension_semantics<core_parallel>, #tpu.dimension_semantics<subcore_parallel>], iteration_bounds = array<i64: 2, 16>, scalar_prefetch = 0 : i64, scratch_operands = 4 : i64, tpu.core_type = #tpu.core_type<sc_vector_subcore>, window_params = [{transform_indices = #map}, {transform_indices = #map}]} {
    %mul3A = arith.constant 16 : i32
    %mul3A_0 = arith.muli %arg0, %mul3A : i32
    %add3A = arith.addi %mul3A_0, %arg1 : i32
    "tpu.region"() ({
      %run_scoped3A = tpu.sem_alloc : memref<!tpu.dma_semaphore, #tpu.memory_space<semaphore_mem>>
      %dma_start3A = arith.constant 0 : i32
      %dma_start3A_80 = arith.constant 0 : i32
      %dma_start3A_81 = tpu.memref_slice %arg2[%add3A, %dma_start3A, %dma_start3A_80] : memref<32x40x128xi32, #tpu.memory_space<hbm>> -> memref<1x40x128xi32, #tpu.memory_space<hbm>>
      %dma_start3A_82 = tpu.memref_squeeze %dma_start3A_81 : memref<1x40x128xi32, #tpu.memory_space<hbm>> -> memref<40x128xi32, #tpu.memory_space<hbm>>
      %dma_start3A_83 = arith.constant 0 : i32
      %dma_start3A_84 = arith.constant 0 : i32
      %dma_start3A_85 = tpu.memref_slice %arg2[%add3A, %dma_start3A_83, %dma_start3A_84] : memref<32x40x128xi32, #tpu.memory_space<hbm>> -> memref<1x40x128xi32, #tpu.memory_space<hbm>>
      %dma_start3A_86 = tpu.memref_squeeze %dma_start3A_85 : memref<1x40x128xi32, #tpu.memory_space<hbm>> -> memref<40x128xi32, #tpu.memory_space<hbm>>
      tpu.enqueue_dma source(%dma_start3A_86 : memref<40x128xi32, #tpu.memory_space<hbm>>) target(%arg4 : memref<40x128xi32, #tpu.memory_space<vmem>>) target_semaphore(%run_scoped3A : memref<!tpu.dma_semaphore, #tpu.memory_space<semaphore_mem>>)
      %dma_wait3A = arith.constant 0 : i32
      %dma_wait3A_87 = arith.constant 0 : i32
      %dma_wait3A_88 = tpu.memref_slice %arg2[%add3A, %dma_wait3A, %dma_wait3A_87] : memref<32x40x128xi32, #tpu.memory_space<hbm>> -> memref<1x40x128xi32, #tpu.memory_space<hbm>>
      %dma_wait3A_89 = tpu.memref_squeeze %dma_wait3A_88 : memref<1x40x128xi32, #tpu.memory_space<hbm>> -> memref<40x128xi32, #tpu.memory_space<hbm>>
      %dma_wait3A_90 = arith.constant 0 : i32
      %dma_wait3A_91 = arith.constant 0 : i32
      %dma_wait3A_92 = tpu.memref_slice %arg2[%add3A, %dma_wait3A_90, %dma_wait3A_91] : memref<32x40x128xi32, #tpu.memory_space<hbm>> -> memref<1x40x128xi32, #tpu.memory_space<hbm>>
      %dma_wait3A_93 = tpu.memref_squeeze %dma_wait3A_92 : memref<1x40x128xi32, #tpu.memory_space<hbm>> -> memref<40x128xi32, #tpu.memory_space<hbm>>
      tpu.wait_dma2 semaphore(%run_scoped3A : memref<!tpu.dma_semaphore, #tpu.memory_space<semaphore_mem>>) src(%dma_wait3A_93 : memref<40x128xi32, #tpu.memory_space<hbm>>) dst(%arg4 : memref<40x128xi32, #tpu.memory_space<vmem>>)
      tpu.yield
    }) : () -> ()
    %scan3A = arith.constant 0 : i32
    %scan3A_1 = arith.constant 0 : i32
    %scan3A_2 = arith.constant 32 : i32
    %scan3A_3 = arith.addi %scan3A_1, %scan3A_2 : i32
    %scan3A_4 = arith.constant 1 : i32
    %scan3A_5 = scf.for %scan3A_80 = %scan3A_1 to %scan3A_3 step %scan3A_4 iter_args(%scan3A_81 = %scan3A) -> (i32)  : i32 {
      %broadcast_in_dim3A = arith.constant 0.000000e+00 : f32
      %broadcast_in_dim3A_82 = vector.broadcast %broadcast_in_dim3A : f32 to vector<16xf32>
      %swap3A = arith.index_cast %scan3A_80 : i32 to index
      %swap3A_83 = arith.constant 0 : index
      %swap3A_84 = tpu.vector_load %arg6[%swap3A, %swap3A_83] {strides = array<i32>} : memref<32x128xf32, #tpu.memory_space<vmem>>, vector<1x16xf32>,
      %swap3A_85 = vector.shape_cast %swap3A_84 : vector<1x16xf32> to vector<16xf32>
      %swap3A_86 = vector.shape_cast %broadcast_in_dim3A_82 : vector<16xf32> to vector<1x16xf32>
      tpu.vector_store %arg6[%swap3A, %swap3A_83], %swap3A_86 {strides = array<i32>} : memref<32x128xf32, #tpu.memory_space<vmem>>, vector<1x16xf32>,
      %broadcast_in_dim3A_87 = arith.constant 0.000000e+00 : f32
      %broadcast_in_dim3A_88 = vector.broadcast %broadcast_in_dim3A_87 : f32 to vector<16xf32>
      %swap3A_89 = arith.index_cast %scan3A_80 : i32 to index
      %swap3A_90 = arith.constant 16 : index
      %swap3A_91 = tpu.vector_load %arg6[%swap3A_89, %swap3A_90] {strides = array<i32>} : memref<32x128xf32, #tpu.memory_space<vmem>>, vector<1x16xf32>,
      %swap3A_92 = vector.shape_cast %swap3A_91 : vector<1x16xf32> to vector<16xf32>
      %swap3A_93 = vector.shape_cast %broadcast_in_dim3A_88 : vector<16xf32> to vector<1x16xf32>
      tpu.vector_store %arg6[%swap3A_89, %swap3A_90], %swap3A_93 {strides = array<i32>} : memref<32x128xf32, #tpu.memory_space<vmem>>, vector<1x16xf32>,
      %broadcast_in_dim3A_94 = arith.constant 0.000000e+00 : f32
      %broadcast_in_dim3A_95 = vector.broadcast %broadcast_in_dim3A_94 : f32 to vector<16xf32>
      %swap3A_96 = arith.index_cast %scan3A_80 : i32 to index
      %swap3A_97 = arith.constant 32 : index
      %swap3A_98 = tpu.vector_load %arg6[%swap3A_96, %swap3A_97] {strides = array<i32>} : memref<32x128xf32, #tpu.memory_space<vmem>>, vector<1x16xf32>,
      %swap3A_99 = vector.shape_cast %swap3A_98 : vector<1x16xf32> to vector<16xf32>
      %swap3A_100 = vector.shape_cast %broadcast_in_dim3A_95 : vector<16xf32> to vector<1x16xf32>
      tpu.vector_store %arg6[%swap3A_96, %swap3A_97], %swap3A_100 {strides = array<i32>} : memref<32x128xf32, #tpu.memory_space<vmem>>, vector<1x16xf32>,
      %broadcast_in_dim3A_101 = arith.constant 0.000000e+00 : f32
      %broadcast_in_dim3A_102 = vector.broadcast %broadcast_in_dim3A_101 : f32 to vector<16xf32>
      %swap3A_103 = arith.index_cast %scan3A_80 : i32 to index
      %swap3A_104 = arith.constant 48 : index
      %swap3A_105 = tpu.vector_load %arg6[%swap3A_103, %swap3A_104] {strides = array<i32>} : memref<32x128xf32, #tpu.memory_space<vmem>>, vector<1x16xf32>,
      %swap3A_106 = vector.shape_cast %swap3A_105 : vector<1x16xf32> to vector<16xf32>
      %swap3A_107 = vector.shape_cast %broadcast_in_dim3A_102 : vector<16xf32> to vector<1x16xf32>
      tpu.vector_store %arg6[%swap3A_103, %swap3A_104], %swap3A_107 {strides = array<i32>} : memref<32x128xf32, #tpu.memory_space<vmem>>, vector<1x16xf32>,
      %broadcast_in_dim3A_108 = arith.constant 0.000000e+00 : f32
      %broadcast_in_dim3A_109 = vector.broadcast %broadcast_in_dim3A_108 : f32 to vector<16xf32>
      %swap3A_110 = arith.index_cast %scan3A_80 : i32 to index
      %swap3A_111 = arith.constant 64 : index
      %swap3A_112 = tpu.vector_load %arg6[%swap3A_110, %swap3A_111] {strides = array<i32>} : memref<32x128xf32, #tpu.memory_space<vmem>>, vector<1x16xf32>,
      %swap3A_113 = vector.shape_cast %swap3A_112 : vector<1x16xf32> to vector<16xf32>
      %swap3A_114 = vector.shape_cast %broadcast_in_dim3A_109 : vector<16xf32> to vector<1x16xf32>
      tpu.vector_store %arg6[%swap3A_110, %swap3A_111], %swap3A_114 {strides = array<i32>} : memref<32x128xf32, #tpu.memory_space<vmem>>, vector<1x16xf32>,
      %broadcast_in_dim3A_115 = arith.constant 0.000000e+00 : f32
      %broadcast_in_dim3A_116 = vector.broadcast %broadcast_in_dim3A_115 : f32 to vector<16xf32>
      %swap3A_117 = arith.index_cast %scan3A_80 : i32 to index
      %swap3A_118 = arith.constant 80 : index
      %swap3A_119 = tpu.vector_load %arg6[%swap3A_117, %swap3A_118] {strides = array<i32>} : memref<32x128xf32, #tpu.memory_space<vmem>>, vector<1x16xf32>,
      %swap3A_120 = vector.shape_cast %swap3A_119 : vector<1x16xf32> to vector<16xf32>
      %swap3A_121 = vector.shape_cast %broadcast_in_dim3A_116 : vector<16xf32> to vector<1x16xf32>
      tpu.vector_store %arg6[%swap3A_117, %swap3A_118], %swap3A_121 {strides = array<i32>} : memref<32x128xf32, #tpu.memory_space<vmem>>, vector<1x16xf32>,
      %broadcast_in_dim3A_122 = arith.constant 0.000000e+00 : f32
      %broadcast_in_dim3A_123 = vector.broadcast %broadcast_in_dim3A_122 : f32 to vector<16xf32>
      %swap3A_124 = arith.index_cast %scan3A_80 : i32 to index
      %swap3A_125 = arith.constant 96 : index
      %swap3A_126 = tpu.vector_load %arg6[%swap3A_124, %swap3A_125] {strides = array<i32>} : memref<32x128xf32, #tpu.memory_space<vmem>>, vector<1x16xf32>,
      %swap3A_127 = vector.shape_cast %swap3A_126 : vector<1x16xf32> to vector<16xf32>
      %swap3A_128 = vector.shape_cast %broadcast_in_dim3A_123 : vector<16xf32> to vector<1x16xf32>
      tpu.vector_store %arg6[%swap3A_124, %swap3A_125], %swap3A_128 {strides = array<i32>} : memref<32x128xf32, #tpu.memory_space<vmem>>, vector<1x16xf32>,
      %broadcast_in_dim3A_129 = arith.constant 0.000000e+00 : f32
      %broadcast_in_dim3A_130 = vector.broadcast %broadcast_in_dim3A_129 : f32 to vector<16xf32>
      %swap3A_131 = arith.index_cast %scan3A_80 : i32 to index
      %swap3A_132 = arith.constant 112 : index
      %swap3A_133 = tpu.vector_load %arg6[%swap3A_131, %swap3A_132] {strides = array<i32>} : memref<32x128xf32, #tpu.memory_space<vmem>>, vector<1x16xf32>,
      %swap3A_134 = vector.shape_cast %swap3A_133 : vector<1x16xf32> to vector<16xf32>
      %swap3A_135 = vector.shape_cast %broadcast_in_dim3A_130 : vector<16xf32> to vector<1x16xf32>
      tpu.vector_store %arg6[%swap3A_131, %swap3A_132], %swap3A_135 {strides = array<i32>} : memref<32x128xf32, #tpu.memory_space<vmem>>, vector<1x16xf32>,
      %scan3A_136 = arith.constant 0 : i32
      scf.yield %scan3A_136 : i32
    }
    %scan3A_6 = arith.constant 32 : i32
    %scan3A_7 = arith.constant 0 : i32
    %scan3A_8 = arith.constant 0 : i32
    %scan3A_9 = arith.constant 128 : i32
    %scan3A_10 = arith.addi %scan3A_8, %scan3A_9 : i32
    %scan3A_11 = arith.constant 1 : i32
    %scan3A_12 = scf.for %scan3A_80 = %scan3A_8 to %scan3A_10 step %scan3A_11 iter_args(%scan3A_81 = %scan3A_7) -> (i32)  : i32 {
      %broadcast_in_dim3A = arith.constant 1.000000e+00 : f32
      %broadcast_in_dim3A_82 = vector.broadcast %broadcast_in_dim3A : f32 to vector<16xf32>
      %swap3A = arith.index_cast %scan3A_80 : i32 to index
      %swap3A_83 = arith.constant 0 : index
      %swap3A_84 = tpu.vector_load %arg5[%swap3A, %swap3A_83] {strides = array<i32>} : memref<128x128xf32, #tpu.memory_space<vmem>>, vector<1x16xf32>,
      %swap3A_85 = vector.shape_cast %swap3A_84 : vector<1x16xf32> to vector<16xf32>
      %swap3A_86 = vector.shape_cast %broadcast_in_dim3A_82 : vector<16xf32> to vector<1x16xf32>
      tpu.vector_store %arg5[%swap3A, %swap3A_83], %swap3A_86 {strides = array<i32>} : memref<128x128xf32, #tpu.memory_space<vmem>>, vector<1x16xf32>,
      %broadcast_in_dim3A_87 = arith.constant 1.000000e+00 : f32
      %broadcast_in_dim3A_88 = vector.broadcast %broadcast_in_dim3A_87 : f32 to vector<16xf32>
      %swap3A_89 = arith.index_cast %scan3A_80 : i32 to index
      %swap3A_90 = arith.constant 16 : index
      %swap3A_91 = tpu.vector_load %arg5[%swap3A_89, %swap3A_90] {strides = array<i32>} : memref<128x128xf32, #tpu.memory_space<vmem>>, vector<1x16xf32>,
      %swap3A_92 = vector.shape_cast %swap3A_91 : vector<1x16xf32> to vector<16xf32>
      %swap3A_93 = vector.shape_cast %broadcast_in_dim3A_88 : vector<16xf32> to vector<1x16xf32>
      tpu.vector_store %arg5[%swap3A_89, %swap3A_90], %swap3A_93 {strides = array<i32>} : memref<128x128xf32, #tpu.memory_space<vmem>>, vector<1x16xf32>,
      %broadcast_in_dim3A_94 = arith.constant 1.000000e+00 : f32
      %broadcast_in_dim3A_95 = vector.broadcast %broadcast_in_dim3A_94 : f32 to vector<16xf32>
      %swap3A_96 = arith.index_cast %scan3A_80 : i32 to index
      %swap3A_97 = arith.constant 32 : index
      %swap3A_98 = tpu.vector_load %arg5[%swap3A_96, %swap3A_97] {strides = array<i32>} : memref<128x128xf32, #tpu.memory_space<vmem>>, vector<1x16xf32>,
      %swap3A_99 = vector.shape_cast %swap3A_98 : vector<1x16xf32> to vector<16xf32>
      %swap3A_100 = vector.shape_cast %broadcast_in_dim3A_95 : vector<16xf32> to vector<1x16xf32>
      tpu.vector_store %arg5[%swap3A_96, %swap3A_97], %swap3A_100 {strides = array<i32>} : memref<128x128xf32, #tpu.memory_space<vmem>>, vector<1x16xf32>,
      %broadcast_in_dim3A_101 = arith.constant 1.000000e+00 : f32
      %broadcast_in_dim3A_102 = vector.broadcast %broadcast_in_dim3A_101 : f32 to vector<16xf32>
      %swap3A_103 = arith.index_cast %scan3A_80 : i32 to index
      %swap3A_104 = arith.constant 48 : index
      %swap3A_105 = tpu.vector_load %arg5[%swap3A_103, %swap3A_104] {strides = array<i32>} : memref<128x128xf32, #tpu.memory_space<vmem>>, vector<1x16xf32>,
      %swap3A_106 = vector.shape_cast %swap3A_105 : vector<1x16xf32> to vector<16xf32>
      %swap3A_107 = vector.shape_cast %broadcast_in_dim3A_102 : vector<16xf32> to vector<1x16xf32>
      tpu.vector_store %arg5[%swap3A_103, %swap3A_104], %swap3A_107 {strides = array<i32>} : memref<128x128xf32, #tpu.memory_space<vmem>>, vector<1x16xf32>,
      %broadcast_in_dim3A_108 = arith.constant 1.000000e+00 : f32
      %broadcast_in_dim3A_109 = vector.broadcast %broadcast_in_dim3A_108 : f32 to vector<16xf32>
      %swap3A_110 = arith.index_cast %scan3A_80 : i32 to index
      %swap3A_111 = arith.constant 64 : index
      %swap3A_112 = tpu.vector_load %arg5[%swap3A_110, %swap3A_111] {strides = array<i32>} : memref<128x128xf32, #tpu.memory_space<vmem>>, vector<1x16xf32>,
      %swap3A_113 = vector.shape_cast %swap3A_112 : vector<1x16xf32> to vector<16xf32>
      %swap3A_114 = vector.shape_cast %broadcast_in_dim3A_109 : vector<16xf32> to vector<1x16xf32>
      tpu.vector_store %arg5[%swap3A_110, %swap3A_111], %swap3A_114 {strides = array<i32>} : memref<128x128xf32, #tpu.memory_space<vmem>>, vector<1x16xf32>,
      %broadcast_in_dim3A_115 = arith.constant 1.000000e+00 : f32
      %broadcast_in_dim3A_116 = vector.broadcast %broadcast_in_dim3A_115 : f32 to vector<16xf32>
      %swap3A_117 = arith.index_cast %scan3A_80 : i32 to index
      %swap3A_118 = arith.constant 80 : index
      %swap3A_119 = tpu.vector_load %arg5[%swap3A_117, %swap3A_118] {strides = array<i32>} : memref<128x128xf32, #tpu.memory_space<vmem>>, vector<1x16xf32>,
      %swap3A_120 = vector.shape_cast %swap3A_119 : vector<1x16xf32> to vector<16xf32>
      %swap3A_121 = vector.shape_cast %broadcast_in_dim3A_116 : vector<16xf32> to vector<1x16xf32>
      tpu.vector_store %arg5[%swap3A_117, %swap3A_118], %swap3A_121 {strides = array<i32>} : memref<128x128xf32, #tpu.memory_space<vmem>>, vector<1x16xf32>,
      %broadcast_in_dim3A_122 = arith.constant 1.000000e+00 : f32
      %broadcast_in_dim3A_123 = vector.broadcast %broadcast_in_dim3A_122 : f32 to vector<16xf32>
      %swap3A_124 = arith.index_cast %scan3A_80 : i32 to index
      %swap3A_125 = arith.constant 96 : index
      %swap3A_126 = tpu.vector_load %arg5[%swap3A_124, %swap3A_125] {strides = array<i32>} : memref<128x128xf32, #tpu.memory_space<vmem>>, vector<1x16xf32>,
      %swap3A_127 = vector.shape_cast %swap3A_126 : vector<1x16xf32> to vector<16xf32>
      %swap3A_128 = vector.shape_cast %broadcast_in_dim3A_123 : vector<16xf32> to vector<1x16xf32>
      tpu.vector_store %arg5[%swap3A_124, %swap3A_125], %swap3A_128 {strides = array<i32>} : memref<128x128xf32, #tpu.memory_space<vmem>>, vector<1x16xf32>,
      %broadcast_in_dim3A_129 = arith.constant 1.000000e+00 : f32
      %broadcast_in_dim3A_130 = vector.broadcast %broadcast_in_dim3A_129 : f32 to vector<16xf32>
      %swap3A_131 = arith.index_cast %scan3A_80 : i32 to index
      %swap3A_132 = arith.constant 112 : index
      %swap3A_133 = tpu.vector_load %arg5[%swap3A_131, %swap3A_132] {strides = array<i32>} : memref<128x128xf32, #tpu.memory_space<vmem>>, vector<1x16xf32>,
      %swap3A_134 = vector.shape_cast %swap3A_133 : vector<1x16xf32> to vector<16xf32>
      %swap3A_135 = vector.shape_cast %broadcast_in_dim3A_130 : vector<16xf32> to vector<1x16xf32>
      tpu.vector_store %arg5[%swap3A_131, %swap3A_132], %swap3A_135 {strides = array<i32>} : memref<128x128xf32, #tpu.memory_space<vmem>>, vector<1x16xf32>,
      %scan3A_136 = arith.constant 0 : i32
      scf.yield %scan3A_136 : i32
    }
    %scan3A_13 = arith.constant 128 : i32
    %mul3A_14 = arith.constant 632 : i32
    %mul3A_15 = arith.muli %arg1, %mul3A_14 : i32
    %add3A_16 = arith.constant 0 : i32
    %add3A_17 = arith.addi %mul3A_15, %add3A_16 : i32
    "tpu.region"() ({
      %run_scoped3A = tpu.sem_alloc : memref<!tpu.dma_semaphore, #tpu.memory_space<semaphore_mem>>
      %dma_start3A = arith.constant 0 : i32
      %dma_start3A_80 = tpu.memref_slice %arg7[%add3A_17, %dma_start3A] : memref<10112x128xf32, #tpu.memory_space<vmem_shared>> -> memref<32x128xf32, #tpu.memory_space<vmem_shared>>
      %dma_start3A_81 = arith.constant 0 : i32
      %dma_start3A_82 = tpu.memref_slice %arg7[%add3A_17, %dma_start3A_81] : memref<10112x128xf32, #tpu.memory_space<vmem_shared>> -> memref<32x128xf32, #tpu.memory_space<vmem_shared>>
      tpu.enqueue_dma source(%arg6 : memref<32x128xf32, #tpu.memory_space<vmem>>) target(%dma_start3A_82 : memref<32x128xf32, #tpu.memory_space<vmem_shared>>) target_semaphore(%run_scoped3A : memref<!tpu.dma_semaphore, #tpu.memory_space<semaphore_mem>>)
      %dma_wait3A = arith.constant 0 : i32
      %dma_wait3A_83 = tpu.memref_slice %arg7[%add3A_17, %dma_wait3A] : memref<10112x128xf32, #tpu.memory_space<vmem_shared>> -> memref<32x128xf32, #tpu.memory_space<vmem_shared>>
      %dma_wait3A_84 = arith.constant 0 : i32
      %dma_wait3A_85 = tpu.memref_slice %arg7[%add3A_17, %dma_wait3A_84] : memref<10112x128xf32, #tpu.memory_space<vmem_shared>> -> memref<32x128xf32, #tpu.memory_space<vmem_shared>>
      tpu.wait_dma2 semaphore(%run_scoped3A : memref<!tpu.dma_semaphore, #tpu.memory_space<semaphore_mem>>) src(%arg6 : memref<32x128xf32, #tpu.memory_space<vmem>>) dst(%dma_wait3A_85 : memref<32x128xf32, #tpu.memory_space<vmem_shared>>)
      tpu.yield
    }) : () -> ()
    %add3A_18 = arith.constant 32 : i32
    %add3A_19 = arith.addi %mul3A_15, %add3A_18 : i32
    "tpu.region"() ({
      %run_scoped3A = tpu.sem_alloc : memref<!tpu.dma_semaphore, #tpu.memory_space<semaphore_mem>>
      %dma_start3A = arith.constant 0 : i32
      %dma_start3A_80 = tpu.memref_slice %arg7[%add3A_19, %dma_start3A] : memref<10112x128xf32, #tpu.memory_space<vmem_shared>> -> memref<32x128xf32, #tpu.memory_space<vmem_shared>>
      %dma_start3A_81 = arith.constant 0 : i32
      %dma_start3A_82 = tpu.memref_slice %arg7[%add3A_19, %dma_start3A_81] : memref<10112x128xf32, #tpu.memory_space<vmem_shared>> -> memref<32x128xf32, #tpu.memory_space<vmem_shared>>
      tpu.enqueue_dma source(%arg6 : memref<32x128xf32, #tpu.memory_space<vmem>>) target(%dma_start3A_82 : memref<32x128xf32, #tpu.memory_space<vmem_shared>>) target_semaphore(%run_scoped3A : memref<!tpu.dma_semaphore, #tpu.memory_space<semaphore_mem>>)
      %dma_wait3A = arith.constant 0 : i32
      %dma_wait3A_83 = tpu.memref_slice %arg7[%add3A_19, %dma_wait3A] : memref<10112x128xf32, #tpu.memory_space<vmem_shared>> -> memref<32x128xf32, #tpu.memory_space<vmem_shared>>
      %dma_wait3A_84 = arith.constant 0 : i32
      %dma_wait3A_85 = tpu.memref_slice %arg7[%add3A_19, %dma_wait3A_84] : memref<10112x128xf32, #tpu.memory_space<vmem_shared>> -> memref<32x128xf32, #tpu.memory_space<vmem_shared>>
      tpu.wait_dma2 semaphore(%run_scoped3A : memref<!tpu.dma_semaphore, #tpu.memory_space<semaphore_mem>>) src(%arg6 : memref<32x128xf32, #tpu.memory_space<vmem>>) dst(%dma_wait3A_85 : memref<32x128xf32, #tpu.memory_space<vmem_shared>>)
      tpu.yield
    }) : () -> ()
    %add3A_20 = arith.constant 64 : i32
    %add3A_21 = arith.addi %mul3A_15, %add3A_20 : i32
    "tpu.region"() ({
      %run_scoped3A = tpu.sem_alloc : memref<!tpu.dma_semaphore, #tpu.memory_space<semaphore_mem>>
      %dma_start3A = arith.constant 0 : i32
      %dma_start3A_80 = tpu.memref_slice %arg7[%add3A_21, %dma_start3A] : memref<10112x128xf32, #tpu.memory_space<vmem_shared>> -> memref<32x128xf32, #tpu.memory_space<vmem_shared>>
      %dma_start3A_81 = arith.constant 0 : i32
      %dma_start3A_82 = tpu.memref_slice %arg7[%add3A_21, %dma_start3A_81] : memref<10112x128xf32, #tpu.memory_space<vmem_shared>> -> memref<32x128xf32, #tpu.memory_space<vmem_shared>>
      tpu.enqueue_dma source(%arg6 : memref<32x128xf32, #tpu.memory_space<vmem>>) target(%dma_start3A_82 : memref<32x128xf32, #tpu.memory_space<vmem_shared>>) target_semaphore(%run_scoped3A : memref<!tpu.dma_semaphore, #tpu.memory_space<semaphore_mem>>)
      %dma_wait3A = arith.constant 0 : i32
      %dma_wait3A_83 = tpu.memref_slice %arg7[%add3A_21, %dma_wait3A] : memref<10112x128xf32, #tpu.memory_space<vmem_shared>> -> memref<32x128xf32, #tpu.memory_space<vmem_shared>>
      %dma_wait3A_84 = arith.constant 0 : i32
      %dma_wait3A_85 = tpu.memref_slice %arg7[%add3A_21, %dma_wait3A_84] : memref<10112x128xf32, #tpu.memory_space<vmem_shared>> -> memref<32x128xf32, #tpu.memory_space<vmem_shared>>
      tpu.wait_dma2 semaphore(%run_scoped3A : memref<!tpu.dma_semaphore, #tpu.memory_space<semaphore_mem>>) src(%arg6 : memref<32x128xf32, #tpu.memory_space<vmem>>) dst(%dma_wait3A_85 : memref<32x128xf32, #tpu.memory_space<vmem_shared>>)
      tpu.yield
    }) : () -> ()
    %add3A_22 = arith.constant 96 : i32
    %add3A_23 = arith.addi %mul3A_15, %add3A_22 : i32
    "tpu.region"() ({
      %run_scoped3A = tpu.sem_alloc : memref<!tpu.dma_semaphore, #tpu.memory_space<semaphore_mem>>
      %dma_start3A = arith.constant 0 : i32
      %dma_start3A_80 = tpu.memref_slice %arg7[%add3A_23, %dma_start3A] : memref<10112x128xf32, #tpu.memory_space<vmem_shared>> -> memref<32x128xf32, #tpu.memory_space<vmem_shared>>
      %dma_start3A_81 = arith.constant 0 : i32
      %dma_start3A_82 = tpu.memref_slice %arg7[%add3A_23, %dma_start3A_81] : memref<10112x128xf32, #tpu.memory_space<vmem_shared>> -> memref<32x128xf32, #tpu.memory_space<vmem_shared>>
      tpu.enqueue_dma source(%arg6 : memref<32x128xf32, #tpu.memory_space<vmem>>) target(%dma_start3A_82 : memref<32x128xf32, #tpu.memory_space<vmem_shared>>) target_semaphore(%run_scoped3A : memref<!tpu.dma_semaphore, #tpu.memory_space<semaphore_mem>>)
      %dma_wait3A = arith.constant 0 : i32
      %dma_wait3A_83 = tpu.memref_slice %arg7[%add3A_23, %dma_wait3A] : memref<10112x128xf32, #tpu.memory_space<vmem_shared>> -> memref<32x128xf32, #tpu.memory_space<vmem_shared>>
      %dma_wait3A_84 = arith.constant 0 : i32
      %dma_wait3A_85 = tpu.memref_slice %arg7[%add3A_23, %dma_wait3A_84] : memref<10112x128xf32, #tpu.memory_space<vmem_shared>> -> memref<32x128xf32, #tpu.memory_space<vmem_shared>>
      tpu.wait_dma2 semaphore(%run_scoped3A : memref<!tpu.dma_semaphore, #tpu.memory_space<semaphore_mem>>) src(%arg6 : memref<32x128xf32, #tpu.memory_space<vmem>>) dst(%dma_wait3A_85 : memref<32x128xf32, #tpu.memory_space<vmem_shared>>)
      tpu.yield
    }) : () -> ()
    %add3A_24 = arith.constant 128 : i32
    %add3A_25 = arith.addi %mul3A_15, %add3A_24 : i32
    "tpu.region"() ({
      %run_scoped3A = tpu.sem_alloc : memref<!tpu.dma_semaphore, #tpu.memory_space<semaphore_mem>>
      %dma_start3A = arith.constant 0 : i32
      %dma_start3A_80 = tpu.memref_slice %arg7[%add3A_25, %dma_start3A] : memref<10112x128xf32, #tpu.memory_space<vmem_shared>> -> memref<32x128xf32, #tpu.memory_space<vmem_shared>>
      %dma_start3A_81 = arith.constant 0 : i32
      %dma_start3A_82 = tpu.memref_slice %arg7[%add3A_25, %dma_start3A_81] : memref<10112x128xf32, #tpu.memory_space<vmem_shared>> -> memref<32x128xf32, #tpu.memory_space<vmem_shared>>
      tpu.enqueue_dma source(%arg6 : memref<32x128xf32, #tpu.memory_space<vmem>>) target(%dma_start3A_82 : memref<32x128xf32, #tpu.memory_space<vmem_shared>>) target_semaphore(%run_scoped3A : memref<!tpu.dma_semaphore, #tpu.memory_space<semaphore_mem>>)
      %dma_wait3A = arith.constant 0 : i32
      %dma_wait3A_83 = tpu.memref_slice %arg7[%add3A_25, %dma_wait3A] : memref<10112x128xf32, #tpu.memory_space<vmem_shared>> -> memref<32x128xf32, #tpu.memory_space<vmem_shared>>
      %dma_wait3A_84 = arith.constant 0 : i32
      %dma_wait3A_85 = tpu.memref_slice %arg7[%add3A_25, %dma_wait3A_84] : memref<10112x128xf32, #tpu.memory_space<vmem_shared>> -> memref<32x128xf32, #tpu.memory_space<vmem_shared>>
      tpu.wait_dma2 semaphore(%run_scoped3A : memref<!tpu.dma_semaphore, #tpu.memory_space<semaphore_mem>>) src(%arg6 : memref<32x128xf32, #tpu.memory_space<vmem>>) dst(%dma_wait3A_85 : memref<32x128xf32, #tpu.memory_space<vmem_shared>>)
      tpu.yield
    }) : () -> ()
    %add3A_26 = arith.constant 160 : i32
    %add3A_27 = arith.addi %mul3A_15, %add3A_26 : i32
    "tpu.region"() ({
      %run_scoped3A = tpu.sem_alloc : memref<!tpu.dma_semaphore, #tpu.memory_space<semaphore_mem>>
      %dma_start3A = arith.constant 0 : i32
      %dma_start3A_80 = tpu.memref_slice %arg7[%add3A_27, %dma_start3A] : memref<10112x128xf32, #tpu.memory_space<vmem_shared>> -> memref<32x128xf32, #tpu.memory_space<vmem_shared>>
      %dma_start3A_81 = arith.constant 0 : i32
      %dma_start3A_82 = tpu.memref_slice %arg7[%add3A_27, %dma_start3A_81] : memref<10112x128xf32, #tpu.memory_space<vmem_shared>> -> memref<32x128xf32, #tpu.memory_space<vmem_shared>>
      tpu.enqueue_dma source(%arg6 : memref<32x128xf32, #tpu.memory_space<vmem>>) target(%dma_start3A_82 : memref<32x128xf32, #tpu.memory_space<vmem_shared>>) target_semaphore(%run_scoped3A : memref<!tpu.dma_semaphore, #tpu.memory_space<semaphore_mem>>)
      %dma_wait3A = arith.constant 0 : i32
      %dma_wait3A_83 = tpu.memref_slice %arg7[%add3A_27, %dma_wait3A] : memref<10112x128xf32, #tpu.memory_space<vmem_shared>> -> memref<32x128xf32, #tpu.memory_space<vmem_shared>>
      %dma_wait3A_84 = arith.constant 0 : i32
      %dma_wait3A_85 = tpu.memref_slice %arg7[%add3A_27, %dma_wait3A_84] : memref<10112x128xf32, #tpu.memory_space<vmem_shared>> -> memref<32x128xf32, #tpu.memory_space<vmem_shared>>
      tpu.wait_dma2 semaphore(%run_scoped3A : memref<!tpu.dma_semaphore, #tpu.memory_space<semaphore_mem>>) src(%arg6 : memref<32x128xf32, #tpu.memory_space<vmem>>) dst(%dma_wait3A_85 : memref<32x128xf32, #tpu.memory_space<vmem_shared>>)
      tpu.yield
    }) : () -> ()
    %add3A_28 = arith.constant 192 : i32
    %add3A_29 = arith.addi %mul3A_15, %add3A_28 : i32
    "tpu.region"() ({
      %run_scoped3A = tpu.sem_alloc : memref<!tpu.dma_semaphore, #tpu.memory_space<semaphore_mem>>
      %dma_start3A = arith.constant 0 : i32
      %dma_start3A_80 = tpu.memref_slice %arg7[%add3A_29, %dma_start3A] : memref<10112x128xf32, #tpu.memory_space<vmem_shared>> -> memref<32x128xf32, #tpu.memory_space<vmem_shared>>
      %dma_start3A_81 = arith.constant 0 : i32
      %dma_start3A_82 = tpu.memref_slice %arg7[%add3A_29, %dma_start3A_81] : memref<10112x128xf32, #tpu.memory_space<vmem_shared>> -> memref<32x128xf32, #tpu.memory_space<vmem_shared>>
      tpu.enqueue_dma source(%arg6 : memref<32x128xf32, #tpu.memory_space<vmem>>) target(%dma_start3A_82 : memref<32x128xf32, #tpu.memory_space<vmem_shared>>) target_semaphore(%run_scoped3A : memref<!tpu.dma_semaphore, #tpu.memory_space<semaphore_mem>>)
      %dma_wait3A = arith.constant 0 : i32
      %dma_wait3A_83 = tpu.memref_slice %arg7[%add3A_29, %dma_wait3A] : memref<10112x128xf32, #tpu.memory_space<vmem_shared>> -> memref<32x128xf32, #tpu.memory_space<vmem_shared>>
      %dma_wait3A_84 = arith.constant 0 : i32
      %dma_wait3A_85 = tpu.memref_slice %arg7[%add3A_29, %dma_wait3A_84] : memref<10112x128xf32, #tpu.memory_space<vmem_shared>> -> memref<32x128xf32, #tpu.memory_space<vmem_shared>>
      tpu.wait_dma2 semaphore(%run_scoped3A : memref<!tpu.dma_semaphore, #tpu.memory_space<semaphore_mem>>) src(%arg6 : memref<32x128xf32, #tpu.memory_space<vmem>>) dst(%dma_wait3A_85 : memref<32x128xf32, #tpu.memory_space<vmem_shared>>)
      tpu.yield
    }) : () -> ()
    %add3A_30 = arith.constant 224 : i32
    %add3A_31 = arith.addi %mul3A_15, %add3A_30 : i32
    "tpu.region"() ({
      %run_scoped3A = tpu.sem_alloc : memref<!tpu.dma_semaphore, #tpu.memory_space<semaphore_mem>>
      %dma_start3A = arith.constant 0 : i32
      %dma_start3A_80 = tpu.memref_slice %arg7[%add3A_31, %dma_start3A] : memref<10112x128xf32, #tpu.memory_space<vmem_shared>> -> memref<32x128xf32, #tpu.memory_space<vmem_shared>>
      %dma_start3A_81 = arith.constant 0 : i32
      %dma_start3A_82 = tpu.memref_slice %arg7[%add3A_31, %dma_start3A_81] : memref<10112x128xf32, #tpu.memory_space<vmem_shared>> -> memref<32x128xf32, #tpu.memory_space<vmem_shared>>
      tpu.enqueue_dma source(%arg6 : memref<32x128xf32, #tpu.memory_space<vmem>>) target(%dma_start3A_82 : memref<32x128xf32, #tpu.memory_space<vmem_shared>>) target_semaphore(%run_scoped3A : memref<!tpu.dma_semaphore, #tpu.memory_space<semaphore_mem>>)
      %dma_wait3A = arith.constant 0 : i32
      %dma_wait3A_83 = tpu.memref_slice %arg7[%add3A_31, %dma_wait3A] : memref<10112x128xf32, #tpu.memory_space<vmem_shared>> -> memref<32x128xf32, #tpu.memory_space<vmem_shared>>
      %dma_wait3A_84 = arith.constant 0 : i32
      %dma_wait3A_85 = tpu.memref_slice %arg7[%add3A_31, %dma_wait3A_84] : memref<10112x128xf32, #tpu.memory_space<vmem_shared>> -> memref<32x128xf32, #tpu.memory_space<vmem_shared>>
      tpu.wait_dma2 semaphore(%run_scoped3A : memref<!tpu.dma_semaphore, #tpu.memory_space<semaphore_mem>>) src(%arg6 : memref<32x128xf32, #tpu.memory_space<vmem>>) dst(%dma_wait3A_85 : memref<32x128xf32, #tpu.memory_space<vmem_shared>>)
      tpu.yield
    }) : () -> ()
    %add3A_32 = arith.constant 256 : i32
    %add3A_33 = arith.addi %mul3A_15, %add3A_32 : i32
    "tpu.region"() ({
      %run_scoped3A = tpu.sem_alloc : memref<!tpu.dma_semaphore, #tpu.memory_space<semaphore_mem>>
      %dma_start3A = arith.constant 0 : i32
      %dma_start3A_80 = tpu.memref_slice %arg7[%add3A_33, %dma_start3A] : memref<10112x128xf32, #tpu.memory_space<vmem_shared>> -> memref<32x128xf32, #tpu.memory_space<vmem_shared>>
      %dma_start3A_81 = arith.constant 0 : i32
      %dma_start3A_82 = tpu.memref_slice %arg7[%add3A_33, %dma_start3A_81] : memref<10112x128xf32, #tpu.memory_space<vmem_shared>> -> memref<32x128xf32, #tpu.memory_space<vmem_shared>>
      tpu.enqueue_dma source(%arg6 : memref<32x128xf32, #tpu.memory_space<vmem>>) target(%dma_start3A_82 : memref<32x128xf32, #tpu.memory_space<vmem_shared>>) target_semaphore(%run_scoped3A : memref<!tpu.dma_semaphore, #tpu.memory_space<semaphore_mem>>)
      %dma_wait3A = arith.constant 0 : i32
      %dma_wait3A_83 = tpu.memref_slice %arg7[%add3A_33, %dma_wait3A] : memref<10112x128xf32, #tpu.memory_space<vmem_shared>> -> memref<32x128xf32, #tpu.memory_space<vmem_shared>>
      %dma_wait3A_84 = arith.constant 0 : i32
      %dma_wait3A_85 = tpu.memref_slice %arg7[%add3A_33, %dma_wait3A_84] : memref<10112x128xf32, #tpu.memory_space<vmem_shared>> -> memref<32x128xf32, #tpu.memory_space<vmem_shared>>
      tpu.wait_dma2 semaphore(%run_scoped3A : memref<!tpu.dma_semaphore, #tpu.memory_space<semaphore_mem>>) src(%arg6 : memref<32x128xf32, #tpu.memory_space<vmem>>) dst(%dma_wait3A_85 : memref<32x128xf32, #tpu.memory_space<vmem_shared>>)
      tpu.yield
    }) : () -> ()
    %add3A_34 = arith.constant 288 : i32
    %add3A_35 = arith.addi %mul3A_15, %add3A_34 : i32
    "tpu.region"() ({
      %run_scoped3A = tpu.sem_alloc : memref<!tpu.dma_semaphore, #tpu.memory_space<semaphore_mem>>
      %dma_start3A = arith.constant 0 : i32
      %dma_start3A_80 = tpu.memref_slice %arg7[%add3A_35, %dma_start3A] : memref<10112x128xf32, #tpu.memory_space<vmem_shared>> -> memref<32x128xf32, #tpu.memory_space<vmem_shared>>
      %dma_start3A_81 = arith.constant 0 : i32
      %dma_start3A_82 = tpu.memref_slice %arg7[%add3A_35, %dma_start3A_81] : memref<10112x128xf32, #tpu.memory_space<vmem_shared>> -> memref<32x128xf32, #tpu.memory_space<vmem_shared>>
      tpu.enqueue_dma source(%arg6 : memref<32x128xf32, #tpu.memory_space<vmem>>) target(%dma_start3A_82 : memref<32x128xf32, #tpu.memory_space<vmem_shared>>) target_semaphore(%run_scoped3A : memref<!tpu.dma_semaphore, #tpu.memory_space<semaphore_mem>>)
      %dma_wait3A = arith.constant 0 : i32
      %dma_wait3A_83 = tpu.memref_slice %arg7[%add3A_35, %dma_wait3A] : memref<10112x128xf32, #tpu.memory_space<vmem_shared>> -> memref<32x128xf32, #tpu.memory_space<vmem_shared>>
      %dma_wait3A_84 = arith.constant 0 : i32
      %dma_wait3A_85 = tpu.memref_slice %arg7[%add3A_35, %dma_wait3A_84] : memref<10112x128xf32, #tpu.memory_space<vmem_shared>> -> memref<32x128xf32, #tpu.memory_space<vmem_shared>>
      tpu.wait_dma2 semaphore(%run_scoped3A : memref<!tpu.dma_semaphore, #tpu.memory_space<semaphore_mem>>) src(%arg6 : memref<32x128xf32, #tpu.memory_space<vmem>>) dst(%dma_wait3A_85 : memref<32x128xf32, #tpu.memory_space<vmem_shared>>)
      tpu.yield
    }) : () -> ()
    %add3A_36 = arith.constant 320 : i32
    %add3A_37 = arith.addi %mul3A_15, %add3A_36 : i32
    "tpu.region"() ({
      %run_scoped3A = tpu.sem_alloc : memref<!tpu.dma_semaphore, #tpu.memory_space<semaphore_mem>>
      %dma_start3A = arith.constant 0 : i32
      %dma_start3A_80 = tpu.memref_slice %arg7[%add3A_37, %dma_start3A] : memref<10112x128xf32, #tpu.memory_space<vmem_shared>> -> memref<32x128xf32, #tpu.memory_space<vmem_shared>>
      %dma_start3A_81 = arith.constant 0 : i32
      %dma_start3A_82 = tpu.memref_slice %arg7[%add3A_37, %dma_start3A_81] : memref<10112x128xf32, #tpu.memory_space<vmem_shared>> -> memref<32x128xf32, #tpu.memory_space<vmem_shared>>
      tpu.enqueue_dma source(%arg6 : memref<32x128xf32, #tpu.memory_space<vmem>>) target(%dma_start3A_82 : memref<32x128xf32, #tpu.memory_space<vmem_shared>>) target_semaphore(%run_scoped3A : memref<!tpu.dma_semaphore, #tpu.memory_space<semaphore_mem>>)
      %dma_wait3A = arith.constant 0 : i32
      %dma_wait3A_83 = tpu.memref_slice %arg7[%add3A_37, %dma_wait3A] : memref<10112x128xf32, #tpu.memory_space<vmem_shared>> -> memref<32x128xf32, #tpu.memory_space<vmem_shared>>
      %dma_wait3A_84 = arith.constant 0 : i32
      %dma_wait3A_85 = tpu.memref_slice %arg7[%add3A_37, %dma_wait3A_84] : memref<10112x128xf32, #tpu.memory_space<vmem_shared>> -> memref<32x128xf32, #tpu.memory_space<vmem_shared>>
      tpu.wait_dma2 semaphore(%run_scoped3A : memref<!tpu.dma_semaphore, #tpu.memory_space<semaphore_mem>>) src(%arg6 : memref<32x128xf32, #tpu.memory_space<vmem>>) dst(%dma_wait3A_85 : memref<32x128xf32, #tpu.memory_space<vmem_shared>>)
      tpu.yield
    }) : () -> ()
    %add3A_38 = arith.constant 352 : i32
    %add3A_39 = arith.addi %mul3A_15, %add3A_38 : i32
    "tpu.region"() ({
      %run_scoped3A = tpu.sem_alloc : memref<!tpu.dma_semaphore, #tpu.memory_space<semaphore_mem>>
      %dma_start3A = arith.constant 0 : i32
      %dma_start3A_80 = tpu.memref_slice %arg7[%add3A_39, %dma_start3A] : memref<10112x128xf32, #tpu.memory_space<vmem_shared>> -> memref<32x128xf32, #tpu.memory_space<vmem_shared>>
      %dma_start3A_81 = arith.constant 0 : i32
      %dma_start3A_82 = tpu.memref_slice %arg7[%add3A_39, %dma_start3A_81] : memref<10112x128xf32, #tpu.memory_space<vmem_shared>> -> memref<32x128xf32, #tpu.memory_space<vmem_shared>>
      tpu.enqueue_dma source(%arg6 : memref<32x128xf32, #tpu.memory_space<vmem>>) target(%dma_start3A_82 : memref<32x128xf32, #tpu.memory_space<vmem_shared>>) target_semaphore(%run_scoped3A : memref<!tpu.dma_semaphore, #tpu.memory_space<semaphore_mem>>)
      %dma_wait3A = arith.constant 0 : i32
      %dma_wait3A_83 = tpu.memref_slice %arg7[%add3A_39, %dma_wait3A] : memref<10112x128xf32, #tpu.memory_space<vmem_shared>> -> memref<32x128xf32, #tpu.memory_space<vmem_shared>>
      %dma_wait3A_84 = arith.constant 0 : i32
      %dma_wait3A_85 = tpu.memref_slice %arg7[%add3A_39, %dma_wait3A_84] : memref<10112x128xf32, #tpu.memory_space<vmem_shared>> -> memref<32x128xf32, #tpu.memory_space<vmem_shared>>
      tpu.wait_dma2 semaphore(%run_scoped3A : memref<!tpu.dma_semaphore, #tpu.memory_space<semaphore_mem>>) src(%arg6 : memref<32x128xf32, #tpu.memory_space<vmem>>) dst(%dma_wait3A_85 : memref<32x128xf32, #tpu.memory_space<vmem_shared>>)
      tpu.yield
    }) : () -> ()
    %add3A_40 = arith.constant 384 : i32
    %add3A_41 = arith.addi %mul3A_15, %add3A_40 : i32
    "tpu.region"() ({
      %run_scoped3A = tpu.sem_alloc : memref<!tpu.dma_semaphore, #tpu.memory_space<semaphore_mem>>
      %dma_start3A = arith.constant 0 : i32
      %dma_start3A_80 = tpu.memref_slice %arg7[%add3A_41, %dma_start3A] : memref<10112x128xf32, #tpu.memory_space<vmem_shared>> -> memref<32x128xf32, #tpu.memory_space<vmem_shared>>
      %dma_start3A_81 = arith.constant 0 : i32
      %dma_start3A_82 = tpu.memref_slice %arg7[%add3A_41, %dma_start3A_81] : memref<10112x128xf32, #tpu.memory_space<vmem_shared>> -> memref<32x128xf32, #tpu.memory_space<vmem_shared>>
      tpu.enqueue_dma source(%arg6 : memref<32x128xf32, #tpu.memory_space<vmem>>) target(%dma_start3A_82 : memref<32x128xf32, #tpu.memory_space<vmem_shared>>) target_semaphore(%run_scoped3A : memref<!tpu.dma_semaphore, #tpu.memory_space<semaphore_mem>>)
      %dma_wait3A = arith.constant 0 : i32
      %dma_wait3A_83 = tpu.memref_slice %arg7[%add3A_41, %dma_wait3A] : memref<10112x128xf32, #tpu.memory_space<vmem_shared>> -> memref<32x128xf32, #tpu.memory_space<vmem_shared>>
      %dma_wait3A_84 = arith.constant 0 : i32
      %dma_wait3A_85 = tpu.memref_slice %arg7[%add3A_41, %dma_wait3A_84] : memref<10112x128xf32, #tpu.memory_space<vmem_shared>> -> memref<32x128xf32, #tpu.memory_space<vmem_shared>>
      tpu.wait_dma2 semaphore(%run_scoped3A : memref<!tpu.dma_semaphore, #tpu.memory_space<semaphore_mem>>) src(%arg6 : memref<32x128xf32, #tpu.memory_space<vmem>>) dst(%dma_wait3A_85 : memref<32x128xf32, #tpu.memory_space<vmem_shared>>)
      tpu.yield
    }) : () -> ()
    %add3A_42 = arith.constant 416 : i32
    %add3A_43 = arith.addi %mul3A_15, %add3A_42 : i32
    "tpu.region"() ({
      %run_scoped3A = tpu.sem_alloc : memref<!tpu.dma_semaphore, #tpu.memory_space<semaphore_mem>>
      %dma_start3A = arith.constant 0 : i32
      %dma_start3A_80 = tpu.memref_slice %arg7[%add3A_43, %dma_start3A] : memref<10112x128xf32, #tpu.memory_space<vmem_shared>> -> memref<32x128xf32, #tpu.memory_space<vmem_shared>>
      %dma_start3A_81 = arith.constant 0 : i32
      %dma_start3A_82 = tpu.memref_slice %arg7[%add3A_43, %dma_start3A_81] : memref<10112x128xf32, #tpu.memory_space<vmem_shared>> -> memref<32x128xf32, #tpu.memory_space<vmem_shared>>
      tpu.enqueue_dma source(%arg6 : memref<32x128xf32, #tpu.memory_space<vmem>>) target(%dma_start3A_82 : memref<32x128xf32, #tpu.memory_space<vmem_shared>>) target_semaphore(%run_scoped3A : memref<!tpu.dma_semaphore, #tpu.memory_space<semaphore_mem>>)
      %dma_wait3A = arith.constant 0 : i32
      %dma_wait3A_83 = tpu.memref_slice %arg7[%add3A_43, %dma_wait3A] : memref<10112x128xf32, #tpu.memory_space<vmem_shared>> -> memref<32x128xf32, #tpu.memory_space<vmem_shared>>
      %dma_wait3A_84 = arith.constant 0 : i32
      %dma_wait3A_85 = tpu.memref_slice %arg7[%add3A_43, %dma_wait3A_84] : memref<10112x128xf32, #tpu.memory_space<vmem_shared>> -> memref<32x128xf32, #tpu.memory_space<vmem_shared>>
      tpu.wait_dma2 semaphore(%run_scoped3A : memref<!tpu.dma_semaphore, #tpu.memory_space<semaphore_mem>>) src(%arg6 : memref<32x128xf32, #tpu.memory_space<vmem>>) dst(%dma_wait3A_85 : memref<32x128xf32, #tpu.memory_space<vmem_shared>>)
      tpu.yield
    }) : () -> ()
    %add3A_44 = arith.constant 448 : i32
    %add3A_45 = arith.addi %mul3A_15, %add3A_44 : i32
    "tpu.region"() ({
      %run_scoped3A = tpu.sem_alloc : memref<!tpu.dma_semaphore, #tpu.memory_space<semaphore_mem>>
      %dma_start3A = arith.constant 0 : i32
      %dma_start3A_80 = tpu.memref_slice %arg7[%add3A_45, %dma_start3A] : memref<10112x128xf32, #tpu.memory_space<vmem_shared>> -> memref<32x128xf32, #tpu.memory_space<vmem_shared>>
      %dma_start3A_81 = arith.constant 0 : i32
      %dma_start3A_82 = tpu.memref_slice %arg7[%add3A_45, %dma_start3A_81] : memref<10112x128xf32, #tpu.memory_space<vmem_shared>> -> memref<32x128xf32, #tpu.memory_space<vmem_shared>>
      tpu.enqueue_dma source(%arg6 : memref<32x128xf32, #tpu.memory_space<vmem>>) target(%dma_start3A_82 : memref<32x128xf32, #tpu.memory_space<vmem_shared>>) target_semaphore(%run_scoped3A : memref<!tpu.dma_semaphore, #tpu.memory_space<semaphore_mem>>)
      %dma_wait3A = arith.constant 0 : i32
      %dma_wait3A_83 = tpu.memref_slice %arg7[%add3A_45, %dma_wait3A] : memref<10112x128xf32, #tpu.memory_space<vmem_shared>> -> memref<32x128xf32, #tpu.memory_space<vmem_shared>>
      %dma_wait3A_84 = arith.constant 0 : i32
      %dma_wait3A_85 = tpu.memref_slice %arg7[%add3A_45, %dma_wait3A_84] : memref<10112x128xf32, #tpu.memory_space<vmem_shared>> -> memref<32x128xf32, #tpu.memory_space<vmem_shared>>
      tpu.wait_dma2 semaphore(%run_scoped3A : memref<!tpu.dma_semaphore, #tpu.memory_space<semaphore_mem>>) src(%arg6 : memref<32x128xf32, #tpu.memory_space<vmem>>) dst(%dma_wait3A_85 : memref<32x128xf32, #tpu.memory_space<vmem_shared>>)
      tpu.yield
    }) : () -> ()
    %add3A_46 = arith.constant 480 : i32
    %add3A_47 = arith.addi %mul3A_15, %add3A_46 : i32
    "tpu.region"() ({
      %run_scoped3A = tpu.sem_alloc : memref<!tpu.dma_semaphore, #tpu.memory_space<semaphore_mem>>
      %dma_start3A = arith.constant 0 : i32
      %dma_start3A_80 = tpu.memref_slice %arg7[%add3A_47, %dma_start3A] : memref<10112x128xf32, #tpu.memory_space<vmem_shared>> -> memref<32x128xf32, #tpu.memory_space<vmem_shared>>
      %dma_start3A_81 = arith.constant 0 : i32
      %dma_start3A_82 = tpu.memref_slice %arg7[%add3A_47, %dma_start3A_81] : memref<10112x128xf32, #tpu.memory_space<vmem_shared>> -> memref<32x128xf32, #tpu.memory_space<vmem_shared>>
      tpu.enqueue_dma source(%arg6 : memref<32x128xf32, #tpu.memory_space<vmem>>) target(%dma_start3A_82 : memref<32x128xf32, #tpu.memory_space<vmem_shared>>) target_semaphore(%run_scoped3A : memref<!tpu.dma_semaphore, #tpu.memory_space<semaphore_mem>>)
      %dma_wait3A = arith.constant 0 : i32
      %dma_wait3A_83 = tpu.memref_slice %arg7[%add3A_47, %dma_wait3A] : memref<10112x128xf32, #tpu.memory_space<vmem_shared>> -> memref<32x128xf32, #tpu.memory_space<vmem_shared>>
      %dma_wait3A_84 = arith.constant 0 : i32
      %dma_wait3A_85 = tpu.memref_slice %arg7[%add3A_47, %dma_wait3A_84] : memref<10112x128xf32, #tpu.memory_space<vmem_shared>> -> memref<32x128xf32, #tpu.memory_space<vmem_shared>>
      tpu.wait_dma2 semaphore(%run_scoped3A : memref<!tpu.dma_semaphore, #tpu.memory_space<semaphore_mem>>) src(%arg6 : memref<32x128xf32, #tpu.memory_space<vmem>>) dst(%dma_wait3A_85 : memref<32x128xf32, #tpu.memory_space<vmem_shared>>)
      tpu.yield
    }) : () -> ()
    %add3A_48 = arith.constant 512 : i32
    %add3A_49 = arith.addi %mul3A_15, %add3A_48 : i32
    "tpu.region"() ({
      %run_scoped3A = tpu.sem_alloc : memref<!tpu.dma_semaphore, #tpu.memory_space<semaphore_mem>>
      %dma_start3A = arith.constant 0 : i32
      %dma_start3A_80 = tpu.memref_slice %arg7[%add3A_49, %dma_start3A] : memref<10112x128xf32, #tpu.memory_space<vmem_shared>> -> memref<32x128xf32, #tpu.memory_space<vmem_shared>>
      %dma_start3A_81 = arith.constant 0 : i32
      %dma_start3A_82 = tpu.memref_slice %arg7[%add3A_49, %dma_start3A_81] : memref<10112x128xf32, #tpu.memory_space<vmem_shared>> -> memref<32x128xf32, #tpu.memory_space<vmem_shared>>
      tpu.enqueue_dma source(%arg6 : memref<32x128xf32, #tpu.memory_space<vmem>>) target(%dma_start3A_82 : memref<32x128xf32, #tpu.memory_space<vmem_shared>>) target_semaphore(%run_scoped3A : memref<!tpu.dma_semaphore, #tpu.memory_space<semaphore_mem>>)
      %dma_wait3A = arith.constant 0 : i32
      %dma_wait3A_83 = tpu.memref_slice %arg7[%add3A_49, %dma_wait3A] : memref<10112x128xf32, #tpu.memory_space<vmem_shared>> -> memref<32x128xf32, #tpu.memory_space<vmem_shared>>
      %dma_wait3A_84 = arith.constant 0 : i32
      %dma_wait3A_85 = tpu.memref_slice %arg7[%add3A_49, %dma_wait3A_84] : memref<10112x128xf32, #tpu.memory_space<vmem_shared>> -> memref<32x128xf32, #tpu.memory_space<vmem_shared>>
      tpu.wait_dma2 semaphore(%run_scoped3A : memref<!tpu.dma_semaphore, #tpu.memory_space<semaphore_mem>>) src(%arg6 : memref<32x128xf32, #tpu.memory_space<vmem>>) dst(%dma_wait3A_85 : memref<32x128xf32, #tpu.memory_space<vmem_shared>>)
      tpu.yield
    }) : () -> ()
    %add3A_50 = arith.constant 544 : i32
    %add3A_51 = arith.addi %mul3A_15, %add3A_50 : i32
    "tpu.region"() ({
      %run_scoped3A = tpu.sem_alloc : memref<!tpu.dma_semaphore, #tpu.memory_space<semaphore_mem>>
      %dma_start3A = arith.constant 0 : i32
      %dma_start3A_80 = tpu.memref_slice %arg7[%add3A_51, %dma_start3A] : memref<10112x128xf32, #tpu.memory_space<vmem_shared>> -> memref<32x128xf32, #tpu.memory_space<vmem_shared>>
      %dma_start3A_81 = arith.constant 0 : i32
      %dma_start3A_82 = tpu.memref_slice %arg7[%add3A_51, %dma_start3A_81] : memref<10112x128xf32, #tpu.memory_space<vmem_shared>> -> memref<32x128xf32, #tpu.memory_space<vmem_shared>>
      tpu.enqueue_dma source(%arg6 : memref<32x128xf32, #tpu.memory_space<vmem>>) target(%dma_start3A_82 : memref<32x128xf32, #tpu.memory_space<vmem_shared>>) target_semaphore(%run_scoped3A : memref<!tpu.dma_semaphore, #tpu.memory_space<semaphore_mem>>)
      %dma_wait3A = arith.constant 0 : i32
      %dma_wait3A_83 = tpu.memref_slice %arg7[%add3A_51, %dma_wait3A] : memref<10112x128xf32, #tpu.memory_space<vmem_shared>> -> memref<32x128xf32, #tpu.memory_space<vmem_shared>>
      %dma_wait3A_84 = arith.constant 0 : i32
      %dma_wait3A_85 = tpu.memref_slice %arg7[%add3A_51, %dma_wait3A_84] : memref<10112x128xf32, #tpu.memory_space<vmem_shared>> -> memref<32x128xf32, #tpu.memory_space<vmem_shared>>
      tpu.wait_dma2 semaphore(%run_scoped3A : memref<!tpu.dma_semaphore, #tpu.memory_space<semaphore_mem>>) src(%arg6 : memref<32x128xf32, #tpu.memory_space<vmem>>) dst(%dma_wait3A_85 : memref<32x128xf32, #tpu.memory_space<vmem_shared>>)
      tpu.yield
    }) : () -> ()
    %add3A_52 = arith.constant 576 : i32
    %add3A_53 = arith.addi %mul3A_15, %add3A_52 : i32
    "tpu.region"() ({
      %run_scoped3A = tpu.sem_alloc : memref<!tpu.dma_semaphore, #tpu.memory_space<semaphore_mem>>
      %dma_start3A = arith.constant 0 : i32
      %dma_start3A_80 = tpu.memref_slice %arg7[%add3A_53, %dma_start3A] : memref<10112x128xf32, #tpu.memory_space<vmem_shared>> -> memref<32x128xf32, #tpu.memory_space<vmem_shared>>
      %dma_start3A_81 = arith.constant 0 : i32
      %dma_start3A_82 = tpu.memref_slice %arg7[%add3A_53, %dma_start3A_81] : memref<10112x128xf32, #tpu.memory_space<vmem_shared>> -> memref<32x128xf32, #tpu.memory_space<vmem_shared>>
      tpu.enqueue_dma source(%arg6 : memref<32x128xf32, #tpu.memory_space<vmem>>) target(%dma_start3A_82 : memref<32x128xf32, #tpu.memory_space<vmem_shared>>) target_semaphore(%run_scoped3A : memref<!tpu.dma_semaphore, #tpu.memory_space<semaphore_mem>>)
      %dma_wait3A = arith.constant 0 : i32
      %dma_wait3A_83 = tpu.memref_slice %arg7[%add3A_53, %dma_wait3A] : memref<10112x128xf32, #tpu.memory_space<vmem_shared>> -> memref<32x128xf32, #tpu.memory_space<vmem_shared>>
      %dma_wait3A_84 = arith.constant 0 : i32
      %dma_wait3A_85 = tpu.memref_slice %arg7[%add3A_53, %dma_wait3A_84] : memref<10112x128xf32, #tpu.memory_space<vmem_shared>> -> memref<32x128xf32, #tpu.memory_space<vmem_shared>>
      tpu.wait_dma2 semaphore(%run_scoped3A : memref<!tpu.dma_semaphore, #tpu.memory_space<semaphore_mem>>) src(%arg6 : memref<32x128xf32, #tpu.memory_space<vmem>>) dst(%dma_wait3A_85 : memref<32x128xf32, #tpu.memory_space<vmem_shared>>)
      tpu.yield
    }) : () -> ()
    %add3A_54 = arith.constant 608 : i32
    %add3A_55 = arith.addi %mul3A_15, %add3A_54 : i32
    "tpu.region"() ({
      %run_scoped3A = tpu.sem_alloc : memref<!tpu.dma_semaphore, #tpu.memory_space<semaphore_mem>>
      %dma_start3A = arith.constant 0 : i32
      %dma_start3A_80 = arith.constant 0 : i32
      %dma_start3A_81 = tpu.memref_slice %arg6[%dma_start3A, %dma_start3A_80] : memref<32x128xf32, #tpu.memory_space<vmem>> -> memref<24x128xf32, #tpu.memory_space<vmem>>
      %dma_start3A_82 = arith.constant 0 : i32
      %dma_start3A_83 = tpu.memref_slice %arg7[%add3A_55, %dma_start3A_82] : memref<10112x128xf32, #tpu.memory_space<vmem_shared>> -> memref<24x128xf32, #tpu.memory_space<vmem_shared>>
      %dma_start3A_84 = arith.constant 0 : i32
      %dma_start3A_85 = tpu.memref_slice %arg7[%add3A_55, %dma_start3A_84] : memref<10112x128xf32, #tpu.memory_space<vmem_shared>> -> memref<24x128xf32, #tpu.memory_space<vmem_shared>>
      %dma_start3A_86 = arith.constant 0 : i32
      %dma_start3A_87 = arith.constant 0 : i32
      %dma_start3A_88 = tpu.memref_slice %arg6[%dma_start3A_86, %dma_start3A_87] : memref<32x128xf32, #tpu.memory_space<vmem>> -> memref<24x128xf32, #tpu.memory_space<vmem>>
      tpu.enqueue_dma source(%dma_start3A_88 : memref<24x128xf32, #tpu.memory_space<vmem>>) target(%dma_start3A_85 : memref<24x128xf32, #tpu.memory_space<vmem_shared>>) target_semaphore(%run_scoped3A : memref<!tpu.dma_semaphore, #tpu.memory_space<semaphore_mem>>)
      %dma_wait3A = arith.constant 0 : i32
      %dma_wait3A_89 = arith.constant 0 : i32
      %dma_wait3A_90 = tpu.memref_slice %arg6[%dma_wait3A, %dma_wait3A_89] : memref<32x128xf32, #tpu.memory_space<vmem>> -> memref<24x128xf32, #tpu.memory_space<vmem>>
      %dma_wait3A_91 = arith.constant 0 : i32
      %dma_wait3A_92 = tpu.memref_slice %arg7[%add3A_55, %dma_wait3A_91] : memref<10112x128xf32, #tpu.memory_space<vmem_shared>> -> memref<24x128xf32, #tpu.memory_space<vmem_shared>>
      %dma_wait3A_93 = arith.constant 0 : i32
      %dma_wait3A_94 = tpu.memref_slice %arg7[%add3A_55, %dma_wait3A_93] : memref<10112x128xf32, #tpu.memory_space<vmem_shared>> -> memref<24x128xf32, #tpu.memory_space<vmem_shared>>
      %dma_wait3A_95 = arith.constant 0 : i32
      %dma_wait3A_96 = arith.constant 0 : i32
      %dma_wait3A_97 = tpu.memref_slice %arg6[%dma_wait3A_95, %dma_wait3A_96] : memref<32x128xf32, #tpu.memory_space<vmem>> -> memref<24x128xf32, #tpu.memory_space<vmem>>
      tpu.wait_dma2 semaphore(%run_scoped3A : memref<!tpu.dma_semaphore, #tpu.memory_space<semaphore_mem>>) src(%dma_wait3A_97 : memref<24x128xf32, #tpu.memory_space<vmem>>) dst(%dma_wait3A_94 : memref<24x128xf32, #tpu.memory_space<vmem_shared>>)
      tpu.yield
    }) : () -> ()
    %barrier3A = arith.constant 0 : index
    tpu.barrier barrier_id(%barrier3A)
    %scan3A_56 = arith.constant 0 : i32
    %scan3A_57 = arith.constant 0 : i32
    %scan3A_58 = arith.constant 40 : i32
    %scan3A_59 = arith.addi %scan3A_57, %scan3A_58 : i32
    %scan3A_60 = arith.constant 1 : i32
    %scan3A_61 = scf.for %scan3A_80 = %scan3A_57 to %scan3A_59 step %scan3A_60 iter_args(%scan3A_81 = %scan3A_56) -> (i32)  : i32 {
      "tpu.region"() ({
        %run_scoped3A = tpu.sem_alloc : memref<!tpu.dma_semaphore, #tpu.memory_space<semaphore_mem>>
        %dma_start3A = arith.constant 0 : i32
        %dma_start3A_83 = tpu.memref_slice %arg4[%scan3A_80, %dma_start3A] : memref<40x128xi32, #tpu.memory_space<vmem>> -> memref<1x128xi32, #tpu.memory_space<vmem>>
        %dma_start3A_84 = tpu.memref_squeeze %dma_start3A_83 : memref<1x128xi32, #tpu.memory_space<vmem>> -> memref<128xi32, #tpu.memory_space<vmem>>
        %dma_start3A_85 = arith.constant 0 : i32
        %dma_start3A_86 = arith.constant 0 : i32
        %dma_start3A_87 = tpu.memref_slice %arg7[%dma_start3A_85, %dma_start3A_86] : memref<10112x128xf32, #tpu.memory_space<vmem_shared>> -> memref<10112x128xf32, #tpu.memory_space<vmem_shared>>
        tpu.enqueue_indirect_dma source(%arg5 : memref<128x128xf32, #tpu.memory_space<vmem>>) target(%dma_start3A_87 : memref<10112x128xf32, #tpu.memory_space<vmem_shared>>) offsets(%dma_start3A_84 : memref<128xi32, #tpu.memory_space<vmem>>) semaphore(%run_scoped3A : memref<!tpu.dma_semaphore, #tpu.memory_space<semaphore_mem>>) {add = true}
        %dma_wait3A = arith.constant 0 : i32
        %dma_wait3A_88 = tpu.memref_slice %arg4[%scan3A_80, %dma_wait3A] : memref<40x128xi32, #tpu.memory_space<vmem>> -> memref<1x128xi32, #tpu.memory_space<vmem>>
        %dma_wait3A_89 = tpu.memref_squeeze %dma_wait3A_88 : memref<1x128xi32, #tpu.memory_space<vmem>> -> memref<128xi32, #tpu.memory_space<vmem>>
        %dma_wait3A_90 = arith.constant 0 : i32
        %dma_wait3A_91 = arith.constant 0 : i32
        %dma_wait3A_92 = tpu.memref_slice %arg7[%dma_wait3A_90, %dma_wait3A_91] : memref<10112x128xf32, #tpu.memory_space<vmem_shared>> -> memref<10112x128xf32, #tpu.memory_space<vmem_shared>>
        tpu.wait_indirect_dma semaphore(%run_scoped3A : memref<!tpu.dma_semaphore, #tpu.memory_space<semaphore_mem>>) src(%arg5 : memref<128x128xf32, #tpu.memory_space<vmem>>) dst(%dma_wait3A_92 : memref<10112x128xf32, #tpu.memory_space<vmem_shared>>)
        tpu.yield
      }) : () -> ()
      %scan3A_82 = arith.constant 0 : i32
      scf.yield %scan3A_82 : i32
    }
    %scan3A_62 = arith.constant 40 : i32
    %barrier3A_63 = arith.constant 0 : index
    tpu.barrier barrier_id(%barrier3A_63)
    %add3A_64 = arith.constant 0 : i32
    %add3A_65 = arith.addi %mul3A_15, %add3A_64 : i32
    %add3A_66 = arith.constant 0 : i32
    %add3A_67 = arith.addi %mul3A_15, %add3A_66 : i32
    "tpu.region"() ({
      %run_scoped3A = tpu.sem_alloc : memref<!tpu.dma_semaphore, #tpu.memory_space<semaphore_mem>>
      %dma_start3A = arith.constant 0 : i32
      %dma_start3A_80 = arith.constant 0 : i32
      %dma_start3A_81 = tpu.memref_slice %arg3[%arg0, %dma_start3A, %dma_start3A_80] : memref<2x10112x128xf32, #tpu.memory_space<hbm>> -> memref<1x10112x128xf32, #tpu.memory_space<hbm>>
      %dma_start3A_82 = tpu.memref_squeeze %dma_start3A_81 : memref<1x10112x128xf32, #tpu.memory_space<hbm>> -> memref<10112x128xf32, #tpu.memory_space<hbm>>
      %dma_start3A_83 = arith.constant 0 : i32
      %dma_start3A_84 = tpu.memref_slice %dma_start3A_82[%add3A_67, %dma_start3A_83] : memref<10112x128xf32, #tpu.memory_space<hbm>> -> memref<160x128xf32, #tpu.memory_space<hbm>>
      %dma_start3A_85 = arith.constant 0 : i32
      %dma_start3A_86 = tpu.memref_slice %arg7[%add3A_65, %dma_start3A_85] : memref<10112x128xf32, #tpu.memory_space<vmem_shared>> -> memref<160x128xf32, #tpu.memory_space<vmem_shared>>
      tpu.enqueue_dma source(%dma_start3A_86 : memref<160x128xf32, #tpu.memory_space<vmem_shared>>) target(%dma_start3A_84 : memref<160x128xf32, #tpu.memory_space<hbm>>) target_semaphore(%run_scoped3A : memref<!tpu.dma_semaphore, #tpu.memory_space<semaphore_mem>>)
      %dma_wait3A = arith.constant 0 : i32
      %dma_wait3A_87 = arith.constant 0 : i32
      %dma_wait3A_88 = tpu.memref_slice %arg3[%arg0, %dma_wait3A, %dma_wait3A_87] : memref<2x10112x128xf32, #tpu.memory_space<hbm>> -> memref<1x10112x128xf32, #tpu.memory_space<hbm>>
      %dma_wait3A_89 = tpu.memref_squeeze %dma_wait3A_88 : memref<1x10112x128xf32, #tpu.memory_space<hbm>> -> memref<10112x128xf32, #tpu.memory_space<hbm>>
      %dma_wait3A_90 = arith.constant 0 : i32
      %dma_wait3A_91 = tpu.memref_slice %dma_wait3A_89[%add3A_67, %dma_wait3A_90] : memref<10112x128xf32, #tpu.memory_space<hbm>> -> memref<160x128xf32, #tpu.memory_space<hbm>>
      %dma_wait3A_92 = arith.constant 0 : i32
      %dma_wait3A_93 = tpu.memref_slice %arg7[%add3A_65, %dma_wait3A_92] : memref<10112x128xf32, #tpu.memory_space<vmem_shared>> -> memref<160x128xf32, #tpu.memory_space<vmem_shared>>
      tpu.wait_dma2 semaphore(%run_scoped3A : memref<!tpu.dma_semaphore, #tpu.memory_space<semaphore_mem>>) src(%dma_wait3A_93 : memref<160x128xf32, #tpu.memory_space<vmem_shared>>) dst(%dma_wait3A_91 : memref<160x128xf32, #tpu.memory_space<hbm>>)
      tpu.yield
    }) : () -> ()
    %add3A_68 = arith.constant 160 : i32
    %add3A_69 = arith.addi %mul3A_15, %add3A_68 : i32
    %add3A_70 = arith.constant 160 : i32
    %add3A_71 = arith.addi %mul3A_15, %add3A_70 : i32
    "tpu.region"() ({
      %run_scoped3A = tpu.sem_alloc : memref<!tpu.dma_semaphore, #tpu.memory_space<semaphore_mem>>
      %dma_start3A = arith.constant 0 : i32
      %dma_start3A_80 = arith.constant 0 : i32
      %dma_start3A_81 = tpu.memref_slice %arg3[%arg0, %dma_start3A, %dma_start3A_80] : memref<2x10112x128xf32, #tpu.memory_space<hbm>> -> memref<1x10112x128xf32, #tpu.memory_space<hbm>>
      %dma_start3A_82 = tpu.memref_squeeze %dma_start3A_81 : memref<1x10112x128xf32, #tpu.memory_space<hbm>> -> memref<10112x128xf32, #tpu.memory_space<hbm>>
      %dma_start3A_83 = arith.constant 0 : i32
      %dma_start3A_84 = tpu.memref_slice %dma_start3A_82[%add3A_71, %dma_start3A_83] : memref<10112x128xf32, #tpu.memory_space<hbm>> -> memref<160x128xf32, #tpu.memory_space<hbm>>
      %dma_start3A_85 = arith.constant 0 : i32
      %dma_start3A_86 = tpu.memref_slice %arg7[%add3A_69, %dma_start3A_85] : memref<10112x128xf32, #tpu.memory_space<vmem_shared>> -> memref<160x128xf32, #tpu.memory_space<vmem_shared>>
      tpu.enqueue_dma source(%dma_start3A_86 : memref<160x128xf32, #tpu.memory_space<vmem_shared>>) target(%dma_start3A_84 : memref<160x128xf32, #tpu.memory_space<hbm>>) target_semaphore(%run_scoped3A : memref<!tpu.dma_semaphore, #tpu.memory_space<semaphore_mem>>)
      %dma_wait3A = arith.constant 0 : i32
      %dma_wait3A_87 = arith.constant 0 : i32
      %dma_wait3A_88 = tpu.memref_slice %arg3[%arg0, %dma_wait3A, %dma_wait3A_87] : memref<2x10112x128xf32, #tpu.memory_space<hbm>> -> memref<1x10112x128xf32, #tpu.memory_space<hbm>>
      %dma_wait3A_89 = tpu.memref_squeeze %dma_wait3A_88 : memref<1x10112x128xf32, #tpu.memory_space<hbm>> -> memref<10112x128xf32, #tpu.memory_space<hbm>>
      %dma_wait3A_90 = arith.constant 0 : i32
      %dma_wait3A_91 = tpu.memref_slice %dma_wait3A_89[%add3A_71, %dma_wait3A_90] : memref<10112x128xf32, #tpu.memory_space<hbm>> -> memref<160x128xf32, #tpu.memory_space<hbm>>
      %dma_wait3A_92 = arith.constant 0 : i32
      %dma_wait3A_93 = tpu.memref_slice %arg7[%add3A_69, %dma_wait3A_92] : memref<10112x128xf32, #tpu.memory_space<vmem_shared>> -> memref<160x128xf32, #tpu.memory_space<vmem_shared>>
      tpu.wait_dma2 semaphore(%run_scoped3A : memref<!tpu.dma_semaphore, #tpu.memory_space<semaphore_mem>>) src(%dma_wait3A_93 : memref<160x128xf32, #tpu.memory_space<vmem_shared>>) dst(%dma_wait3A_91 : memref<160x128xf32, #tpu.memory_space<hbm>>)
      tpu.yield
    }) : () -> ()
    %add3A_72 = arith.constant 320 : i32
    %add3A_73 = arith.addi %mul3A_15, %add3A_72 : i32
    %add3A_74 = arith.constant 320 : i32
    %add3A_75 = arith.addi %mul3A_15, %add3A_74 : i32
    "tpu.region"() ({
      %run_scoped3A = tpu.sem_alloc : memref<!tpu.dma_semaphore, #tpu.memory_space<semaphore_mem>>
      %dma_start3A = arith.constant 0 : i32
      %dma_start3A_80 = arith.constant 0 : i32
      %dma_start3A_81 = tpu.memref_slice %arg3[%arg0, %dma_start3A, %dma_start3A_80] : memref<2x10112x128xf32, #tpu.memory_space<hbm>> -> memref<1x10112x128xf32, #tpu.memory_space<hbm>>
      %dma_start3A_82 = tpu.memref_squeeze %dma_start3A_81 : memref<1x10112x128xf32, #tpu.memory_space<hbm>> -> memref<10112x128xf32, #tpu.memory_space<hbm>>
      %dma_start3A_83 = arith.constant 0 : i32
      %dma_start3A_84 = tpu.memref_slice %dma_start3A_82[%add3A_75, %dma_start3A_83] : memref<10112x128xf32, #tpu.memory_space<hbm>> -> memref<160x128xf32, #tpu.memory_space<hbm>>
      %dma_start3A_85 = arith.constant 0 : i32
      %dma_start3A_86 = tpu.memref_slice %arg7[%add3A_73, %dma_start3A_85] : memref<10112x128xf32, #tpu.memory_space<vmem_shared>> -> memref<160x128xf32, #tpu.memory_space<vmem_shared>>
      tpu.enqueue_dma source(%dma_start3A_86 : memref<160x128xf32, #tpu.memory_space<vmem_shared>>) target(%dma_start3A_84 : memref<160x128xf32, #tpu.memory_space<hbm>>) target_semaphore(%run_scoped3A : memref<!tpu.dma_semaphore, #tpu.memory_space<semaphore_mem>>)
      %dma_wait3A = arith.constant 0 : i32
      %dma_wait3A_87 = arith.constant 0 : i32
      %dma_wait3A_88 = tpu.memref_slice %arg3[%arg0, %dma_wait3A, %dma_wait3A_87] : memref<2x10112x128xf32, #tpu.memory_space<hbm>> -> memref<1x10112x128xf32, #tpu.memory_space<hbm>>
      %dma_wait3A_89 = tpu.memref_squeeze %dma_wait3A_88 : memref<1x10112x128xf32, #tpu.memory_space<hbm>> -> memref<10112x128xf32, #tpu.memory_space<hbm>>
      %dma_wait3A_90 = arith.constant 0 : i32
      %dma_wait3A_91 = tpu.memref_slice %dma_wait3A_89[%add3A_75, %dma_wait3A_90] : memref<10112x128xf32, #tpu.memory_space<hbm>> -> memref<160x128xf32, #tpu.memory_space<hbm>>
      %dma_wait3A_92 = arith.constant 0 : i32
      %dma_wait3A_93 = tpu.memref_slice %arg7[%add3A_73, %dma_wait3A_92] : memref<10112x128xf32, #tpu.memory_space<vmem_shared>> -> memref<160x128xf32, #tpu.memory_space<vmem_shared>>
      tpu.wait_dma2 semaphore(%run_scoped3A : memref<!tpu.dma_semaphore, #tpu.memory_space<semaphore_mem>>) src(%dma_wait3A_93 : memref<160x128xf32, #tpu.memory_space<vmem_shared>>) dst(%dma_wait3A_91 : memref<160x128xf32, #tpu.memory_space<hbm>>)
      tpu.yield
    }) : () -> ()
    %add3A_76 = arith.constant 480 : i32
    %add3A_77 = arith.addi %mul3A_15, %add3A_76 : i32
    %add3A_78 = arith.constant 480 : i32
    %add3A_79 = arith.addi %mul3A_15, %add3A_78 : i32
    "tpu.region"() ({
      %run_scoped3A = tpu.sem_alloc : memref<!tpu.dma_semaphore, #tpu.memory_space<semaphore_mem>>
      %dma_start3A = arith.constant 0 : i32
      %dma_start3A_80 = arith.constant 0 : i32
      %dma_start3A_81 = tpu.memref_slice %arg3[%arg0, %dma_start3A, %dma_start3A_80] : memref<2x10112x128xf32, #tpu.memory_space<hbm>> -> memref<1x10112x128xf32, #tpu.memory_space<hbm>>
      %dma_start3A_82 = tpu.memref_squeeze %dma_start3A_81 : memref<1x10112x128xf32, #tpu.memory_space<hbm>> -> memref<10112x128xf32, #tpu.memory_space<hbm>>
      %dma_start3A_83 = arith.constant 0 : i32
      %dma_start3A_84 = tpu.memref_slice %dma_start3A_82[%add3A_79, %dma_start3A_83] : memref<10112x128xf32, #tpu.memory_space<hbm>> -> memref<152x128xf32, #tpu.memory_space<hbm>>
      %dma_start3A_85 = arith.constant 0 : i32
      %dma_start3A_86 = tpu.memref_slice %arg7[%add3A_77, %dma_start3A_85] : memref<10112x128xf32, #tpu.memory_space<vmem_shared>> -> memref<152x128xf32, #tpu.memory_space<vmem_shared>>
      tpu.enqueue_dma source(%dma_start3A_86 : memref<152x128xf32, #tpu.memory_space<vmem_shared>>) target(%dma_start3A_84 : memref<152x128xf32, #tpu.memory_space<hbm>>) target_semaphore(%run_scoped3A : memref<!tpu.dma_semaphore, #tpu.memory_space<semaphore_mem>>)
      %dma_wait3A = arith.constant 0 : i32
      %dma_wait3A_87 = arith.constant 0 : i32
      %dma_wait3A_88 = tpu.memref_slice %arg3[%arg0, %dma_wait3A, %dma_wait3A_87] : memref<2x10112x128xf32, #tpu.memory_space<hbm>> -> memref<1x10112x128xf32, #tpu.memory_space<hbm>>
      %dma_wait3A_89 = tpu.memref_squeeze %dma_wait3A_88 : memref<1x10112x128xf32, #tpu.memory_space<hbm>> -> memref<10112x128xf32, #tpu.memory_space<hbm>>
      %dma_wait3A_90 = arith.constant 0 : i32
      %dma_wait3A_91 = tpu.memref_slice %dma_wait3A_89[%add3A_79, %dma_wait3A_90] : memref<10112x128xf32, #tpu.memory_space<hbm>> -> memref<152x128xf32, #tpu.memory_space<hbm>>
      %dma_wait3A_92 = arith.constant 0 : i32
      %dma_wait3A_93 = tpu.memref_slice %arg7[%add3A_77, %dma_wait3A_92] : memref<10112x128xf32, #tpu.memory_space<vmem_shared>> -> memref<152x128xf32, #tpu.memory_space<vmem_shared>>
      tpu.wait_dma2 semaphore(%run_scoped3A : memref<!tpu.dma_semaphore, #tpu.memory_space<semaphore_mem>>) src(%dma_wait3A_93 : memref<152x128xf32, #tpu.memory_space<vmem_shared>>) dst(%dma_wait3A_91 : memref<152x128xf32, #tpu.memory_space<hbm>>)
      tpu.yield
    }) : () -> ()
    return
  }
}

module attributes {stable_mosaic.version = 14 : i64} {
  func.func @_proj_body(%arg0: i32, %arg1: i32, %arg2: memref<400x532xf32, #tpu.memory_space<vmem>>, %arg3: memref<4x532x128xf32, #tpu.memory_space<vmem>>, %arg4: memref<400x128xf32, #tpu.memory_space<vmem>>) attributes {dimension_semantics = [#tpu.dimension_semantics<parallel>, #tpu.dimension_semantics<parallel>], iteration_bounds = array<i64: 25, 4>, scalar_prefetch = 0 : i64, scratch_operands = 0 : i64, tpu.core_type = #tpu.core_type<tc>, window_params = [{transform_indices = @transform_0, window_bounds = array<i64: 400, 532>}, {pipeline_mode = #tpu.pipeline_mode<synchronous>, transform_indices = @transform_1, window_bounds = array<i64: 4, 532, 128>}, {transform_indices = @transform_2, window_bounds = array<i64: 400, 128>}]} {
    %get3A = arith.constant 0 : index
    %get3A_0 = arith.constant 0 : index
    %get3A_1 = vector.load %arg2[%get3A, %get3A_0] : memref<400x532xf32, #tpu.memory_space<vmem>>, vector<400x532xf32>
    %get3A_2 = arith.index_cast %arg1 : i32 to index
    %get3A_3 = arith.constant 0 : index
    %get3A_4 = arith.constant 0 : index
    %get3A_5 = vector.load %arg3[%get3A_2, %get3A_3, %get3A_4] : memref<4x532x128xf32, #tpu.memory_space<vmem>>, vector<1x532x128xf32>
    %get3A_6 = vector.shape_cast %get3A_5 : vector<1x532x128xf32> to vector<532x128xf32>
    %dot_general3A = arith.constant dense<0.000000e+00> : vector<400x128xf32>
    %dot_general3A_7 = tpu.matmul %get3A_1, %get3A_6, %dot_general3A {dimension_numbers = #tpu.dot_dimension_numbers<[1], [0], [0], [1], [0, 0, 1, 1], [], []>, transpose_lhs_hint = false} : vector<400x532xf32>, vector<532x128xf32>, vector<400x128xf32> -> vector<400x128xf32>
    %swap3A = arith.constant 0 : index
    %swap3A_8 = arith.constant 0 : index
    %swap3A_9 = vector.load %arg4[%swap3A, %swap3A_8] : memref<400x128xf32, #tpu.memory_space<vmem>>, vector<400x128xf32>
    tpu.vector_store %arg4[%swap3A, %swap3A_8], %dot_general3A_7 {strides = array<i32>} : memref<400x128xf32, #tpu.memory_space<vmem>>, vector<400x128xf32>,
    return
  }
  func.func @transform_0(%arg0: i32, %arg1: i32) -> (i32, i32) {
    %c0_i32 = arith.constant 0 : i32
    %c0_i32_0 = arith.constant 0 : i32
    return %arg0, %c0_i32 : i32, i32
  }
  func.func @transform_1(%arg0: i32, %arg1: i32) -> (i32, i32, i32) {
    %c0_i32 = arith.constant 0 : i32
    %c0_i32_0 = arith.constant 0 : i32
    %c0_i32_1 = arith.constant 0 : i32
    %c0_i32_2 = arith.constant 0 : i32
    return %c0_i32, %c0_i32_0, %c0_i32_1 : i32, i32, i32
  }
  func.func @transform_2(%arg0: i32, %arg1: i32) -> (i32, i32) {
    %mul3A = arith.constant 25 : i32
    %mul3A_0 = arith.muli %arg1, %mul3A : i32
    %add3A = arith.addi %mul3A_0, %arg0 : i32
    %c0_i32 = arith.constant 0 : i32
    %c0_i32_1 = arith.constant 0 : i32
    return %add3A, %c0_i32 : i32, i32
  }
}

module attributes {stable_mosaic.version = 14 : i64} {
  func.func @_combine_body(%arg0: i32, %arg1: memref<400x532xf32, #tpu.memory_space<vmem>>, %arg2: memref<532x512xf32, #tpu.memory_space<vmem>>, %arg3: memref<2x400x128xf32, #tpu.memory_space<vmem>>, %arg4: memref<2x400x128xf32, #tpu.memory_space<vmem>>, %arg5: memref<2x400x128xf32, #tpu.memory_space<vmem>>, %arg6: memref<2x400x128xf32, #tpu.memory_space<vmem>>, %arg7: memref<2x400x128xf32, #tpu.memory_space<vmem>>, %arg8: memref<1x512xf32, #tpu.memory_space<vmem>>, %arg9: memref<400x512xf32, #tpu.memory_space<vmem>>) attributes {dimension_semantics = [#tpu.dimension_semantics<parallel>], iteration_bounds = array<i64: 25>, scalar_prefetch = 0 : i64, scratch_operands = 0 : i64, tpu.core_type = #tpu.core_type<tc>, window_params = [{transform_indices = @transform_0, window_bounds = array<i64: 400, 532>}, {pipeline_mode = #tpu.pipeline_mode<synchronous>, transform_indices = @transform_1, window_bounds = array<i64: 532, 512>}, {transform_indices = @transform_2, window_bounds = array<i64: 2, 400, 128>}, {transform_indices = @transform_3, window_bounds = array<i64: 2, 400, 128>}, {transform_indices = @transform_4, window_bounds = array<i64: 2, 400, 128>}, {transform_indices = @transform_5, window_bounds = array<i64: 2, 400, 128>}, {transform_indices = @transform_6, window_bounds = array<i64: 2, 400, 128>}, {pipeline_mode = #tpu.pipeline_mode<synchronous>, transform_indices = @transform_7, window_bounds = array<i64: 1, 512>}, {transform_indices = @transform_8, window_bounds = array<i64: 400, 512>}]} {
    %get3A = arith.constant 0 : index
    %get3A_0 = arith.constant 0 : index
    %get3A_1 = vector.load %arg1[%get3A, %get3A_0] : memref<400x532xf32, #tpu.memory_space<vmem>>, vector<400x532xf32>
    %get3A_2 = arith.constant 0 : index
    %get3A_3 = arith.constant 0 : index
    %get3A_4 = vector.load %arg2[%get3A_2, %get3A_3] : memref<532x512xf32, #tpu.memory_space<vmem>>, vector<532x512xf32>
    %dot_general3A = arith.constant dense<0.000000e+00> : vector<400x512xf32>
    %dot_general3A_5 = tpu.matmul %get3A_1, %get3A_4, %dot_general3A {dimension_numbers = #tpu.dot_dimension_numbers<[1], [0], [0], [1], [0, 0, 1, 1], [], []>, transpose_lhs_hint = false} : vector<400x532xf32>, vector<532x512xf32>, vector<400x512xf32> -> vector<400x512xf32>
    %get3A_6 = arith.constant 0 : index
    %get3A_7 = arith.constant 0 : index
    %get3A_8 = arith.constant 0 : index
    %get3A_9 = vector.load %arg3[%get3A_6, %get3A_7, %get3A_8] : memref<2x400x128xf32, #tpu.memory_space<vmem>>, vector<1x400x128xf32>
    %get3A_10 = vector.shape_cast %get3A_9 : vector<1x400x128xf32> to vector<400x128xf32>
    %get3A_11 = arith.constant 1 : index
    %get3A_12 = arith.constant 0 : index
    %get3A_13 = arith.constant 0 : index
    %get3A_14 = vector.load %arg3[%get3A_11, %get3A_12, %get3A_13] : memref<2x400x128xf32, #tpu.memory_space<vmem>>, vector<1x400x128xf32>
    %get3A_15 = vector.shape_cast %get3A_14 : vector<1x400x128xf32> to vector<400x128xf32>
    %add3A = arith.addf %get3A_10, %get3A_15 : vector<400x128xf32>
    %get3A_16 = arith.constant 0 : index
    %get3A_17 = arith.constant 0 : index
    %get3A_18 = arith.constant 0 : index
    %get3A_19 = vector.load %arg4[%get3A_16, %get3A_17, %get3A_18] : memref<2x400x128xf32, #tpu.memory_space<vmem>>, vector<1x400x128xf32>
    %get3A_20 = vector.shape_cast %get3A_19 : vector<1x400x128xf32> to vector<400x128xf32>
    %get3A_21 = arith.constant 1 : index
    %get3A_22 = arith.constant 0 : index
    %get3A_23 = arith.constant 0 : index
    %get3A_24 = vector.load %arg4[%get3A_21, %get3A_22, %get3A_23] : memref<2x400x128xf32, #tpu.memory_space<vmem>>, vector<1x400x128xf32>
    %get3A_25 = vector.shape_cast %get3A_24 : vector<1x400x128xf32> to vector<400x128xf32>
    %add3A_26 = arith.addf %get3A_20, %get3A_25 : vector<400x128xf32>
    %get3A_27 = arith.constant 0 : index
    %get3A_28 = arith.constant 0 : index
    %get3A_29 = arith.constant 0 : index
    %get3A_30 = vector.load %arg5[%get3A_27, %get3A_28, %get3A_29] : memref<2x400x128xf32, #tpu.memory_space<vmem>>, vector<1x400x128xf32>
    %get3A_31 = vector.shape_cast %get3A_30 : vector<1x400x128xf32> to vector<400x128xf32>
    %get3A_32 = arith.constant 1 : index
    %get3A_33 = arith.constant 0 : index
    %get3A_34 = arith.constant 0 : index
    %get3A_35 = vector.load %arg5[%get3A_32, %get3A_33, %get3A_34] : memref<2x400x128xf32, #tpu.memory_space<vmem>>, vector<1x400x128xf32>
    %get3A_36 = vector.shape_cast %get3A_35 : vector<1x400x128xf32> to vector<400x128xf32>
    %add3A_37 = arith.addf %get3A_31, %get3A_36 : vector<400x128xf32>
    %get3A_38 = arith.constant 0 : index
    %get3A_39 = arith.constant 0 : index
    %get3A_40 = arith.constant 0 : index
    %get3A_41 = vector.load %arg6[%get3A_38, %get3A_39, %get3A_40] : memref<2x400x128xf32, #tpu.memory_space<vmem>>, vector<1x400x128xf32>
    %get3A_42 = vector.shape_cast %get3A_41 : vector<1x400x128xf32> to vector<400x128xf32>
    %get3A_43 = arith.constant 1 : index
    %get3A_44 = arith.constant 0 : index
    %get3A_45 = arith.constant 0 : index
    %get3A_46 = vector.load %arg6[%get3A_43, %get3A_44, %get3A_45] : memref<2x400x128xf32, #tpu.memory_space<vmem>>, vector<1x400x128xf32>
    %get3A_47 = vector.shape_cast %get3A_46 : vector<1x400x128xf32> to vector<400x128xf32>
    %add3A_48 = arith.addf %get3A_42, %get3A_47 : vector<400x128xf32>
    %concatenate3A = tpu.concatenate %add3A, %add3A_26, %add3A_37, %add3A_48 in 1 : vector<400x128xf32>, vector<400x128xf32>, vector<400x128xf32>, vector<400x128xf32> -> vector<400x512xf32>
    %get3A_49 = arith.constant 0 : index
    %get3A_50 = arith.constant 0 : index
    %get3A_51 = arith.constant 0 : index
    %get3A_52 = vector.load %arg7[%get3A_49, %get3A_50, %get3A_51] : memref<2x400x128xf32, #tpu.memory_space<vmem>>, vector<1x400x1xf32>
    %get3A_53 = vector.shape_cast %get3A_52 : vector<1x400x1xf32> to vector<400x1xf32>
    %get3A_54 = arith.constant 1 : index
    %get3A_55 = arith.constant 0 : index
    %get3A_56 = arith.constant 0 : index
    %get3A_57 = vector.load %arg7[%get3A_54, %get3A_55, %get3A_56] : memref<2x400x128xf32, #tpu.memory_space<vmem>>, vector<1x400x1xf32>
    %get3A_58 = vector.shape_cast %get3A_57 : vector<1x400x1xf32> to vector<400x1xf32>
    %add3A_59 = arith.addf %get3A_53, %get3A_58 : vector<400x1xf32>
    %max3A = arith.constant 1.000000e+00 : f32
    %max3A_60 = vector.broadcast %max3A : f32 to vector<400x1xf32>
    %max3A_61 = arith.maximumf %add3A_59, %max3A_60 : vector<400x1xf32>
    %div3A = arith.constant 1.000000e+00 : f32
    %div3A_62 = vector.broadcast %div3A : f32 to vector<400x1xf32>
    %div3A_63 = arith.divf %div3A_62, %max3A_61 : vector<400x1xf32>
    %mul3A = vector.broadcast %div3A_63 : vector<400x1xf32> to vector<400x512xf32>
    %mul3A_64 = arith.mulf %concatenate3A, %mul3A : vector<400x512xf32>
    %add3A_65 = arith.addf %dot_general3A_5, %mul3A_64 : vector<400x512xf32>
    %get3A_66 = arith.constant 0 : index
    %get3A_67 = arith.constant 0 : index
    %get3A_68 = vector.load %arg8[%get3A_66, %get3A_67] : memref<1x512xf32, #tpu.memory_space<vmem>>, vector<1x512xf32>
    %add3A_69 = vector.broadcast %get3A_68 : vector<1x512xf32> to vector<400x512xf32>
    %add3A_70 = arith.addf %add3A_65, %add3A_69 : vector<400x512xf32>
    %max3A_71 = arith.constant 0.000000e+00 : f32
    %max3A_72 = vector.broadcast %max3A_71 : f32 to vector<400x512xf32>
    %max3A_73 = arith.maximumf %add3A_70, %max3A_72 : vector<400x512xf32>
    %swap3A = arith.constant 0 : index
    %swap3A_74 = arith.constant 0 : index
    %swap3A_75 = vector.load %arg9[%swap3A, %swap3A_74] : memref<400x512xf32, #tpu.memory_space<vmem>>, vector<400x512xf32>
    tpu.vector_store %arg9[%swap3A, %swap3A_74], %max3A_73 {strides = array<i32>} : memref<400x512xf32, #tpu.memory_space<vmem>>, vector<400x512xf32>,
    return
  }
  func.func @transform_0(%arg0: i32) -> (i32, i32) {
    %c0_i32 = arith.constant 0 : i32
    %c0_i32_0 = arith.constant 0 : i32
    return %arg0, %c0_i32 : i32, i32
  }
  func.func @transform_1(%arg0: i32) -> (i32, i32) {
    %c0_i32 = arith.constant 0 : i32
    %c0_i32_0 = arith.constant 0 : i32
    %c0_i32_1 = arith.constant 0 : i32
    return %c0_i32, %c0_i32_0 : i32, i32
  }
  func.func @transform_2(%arg0: i32) -> (i32, i32, i32) {
    %c0_i32 = arith.constant 0 : i32
    %c0_i32_0 = arith.constant 0 : i32
    %c0_i32_1 = arith.constant 0 : i32
    return %c0_i32, %arg0, %c0_i32_0 : i32, i32, i32
  }
  func.func @transform_3(%arg0: i32) -> (i32, i32, i32) {
    %c0_i32 = arith.constant 0 : i32
    %c0_i32_0 = arith.constant 0 : i32
    %c0_i32_1 = arith.constant 0 : i32
    return %c0_i32, %arg0, %c0_i32_0 : i32, i32, i32
  }
  func.func @transform_4(%arg0: i32) -> (i32, i32, i32) {
    %c0_i32 = arith.constant 0 : i32
    %c0_i32_0 = arith.constant 0 : i32
    %c0_i32_1 = arith.constant 0 : i32
    return %c0_i32, %arg0, %c0_i32_0 : i32, i32, i32
  }
  func.func @transform_5(%arg0: i32) -> (i32, i32, i32) {
    %c0_i32 = arith.constant 0 : i32
    %c0_i32_0 = arith.constant 0 : i32
    %c0_i32_1 = arith.constant 0 : i32
    return %c0_i32, %arg0, %c0_i32_0 : i32, i32, i32
  }
  func.func @transform_6(%arg0: i32) -> (i32, i32, i32) {
    %c0_i32 = arith.constant 0 : i32
    %c0_i32_0 = arith.constant 0 : i32
    %c0_i32_1 = arith.constant 0 : i32
    return %c0_i32, %arg0, %c0_i32_0 : i32, i32, i32
  }
  func.func @transform_7(%arg0: i32) -> (i32, i32) {
    %c0_i32 = arith.constant 0 : i32
    %c0_i32_0 = arith.constant 0 : i32
    %c0_i32_1 = arith.constant 0 : i32
    return %c0_i32, %c0_i32_0 : i32, i32
  }
  func.func @transform_8(%arg0: i32) -> (i32, i32) {
    %c0_i32 = arith.constant 0 : i32
    %c0_i32_0 = arith.constant 0 : i32
    return %arg0, %c0_i32 : i32, i32
  }
}

</mosaic_0001>

<sc_bundles>
// kernel: kernel.12.cloned.1.call-start
scs
__scs_entry_jumppad:
0x0: {  	(pc) =	sbr.rel $0x88, $3  }
0x1: {  	(tag) =	ssettag $0x0;
	lr =	simm.s32 $0x1  }
0x2: {  	[smem:$0x3F9B] =	sst lr;
	_ =	strace $0xD0000000  }
0x3: {  	_ = 	snop  }
0x4: {  	_ = 	snop  }
0x5: {  	_ = 	snop  }
0x6: {  	_ = 	snop  }
0x7: {  	_ = 	snop  }
__scs_overlays_trampoline_lowered:
0x8: {  	[smem:$0x3FAA] =	sst s0  }
0x9: {  	[smem:$0x3FAB] =	sst s1  }
0xa: {  	[smem:$0x3FAC] =	sst s2  }
0xb: {  	[smem:$0x3FAD] =	sst s3  }
0xc: {  	[smem:$0x3FAE] =	sst s4  }
0xd: {  	[smem:$0x3FAF] =	sst s5  }
0xe: {  	[smem:$0x3FB0] =	sst s6  }
0xf: {  	[smem:$0x3FB1] =	sst s7  }
0x10: {  	[smem:$0x3FB2] =	sst s8  }
0x11: {  	[smem:$0x3FB3] =	sst s9;
	s0 =	simm.s32 @!p0 $0x0  }
0x12: {  	s1 =	sld [smem:$0x3F99];
	s0 =	simm.s32 @p0 $0x1  }
0x13: {  	[smem:$0x3FB4] =	sst s0;
	s0 =	simm.s32 @!p1 $0x0  }
0x14: {  	s2 =	sld [smem:$0x3F98];
	s0 =	simm.s32 @p1 $0x1  }
0x15: {  	[smem:$0x3FB5] =	sst s0;
	s0 =	simm.s32 @!p2 $0x0  }
0x16: {  	s3 =	sld [smem:$0x3FDB];
	s0 =	simm.s32 @p2 $0x1  }
0x17: {  	s4 =	simm.s32 $0x1BF5;
	[smem:$0x3FB7] =	sst s0  }
0x18: {  	s0 =	sld [smem:$0x3F9A];
	_ =	swait.ge [sflag:s4], $0x0  }
0x19: {  	s7 =	sld [smem:$0x3F9B]  }
0x1a: {  	s8 =	sadd.s32 $0xFFFFE003, lr  }
0x1b: {  	s9 =	sadd.s32 $0xFFFFFEF7, lr;
	s5 =	simm.s32 $0xFFFFFFFF;
	p2 =	slt.u32 s8, $0xFFFFF086  }
0x1c: {  	p1 =	slt.u32 s9, $0xF7A;
	s5 =	simm.s32 @!p2 $0x0  }
0x1d: {  	s5 =	simm.s32 @p1 $0x1;
	p0 =	seq.s32 s7, s2  }
0x1e: {  	s7 =	smul.u32 @!p0 $0xF7A, s2;
	p2 =	seq.s32 @!p0 s5, $0x0  }
0x1f: {  	s9 =	smul.u32 $0xF7A, s1;
	s8 =	simm.s32 @!p0 $0x1BF5;
	p2 =	por !p2, p0  }
0x20: {  	[sflag:s8] =	ssyncset.s32 @!p0 $0xFFFFF086;
	s6 =	sadd.s32 @!p0 s3, s7;
	s7 =	simm.s32 @!p0 $0x108  }
0x21: {  	s3 =	sadd.s32 s3, s9;
	s6 =	sadd.s32 @!p0 $0x88, s6;
	s7 =	simm.s32 @p2 $0x1082  }
0x22: {  	[simem:s7], [sflag:s8] =	dma.local @!p0 [hbm:s6], $0xF7A  }
0x23: {  	s9 =	sor.u32 $0xD0000000, s2;
	s6 =	simm.s32 $0x108;
	_ =	swait.ge @!p0 [sflag:s8], $0x0  }
0x24: {  	s3 =	sadd.s32 $0x88, s3;
	s6 =	simm.s32 @!p1 $0x1082;
	[sflag:s4] =	ssyncset.s32 $0xFFFFF086  }
0x25: {  	[simem:s6], [sflag:s4] =	dma.local [hbm:s3], $0xF7A  }
0x26: {  	[smem:$0x3F9B] =	sst s1;
	(tag) =	ssettag s2;
	_ =	strace s9  }
0x27: {  	s1 =	sld [smem:$0x3FAB]  }
0x28: {  	s2 =	sld [smem:$0x3FAC]  }
0x29: {  	s4 =	sld [smem:$0x3FAE]  }
0x2a: {  	p0 =	seq.s32 s5, $0x0;
	s5 =	sld [smem:$0x3FAF]  }
0x2b: {  	s6 =	sld [smem:$0x3FB0]  }
0x2c: {  	s7 =	sld [smem:$0x3FB1]  }
0x2d: {  	s3 =	simm.s32 $0x108;
	s8 =	sld [smem:$0x3FB2]  }
0x2e: {  	s3 =	simm.s32 @!p0 $0x1082;
	s9 =	sld [smem:$0x3FB3]  }
0x2f: {  	lr =	sadd.s32 s0, s3;
	s0 =	sld [smem:$0x3FAA]  }
0x30: {  	s3 =	sld [smem:$0x3FAD]  }
0x31: {  	[smem:$0x3FB6] =	sst s10  }
0x32: {  	s10 =	sld [smem:$0x3FB4];
	_ =	sdelay $0x3  }
0x33: {  	p0 =	seq.s32 s10, $0x1;
	s10 =	sld [smem:$0x3FB6];
	_ =	sdelay $0x3  }
0x34: {  	[smem:$0x3FB6] =	sst s10  }
0x35: {  	s10 =	sld [smem:$0x3FB5];
	_ =	sdelay $0x3  }
0x36: {  	p1 =	seq.s32 s10, $0x1;
	s10 =	sld [smem:$0x3FB6];
	_ =	sdelay $0x3  }
0x37: {  	[smem:$0x3FB6] =	sst s10  }
0x38: {  	s10 =	sld [smem:$0x3FB7]  }
0x39: {  	_ = 	snop;
	(pc) =	sbr.ind lr, $3  }
0x3a: {  	_ = 	snop  }
0x3b: {  	_ = 	snop  }
0x3c: {  	p2 =	seq.s32 s10, $0x1;
	s10 =	sld [smem:$0x3FB6]  }
0x3d: {  	_ =	shalt  }
0x3e: {  	_ =	shalt  }
0x3f: {  	_ =	shalt  }
0x40: {  	_ =	shalt  }
0x41: {  	_ =	shalt  }
0x42: {  	_ =	shalt  }
0x43: {  	_ =	shalt  }
0x44: {  	_ =	shalt  }
0x45: {  	_ =	shalt  }
0x46: {  	_ =	shalt  }
0x47: {  	_ =	shalt  }
0x48: {  	_ =	shalt  }
0x49: {  	_ =	shalt  }
0x4a: {  	_ =	shalt  }
0x4b: {  	_ =	shalt  }
0x4c: {  	_ =	shalt  }
0x4d: {  	_ =	shalt  }
0x4e: {  	_ =	shalt  }
0x4f: {  	_ =	shalt  }
0x50: {  	_ =	shalt  }
0x51: {  	_ =	shalt  }
0x52: {  	_ =	shalt  }
0x53: {  	_ =	shalt  }
0x54: {  	_ =	shalt  }
0x55: {  	_ =	shalt  }
0x56: {  	_ =	shalt  }
0x57: {  	_ =	shalt  }
0x58: {  	_ =	shalt  }
0x59: {  	_ =	shalt  }
0x5a: {  	_ =	shalt  }
0x5b: {  	_ =	shalt  }
0x5c: {  	_ =	shalt  }
0x5d: {  	_ =	shalt  }
0x5e: {  	_ =	shalt  }
0x5f: {  	_ =	shalt  }
0x60: {  	_ =	shalt  }
0x61: {  	_ =	shalt  }
0x62: {  	_ =	shalt  }
0x63: {  	_ =	shalt  }
0x64: {  	_ =	shalt  }
0x65: {  	_ =	shalt  }
0x66: {  	_ =	shalt  }
0x67: {  	_ =	shalt  }
0x68: {  	_ =	shalt  }
0x69: {  	_ =	shalt  }
0x6a: {  	_ =	shalt  }
0x6b: {  	_ =	shalt  }
0x6c: {  	_ =	shalt  }
0x6d: {  	_ =	shalt  }
0x6e: {  	_ =	shalt  }
0x6f: {  	_ =	shalt  }
0x70: {  	_ =	shalt  }
0x71: {  	_ =	shalt  }
0x72: {  	_ =	shalt  }
0x73: {  	_ =	shalt  }
0x74: {  	_ =	shalt  }
0x75: {  	_ =	shalt  }
0x76: {  	_ =	shalt  }
0x77: {  	_ =	shalt  }
0x78: {  	_ =	shalt  }
0x79: {  	_ =	shalt  }
0x7a: {  	_ =	shalt  }
0x7b: {  	_ =	shalt  }
0x7c: {  	_ =	shalt  }
0x7d: {  	_ =	shalt  }
0x7e: {  	_ =	shalt  }
0x7f: {  	_ =	shalt  }
0x80: {  	_ =	shalt  }
0x81: {  	_ =	shalt  }
0x82: {  	_ =	shalt  }
0x83: {  	_ =	shalt  }
0x84: {  	_ =	shalt  }
0x85: {  	_ =	shalt  }
0x86: {  	_ =	shalt  }
0x87: {  	_ =	shalt  }
.Lfunc_end0:
.L_simem_size_0:
called_computation_lowered:
.L_overlay_start_0:
0x88: {  	s2 =	sld [smem:$0x3FD9]  }
0x89: {  	s3 =	sld [smem:$0x3FFE];
	_ =	sdelay $0x1  }
0x8a: {  	s1 =	srdreg.scid  }
0x8b: {  	s0 =	sand.u32 $0x1, s1  }
0x8c: {  	s17 =	sshll.u32 s0, $0xA;
	s2 =	sadd.s32 s3, s2  }
0x8d: {  	s2 =	sadd.s32 s2, s17  }
0x8e: {  	[smem:$0x3FC2] =	sst s2  }
0x8f: {  	_ = 	snop  }
0x90: {  	(tm) =	ssettm $0x1  }
0x91: {  	s18 =	sld [smem:$0x3FFB];
	_ =	sdelay $0x3  }
0x92: {  	_ =	strace s18  }
0x93: {  	s2 =	sld [smem:$0x3FFC];
	_ =	sdelay $0x3  }
0x94: {  	_ =	strace s2  }
0x95: {  	s2 =	sld [smem:$0x3FFD];
	_ =	sdelay $0x3  }
0x96: {  	_ =	strace s2  }
0x97: {  	_ =	strace $0x8FFFFFFF  }
0x98: {  	s19 =	sld [smem:$0x3FDB];
	_ =	sdelay $0x1  }
0x99: {  	s20 =	simm.s32 $_scs_section_size  }
0x9a: {  	s4 =	simm.s32 $_size__tile_overlayer_lowered;
	s5 =	simm.s32 $_tile_overlayer_lowered  }
0x9b: {  	s6 =	simm.s32 $0x1BFF;
	s21 =	sshll.u32 s5, $0x1;
	s3 =	sadd.s32 s20, s19  }
0x9c: {  	s22 =	simm.s32 $0x0;
	s4 =	sshll.u32 s4, $0x1;
	s5 =	sadd.s32 s21, s3  }
0x9d: {  	[timem:s22], [sflag:s6] =	dma.local [hbm:s5], s4  }
0x9e: {  	_ =	swait.ge [sflag:s6], s4  }
0x9f: {  	s4 =	ssub.s32 $0x0, s4;
	[sflag:s6] =	ssyncset.done $0x0  }
0xa0: {  	[sflag:s6] =	ssyncadd.s32 s4;
	_ =	sdelay $0x1  }
0xa1: {  	s23 =	simm.s32 $0x1B8B  }
0xa2: {  	_ =	swait.ge [sflag:s23], $0x1  }
0xa3: {  	[sflag:s23] =	ssyncset.done $0x0  }
0xa4: {  	[sflag:s23] =	ssyncadd.s32 $0xFFFFFFFF  }
0xa5: {  	s4 =	sld [smem:$0x0]  }
0xa6: {  	s5 =	sand.u32 $0xFFFFFFFE, s1  }
0xa7: {  	p0 =	sne.s32 s1, s5  }
0xa8: {  	s5 =	sshll.u32 @p0 s5, $0xE  }
0xa9: {  	s5 =	sadd.s32 @p0 $0x11B8D, s5;
	s6 =	sshll.u32 @p0 s4, $0x11  }
0xaa: {  	s5 =	sor.u32 @p0 s6, s5  }
0xab: {  	[sflag:s5] =	ssyncadd.remote.s32 @p0 $0x1;
	_ =	sdelay $0x1  }
0xac: {  	s5 =	simm.s32 @p0 $0x1B8D  }
0xad: {  	_ =	swait.eq @p0 [sflag:s5], $0x1  }
0xae: {  	[sflag:s5] =	ssyncadd.s32 @p0 $0xFFFFFFFF  }
0xaf: {  	s6 =	sshll.u32 @!p0 s1, $0xE  }
0xb0: {  	s6 =	sor.u32 @!p0 $0x4000, s6;
	s5 =	simm.s32 @!p0 $0x1B8D  }
0xb1: {  	s4 =	sshll.u32 @!p0 s4, $0x11;
	s6 =	sadd.s32 @!p0 $0x11B8D, s6;
	_ =	swait.eq @!p0 [sflag:s5], $0x1  }
0xb2: {  	s4 =	sor.u32 @!p0 s4, s6;
	[sflag:s5] =	ssyncadd.s32 @!p0 $0xFFFFFFFF  }
0xb3: {  	s25 =	simm.s32 $0x1B8E;
	s24 =	sld [smem:$0x3FFE];
	[sflag:s4] =	ssyncadd.remote.s32 @!p0 $0x1  }
0xb4: {  	s26 =	simm.s32 $execute0_lowered;
	[smem:$0x3FD2] =	sst s25  }
0xb5: {  	s5 =	sshll.u32 s26, $0x1;
	_ =	strace $0x80000052;
	[dreg:$0x1] =	wrdreg $0xFFFFFFFF  }
0xb6: {  	s28 =	simm.s32 $_size_execute0_lowered;
	s3 =	sadd.s32 s3, s5;
	[dreg:$0x0] =	wrdreg $0x0  }
0xb7: {  	s5 =	sshll.u32 s28, $0x1;
	[dreg:$0x2] =	wrdreg s3  }
0xb8: {  	[dreg:$0x3] =	wrdreg s5  }
0xb9: {  	[dreg:$0x4] =	wrdreg $0xC0  }
0xba: {  	_ =	task [dreg:s22], $0x5FFFF  }
0xbb: {  	[dreg:$0x1] =	wrdreg $0xFFFFFFFF  }
0xbc: {  	[dreg:$0x0] =	wrdreg $0x60  }
0xbd: {  	[dreg:$0x2] =	wrdreg s24  }
0xbe: {  	[dreg:$0x3] =	wrdreg $0x64000  }
0xbf: {  	[dreg:$0x4] =	wrdreg $0x9  }
0xc0: {  	_ =	task.clear_ibuf [dreg:s22], $0x5FFFF;
	_ =	strace $0x90000052  }
0xc1: {  	s29 =	simm.s32 $0x9;
	_ =	strace $0x80000054  }
0xc2: {  	_ =	swait.ge [sflag:s29], $0x1  }
0xc3: {  	[sflag:s29] =	ssyncadd.s32 $0xFFFFFFFF  }
0xc4: {  	_ =	strace $0x90000054  }
0xc5: {  	_ =	sfence  }
0xc6: {  	s30 =	sld [smem:$0x0];
	_ =	sdelay $0x2  }
0xc7: {  	s31 =	sshll.u32 s1, $0xD;
	s1 =	sshrl.u32 s1, $0x2  }
0xc8: {  	s4 =	sand.u32 $0x4000, s31;
	s1 =	sadd.s32 s1, s30  }
0xc9: {  	s0 =	sor.u32 s4, s0;
	s1 =	sshll.u32 s1, $0x11  }
0xca: {  	s0 =	sor.u32 s1, s0  }
0xcb: {  	s0 =	sadd.s32 $0x8F2B, s0  }
0xcc: {  	[sflag:s0] =	ssyncadd.remote.s32 $0x1  }
0xcd: {  	_ =	sfence.sel $0xFFFF  }
0xce: {  	[dreg:$0x0] =	wrdreg $0xFFFFFFFF;
	(pc) =	sbr.abs _section_cstart, $3  }
0xcf: {  	[dreg:$0x1] =	wrdreg $0xFFFFFFFF  }
0xd0: {  	_ =	task.clear_ibuf [dreg:s22], $0x2FFFF;
	_ =	strace $0x9FFFFFFF  }
0xd1: {  	(tm) =	ssettm $0x7FFFFFFF  }
tec
execute0_lowered:
.L_overlay_start_1:
0x0: {  	(tag) =	ssettag $0x1  }
0x1: {  	s0 =	srdreg.scid  }
0x2: {  	s1 =	rddreg [dreg:$0x0];
	s19 =	stileid.u32  }
0x3: {  	s2 =	rddreg [dreg:$0x1];
	s5 =	smul.u32 $0x4F000, s19  }
0x4: {  	s4 =	simm.s32 $0x0;
	s31 =	simm.s32 $0x1;
	s7 =	smul.u32 $0x278, s19  }
0x5: {  	s0 =	sand.u32 $0x1, s0;
	[smem:$0x7FF] =	sst s4;
	s26 =	smul.u32 $0x2780, s19  }
0x6: {  	s3 =	sshll.u32 s0, $0x4;
	s17 =	smul.u32 $0x27800, s0;
	s0 =	ssub.s32 $0x2, s0  }
0x7: {  	_ =	strace $0x80000053;
	s3 =	sor.u32 s19, s3;
	s6 =	sshrl.u32 s0, $0x1  }
0x8: {  	s18 =	sshrl.u32 s5, $0x2;
	s20 =	sadd.s32 $0xA0, s7;
	s23 =	sadd.s32 $0x140, s7  }
0x9: {  	s25 =	sadd.s32 $0x1E0, s7;
	s3 =	smul.u32 $0x280, s3;
	s0 =	ssub.s32 s0, s6  }
0xa: {  	s5 =	sadd.s32 s18, s2;
	s22 =	sshll.u32 s20, $0x7;
	s24 =	sshll.u32 s23, $0x7  }
0xb: {  	s6 =	sshll.u32 s25, $0x4;
	s4 =	sadd.s32 $0x1000, s5;
	s21 =	sadd.s32 $0x2000, s5  }
0xc: {  	s8 =	sadd.s32 $0x3000, s5;
	s9 =	sadd.s32 $0x4000, s5;
	s10 =	sadd.s32 s22, s2  }
0xd: {  	s11 =	sadd.s32 $0x6000, s5;
	s12 =	sadd.s32 $0x7000, s5;
	s13 =	sadd.s32 $0x8000, s5  }
0xe: {  	s14 =	sadd.s32 $0x9000, s5;
	s15 =	sadd.s32 s24, s2;
	s16 =	sadd.s32 $0xB000, s5  }
0xf: {  	s18 =	sadd.s32 $0xD000, s5;
	s24 =	sshll.u32 s25, $0x7;
	s25 =	smax.u32 s0, $0x1  }
0x10: {  	s28 =	sadd.s32 $0x11000, s5;
	s29 =	sadd.s32 $0x12000, s5;
	s30 =	sadd.s32 $0x13000, s5  }
0x11: {  	s0 =	simm.s32 $0x1400;
	s3 =	sadd.s32 s3, s1;
	[dreg:$0x4] =	wrdreg s4  }
0x12: {  	s1 =	sadd.s32 s17, s1;
	[dreg:$0x5] =	wrdreg s21;
	s17 =	sadd.s32 $0xC000, s5  }
0x13: {  	s4 =	sshll.u32 s23, $0x4;
	s23 =	sadd.s32 $0xE000, s5;
	s3 =	sadd.s32 $0xC5A00, s3  }
0x14: {  	s24 =	sadd.s32 s24, s2;
	s1 =	sadd.s32 $0x3E0600, s1;
	[dreg:$0x3] =	wrdreg s3  }
0x15: {  	s3 =	sshll.u32 s20, $0x4;
	s19 =	sadd.s32 s26, s1;
	s21 =	sadd.s32 s4, s1  }
0x16: {  	s22 =	sadd.s32 s6, s1;
	s26 =	sadd.s32 $0x10000, s5;
	s4 =	simm.s32 $0x0  }
0x17: {  	v0 =	vimm.f32 $0.0e+00;
	v1 =	vimm.f32 $1.000000000e+00;
	s20 =	sadd.s32 s3, s1;
	s1 =	simm.s32 $0x5400;
	s3 =	simm.s32 $0x80  }
.LBB2_1:
0x18: {  	s6 =	simm.s32 $0x0;
	s7 =	rddreg [dreg:$0x3]  }
0x19: {  	[tilespmem:s6], [sflag:$0x1] =	stream.linear.gather [hbm4b:s7+s6], $0x1400, $0x38;
	[tilespmem:$0x1A000] =	vst v63  }
0x1a: {  	_ =	swait.ge [sflag:s31], $0x1400  }
0x1b: {  	[sflag:s31] =	ssyncset.done $0x0  }
0x1c: {  	s6 =	simm.s32 $0x0;
	s7 =	simm.s32 $0x200;
	[sflag:s31] =	ssyncadd.s32 $0xFFFFEC00  }
.LBB2_2:
0x1d: {  	p0 =	sne.s32 s7, $0x3E00;
	[tilespmem:s6+$0x5470] =	vst v0  }
0x1e: {  	[tilespmem:s6+$0x5400] =	vst v0  }
0x1f: {  	[tilespmem:s6+$0x5410] =	vst v0  }
.Ltmp0:
0x20: {  	[tilespmem:s6+$0x5420] =	vst v0;
	(pc) =	sbr.rel @p0 .LBB2_2-.Ltmp0, $4  }
0x21: {  	[tilespmem:s6+$0x5430] =	vst v0  }
0x22: {  	[tilespmem:s6+$0x5440] =	vst v0  }
0x23: {  	[tilespmem:s6+$0x5450] =	vst v0  }
0x24: {  	[tilespmem:s6+$0x5460] =	vst v0;
	s6 =	sshra.s32 s7, $0x2;
	s7 =	sadd.s32 $0x200, s7  }
0x25: {  	[tilespmem:s6+$0x5470] =	vst v0  }
0x26: {  	[tilespmem:s6+$0x5400] =	vst v0  }
0x27: {  	[tilespmem:s6+$0x5410] =	vst v0  }
0x28: {  	[tilespmem:s6+$0x5420] =	vst v0  }
0x29: {  	[tilespmem:s6+$0x5430] =	vst v0  }
0x2a: {  	[tilespmem:s6+$0x5440] =	vst v0  }
0x2b: {  	[tilespmem:s6+$0x5450] =	vst v0  }
0x2c: {  	[tilespmem:s6+$0x5460] =	vst v0;
	s6 =	simm.s32 $0x0;
	s7 =	simm.s32 $0x200  }
.LBB2_4:
0x2d: {  	p0 =	sne.s32 s7, $0xFE00;
	[tilespmem:s6+$0x1470] =	vst v1  }
0x2e: {  	[tilespmem:s6+$0x1400] =	vst v1  }
0x2f: {  	[tilespmem:s6+$0x1410] =	vst v1  }
.Ltmp1:
0x30: {  	[tilespmem:s6+$0x1420] =	vst v1;
	(pc) =	sbr.rel @p0 .LBB2_4-.Ltmp1, $4  }
0x31: {  	[tilespmem:s6+$0x1430] =	vst v1  }
0x32: {  	[tilespmem:s6+$0x1440] =	vst v1  }
0x33: {  	[tilespmem:s6+$0x1450] =	vst v1  }
0x34: {  	[tilespmem:s6+$0x1460] =	vst v1;
	s6 =	sshra.s32 s7, $0x2;
	s7 =	sadd.s32 $0x200, s7  }
0x35: {  	[tilespmem:s6+$0x1470] =	vst v1  }
0x36: {  	[tilespmem:s6+$0x1400] =	vst v1  }
0x37: {  	[tilespmem:s6+$0x1410] =	vst v1  }
0x38: {  	[tilespmem:s6+$0x1420] =	vst v1  }
0x39: {  	[tilespmem:s6+$0x1430] =	vst v1  }
0x3a: {  	[tilespmem:s6+$0x1440] =	vst v1  }
0x3b: {  	[tilespmem:s6+$0x1450] =	vst v1  }
0x3c: {  	[tilespmem:s6+$0x1460] =	vst v1  }
0x3d: {  	[spmem:s5] =	stream.linear.scatter [tilespmem:s1], [sflag:$0x1], $0x1000, $0x38;
	[tilespmem:$0x1A000] =	vst v63  }
0x3e: {  	_ =	swait.ge [sflag:s31], $0x1000  }
0x3f: {  	[sflag:s31] =	ssyncset.done $0x0  }
0x40: {  	s7 =	rddreg [dreg:$0x4];
	[sflag:s31] =	ssyncadd.s32 $0xFFFFF000  }
0x41: {  	[spmem:s7] =	stream.linear.scatter [tilespmem:s1], [sflag:$0x1], $0x1000, $0x38;
	[tilespmem:$0x1A000] =	vst v63  }
0x42: {  	_ =	swait.ge [sflag:s31], $0x1000  }
0x43: {  	[sflag:s31] =	ssyncset.done $0x0  }
0x44: {  	s7 =	rddreg [dreg:$0x5];
	[sflag:s31] =	ssyncadd.s32 $0xFFFFF000  }
0x45: {  	[spmem:s7] =	stream.linear.scatter [tilespmem:s1], [sflag:$0x1], $0x1000, $0x38;
	[tilespmem:$0x1A000] =	vst v63  }
0x46: {  	_ =	swait.ge [sflag:s31], $0x1000  }
0x47: {  	[sflag:s31] =	ssyncset.done $0x0  }
0x48: {  	[sflag:s31] =	ssyncadd.s32 $0xFFFFF000  }
0x49: {  	[spmem:s8] =	stream.linear.scatter [tilespmem:s1], [sflag:$0x1], $0x1000, $0x38;
	[tilespmem:$0x1A000] =	vst v63  }
0x4a: {  	_ =	swait.ge [sflag:s31], $0x1000  }
0x4b: {  	[sflag:s31] =	ssyncset.done $0x0  }
0x4c: {  	[sflag:s31] =	ssyncadd.s32 $0xFFFFF000  }
0x4d: {  	[spmem:s9] =	stream.linear.scatter [tilespmem:s1], [sflag:$0x1], $0x1000, $0x38;
	[tilespmem:$0x1A000] =	vst v63  }
0x4e: {  	_ =	swait.ge [sflag:s31], $0x1000  }
0x4f: {  	[sflag:s31] =	ssyncset.done $0x0  }
0x50: {  	[sflag:s31] =	ssyncadd.s32 $0xFFFFF000  }
0x51: {  	[spmem:s10] =	stream.linear.scatter [tilespmem:s1], [sflag:$0x1], $0x1000, $0x38;
	[tilespmem:$0x1A000] =	vst v63  }
0x52: {  	_ =	swait.ge [sflag:s31], $0x1000  }
0x53: {  	[sflag:s31] =	ssyncset.done $0x0  }
0x54: {  	[sflag:s31] =	ssyncadd.s32 $0xFFFFF000  }
0x55: {  	[spmem:s11] =	stream.linear.scatter [tilespmem:s1], [sflag:$0x1], $0x1000, $0x38;
	[tilespmem:$0x1A000] =	vst v63  }
0x56: {  	_ =	swait.ge [sflag:s31], $0x1000  }
0x57: {  	[sflag:s31] =	ssyncset.done $0x0  }
0x58: {  	[sflag:s31] =	ssyncadd.s32 $0xFFFFF000  }
0x59: {  	[spmem:s12] =	stream.linear.scatter [tilespmem:s1], [sflag:$0x1], $0x1000, $0x38;
	[tilespmem:$0x1A000] =	vst v63  }
0x5a: {  	_ =	swait.ge [sflag:s31], $0x1000  }
0x5b: {  	[sflag:s31] =	ssyncset.done $0x0  }
0x5c: {  	[sflag:s31] =	ssyncadd.s32 $0xFFFFF000  }
0x5d: {  	[spmem:s13] =	stream.linear.scatter [tilespmem:s1], [sflag:$0x1], $0x1000, $0x38;
	[tilespmem:$0x1A000] =	vst v63  }
0x5e: {  	_ =	swait.ge [sflag:s31], $0x1000  }
0x5f: {  	[sflag:s31] =	ssyncset.done $0x0  }
0x60: {  	[sflag:s31] =	ssyncadd.s32 $0xFFFFF000  }
0x61: {  	[spmem:s14] =	stream.linear.scatter [tilespmem:s1], [sflag:$0x1], $0x1000, $0x38;
	[tilespmem:$0x1A000] =	vst v63  }
0x62: {  	_ =	swait.ge [sflag:s31], $0x1000  }
0x63: {  	[sflag:s31] =	ssyncset.done $0x0  }
0x64: {  	[sflag:s31] =	ssyncadd.s32 $0xFFFFF000  }
0x65: {  	[spmem:s15] =	stream.linear.scatter [tilespmem:s1], [sflag:$0x1], $0x1000, $0x38;
	[tilespmem:$0x1A000] =	vst v63  }
0x66: {  	_ =	swait.ge [sflag:s31], $0x1000  }
0x67: {  	[sflag:s31] =	ssyncset.done $0x0  }
0x68: {  	[sflag:s31] =	ssyncadd.s32 $0xFFFFF000  }
0x69: {  	[spmem:s16] =	stream.linear.scatter [tilespmem:s1], [sflag:$0x1], $0x1000, $0x38;
	[tilespmem:$0x1A000] =	vst v63  }
0x6a: {  	_ =	swait.ge [sflag:s31], $0x1000  }
0x6b: {  	[sflag:s31] =	ssyncset.done $0x0  }
0x6c: {  	[sflag:s31] =	ssyncadd.s32 $0xFFFFF000  }
0x6d: {  	[spmem:s17] =	stream.linear.scatter [tilespmem:s1], [sflag:$0x1], $0x1000, $0x38;
	[tilespmem:$0x1A000] =	vst v63  }
0x6e: {  	_ =	swait.ge [sflag:s31], $0x1000  }
0x6f: {  	[sflag:s31] =	ssyncset.done $0x0  }
0x70: {  	[sflag:s31] =	ssyncadd.s32 $0xFFFFF000  }
0x71: {  	[spmem:s18] =	stream.linear.scatter [tilespmem:s1], [sflag:$0x1], $0x1000, $0x38;
	[tilespmem:$0x1A000] =	vst v63  }
0x72: {  	_ =	swait.ge [sflag:s31], $0x1000  }
0x73: {  	[sflag:s31] =	ssyncset.done $0x0  }
0x74: {  	[sflag:s31] =	ssyncadd.s32 $0xFFFFF000  }
0x75: {  	[spmem:s23] =	stream.linear.scatter [tilespmem:s1], [sflag:$0x1], $0x1000, $0x38;
	[tilespmem:$0x1A000] =	vst v63  }
0x76: {  	_ =	swait.ge [sflag:s31], $0x1000  }
0x77: {  	[sflag:s31] =	ssyncset.done $0x0  }
0x78: {  	[sflag:s31] =	ssyncadd.s32 $0xFFFFF000  }
0x79: {  	[spmem:s24] =	stream.linear.scatter [tilespmem:s1], [sflag:$0x1], $0x1000, $0x38;
	[tilespmem:$0x1A000] =	vst v63  }
0x7a: {  	_ =	swait.ge [sflag:s31], $0x1000  }
0x7b: {  	[sflag:s31] =	ssyncset.done $0x0  }
0x7c: {  	[sflag:s31] =	ssyncadd.s32 $0xFFFFF000  }
0x7d: {  	[spmem:s26] =	stream.linear.scatter [tilespmem:s1], [sflag:$0x1], $0x1000, $0x38;
	[tilespmem:$0x1A000] =	vst v63  }
0x7e: {  	_ =	swait.ge [sflag:s31], $0x1000  }
0x7f: {  	[sflag:s31] =	ssyncset.done $0x0  }
0x80: {  	[sflag:s31] =	ssyncadd.s32 $0xFFFFF000  }
0x81: {  	[spmem:s28] =	stream.linear.scatter [tilespmem:s1], [sflag:$0x1], $0x1000, $0x38;
	[tilespmem:$0x1A000] =	vst v63  }
0x82: {  	_ =	swait.ge [sflag:s31], $0x1000  }
0x83: {  	[sflag:s31] =	ssyncset.done $0x0  }
0x84: {  	[sflag:s31] =	ssyncadd.s32 $0xFFFFF000  }
0x85: {  	[spmem:s29] =	stream.linear.scatter [tilespmem:s1], [sflag:$0x1], $0x1000, $0x38;
	[tilespmem:$0x1A000] =	vst v63  }
0x86: {  	_ =	swait.ge [sflag:s31], $0x1000  }
0x87: {  	[sflag:s31] =	ssyncset.done $0x0  }
0x88: {  	[sflag:s31] =	ssyncadd.s32 $0xFFFFF000  }
0x89: {  	[spmem:s30] =	stream.linear.scatter [tilespmem:s1], [sflag:$0x1], $0xC00, $0x38;
	[tilespmem:$0x1A000] =	vst v63  }
0x8a: {  	_ =	swait.ge [sflag:s31], $0xC00  }
0x8b: {  	[sflag:s31] =	ssyncset.done $0x0  }
0x8c: {  	[sflag:s31] =	ssyncadd.s32 $0xFFFFF400  }
0x8d: {  	s7 =	simm.s32 $0x0;
	[bflag:$0x0] =	sbarrier.arrive $0xFFFF  }
0x8e: {  	[spmem:s2] =	stream.indirect.scatter.add.f32 [tilespmem:s0], [sflag:$0x1], $0x80, s7, s3, $0xb8;
	[tilespmem:$0x1A000] =	vst v63  }
0x8f: {  	_ =	swait.ge [sflag:s31], $0x4000  }
0x90: {  	s6 =	simm.s32 $0x200;
	[sflag:s31] =	ssyncset.done $0x0  }
.LBB2_6:
0x91: {  	s7 =	sshra.s32 s6, $0x2;
	[sflag:s31] =	ssyncadd.s32 $0xFFFFC000;
	p0 =	sne.s32 s6, $0x4E00  }
0x92: {  	[spmem:s2] =	stream.indirect.scatter.add.f32 [tilespmem:s0], [sflag:$0x1], $0x80, s7, s3, $0xb8;
	[tilespmem:$0x1A000] =	vst v63  }
.Ltmp2:
0x93: {  	_ = 	snop;
	(pc) =	sbr.rel @p0 .LBB2_6-.Ltmp2, $4  }
0x94: {  	_ = 	snop  }
0x95: {  	s6 =	sadd.s32 $0x200, s6  }
0x96: {  	_ =	swait.ge [sflag:s31], $0x4000  }
0x97: {  	[sflag:s31] =	ssyncset.done $0x0  }
0x98: {  	s6 =	stileid.u32  }
0x99: {  	[sflag:s31] =	ssyncadd.s32 $0xFFFFC000;
	s6 =	sshll.u32 s6, $0x6  }
0x9a: {  	s7 =	sshrl.u32 s5, $0x3;
	[bflag:$0x0] =	sbarrier.arrive $0xFFFF;
	s6 =	sor.u32 $0x1C01, s6  }
0x9b: {  	[hbm:s19], [sflag:s6] =	dma.local [spmem:s7], $0xA00  }
0x9c: {  	_ =	swait.ge [sflag:s31], $0xA00  }
0x9d: {  	[sflag:s31] =	ssyncset.done $0x0  }
0x9e: {  	s7 =	sshrl.u32 s10, $0x3;
	[sflag:s31] =	ssyncadd.s32 $0xFFFFF600  }
0x9f: {  	[hbm:s20], [sflag:s6] =	dma.local [spmem:s7], $0xA00  }
0xa0: {  	_ =	swait.ge [sflag:s31], $0xA00  }
0xa1: {  	[sflag:s31] =	ssyncset.done $0x0  }
0xa2: {  	s7 =	sshrl.u32 s15, $0x3;
	[sflag:s31] =	ssyncadd.s32 $0xFFFFF600  }
0xa3: {  	[hbm:s21], [sflag:s6] =	dma.local [spmem:s7], $0xA00  }
0xa4: {  	s4 =	sadd.s32 $0x1, s4;
	_ =	swait.ge [sflag:s31], $0xA00  }
0xa5: {  	p0 =	sne.s32 s4, s25;
	[sflag:s31] =	ssyncset.done $0x0  }
.Ltmp3:
0xa6: {  	s7 =	sshrl.u32 s24, $0x3;
	[sflag:s31] =	ssyncadd.s32 $0xFFFFF600;
	(pc) =	sbr.rel @p0 .LBB2_1-.Ltmp3, $4  }
0xa7: {  	[hbm:s22], [sflag:s6] =	dma.local [spmem:s7], $0x980  }
0xa8: {  	_ =	swait.ge [sflag:s31], $0x980  }
0xa9: {  	[sflag:s31] =	ssyncset.done $0x0  }
0xaa: {  	[sflag:s31] =	ssyncadd.s32 $0xFFFFF680  }
0xab: {  	_ =	sfence.sel $0x180000  }
0xac: {  	[bflag:$0x0] =	sbarrier.arrive $0xFFFF  }
0xad: {  	_ =	strace $0x90000053  }
0xae: {  	s0 =	stileid.u32;
	[bflag:$0x2] =	sbarrier.arrive $0xFFFF  }
0xaf: {  	p0 =	sne.s32 s0, $0x0;
	s0 =	rddreg [dreg:$0x2]  }
0xb0: {  	s0 =	sadd.s32 @!p0 $0x100000, s0  }
0xb1: {  	[sflag:s0] =	ssyncadd.tile.s32 @!p0 $0x1;
	_ =	shalt  }
.Lfunc_end2:
_tile_overlayer_lowered:
.L_overlay_start_2:
0xb2: {  	(tag) =	ssettag $0x2  }
0xb3: {  	s0 =	rddreg [dreg:$0x0];
	s2 =	stileid.u32  }
0xb4: {  	s1 =	rddreg [dreg:$0x1];
	p0 =	sne.s32 s2, $0x0  }
0xb5: {  	s3 =	rddreg [dreg:$0x2];
	[bflag:$0x3] =	sbarrier.arrive $0xFFFF;
	s2 =	simm.s32 @!p0 $0x1C01  }
0xb6: {  	[timem:s3], [sflag:s2] =	dma.local @!p0 [hbm:s0], s1  }
0xb7: {  	s0 =	simm.s32 @!p0 $0x1  }
0xb8: {  	_ =	swait.ge @!p0 [sflag:s0], s1  }
0xb9: {  	s1 =	ssub.s32 @!p0 $0x0, s1;
	[sflag:s0] =	ssyncset.done @!p0 $0x0  }
0xba: {  	[sflag:s0] =	ssyncadd.s32 @!p0 s1  }
0xbb: {  	[bflag:$0x3] =	sbarrier.arrive $0xFFFF  }
0xbc: {  	_ =	shalt  }

// kernel: kernel.15.cloned.1.call-start
scs
__scs_entry_jumppad:
0x0: {  	(pc) =	sbr.rel $0x88, $3  }
0x1: {  	(tag) =	ssettag $0x0;
	lr =	simm.s32 $0x1  }
0x2: {  	[smem:$0x3F9B] =	sst lr;
	_ =	strace $0xD0000000  }
0x3: {  	_ = 	snop  }
0x4: {  	_ = 	snop  }
0x5: {  	_ = 	snop  }
0x6: {  	_ = 	snop  }
0x7: {  	_ = 	snop  }
__scs_overlays_trampoline_lowered:
0x8: {  	[smem:$0x3FAA] =	sst s0  }
0x9: {  	[smem:$0x3FAB] =	sst s1  }
0xa: {  	[smem:$0x3FAC] =	sst s2  }
0xb: {  	[smem:$0x3FAD] =	sst s3  }
0xc: {  	[smem:$0x3FAE] =	sst s4  }
0xd: {  	[smem:$0x3FAF] =	sst s5  }
0xe: {  	[smem:$0x3FB0] =	sst s6  }
0xf: {  	[smem:$0x3FB1] =	sst s7  }
0x10: {  	[smem:$0x3FB2] =	sst s8  }
0x11: {  	[smem:$0x3FB3] =	sst s9;
	s0 =	simm.s32 @!p0 $0x0  }
0x12: {  	s1 =	sld [smem:$0x3F99];
	s0 =	simm.s32 @p0 $0x1  }
0x13: {  	[smem:$0x3FB4] =	sst s0;
	s0 =	simm.s32 @!p1 $0x0  }
0x14: {  	s2 =	sld [smem:$0x3F98];
	s0 =	simm.s32 @p1 $0x1  }
0x15: {  	[smem:$0x3FB5] =	sst s0;
	s0 =	simm.s32 @!p2 $0x0  }
0x16: {  	s3 =	sld [smem:$0x3FDB];
	s0 =	simm.s32 @p2 $0x1  }
0x17: {  	s4 =	simm.s32 $0x1BF5;
	[smem:$0x3FB7] =	sst s0  }
0x18: {  	s0 =	sld [smem:$0x3F9A];
	_ =	swait.ge [sflag:s4], $0x0  }
0x19: {  	s7 =	sld [smem:$0x3F9B]  }
0x1a: {  	s8 =	sadd.s32 $0xFFFFE003, lr  }
0x1b: {  	s9 =	sadd.s32 $0xFFFFFEF7, lr;
	s5 =	simm.s32 $0xFFFFFFFF;
	p2 =	slt.u32 s8, $0xFFFFF086  }
0x1c: {  	p1 =	slt.u32 s9, $0xF7A;
	s5 =	simm.s32 @!p2 $0x0  }
0x1d: {  	s5 =	simm.s32 @p1 $0x1;
	p0 =	seq.s32 s7, s2  }
0x1e: {  	s7 =	smul.u32 @!p0 $0xF7A, s2;
	p2 =	seq.s32 @!p0 s5, $0x0  }
0x1f: {  	s9 =	smul.u32 $0xF7A, s1;
	s8 =	simm.s32 @!p0 $0x1BF5;
	p2 =	por !p2, p0  }
0x20: {  	[sflag:s8] =	ssyncset.s32 @!p0 $0xFFFFF086;
	s6 =	sadd.s32 @!p0 s3, s7;
	s7 =	simm.s32 @!p0 $0x108  }
0x21: {  	s3 =	sadd.s32 s3, s9;
	s6 =	sadd.s32 @!p0 $0x88, s6;
	s7 =	simm.s32 @p2 $0x1082  }
0x22: {  	[simem:s7], [sflag:s8] =	dma.local @!p0 [hbm:s6], $0xF7A  }
0x23: {  	s9 =	sor.u32 $0xD0000000, s2;
	s6 =	simm.s32 $0x108;
	_ =	swait.ge @!p0 [sflag:s8], $0x0  }
0x24: {  	s3 =	sadd.s32 $0x88, s3;
	s6 =	simm.s32 @!p1 $0x1082;
	[sflag:s4] =	ssyncset.s32 $0xFFFFF086  }
0x25: {  	[simem:s6], [sflag:s4] =	dma.local [hbm:s3], $0xF7A  }
0x26: {  	[smem:$0x3F9B] =	sst s1;
	(tag) =	ssettag s2;
	_ =	strace s9  }
0x27: {  	s1 =	sld [smem:$0x3FAB]  }
0x28: {  	s2 =	sld [smem:$0x3FAC]  }
0x29: {  	s4 =	sld [smem:$0x3FAE]  }
0x2a: {  	p0 =	seq.s32 s5, $0x0;
	s5 =	sld [smem:$0x3FAF]  }
0x2b: {  	s6 =	sld [smem:$0x3FB0]  }
0x2c: {  	s7 =	sld [smem:$0x3FB1]  }
0x2d: {  	s3 =	simm.s32 $0x108;
	s8 =	sld [smem:$0x3FB2]  }
0x2e: {  	s3 =	simm.s32 @!p0 $0x1082;
	s9 =	sld [smem:$0x3FB3]  }
0x2f: {  	lr =	sadd.s32 s0, s3;
	s0 =	sld [smem:$0x3FAA]  }
0x30: {  	s3 =	sld [smem:$0x3FAD]  }
0x31: {  	[smem:$0x3FB6] =	sst s10  }
0x32: {  	s10 =	sld [smem:$0x3FB4];
	_ =	sdelay $0x3  }
0x33: {  	p0 =	seq.s32 s10, $0x1;
	s10 =	sld [smem:$0x3FB6];
	_ =	sdelay $0x3  }
0x34: {  	[smem:$0x3FB6] =	sst s10  }
0x35: {  	s10 =	sld [smem:$0x3FB5];
	_ =	sdelay $0x3  }
0x36: {  	p1 =	seq.s32 s10, $0x1;
	s10 =	sld [smem:$0x3FB6];
	_ =	sdelay $0x3  }
0x37: {  	[smem:$0x3FB6] =	sst s10  }
0x38: {  	s10 =	sld [smem:$0x3FB7]  }
0x39: {  	_ = 	snop;
	(pc) =	sbr.ind lr, $3  }
0x3a: {  	_ = 	snop  }
0x3b: {  	_ = 	snop  }
0x3c: {  	p2 =	seq.s32 s10, $0x1;
	s10 =	sld [smem:$0x3FB6]  }
0x3d: {  	_ =	shalt  }
0x3e: {  	_ =	shalt  }
0x3f: {  	_ =	shalt  }
0x40: {  	_ =	shalt  }
0x41: {  	_ =	shalt  }
0x42: {  	_ =	shalt  }
0x43: {  	_ =	shalt  }
0x44: {  	_ =	shalt  }
0x45: {  	_ =	shalt  }
0x46: {  	_ =	shalt  }
0x47: {  	_ =	shalt  }
0x48: {  	_ =	shalt  }
0x49: {  	_ =	shalt  }
0x4a: {  	_ =	shalt  }
0x4b: {  	_ =	shalt  }
0x4c: {  	_ =	shalt  }
0x4d: {  	_ =	shalt  }
0x4e: {  	_ =	shalt  }
0x4f: {  	_ =	shalt  }
0x50: {  	_ =	shalt  }
0x51: {  	_ =	shalt  }
0x52: {  	_ =	shalt  }
0x53: {  	_ =	shalt  }
0x54: {  	_ =	shalt  }
0x55: {  	_ =	shalt  }
0x56: {  	_ =	shalt  }
0x57: {  	_ =	shalt  }
0x58: {  	_ =	shalt  }
0x59: {  	_ =	shalt  }
0x5a: {  	_ =	shalt  }
0x5b: {  	_ =	shalt  }
0x5c: {  	_ =	shalt  }
0x5d: {  	_ =	shalt  }
0x5e: {  	_ =	shalt  }
0x5f: {  	_ =	shalt  }
0x60: {  	_ =	shalt  }
0x61: {  	_ =	shalt  }
0x62: {  	_ =	shalt  }
0x63: {  	_ =	shalt  }
0x64: {  	_ =	shalt  }
0x65: {  	_ =	shalt  }
0x66: {  	_ =	shalt  }
0x67: {  	_ =	shalt  }
0x68: {  	_ =	shalt  }
0x69: {  	_ =	shalt  }
0x6a: {  	_ =	shalt  }
0x6b: {  	_ =	shalt  }
0x6c: {  	_ =	shalt  }
0x6d: {  	_ =	shalt  }
0x6e: {  	_ =	shalt  }
0x6f: {  	_ =	shalt  }
0x70: {  	_ =	shalt  }
0x71: {  	_ =	shalt  }
0x72: {  	_ =	shalt  }
0x73: {  	_ =	shalt  }
0x74: {  	_ =	shalt  }
0x75: {  	_ =	shalt  }
0x76: {  	_ =	shalt  }
0x77: {  	_ =	shalt  }
0x78: {  	_ =	shalt  }
0x79: {  	_ =	shalt  }
0x7a: {  	_ =	shalt  }
0x7b: {  	_ =	shalt  }
0x7c: {  	_ =	shalt  }
0x7d: {  	_ =	shalt  }
0x7e: {  	_ =	shalt  }
0x7f: {  	_ =	shalt  }
0x80: {  	_ =	shalt  }
0x81: {  	_ =	shalt  }
0x82: {  	_ =	shalt  }
0x83: {  	_ =	shalt  }
0x84: {  	_ =	shalt  }
0x85: {  	_ =	shalt  }
0x86: {  	_ =	shalt  }
0x87: {  	_ =	shalt  }
.Lfunc_end0:
.L_simem_size_0:
called_computation.1_lowered:
.L_overlay_start_0:
0x88: {  	s2 =	sld [smem:$0x3FD9]  }
0x89: {  	s3 =	sld [smem:$0x3FFE];
	_ =	sdelay $0x1  }
0x8a: {  	s1 =	srdreg.scid  }
0x8b: {  	s0 =	sand.u32 $0x1, s1  }
0x8c: {  	s17 =	sshll.u32 s0, $0xA;
	s2 =	sadd.s32 s3, s2  }
0x8d: {  	s2 =	sadd.s32 s2, s17  }
0x8e: {  	[smem:$0x3FC2] =	sst s2  }
0x8f: {  	_ = 	snop  }
0x90: {  	s18 =	sld [smem:$0x3FD0];
	(tm) =	ssettm $0x1  }
0x91: {  	s19 =	sld [smem:$0x3FFB];
	_ =	sdelay $0x3  }
0x92: {  	_ =	strace s19  }
0x93: {  	s2 =	sld [smem:$0x3FFC];
	_ =	sdelay $0x3  }
0x94: {  	_ =	strace s2  }
0x95: {  	s2 =	sld [smem:$0x3FFD];
	_ =	sdelay $0x3  }
0x96: {  	_ =	strace s2  }
0x97: {  	_ =	strace $0x8FFFFFFF  }
0x98: {  	s20 =	sld [smem:$0x3FDB];
	_ =	sdelay $0x1  }
0x99: {  	s4 =	simm.s32 $_scs_section_size  }
0x9a: {  	s5 =	simm.s32 $_size__tile_overlayer_lowered;
	s6 =	simm.s32 $_tile_overlayer_lowered  }
0x9b: {  	s7 =	simm.s32 $0x1BFF;
	s21 =	sshll.u32 s6, $0x1;
	s4 =	sadd.s32 s4, s20  }
0x9c: {  	s22 =	simm.s32 $0x0;
	s5 =	sshll.u32 s5, $0x1;
	s6 =	sadd.s32 s21, s4  }
0x9d: {  	[timem:s22], [sflag:s7] =	dma.local [hbm:s6], s5  }
0x9e: {  	_ =	swait.ge [sflag:s7], s5  }
0x9f: {  	s5 =	ssub.s32 $0x0, s5;
	[sflag:s7] =	ssyncset.done $0x0  }
0xa0: {  	[sflag:s7] =	ssyncadd.s32 s5;
	_ =	sdelay $0x1  }
0xa1: {  	s23 =	simm.s32 $0x1B8B  }
0xa2: {  	_ =	swait.ge [sflag:s23], $0x1  }
0xa3: {  	[sflag:s23] =	ssyncset.done $0x0  }
0xa4: {  	[sflag:s23] =	ssyncadd.s32 $0xFFFFFFFF  }
0xa5: {  	s5 =	sld [smem:$0x0]  }
0xa6: {  	s6 =	sand.u32 $0xFFFFFFFE, s1  }
0xa7: {  	p0 =	sne.s32 s1, s6  }
0xa8: {  	s6 =	sshll.u32 @p0 s6, $0xE  }
0xa9: {  	s6 =	sadd.s32 @p0 $0x11B8D, s6;
	s7 =	sshll.u32 @p0 s5, $0x11  }
0xaa: {  	s6 =	sor.u32 @p0 s7, s6  }
0xab: {  	[sflag:s6] =	ssyncadd.remote.s32 @p0 $0x1;
	_ =	sdelay $0x1  }
0xac: {  	s6 =	simm.s32 @p0 $0x1B8D  }
0xad: {  	_ =	swait.eq @p0 [sflag:s6], $0x1  }
0xae: {  	[sflag:s6] =	ssyncadd.s32 @p0 $0xFFFFFFFF  }
0xaf: {  	s7 =	sshll.u32 @!p0 s1, $0xE  }
0xb0: {  	s7 =	sor.u32 @!p0 $0x4000, s7;
	s6 =	simm.s32 @!p0 $0x1B8D  }
0xb1: {  	s5 =	sshll.u32 @!p0 s5, $0x11;
	s7 =	sadd.s32 @!p0 $0x11B8D, s7;
	_ =	swait.eq @!p0 [sflag:s6], $0x1  }
0xb2: {  	s5 =	sor.u32 @!p0 s5, s7;
	[sflag:s6] =	ssyncadd.s32 @!p0 $0xFFFFFFFF  }
0xb3: {  	s25 =	simm.s32 $0x1B8E;
	s24 =	sld [smem:$0x3FFE];
	[sflag:s5] =	ssyncadd.remote.s32 @!p0 $0x1  }
0xb4: {  	s26 =	simm.s32 $execute0_lowered;
	[smem:$0x3FD2] =	sst s25  }
0xb5: {  	s6 =	sshll.u32 s26, $0x1;
	_ =	strace $0x8000004F;
	[dreg:$0x1] =	wrdreg $0xFFFFFFFF  }
0xb6: {  	s28 =	simm.s32 $_size_execute0_lowered;
	s4 =	sadd.s32 s4, s6;
	[dreg:$0x0] =	wrdreg $0x0  }
0xb7: {  	s6 =	sshll.u32 s28, $0x1;
	[dreg:$0x2] =	wrdreg s4  }
0xb8: {  	[dreg:$0x3] =	wrdreg s6  }
0xb9: {  	[dreg:$0x4] =	wrdreg $0xC0  }
0xba: {  	_ =	task [dreg:s22], $0x5FFFF  }
0xbb: {  	[dreg:$0x1] =	wrdreg $0xFFFFFFFF  }
0xbc: {  	[dreg:$0x0] =	wrdreg $0x60  }
0xbd: {  	[dreg:$0x2] =	wrdreg s18  }
0xbe: {  	[dreg:$0x3] =	wrdreg s24  }
0xbf: {  	[dreg:$0x4] =	wrdreg $0xB8000  }
0xc0: {  	[dreg:$0x5] =	wrdreg $0xA  }
0xc1: {  	_ =	task.clear_ibuf [dreg:s22], $0x6FFFF;
	_ =	strace $0x9000004F  }
0xc2: {  	s29 =	simm.s32 $0xA;
	_ =	strace $0x80000051  }
0xc3: {  	_ =	swait.ge [sflag:s29], $0x1  }
0xc4: {  	[sflag:s29] =	ssyncadd.s32 $0xFFFFFFFF  }
0xc5: {  	_ =	strace $0x90000051  }
0xc6: {  	_ =	sfence  }
0xc7: {  	s30 =	sld [smem:$0x0];
	_ =	sdelay $0x2  }
0xc8: {  	s31 =	sshll.u32 s1, $0xD;
	s1 =	sshrl.u32 s1, $0x2  }
0xc9: {  	s4 =	sand.u32 $0x4000, s31;
	s1 =	sadd.s32 s1, s30  }
0xca: {  	s0 =	sor.u32 s4, s0;
	s1 =	sshll.u32 s1, $0x11  }
0xcb: {  	s0 =	sor.u32 s1, s0  }
0xcc: {  	s0 =	sadd.s32 $0x8F2B, s0  }
0xcd: {  	[sflag:s0] =	ssyncadd.remote.s32 $0x1  }
0xce: {  	_ =	sfence.sel $0xFFFF  }
0xcf: {  	[dreg:$0x0] =	wrdreg $0xFFFFFFFF;
	(pc) =	sbr.abs _section_cstart, $3  }
0xd0: {  	[dreg:$0x1] =	wrdreg $0xFFFFFFFF  }
0xd1: {  	_ =	task.clear_ibuf [dreg:s22], $0x2FFFF;
	_ =	strace $0x9FFFFFFF  }
0xd2: {  	(tm) =	ssettm $0x7FFFFFFF  }
0xd3: {  	_ =	shalt  }
tec
execute0_lowered:
.L_overlay_start_1:
0x0: {  	(tag) =	ssettag $0x1  }
0x1: {  	s0 =	srdreg.scid;
	s10 =	stileid.u32  }
0x2: {  	s1 =	rddreg [dreg:$0x0];
	s7 =	smul.u32 $0x4F000, s10  }
0x3: {  	s2 =	rddreg [dreg:$0x1];
	s0 =	sand.u32 $0x1, s0;
	s8 =	smul.u32 $0x278, s10  }
0x4: {  	s3 =	rddreg [dreg:$0x2];
	s25 =	smul.u32 $0x2780, s10;
	s4 =	sshll.u32 s0, $0x4  }
0x5: {  	s6 =	smul.u32 $0x27800, s0;
	s0 =	ssub.s32 $0x2, s0;
	s5 =	sor.u32 s10, s4  }
0x6: {  	s4 =	simm.s32 $0x0;
	s13 =	sshrl.u32 s0, $0x1;
	s7 =	sshrl.u32 s7, $0x2  }
0x7: {  	s16 =	sadd.s32 $0xA0, s8;
	s19 =	sadd.s32 $0x140, s8;
	s5 =	smul.u32 $0x280, s5  }
0x8: {  	s8 =	sadd.s32 $0x1E0, s8;
	s10 =	simm.s32 $0x1;
	[smem:$0x7FF] =	sst s4  }
0x9: {  	s0 =	ssub.s32 s0, s13;
	s18 =	sshll.u32 s16, $0x7;
	s5 =	sadd.s32 s5, s2  }
0xa: {  	_ =	strace $0x80000050;
	s2 =	sadd.s32 s6, s2;
	s14 =	sadd.s32 $0xCAA00, s5  }
0xb: {  	s6 =	sadd.s32 s7, s3;
	s5 =	sadd.s32 $0xC5A00, s5;
	[dreg:$0x4] =	wrdreg s14  }
0xc: {  	s22 =	sshll.u32 s19, $0x7;
	s15 =	sadd.s32 $0x1000, s6;
	[dreg:$0x5] =	wrdreg s5  }
0xd: {  	s26 =	sshll.u32 s8, $0x7;
	s7 =	sadd.s32 $0x2000, s6;
	[dreg:$0x6] =	wrdreg s15  }
0xe: {  	s8 =	sshll.u32 s8, $0x4;
	s17 =	sadd.s32 $0x3000, s6;
	[dreg:$0x7] =	wrdreg s7  }
0xf: {  	s13 =	simm.s32 $0x0;
	s9 =	sadd.s32 $0x4000, s6;
	[dreg:$0x8] =	wrdreg s17  }
0x10: {  	s12 =	sadd.s32 s18, s3;
	s20 =	sadd.s32 $0x6000, s6;
	[dreg:$0x9] =	wrdreg s9  }
0x11: {  	s21 =	sadd.s32 $0x7000, s6;
	s11 =	sadd.s32 $0x8000, s6;
	[dreg:$0xa] =	wrdreg s20  }
0x12: {  	s23 =	sadd.s32 $0x9000, s6;
	s24 =	sadd.s32 $0xB000, s6;
	[dreg:$0xb] =	wrdreg s21  }
0x13: {  	s2 =	sadd.s32 $0x391600, s2;
	s28 =	sadd.s32 $0xE000, s6;
	[dreg:$0xc] =	wrdreg s11  }
0x14: {  	s29 =	sadd.s32 $0x10000, s6;
	s30 =	sadd.s32 $0x11000, s6;
	[dreg:$0xd] =	wrdreg s23  }
0x15: {  	s31 =	sadd.s32 $0x12000, s6;
	s17 =	sadd.s32 s22, s3;
	[dreg:$0xe] =	wrdreg s24  }
0x16: {  	s5 =	sshll.u32 s16, $0x4;
	s7 =	sshll.u32 s19, $0x4;
	s9 =	sadd.s32 s25, s2  }
0x17: {  	s22 =	sadd.s32 s8, s2;
	s23 =	sadd.s32 $0xC000, s6;
	s24 =	sadd.s32 s26, s3  }
0x18: {  	s25 =	smax.u32 s0, $0x1;
	s26 =	sadd.s32 $0xD000, s6;
	s0 =	simm.s32 $0x3  }
0x19: {  	s8 =	simm.s32 $0x2800;
	s11 =	simm.s32 $0x2;
	[dreg:$0xf] =	wrdreg s9  }
0x1a: {  	s20 =	sadd.s32 s5, s2;
	s21 =	sadd.s32 s7, s2;
	s2 =	sadd.s32 $0x13000, s6  }
0x1b: {  	v0 =	vimm.f32 $0.0e+00;
	s5 =	simm.s32 $0xA800;
	s7 =	simm.s32 $0x80;
	s9 =	simm.s32 $0x6800  }
.LBB2_1:
0x1c: {  	s14 =	rddreg [dreg:$0x4]  }
0x1d: {  	[tilespmem:s4], [sflag:$0x3] =	stream.linear.gather [hbm4b:s14+s4], $0x1400, $0x38;
	[tilespmem:$0x1F400] =	vst v63  }
0x1e: {  	_ =	swait.ge [sflag:s0], $0x1400  }
0x1f: {  	[sflag:s0] =	ssyncset.done $0x0  }
0x20: {  	s15 =	simm.s32 $0x1400;
	s19 =	rddreg [dreg:$0x5];
	[sflag:s0] =	ssyncadd.s32 $0xFFFFEC00  }
0x21: {  	[tilespmem:s15], [sflag:$0x3] =	stream.linear.gather [hbm4b:s19+s4], $0x1400, $0x38;
	[tilespmem:$0x1F400] =	vst v63  }
0x22: {  	_ =	swait.ge [sflag:s0], $0x1400  }
0x23: {  	[sflag:s0] =	ssyncset.done $0x0  }
0x24: {  	s14 =	simm.s32 $0x0;
	s15 =	simm.s32 $0x200;
	[sflag:s0] =	ssyncadd.s32 $0xFFFFEC00  }
.LBB2_2:
0x25: {  	p0 =	sne.s32 s15, $0x3E00;
	[tilespmem:s14+$0xA870] =	vst v0  }
0x26: {  	[tilespmem:s14+$0xA800] =	vst v0  }
0x27: {  	[tilespmem:s14+$0xA810] =	vst v0  }
.Ltmp0:
0x28: {  	[tilespmem:s14+$0xA820] =	vst v0;
	(pc) =	sbr.rel @p0 .LBB2_2-.Ltmp0, $4  }
0x29: {  	[tilespmem:s14+$0xA830] =	vst v0  }
0x2a: {  	[tilespmem:s14+$0xA840] =	vst v0  }
0x2b: {  	[tilespmem:s14+$0xA850] =	vst v0  }
0x2c: {  	[tilespmem:s14+$0xA860] =	vst v0;
	s14 =	sshra.s32 s15, $0x2;
	s15 =	sadd.s32 $0x200, s15  }
0x2d: {  	[tilespmem:s14+$0xA870] =	vst v0  }
0x2e: {  	[tilespmem:s14+$0xA800] =	vst v0  }
0x2f: {  	[tilespmem:s14+$0xA810] =	vst v0  }
0x30: {  	[tilespmem:s14+$0xA820] =	vst v0  }
0x31: {  	[tilespmem:s14+$0xA830] =	vst v0  }
0x32: {  	[tilespmem:s14+$0xA840] =	vst v0  }
0x33: {  	[tilespmem:s14+$0xA850] =	vst v0  }
0x34: {  	[tilespmem:s14+$0xA860] =	vst v0  }
0x35: {  	[spmem:s6] =	stream.linear.scatter [tilespmem:s5], [sflag:$0x3], $0x1000, $0x38;
	[tilespmem:$0x1F400] =	vst v63  }
0x36: {  	_ =	swait.ge [sflag:s0], $0x1000  }
0x37: {  	[sflag:s0] =	ssyncset.done $0x0  }
0x38: {  	s18 =	rddreg [dreg:$0x6];
	[sflag:s0] =	ssyncadd.s32 $0xFFFFF000  }
0x39: {  	[spmem:s18] =	stream.linear.scatter [tilespmem:s5], [sflag:$0x3], $0x1000, $0x38;
	[tilespmem:$0x1F400] =	vst v63  }
0x3a: {  	_ =	swait.ge [sflag:s0], $0x1000  }
0x3b: {  	[sflag:s0] =	ssyncset.done $0x0  }
0x3c: {  	s19 =	rddreg [dreg:$0x7];
	[sflag:s0] =	ssyncadd.s32 $0xFFFFF000  }
0x3d: {  	[spmem:s19] =	stream.linear.scatter [tilespmem:s5], [sflag:$0x3], $0x1000, $0x38;
	[tilespmem:$0x1F400] =	vst v63  }
0x3e: {  	_ =	swait.ge [sflag:s0], $0x1000  }
0x3f: {  	[sflag:s0] =	ssyncset.done $0x0  }
0x40: {  	s15 =	rddreg [dreg:$0x8];
	[sflag:s0] =	ssyncadd.s32 $0xFFFFF000  }
0x41: {  	[spmem:s15] =	stream.linear.scatter [tilespmem:s5], [sflag:$0x3], $0x1000, $0x38;
	[tilespmem:$0x1F400] =	vst v63  }
0x42: {  	_ =	swait.ge [sflag:s0], $0x1000  }
0x43: {  	[sflag:s0] =	ssyncset.done $0x0  }
0x44: {  	s16 =	rddreg [dreg:$0x9];
	[sflag:s0] =	ssyncadd.s32 $0xFFFFF000  }
0x45: {  	[spmem:s16] =	stream.linear.scatter [tilespmem:s5], [sflag:$0x3], $0x1000, $0x38;
	[tilespmem:$0x1F400] =	vst v63  }
0x46: {  	_ =	swait.ge [sflag:s0], $0x1000  }
0x47: {  	[sflag:s0] =	ssyncset.done $0x0  }
0x48: {  	[sflag:s0] =	ssyncadd.s32 $0xFFFFF000  }
0x49: {  	[spmem:s12] =	stream.linear.scatter [tilespmem:s5], [sflag:$0x3], $0x1000, $0x38;
	[tilespmem:$0x1F400] =	vst v63  }
0x4a: {  	_ =	swait.ge [sflag:s0], $0x1000  }
0x4b: {  	[sflag:s0] =	ssyncset.done $0x0  }
0x4c: {  	s18 =	rddreg [dreg:$0xa];
	[sflag:s0] =	ssyncadd.s32 $0xFFFFF000  }
0x4d: {  	[spmem:s18] =	stream.linear.scatter [tilespmem:s5], [sflag:$0x3], $0x1000, $0x38;
	[tilespmem:$0x1F400] =	vst v63  }
0x4e: {  	_ =	swait.ge [sflag:s0], $0x1000  }
0x4f: {  	[sflag:s0] =	ssyncset.done $0x0  }
0x50: {  	s19 =	rddreg [dreg:$0xb];
	[sflag:s0] =	ssyncadd.s32 $0xFFFFF000  }
0x51: {  	[spmem:s19] =	stream.linear.scatter [tilespmem:s5], [sflag:$0x3], $0x1000, $0x38;
	[tilespmem:$0x1F400] =	vst v63  }
0x52: {  	_ =	swait.ge [sflag:s0], $0x1000  }
0x53: {  	[sflag:s0] =	ssyncset.done $0x0  }
0x54: {  	s15 =	rddreg [dreg:$0xc];
	[sflag:s0] =	ssyncadd.s32 $0xFFFFF000  }
0x55: {  	[spmem:s15] =	stream.linear.scatter [tilespmem:s5], [sflag:$0x3], $0x1000, $0x38;
	[tilespmem:$0x1F400] =	vst v63  }
0x56: {  	_ =	swait.ge [sflag:s0], $0x1000  }
0x57: {  	[sflag:s0] =	ssyncset.done $0x0  }
0x58: {  	s16 =	rddreg [dreg:$0xd];
	[sflag:s0] =	ssyncadd.s32 $0xFFFFF000  }
0x59: {  	[spmem:s16] =	stream.linear.scatter [tilespmem:s5], [sflag:$0x3], $0x1000, $0x38;
	[tilespmem:$0x1F400] =	vst v63  }
0x5a: {  	_ =	swait.ge [sflag:s0], $0x1000  }
0x5b: {  	[sflag:s0] =	ssyncset.done $0x0  }
0x5c: {  	[sflag:s0] =	ssyncadd.s32 $0xFFFFF000  }
0x5d: {  	[spmem:s17] =	stream.linear.scatter [tilespmem:s5], [sflag:$0x3], $0x1000, $0x38;
	[tilespmem:$0x1F400] =	vst v63  }
0x5e: {  	_ =	swait.ge [sflag:s0], $0x1000  }
0x5f: {  	[sflag:s0] =	ssyncset.done $0x0  }
0x60: {  	s18 =	rddreg [dreg:$0xe];
	[sflag:s0] =	ssyncadd.s32 $0xFFFFF000  }
0x61: {  	[spmem:s18] =	stream.linear.scatter [tilespmem:s5], [sflag:$0x3], $0x1000, $0x38;
	[tilespmem:$0x1F400] =	vst v63  }
0x62: {  	_ =	swait.ge [sflag:s0], $0x1000  }
0x63: {  	[sflag:s0] =	ssyncset.done $0x0  }
0x64: {  	[sflag:s0] =	ssyncadd.s32 $0xFFFFF000  }
0x65: {  	[spmem:s23] =	stream.linear.scatter [tilespmem:s5], [sflag:$0x3], $0x1000, $0x38;
	[tilespmem:$0x1F400] =	vst v63  }
0x66: {  	_ =	swait.ge [sflag:s0], $0x1000  }
0x67: {  	[sflag:s0] =	ssyncset.done $0x0  }
0x68: {  	[sflag:s0] =	ssyncadd.s32 $0xFFFFF000  }
0x69: {  	[spmem:s26] =	stream.linear.scatter [tilespmem:s5], [sflag:$0x3], $0x1000, $0x38;
	[tilespmem:$0x1F400] =	vst v63  }
0x6a: {  	_ =	swait.ge [sflag:s0], $0x1000  }
0x6b: {  	[sflag:s0] =	ssyncset.done $0x0  }
0x6c: {  	[sflag:s0] =	ssyncadd.s32 $0xFFFFF000  }
0x6d: {  	[spmem:s28] =	stream.linear.scatter [tilespmem:s5], [sflag:$0x3], $0x1000, $0x38;
	[tilespmem:$0x1F400] =	vst v63  }
0x6e: {  	_ =	swait.ge [sflag:s0], $0x1000  }
0x6f: {  	[sflag:s0] =	ssyncset.done $0x0  }
0x70: {  	[sflag:s0] =	ssyncadd.s32 $0xFFFFF000  }
0x71: {  	[spmem:s24] =	stream.linear.scatter [tilespmem:s5], [sflag:$0x3], $0x1000, $0x38;
	[tilespmem:$0x1F400] =	vst v63  }
0x72: {  	_ =	swait.ge [sflag:s0], $0x1000  }
0x73: {  	[sflag:s0] =	ssyncset.done $0x0  }
0x74: {  	[sflag:s0] =	ssyncadd.s32 $0xFFFFF000  }
0x75: {  	[spmem:s29] =	stream.linear.scatter [tilespmem:s5], [sflag:$0x3], $0x1000, $0x38;
	[tilespmem:$0x1F400] =	vst v63  }
0x76: {  	_ =	swait.ge [sflag:s0], $0x1000  }
0x77: {  	[sflag:s0] =	ssyncset.done $0x0  }
0x78: {  	[sflag:s0] =	ssyncadd.s32 $0xFFFFF000  }
0x79: {  	[spmem:s30] =	stream.linear.scatter [tilespmem:s5], [sflag:$0x3], $0x1000, $0x38;
	[tilespmem:$0x1F400] =	vst v63  }
0x7a: {  	_ =	swait.ge [sflag:s0], $0x1000  }
0x7b: {  	[sflag:s0] =	ssyncset.done $0x0  }
0x7c: {  	[sflag:s0] =	ssyncadd.s32 $0xFFFFF000  }
0x7d: {  	[spmem:s31] =	stream.linear.scatter [tilespmem:s5], [sflag:$0x3], $0x1000, $0x38;
	[tilespmem:$0x1F400] =	vst v63  }
0x7e: {  	_ =	swait.ge [sflag:s0], $0x1000  }
0x7f: {  	[sflag:s0] =	ssyncset.done $0x0  }
0x80: {  	[sflag:s0] =	ssyncadd.s32 $0xFFFFF000  }
0x81: {  	[spmem:s2] =	stream.linear.scatter [tilespmem:s5], [sflag:$0x3], $0xC00, $0x38;
	[tilespmem:$0x1F400] =	vst v63  }
0x82: {  	_ =	swait.ge [sflag:s0], $0xC00  }
0x83: {  	[sflag:s0] =	ssyncset.done $0x0  }
0x84: {  	[sflag:s0] =	ssyncadd.s32 $0xFFFFF400  }
0x85: {  	s19 =	simm.s32 $0x0;
	[bflag:$0x0] =	sbarrier.arrive $0xFFFF  }
0x86: {  	[tilespmem:s8], [sflag:$0x1] =	stream.indirect.gather [hbm4b:s1+s7], $0x80, s19, s7, $0xb8;
	[tilespmem:$0x1F400] =	vst v63  }
0x87: {  	s15 =	simm.s32 $0x80  }
0x88: {  	[tilespmem:s9], [sflag:$0x2] =	stream.indirect.gather [hbm4b:s1+s7], $0x80, s15, s7, $0xb8;
	[tilespmem:$0x1F400] =	vst v63  }
0x89: {  	_ =	swait.ge [sflag:s10], $0x4000  }
0x8a: {  	[sflag:s10] =	ssyncset.done $0x0  }
0x8b: {  	s16 =	simm.s32 $0x1400;
	[sflag:s10] =	ssyncadd.s32 $0xFFFFC000  }
0x8c: {  	[spmem:s3] =	stream.indirect.scatter.add.f32 [tilespmem:s8], [sflag:$0x3], $0x80, s16, s7, $0xb8;
	[tilespmem:$0x1F400] =	vst v63  }
0x8d: {  	_ =	swait.ge [sflag:s0], $0x4000  }
0x8e: {  	[sflag:s0] =	ssyncset.done $0x0  }
0x8f: {  	s18 =	simm.s32 $0x100;
	[sflag:s0] =	ssyncadd.s32 $0xFFFFC000  }
0x90: {  	[tilespmem:s8], [sflag:$0x1] =	stream.indirect.gather [hbm4b:s1+s7], $0x80, s18, s7, $0xb8;
	[tilespmem:$0x1F400] =	vst v63  }
0x91: {  	_ =	swait.ge [sflag:s11], $0x4000  }
0x92: {  	[sflag:s11] =	ssyncset.done $0x0  }
0x93: {  	s19 =	simm.s32 $0x1480;
	[sflag:s11] =	ssyncadd.s32 $0xFFFFC000  }
0x94: {  	[spmem:s3] =	stream.indirect.scatter.add.f32 [tilespmem:s9], [sflag:$0x3], $0x80, s19, s7, $0xb8;
	[tilespmem:$0x1F400] =	vst v63  }
0x95: {  	_ =	swait.ge [sflag:s0], $0x4000  }
0x96: {  	s14 =	simm.s32 $0x100;
	s15 =	simm.s32 $0x800;
	[sflag:s0] =	ssyncset.done $0x0  }
.LBB2_4:
0x97: {  	s16 =	sadd.s32 $0x80, s14  }
0x98: {  	[sflag:s0] =	ssyncadd.s32 $0xFFFFC000;
	s18 =	smov.u32 s15;
	s19 =	sadd.s32 $0x400, s15  }
0x99: {  	[tilespmem:s9], [sflag:$0x2] =	stream.indirect.gather [hbm4b:s1+s7], $0x80, s16, s7, $0xb8;
	[tilespmem:$0x1F400] =	vst v63  }
0x9a: {  	p0 =	sne.s32 s15, $0x4800;
	_ =	swait.ge [sflag:s10], $0x4000  }
0x9b: {  	[sflag:s10] =	ssyncset.done $0x0  }
0x9c: {  	s15 =	sadd.s32 $0x1400, s14;
	[sflag:s10] =	ssyncadd.s32 $0xFFFFC000  }
0x9d: {  	[spmem:s3] =	stream.indirect.scatter.add.f32 [tilespmem:s8], [sflag:$0x3], $0x80, s15, s7, $0xb8;
	[tilespmem:$0x1F400] =	vst v63  }
0x9e: {  	_ =	swait.ge [sflag:s0], $0x4000  }
0x9f: {  	[sflag:s0] =	ssyncset.done $0x0  }
0xa0: {  	s15 =	sadd.s32 $0x100, s14;
	[sflag:s0] =	ssyncadd.s32 $0xFFFFC000  }
0xa1: {  	[tilespmem:s8], [sflag:$0x1] =	stream.indirect.gather [hbm4b:s1+s7], $0x80, s15, s7, $0xb8;
	[tilespmem:$0x1F400] =	vst v63  }
0xa2: {  	_ =	swait.ge [sflag:s11], $0x4000  }
.Ltmp1:
0xa3: {  	[sflag:s11] =	ssyncset.done $0x0;
	(pc) =	sbr.rel @p0 .LBB2_4-.Ltmp1, $4  }
0xa4: {  	s14 =	sadd.s32 $0x1480, s14;
	[sflag:s11] =	ssyncadd.s32 $0xFFFFC000  }
0xa5: {  	[spmem:s3] =	stream.indirect.scatter.add.f32 [tilespmem:s9], [sflag:$0x3], $0x80, s14, s7, $0xb8;
	[tilespmem:$0x1F400] =	vst v63  }
0xa6: {  	_ =	swait.ge [sflag:s0], $0x4000  }
0xa7: {  	s15 =	smov.u32 s19;
	s14 =	sshra.s32 s18, $0x2;
	[sflag:s0] =	ssyncset.done $0x0  }
0xa8: {  	s15 =	sadd.s32 $0x80, s14;
	[sflag:s0] =	ssyncadd.s32 $0xFFFFC000  }
0xa9: {  	[tilespmem:s9], [sflag:$0x2] =	stream.indirect.gather [hbm4b:s1+s7], $0x80, s15, s7, $0xb8;
	[tilespmem:$0x1F400] =	vst v63  }
0xaa: {  	_ =	swait.ge [sflag:s10], $0x4000  }
0xab: {  	[sflag:s10] =	ssyncset.done $0x0  }
0xac: {  	s19 =	sadd.s32 $0x1400, s14;
	[sflag:s10] =	ssyncadd.s32 $0xFFFFC000  }
0xad: {  	[spmem:s3] =	stream.indirect.scatter.add.f32 [tilespmem:s8], [sflag:$0x3], $0x80, s19, s7, $0xb8;
	[tilespmem:$0x1F400] =	vst v63  }
0xae: {  	_ =	swait.ge [sflag:s0], $0x4000  }
0xaf: {  	[sflag:s0] =	ssyncset.done $0x0  }
0xb0: {  	s16 =	sadd.s32 $0x100, s14;
	[sflag:s0] =	ssyncadd.s32 $0xFFFFC000  }
0xb1: {  	[tilespmem:s8], [sflag:$0x1] =	stream.indirect.gather [hbm4b:s1+s7], $0x80, s16, s7, $0xb8;
	[tilespmem:$0x1F400] =	vst v63  }
0xb2: {  	_ =	swait.ge [sflag:s11], $0x4000  }
0xb3: {  	[sflag:s11] =	ssyncset.done $0x0  }
0xb4: {  	s18 =	sadd.s32 $0x1480, s14;
	[sflag:s11] =	ssyncadd.s32 $0xFFFFC000  }
0xb5: {  	[spmem:s3] =	stream.indirect.scatter.add.f32 [tilespmem:s9], [sflag:$0x3], $0x80, s18, s7, $0xb8;
	[tilespmem:$0x1F400] =	vst v63  }
0xb6: {  	_ =	swait.ge [sflag:s0], $0x4000  }
0xb7: {  	[sflag:s0] =	ssyncset.done $0x0  }
0xb8: {  	s19 =	simm.s32 $0x1380;
	[sflag:s0] =	ssyncadd.s32 $0xFFFFC000  }
0xb9: {  	[tilespmem:s9], [sflag:$0x2] =	stream.indirect.gather [hbm4b:s1+s7], $0x80, s19, s7, $0xb8;
	[tilespmem:$0x1F400] =	vst v63  }
0xba: {  	_ =	swait.ge [sflag:s10], $0x4000  }
0xbb: {  	[sflag:s10] =	ssyncset.done $0x0  }
0xbc: {  	s15 =	simm.s32 $0x2700;
	[sflag:s10] =	ssyncadd.s32 $0xFFFFC000  }
0xbd: {  	[spmem:s3] =	stream.indirect.scatter.add.f32 [tilespmem:s8], [sflag:$0x3], $0x80, s15, s7, $0xb8;
	[tilespmem:$0x1F400] =	vst v63  }
0xbe: {  	_ =	swait.ge [sflag:s0], $0x4000  }
0xbf: {  	[sflag:s0] =	ssyncset.done $0x0  }
0xc0: {  	[sflag:s0] =	ssyncadd.s32 $0xFFFFC000  }
0xc1: {  	[tilespmem:s8], [sflag:$0x1] =	stream.indirect.gather [hbm4b:s1+s7], $0x80, s4, s7, $0xb8;
	[tilespmem:$0x1F400] =	vst v63  }
0xc2: {  	_ =	swait.ge [sflag:s11], $0x4000  }
0xc3: {  	[sflag:s11] =	ssyncset.done $0x0  }
0xc4: {  	s16 =	simm.s32 $0x2780;
	[sflag:s11] =	ssyncadd.s32 $0xFFFFC000  }
0xc5: {  	[spmem:s3] =	stream.indirect.scatter.add.f32 [tilespmem:s9], [sflag:$0x3], $0x80, s16, s7, $0xb8;
	[tilespmem:$0x1F400] =	vst v63  }
0xc6: {  	_ =	swait.ge [sflag:s0], $0x4000  }
0xc7: {  	[sflag:s0] =	ssyncset.done $0x0  }
0xc8: {  	[sflag:s0] =	ssyncadd.s32 $0xFFFFC000  }
0xc9: {  	_ =	swait.ge [sflag:s10], $0x4000  }
0xca: {  	[sflag:s10] =	ssyncset.done $0x0  }
0xcb: {  	s18 =	stileid.u32;
	[sflag:s10] =	ssyncadd.s32 $0xFFFFC000  }
0xcc: {  	s14 =	sshll.u32 s18, $0x6;
	[bflag:$0x0] =	sbarrier.arrive $0xFFFF  }
0xcd: {  	s14 =	sor.u32 $0x1C03, s14;
	s19 =	sshrl.u32 s6, $0x3;
	s16 =	rddreg [dreg:$0xf]  }
0xce: {  	[hbm:s16], [sflag:s14] =	dma.local [spmem:s19], $0xA00  }
0xcf: {  	_ =	swait.ge [sflag:s0], $0xA00  }
0xd0: {  	[sflag:s0] =	ssyncset.done $0x0  }
0xd1: {  	s16 =	sshrl.u32 s12, $0x3;
	[sflag:s0] =	ssyncadd.s32 $0xFFFFF600  }
0xd2: {  	[hbm:s20], [sflag:s14] =	dma.local [spmem:s16], $0xA00  }
0xd3: {  	_ =	swait.ge [sflag:s0], $0xA00  }
0xd4: {  	[sflag:s0] =	ssyncset.done $0x0  }
0xd5: {  	s18 =	sshrl.u32 s17, $0x3;
	[sflag:s0] =	ssyncadd.s32 $0xFFFFF600  }
0xd6: {  	[hbm:s21], [sflag:s14] =	dma.local [spmem:s18], $0xA00  }
0xd7: {  	s13 =	sadd.s32 $0x1, s13;
	_ =	swait.ge [sflag:s0], $0xA00  }
0xd8: {  	p0 =	sne.s32 s13, s25;
	[sflag:s0] =	ssyncset.done $0x0  }
.Ltmp2:
0xd9: {  	s19 =	sshrl.u32 s24, $0x3;
	[sflag:s0] =	ssyncadd.s32 $0xFFFFF600;
	(pc) =	sbr.rel @p0 .LBB2_1-.Ltmp2, $4  }
0xda: {  	[hbm:s22], [sflag:s14] =	dma.local [spmem:s19], $0x980  }
0xdb: {  	_ =	swait.ge [sflag:s0], $0x980  }
0xdc: {  	[sflag:s0] =	ssyncset.done $0x0  }
0xdd: {  	[sflag:s0] =	ssyncadd.s32 $0xFFFFF680  }
0xde: {  	_ =	sfence.sel $0x180000  }
0xdf: {  	[bflag:$0x0] =	sbarrier.arrive $0xFFFF  }
0xe0: {  	_ =	strace $0x90000050  }
0xe1: {  	s0 =	stileid.u32;
	[bflag:$0x2] =	sbarrier.arrive $0xFFFF  }
0xe2: {  	p0 =	sne.s32 s0, $0x0;
	s0 =	rddreg [dreg:$0x3]  }
0xe3: {  	s0 =	sadd.s32 @!p0 $0x100000, s0  }
0xe4: {  	[sflag:s0] =	ssyncadd.tile.s32 @!p0 $0x1;
	_ =	shalt  }
.Lfunc_end2:
_tile_overlayer_lowered:
.L_overlay_start_2:
0xe5: {  	(tag) =	ssettag $0x2  }
0xe6: {  	s0 =	rddreg [dreg:$0x0];
	s2 =	stileid.u32  }
0xe7: {  	s1 =	rddreg [dreg:$0x1];
	p0 =	sne.s32 s2, $0x0  }
0xe8: {  	s3 =	rddreg [dreg:$0x2];
	[bflag:$0x3] =	sbarrier.arrive $0xFFFF;
	s2 =	simm.s32 @!p0 $0x1C03  }
0xe9: {  	[timem:s3], [sflag:s2] =	dma.local @!p0 [hbm:s0], s1  }
0xea: {  	s0 =	simm.s32 @!p0 $0x3  }
0xeb: {  	_ =	swait.ge @!p0 [sflag:s0], s1  }
0xec: {  	s1 =	ssub.s32 @!p0 $0x0, s1;
	[sflag:s0] =	ssyncset.done @!p0 $0x0  }
0xed: {  	[sflag:s0] =	ssyncadd.s32 @!p0 s1  }
0xee: {  	[bflag:$0x3] =	sbarrier.arrive $0xFFFF  }
0xef: {  	_ =	shalt  }

// kernel: kernel.18.cloned.1.call-start
scs
__scs_entry_jumppad:
0x0: {  	(pc) =	sbr.rel $0x88, $3  }
0x1: {  	(tag) =	ssettag $0x0;
	lr =	simm.s32 $0x1  }
0x2: {  	[smem:$0x3F9B] =	sst lr;
	_ =	strace $0xD0000000  }
0x3: {  	_ = 	snop  }
0x4: {  	_ = 	snop  }
0x5: {  	_ = 	snop  }
0x6: {  	_ = 	snop  }
0x7: {  	_ = 	snop  }
__scs_overlays_trampoline_lowered:
0x8: {  	[smem:$0x3FAA] =	sst s0  }
0x9: {  	[smem:$0x3FAB] =	sst s1  }
0xa: {  	[smem:$0x3FAC] =	sst s2  }
0xb: {  	[smem:$0x3FAD] =	sst s3  }
0xc: {  	[smem:$0x3FAE] =	sst s4  }
0xd: {  	[smem:$0x3FAF] =	sst s5  }
0xe: {  	[smem:$0x3FB0] =	sst s6  }
0xf: {  	[smem:$0x3FB1] =	sst s7  }
0x10: {  	[smem:$0x3FB2] =	sst s8  }
0x11: {  	[smem:$0x3FB3] =	sst s9;
	s0 =	simm.s32 @!p0 $0x0  }
0x12: {  	s1 =	sld [smem:$0x3F99];
	s0 =	simm.s32 @p0 $0x1  }
0x13: {  	[smem:$0x3FB4] =	sst s0;
	s0 =	simm.s32 @!p1 $0x0  }
0x14: {  	s2 =	sld [smem:$0x3F98];
	s0 =	simm.s32 @p1 $0x1  }
0x15: {  	[smem:$0x3FB5] =	sst s0;
	s0 =	simm.s32 @!p2 $0x0  }
0x16: {  	s3 =	sld [smem:$0x3FDB];
	s0 =	simm.s32 @p2 $0x1  }
0x17: {  	s4 =	simm.s32 $0x1BF5;
	[smem:$0x3FB7] =	sst s0  }
0x18: {  	s0 =	sld [smem:$0x3F9A];
	_ =	swait.ge [sflag:s4], $0x0  }
0x19: {  	s7 =	sld [smem:$0x3F9B]  }
0x1a: {  	s8 =	sadd.s32 $0xFFFFE003, lr  }
0x1b: {  	s9 =	sadd.s32 $0xFFFFFEF7, lr;
	s5 =	simm.s32 $0xFFFFFFFF;
	p2 =	slt.u32 s8, $0xFFFFF086  }
0x1c: {  	p1 =	slt.u32 s9, $0xF7A;
	s5 =	simm.s32 @!p2 $0x0  }
0x1d: {  	s5 =	simm.s32 @p1 $0x1;
	p0 =	seq.s32 s7, s2  }
0x1e: {  	s7 =	smul.u32 @!p0 $0xF7A, s2;
	p2 =	seq.s32 @!p0 s5, $0x0  }
0x1f: {  	s9 =	smul.u32 $0xF7A, s1;
	s8 =	simm.s32 @!p0 $0x1BF5;
	p2 =	por !p2, p0  }
0x20: {  	[sflag:s8] =	ssyncset.s32 @!p0 $0xFFFFF086;
	s6 =	sadd.s32 @!p0 s3, s7;
	s7 =	simm.s32 @!p0 $0x108  }
0x21: {  	s3 =	sadd.s32 s3, s9;
	s6 =	sadd.s32 @!p0 $0x88, s6;
	s7 =	simm.s32 @p2 $0x1082  }
0x22: {  	[simem:s7], [sflag:s8] =	dma.local @!p0 [hbm:s6], $0xF7A  }
0x23: {  	s9 =	sor.u32 $0xD0000000, s2;
	s6 =	simm.s32 $0x108;
	_ =	swait.ge @!p0 [sflag:s8], $0x0  }
0x24: {  	s3 =	sadd.s32 $0x88, s3;
	s6 =	simm.s32 @!p1 $0x1082;
	[sflag:s4] =	ssyncset.s32 $0xFFFFF086  }
0x25: {  	[simem:s6], [sflag:s4] =	dma.local [hbm:s3], $0xF7A  }
0x26: {  	[smem:$0x3F9B] =	sst s1;
	(tag) =	ssettag s2;
	_ =	strace s9  }
0x27: {  	s1 =	sld [smem:$0x3FAB]  }
0x28: {  	s2 =	sld [smem:$0x3FAC]  }
0x29: {  	s4 =	sld [smem:$0x3FAE]  }
0x2a: {  	p0 =	seq.s32 s5, $0x0;
	s5 =	sld [smem:$0x3FAF]  }
0x2b: {  	s6 =	sld [smem:$0x3FB0]  }
0x2c: {  	s7 =	sld [smem:$0x3FB1]  }
0x2d: {  	s3 =	simm.s32 $0x108;
	s8 =	sld [smem:$0x3FB2]  }
0x2e: {  	s3 =	simm.s32 @!p0 $0x1082;
	s9 =	sld [smem:$0x3FB3]  }
0x2f: {  	lr =	sadd.s32 s0, s3;
	s0 =	sld [smem:$0x3FAA]  }
0x30: {  	s3 =	sld [smem:$0x3FAD]  }
0x31: {  	[smem:$0x3FB6] =	sst s10  }
0x32: {  	s10 =	sld [smem:$0x3FB4];
	_ =	sdelay $0x3  }
0x33: {  	p0 =	seq.s32 s10, $0x1;
	s10 =	sld [smem:$0x3FB6];
	_ =	sdelay $0x3  }
0x34: {  	[smem:$0x3FB6] =	sst s10  }
0x35: {  	s10 =	sld [smem:$0x3FB5];
	_ =	sdelay $0x3  }
0x36: {  	p1 =	seq.s32 s10, $0x1;
	s10 =	sld [smem:$0x3FB6];
	_ =	sdelay $0x3  }
0x37: {  	[smem:$0x3FB6] =	sst s10  }
0x38: {  	s10 =	sld [smem:$0x3FB7]  }
0x39: {  	_ = 	snop;
	(pc) =	sbr.ind lr, $3  }
0x3a: {  	_ = 	snop  }
0x3b: {  	_ = 	snop  }
0x3c: {  	p2 =	seq.s32 s10, $0x1;
	s10 =	sld [smem:$0x3FB6]  }
0x3d: {  	_ =	shalt  }
0x3e: {  	_ =	shalt  }
0x3f: {  	_ =	shalt  }
0x40: {  	_ =	shalt  }
0x41: {  	_ =	shalt  }
0x42: {  	_ =	shalt  }
0x43: {  	_ =	shalt  }
0x44: {  	_ =	shalt  }
0x45: {  	_ =	shalt  }
0x46: {  	_ =	shalt  }
0x47: {  	_ =	shalt  }
0x48: {  	_ =	shalt  }
0x49: {  	_ =	shalt  }
0x4a: {  	_ =	shalt  }
0x4b: {  	_ =	shalt  }
0x4c: {  	_ =	shalt  }
0x4d: {  	_ =	shalt  }
0x4e: {  	_ =	shalt  }
0x4f: {  	_ =	shalt  }
0x50: {  	_ =	shalt  }
0x51: {  	_ =	shalt  }
0x52: {  	_ =	shalt  }
0x53: {  	_ =	shalt  }
0x54: {  	_ =	shalt  }
0x55: {  	_ =	shalt  }
0x56: {  	_ =	shalt  }
0x57: {  	_ =	shalt  }
0x58: {  	_ =	shalt  }
0x59: {  	_ =	shalt  }
0x5a: {  	_ =	shalt  }
0x5b: {  	_ =	shalt  }
0x5c: {  	_ =	shalt  }
0x5d: {  	_ =	shalt  }
0x5e: {  	_ =	shalt  }
0x5f: {  	_ =	shalt  }
0x60: {  	_ =	shalt  }
0x61: {  	_ =	shalt  }
0x62: {  	_ =	shalt  }
0x63: {  	_ =	shalt  }
0x64: {  	_ =	shalt  }
0x65: {  	_ =	shalt  }
0x66: {  	_ =	shalt  }
0x67: {  	_ =	shalt  }
0x68: {  	_ =	shalt  }
0x69: {  	_ =	shalt  }
0x6a: {  	_ =	shalt  }
0x6b: {  	_ =	shalt  }
0x6c: {  	_ =	shalt  }
0x6d: {  	_ =	shalt  }
0x6e: {  	_ =	shalt  }
0x6f: {  	_ =	shalt  }
0x70: {  	_ =	shalt  }
0x71: {  	_ =	shalt  }
0x72: {  	_ =	shalt  }
0x73: {  	_ =	shalt  }
0x74: {  	_ =	shalt  }
0x75: {  	_ =	shalt  }
0x76: {  	_ =	shalt  }
0x77: {  	_ =	shalt  }
0x78: {  	_ =	shalt  }
0x79: {  	_ =	shalt  }
0x7a: {  	_ =	shalt  }
0x7b: {  	_ =	shalt  }
0x7c: {  	_ =	shalt  }
0x7d: {  	_ =	shalt  }
0x7e: {  	_ =	shalt  }
0x7f: {  	_ =	shalt  }
0x80: {  	_ =	shalt  }
0x81: {  	_ =	shalt  }
0x82: {  	_ =	shalt  }
0x83: {  	_ =	shalt  }
0x84: {  	_ =	shalt  }
0x85: {  	_ =	shalt  }
0x86: {  	_ =	shalt  }
0x87: {  	_ =	shalt  }
.Lfunc_end0:
.L_simem_size_0:
called_computation.2_lowered:
.L_overlay_start_0:
0x88: {  	s2 =	sld [smem:$0x3FD9]  }
0x89: {  	s3 =	sld [smem:$0x3FFE];
	_ =	sdelay $0x1  }
0x8a: {  	s1 =	srdreg.scid  }
0x8b: {  	s0 =	sand.u32 $0x1, s1  }
0x8c: {  	s16 =	sshll.u32 s0, $0xA;
	s2 =	sadd.s32 s3, s2  }
0x8d: {  	s2 =	sadd.s32 s2, s16  }
0x8e: {  	[smem:$0x3FC2] =	sst s2  }
0x8f: {  	_ = 	snop  }
0x90: {  	(tm) =	ssettm $0x1  }
0x91: {  	s17 =	sld [smem:$0x3FFB];
	_ =	sdelay $0x3  }
0x92: {  	_ =	strace s17  }
0x93: {  	s2 =	sld [smem:$0x3FFC];
	_ =	sdelay $0x3  }
0x94: {  	_ =	strace s2  }
0x95: {  	s2 =	sld [smem:$0x3FFD];
	_ =	sdelay $0x3  }
0x96: {  	_ =	strace s2  }
0x97: {  	_ =	strace $0x8FFFFFFF  }
0x98: {  	s18 =	sld [smem:$0x3FDB];
	_ =	sdelay $0x1  }
0x99: {  	s19 =	simm.s32 $_scs_section_size  }
0x9a: {  	s4 =	simm.s32 $_size__tile_overlayer_lowered;
	s5 =	simm.s32 $_tile_overlayer_lowered  }
0x9b: {  	s22 =	simm.s32 $0x1BFF;
	s21 =	sshll.u32 s5, $0x1;
	s2 =	sadd.s32 s19, s18  }
0x9c: {  	s6 =	simm.s32 $0x0;
	s20 =	sshll.u32 s4, $0x1;
	s4 =	sadd.s32 s21, s2  }
0x9d: {  	[timem:s6], [sflag:s22] =	dma.local [hbm:s4], s20  }
0x9e: {  	_ =	swait.ge [sflag:s22], s20  }
0x9f: {  	s3 =	ssub.s32 $0x0, s20;
	[sflag:s22] =	ssyncset.done $0x0  }
0xa0: {  	[sflag:s22] =	ssyncadd.s32 s3;
	_ =	sdelay $0x1  }
0xa1: {  	s23 =	simm.s32 $0x1B8B  }
0xa2: {  	_ =	swait.ge [sflag:s23], $0x1  }
0xa3: {  	[sflag:s23] =	ssyncset.done $0x0  }
0xa4: {  	s25 =	simm.s32 $0x1B8E;
	s24 =	sld [smem:$0x3FFE];
	[sflag:s23] =	ssyncadd.s32 $0xFFFFFFFF  }
0xa5: {  	s26 =	simm.s32 $execute0_lowered;
	[smem:$0x3FD2] =	sst s25  }
0xa6: {  	s4 =	sshll.u32 s26, $0x1;
	_ =	strace $0x80000046;
	[dreg:$0x1] =	wrdreg $0xFFFFFFFF  }
0xa7: {  	s28 =	simm.s32 $_size_execute0_lowered;
	s2 =	sadd.s32 s2, s4;
	[dreg:$0x0] =	wrdreg $0x0  }
0xa8: {  	s4 =	sshll.u32 s28, $0x1;
	[dreg:$0x2] =	wrdreg s2  }
0xa9: {  	[dreg:$0x3] =	wrdreg s4  }
0xaa: {  	[dreg:$0x4] =	wrdreg $0xC0  }
0xab: {  	_ =	task [dreg:s6], $0x5FFFF  }
0xac: {  	[dreg:$0x1] =	wrdreg $0xFFFFFFFF  }
0xad: {  	[dreg:$0x0] =	wrdreg $0x60  }
0xae: {  	[dreg:$0x2] =	wrdreg s24  }
0xaf: {  	[dreg:$0x3] =	wrdreg $0xB8000  }
0xb0: {  	[dreg:$0x4] =	wrdreg $0xB  }
0xb1: {  	_ =	task.clear_ibuf [dreg:s6], $0x5FFFF;
	_ =	strace $0x90000046  }
0xb2: {  	s29 =	simm.s32 $0xB;
	_ =	strace $0x80000048  }
0xb3: {  	_ =	swait.ge [sflag:s29], $0x1  }
0xb4: {  	[sflag:s29] =	ssyncadd.s32 $0xFFFFFFFF  }
0xb5: {  	_ =	strace $0x90000048  }
0xb6: {  	_ =	sfence  }
0xb7: {  	s30 =	sld [smem:$0x0];
	_ =	sdelay $0x2  }
0xb8: {  	s31 =	sshll.u32 s1, $0xD;
	s1 =	sshrl.u32 s1, $0x2  }
0xb9: {  	s3 =	sand.u32 $0x4000, s31;
	s1 =	sadd.s32 s1, s30  }
0xba: {  	s0 =	sor.u32 s3, s0;
	s1 =	sshll.u32 s1, $0x11  }
0xbb: {  	s0 =	sor.u32 s1, s0  }
0xbc: {  	s0 =	sadd.s32 $0x8F2B, s0  }
0xbd: {  	[sflag:s0] =	ssyncadd.remote.s32 $0x1  }
0xbe: {  	_ =	sfence.sel $0xFFFF  }
0xbf: {  	[dreg:$0x0] =	wrdreg $0xFFFFFFFF;
	(pc) =	sbr.abs _section_cstart, $3  }
0xc0: {  	[dreg:$0x1] =	wrdreg $0xFFFFFFFF  }
0xc1: {  	_ =	task.clear_ibuf [dreg:s6], $0x2FFFF;
	_ =	strace $0x9FFFFFFF  }
0xc2: {  	(tm) =	ssettm $0x7FFFFFFF  }
0xc3: {  	_ =	shalt  }
tec
execute0_lowered:
.L_overlay_start_1:
0x0: {  	(tag) =	ssettag $0x1  }
0x1: {  	s10 =	stileid.u32  }
0x2: {  	s7 =	smul.u32 $0x4F000, s10  }
0x3: {  	s0 =	srdreg.scid;
	s8 =	smul.u32 $0x278, s10  }
0x4: {  	s1 =	rddreg [dreg:$0x0];
	s0 =	sand.u32 $0x1, s0;
	s25 =	smul.u32 $0x2780, s10  }
0x5: {  	s2 =	rddreg [dreg:$0x1];
	s3 =	sshll.u32 s0, $0x4;
	s6 =	smul.u32 $0x27800, s0  }
0x6: {  	s0 =	ssub.s32 $0x2, s0;
	s4 =	sor.u32 s10, s3;
	s3 =	simm.s32 $0x0  }
0x7: {  	s13 =	sshrl.u32 s0, $0x1;
	s7 =	sshrl.u32 s7, $0x2;
	s16 =	sadd.s32 $0xA0, s8  }
0x8: {  	s19 =	sadd.s32 $0x140, s8;
	s8 =	sadd.s32 $0x1E0, s8;
	s5 =	smul.u32 $0x280, s4  }
0x9: {  	s10 =	simm.s32 $0x1;
	[smem:$0x7FF] =	sst s3;
	s4 =	sadd.s32 $0xCFA00, s1  }
0xa: {  	s0 =	ssub.s32 s0, s13;
	s18 =	sshll.u32 s16, $0x7;
	s5 =	sadd.s32 s5, s1  }
0xb: {  	_ =	strace $0x80000047;
	s1 =	sadd.s32 s6, s1;
	s14 =	sadd.s32 $0xCAA00, s5  }
0xc: {  	s6 =	sadd.s32 s7, s2;
	s5 =	sadd.s32 $0xC5A00, s5;
	[dreg:$0x3] =	wrdreg s14  }
0xd: {  	s22 =	sshll.u32 s19, $0x7;
	s15 =	sadd.s32 $0x1000, s6;
	[dreg:$0x4] =	wrdreg s5  }
0xe: {  	s26 =	sshll.u32 s8, $0x7;
	s7 =	sadd.s32 $0x2000, s6;
	[dreg:$0x5] =	wrdreg s15  }
0xf: {  	s8 =	sshll.u32 s8, $0x4;
	s17 =	sadd.s32 $0x3000, s6;
	[dreg:$0x6] =	wrdreg s7  }
0x10: {  	s13 =	simm.s32 $0x0;
	s9 =	sadd.s32 $0x4000, s6;
	[dreg:$0x7] =	wrdreg s17  }
0x11: {  	s12 =	sadd.s32 s18, s2;
	s20 =	sadd.s32 $0x6000, s6;
	[dreg:$0x8] =	wrdreg s9  }
0x12: {  	s21 =	sadd.s32 $0x7000, s6;
	s11 =	sadd.s32 $0x8000, s6;
	[dreg:$0x9] =	wrdreg s20  }
0x13: {  	s23 =	sadd.s32 $0x9000, s6;
	s24 =	sadd.s32 $0xB000, s6;
	[dreg:$0xa] =	wrdreg s21  }
0x14: {  	s1 =	sadd.s32 $0x16BE00, s1;
	s28 =	sadd.s32 $0xE000, s6;
	[dreg:$0xb] =	wrdreg s11  }
0x15: {  	s29 =	sadd.s32 $0x10000, s6;
	s30 =	sadd.s32 $0x11000, s6;
	[dreg:$0xc] =	wrdreg s23  }
0x16: {  	s31 =	sadd.s32 $0x12000, s6;
	s17 =	sadd.s32 s22, s2;
	[dreg:$0xd] =	wrdreg s24  }
0x17: {  	s5 =	sshll.u32 s16, $0x4;
	s7 =	sshll.u32 s19, $0x4;
	s9 =	sadd.s32 s25, s1  }
0x18: {  	s22 =	sadd.s32 s8, s1;
	s23 =	sadd.s32 $0xC000, s6;
	s24 =	sadd.s32 s26, s2  }
0x19: {  	s25 =	smax.u32 s0, $0x1;
	s26 =	sadd.s32 $0xD000, s6;
	s0 =	simm.s32 $0x3  }
0x1a: {  	s8 =	simm.s32 $0x2800;
	s11 =	simm.s32 $0x2;
	[dreg:$0xe] =	wrdreg s9  }
0x1b: {  	s20 =	sadd.s32 s5, s1;
	s21 =	sadd.s32 s7, s1;
	s1 =	sadd.s32 $0x13000, s6  }
0x1c: {  	v0 =	vimm.f32 $0.0e+00;
	s5 =	simm.s32 $0xA800;
	s7 =	simm.s32 $0x80;
	s9 =	simm.s32 $0x6800  }
.LBB2_1:
0x1d: {  	s14 =	rddreg [dreg:$0x3]  }
0x1e: {  	[tilespmem:s3], [sflag:$0x3] =	stream.linear.gather [hbm4b:s14+s3], $0x1400, $0x38;
	[tilespmem:$0x1F400] =	vst v63  }
0x1f: {  	_ =	swait.ge [sflag:s0], $0x1400  }
0x20: {  	[sflag:s0] =	ssyncset.done $0x0  }
0x21: {  	s15 =	simm.s32 $0x1400;
	s19 =	rddreg [dreg:$0x4];
	[sflag:s0] =	ssyncadd.s32 $0xFFFFEC00  }
0x22: {  	[tilespmem:s15], [sflag:$0x3] =	stream.linear.gather [hbm4b:s19+s3], $0x1400, $0x38;
	[tilespmem:$0x1F400] =	vst v63  }
0x23: {  	_ =	swait.ge [sflag:s0], $0x1400  }
0x24: {  	[sflag:s0] =	ssyncset.done $0x0  }
0x25: {  	s14 =	simm.s32 $0x0;
	s15 =	simm.s32 $0x200;
	[sflag:s0] =	ssyncadd.s32 $0xFFFFEC00  }
.LBB2_2:
0x26: {  	p0 =	sne.s32 s15, $0x3E00;
	[tilespmem:s14+$0xA870] =	vst v0  }
0x27: {  	[tilespmem:s14+$0xA800] =	vst v0  }
0x28: {  	[tilespmem:s14+$0xA810] =	vst v0  }
.Ltmp0:
0x29: {  	[tilespmem:s14+$0xA820] =	vst v0;
	(pc) =	sbr.rel @p0 .LBB2_2-.Ltmp0, $4  }
0x2a: {  	[tilespmem:s14+$0xA830] =	vst v0  }
0x2b: {  	[tilespmem:s14+$0xA840] =	vst v0  }
0x2c: {  	[tilespmem:s14+$0xA850] =	vst v0  }
0x2d: {  	[tilespmem:s14+$0xA860] =	vst v0;
	s14 =	sshra.s32 s15, $0x2;
	s15 =	sadd.s32 $0x200, s15  }
0x2e: {  	[tilespmem:s14+$0xA870] =	vst v0  }
0x2f: {  	[tilespmem:s14+$0xA800] =	vst v0  }
0x30: {  	[tilespmem:s14+$0xA810] =	vst v0  }
0x31: {  	[tilespmem:s14+$0xA820] =	vst v0  }
0x32: {  	[tilespmem:s14+$0xA830] =	vst v0  }
0x33: {  	[tilespmem:s14+$0xA840] =	vst v0  }
0x34: {  	[tilespmem:s14+$0xA850] =	vst v0  }
0x35: {  	[tilespmem:s14+$0xA860] =	vst v0  }
0x36: {  	[spmem:s6] =	stream.linear.scatter [tilespmem:s5], [sflag:$0x3], $0x1000, $0x38;
	[tilespmem:$0x1F400] =	vst v63  }
0x37: {  	_ =	swait.ge [sflag:s0], $0x1000  }
0x38: {  	[sflag:s0] =	ssyncset.done $0x0  }
0x39: {  	s18 =	rddreg [dreg:$0x5];
	[sflag:s0] =	ssyncadd.s32 $0xFFFFF000  }
0x3a: {  	[spmem:s18] =	stream.linear.scatter [tilespmem:s5], [sflag:$0x3], $0x1000, $0x38;
	[tilespmem:$0x1F400] =	vst v63  }
0x3b: {  	_ =	swait.ge [sflag:s0], $0x1000  }
0x3c: {  	[sflag:s0] =	ssyncset.done $0x0  }
0x3d: {  	s19 =	rddreg [dreg:$0x6];
	[sflag:s0] =	ssyncadd.s32 $0xFFFFF000  }
0x3e: {  	[spmem:s19] =	stream.linear.scatter [tilespmem:s5], [sflag:$0x3], $0x1000, $0x38;
	[tilespmem:$0x1F400] =	vst v63  }
0x3f: {  	_ =	swait.ge [sflag:s0], $0x1000  }
0x40: {  	[sflag:s0] =	ssyncset.done $0x0  }
0x41: {  	s15 =	rddreg [dreg:$0x7];
	[sflag:s0] =	ssyncadd.s32 $0xFFFFF000  }
0x42: {  	[spmem:s15] =	stream.linear.scatter [tilespmem:s5], [sflag:$0x3], $0x1000, $0x38;
	[tilespmem:$0x1F400] =	vst v63  }
0x43: {  	_ =	swait.ge [sflag:s0], $0x1000  }
0x44: {  	[sflag:s0] =	ssyncset.done $0x0  }
0x45: {  	s16 =	rddreg [dreg:$0x8];
	[sflag:s0] =	ssyncadd.s32 $0xFFFFF000  }
0x46: {  	[spmem:s16] =	stream.linear.scatter [tilespmem:s5], [sflag:$0x3], $0x1000, $0x38;
	[tilespmem:$0x1F400] =	vst v63  }
0x47: {  	_ =	swait.ge [sflag:s0], $0x1000  }
0x48: {  	[sflag:s0] =	ssyncset.done $0x0  }
0x49: {  	[sflag:s0] =	ssyncadd.s32 $0xFFFFF000  }
0x4a: {  	[spmem:s12] =	stream.linear.scatter [tilespmem:s5], [sflag:$0x3], $0x1000, $0x38;
	[tilespmem:$0x1F400] =	vst v63  }
0x4b: {  	_ =	swait.ge [sflag:s0], $0x1000  }
0x4c: {  	[sflag:s0] =	ssyncset.done $0x0  }
0x4d: {  	s18 =	rddreg [dreg:$0x9];
	[sflag:s0] =	ssyncadd.s32 $0xFFFFF000  }
0x4e: {  	[spmem:s18] =	stream.linear.scatter [tilespmem:s5], [sflag:$0x3], $0x1000, $0x38;
	[tilespmem:$0x1F400] =	vst v63  }
0x4f: {  	_ =	swait.ge [sflag:s0], $0x1000  }
0x50: {  	[sflag:s0] =	ssyncset.done $0x0  }
0x51: {  	s19 =	rddreg [dreg:$0xa];
	[sflag:s0] =	ssyncadd.s32 $0xFFFFF000  }
0x52: {  	[spmem:s19] =	stream.linear.scatter [tilespmem:s5], [sflag:$0x3], $0x1000, $0x38;
	[tilespmem:$0x1F400] =	vst v63  }
0x53: {  	_ =	swait.ge [sflag:s0], $0x1000  }
0x54: {  	[sflag:s0] =	ssyncset.done $0x0  }
0x55: {  	s15 =	rddreg [dreg:$0xb];
	[sflag:s0] =	ssyncadd.s32 $0xFFFFF000  }
0x56: {  	[spmem:s15] =	stream.linear.scatter [tilespmem:s5], [sflag:$0x3], $0x1000, $0x38;
	[tilespmem:$0x1F400] =	vst v63  }
0x57: {  	_ =	swait.ge [sflag:s0], $0x1000  }
0x58: {  	[sflag:s0] =	ssyncset.done $0x0  }
0x59: {  	s16 =	rddreg [dreg:$0xc];
	[sflag:s0] =	ssyncadd.s32 $0xFFFFF000  }
0x5a: {  	[spmem:s16] =	stream.linear.scatter [tilespmem:s5], [sflag:$0x3], $0x1000, $0x38;
	[tilespmem:$0x1F400] =	vst v63  }
0x5b: {  	_ =	swait.ge [sflag:s0], $0x1000  }
0x5c: {  	[sflag:s0] =	ssyncset.done $0x0  }
0x5d: {  	[sflag:s0] =	ssyncadd.s32 $0xFFFFF000  }
0x5e: {  	[spmem:s17] =	stream.linear.scatter [tilespmem:s5], [sflag:$0x3], $0x1000, $0x38;
	[tilespmem:$0x1F400] =	vst v63  }
0x5f: {  	_ =	swait.ge [sflag:s0], $0x1000  }
0x60: {  	[sflag:s0] =	ssyncset.done $0x0  }
0x61: {  	s18 =	rddreg [dreg:$0xd];
	[sflag:s0] =	ssyncadd.s32 $0xFFFFF000  }
0x62: {  	[spmem:s18] =	stream.linear.scatter [tilespmem:s5], [sflag:$0x3], $0x1000, $0x38;
	[tilespmem:$0x1F400] =	vst v63  }
0x63: {  	_ =	swait.ge [sflag:s0], $0x1000  }
0x64: {  	[sflag:s0] =	ssyncset.done $0x0  }
0x65: {  	[sflag:s0] =	ssyncadd.s32 $0xFFFFF000  }
0x66: {  	[spmem:s23] =	stream.linear.scatter [tilespmem:s5], [sflag:$0x3], $0x1000, $0x38;
	[tilespmem:$0x1F400] =	vst v63  }
0x67: {  	_ =	swait.ge [sflag:s0], $0x1000  }
0x68: {  	[sflag:s0] =	ssyncset.done $0x0  }
0x69: {  	[sflag:s0] =	ssyncadd.s32 $0xFFFFF000  }
0x6a: {  	[spmem:s26] =	stream.linear.scatter [tilespmem:s5], [sflag:$0x3], $0x1000, $0x38;
	[tilespmem:$0x1F400] =	vst v63  }
0x6b: {  	_ =	swait.ge [sflag:s0], $0x1000  }
0x6c: {  	[sflag:s0] =	ssyncset.done $0x0  }
0x6d: {  	[sflag:s0] =	ssyncadd.s32 $0xFFFFF000  }
0x6e: {  	[spmem:s28] =	stream.linear.scatter [tilespmem:s5], [sflag:$0x3], $0x1000, $0x38;
	[tilespmem:$0x1F400] =	vst v63  }
0x6f: {  	_ =	swait.ge [sflag:s0], $0x1000  }
0x70: {  	[sflag:s0] =	ssyncset.done $0x0  }
0x71: {  	[sflag:s0] =	ssyncadd.s32 $0xFFFFF000  }
0x72: {  	[spmem:s24] =	stream.linear.scatter [tilespmem:s5], [sflag:$0x3], $0x1000, $0x38;
	[tilespmem:$0x1F400] =	vst v63  }
0x73: {  	_ =	swait.ge [sflag:s0], $0x1000  }
0x74: {  	[sflag:s0] =	ssyncset.done $0x0  }
0x75: {  	[sflag:s0] =	ssyncadd.s32 $0xFFFFF000  }
0x76: {  	[spmem:s29] =	stream.linear.scatter [tilespmem:s5], [sflag:$0x3], $0x1000, $0x38;
	[tilespmem:$0x1F400] =	vst v63  }
0x77: {  	_ =	swait.ge [sflag:s0], $0x1000  }
0x78: {  	[sflag:s0] =	ssyncset.done $0x0  }
0x79: {  	[sflag:s0] =	ssyncadd.s32 $0xFFFFF000  }
0x7a: {  	[spmem:s30] =	stream.linear.scatter [tilespmem:s5], [sflag:$0x3], $0x1000, $0x38;
	[tilespmem:$0x1F400] =	vst v63  }
0x7b: {  	_ =	swait.ge [sflag:s0], $0x1000  }
0x7c: {  	[sflag:s0] =	ssyncset.done $0x0  }
0x7d: {  	[sflag:s0] =	ssyncadd.s32 $0xFFFFF000  }
0x7e: {  	[spmem:s31] =	stream.linear.scatter [tilespmem:s5], [sflag:$0x3], $0x1000, $0x38;
	[tilespmem:$0x1F400] =	vst v63  }
0x7f: {  	_ =	swait.ge [sflag:s0], $0x1000  }
0x80: {  	[sflag:s0] =	ssyncset.done $0x0  }
0x81: {  	[sflag:s0] =	ssyncadd.s32 $0xFFFFF000  }
0x82: {  	[spmem:s1] =	stream.linear.scatter [tilespmem:s5], [sflag:$0x3], $0xC00, $0x38;
	[tilespmem:$0x1F400] =	vst v63  }
0x83: {  	_ =	swait.ge [sflag:s0], $0xC00  }
0x84: {  	[sflag:s0] =	ssyncset.done $0x0  }
0x85: {  	[sflag:s0] =	ssyncadd.s32 $0xFFFFF400  }
0x86: {  	s19 =	simm.s32 $0x0;
	[bflag:$0x0] =	sbarrier.arrive $0xFFFF  }
0x87: {  	[tilespmem:s8], [sflag:$0x1] =	stream.indirect.gather [hbm4b:s4+s7], $0x80, s19, s7, $0xb8;
	[tilespmem:$0x1F400] =	vst v63  }
0x88: {  	s15 =	simm.s32 $0x80  }
0x89: {  	[tilespmem:s9], [sflag:$0x2] =	stream.indirect.gather [hbm4b:s4+s7], $0x80, s15, s7, $0xb8;
	[tilespmem:$0x1F400] =	vst v63  }
0x8a: {  	_ =	swait.ge [sflag:s10], $0x4000  }
0x8b: {  	[sflag:s10] =	ssyncset.done $0x0  }
0x8c: {  	s16 =	simm.s32 $0x1400;
	[sflag:s10] =	ssyncadd.s32 $0xFFFFC000  }
0x8d: {  	[spmem:s2] =	stream.indirect.scatter.add.f32 [tilespmem:s8], [sflag:$0x3], $0x80, s16, s7, $0xb8;
	[tilespmem:$0x1F400] =	vst v63  }
0x8e: {  	_ =	swait.ge [sflag:s0], $0x4000  }
0x8f: {  	[sflag:s0] =	ssyncset.done $0x0  }
0x90: {  	s18 =	simm.s32 $0x100;
	[sflag:s0] =	ssyncadd.s32 $0xFFFFC000  }
0x91: {  	[tilespmem:s8], [sflag:$0x1] =	stream.indirect.gather [hbm4b:s4+s7], $0x80, s18, s7, $0xb8;
	[tilespmem:$0x1F400] =	vst v63  }
0x92: {  	_ =	swait.ge [sflag:s11], $0x4000  }
0x93: {  	[sflag:s11] =	ssyncset.done $0x0  }
0x94: {  	s19 =	simm.s32 $0x1480;
	[sflag:s11] =	ssyncadd.s32 $0xFFFFC000  }
0x95: {  	[spmem:s2] =	stream.indirect.scatter.add.f32 [tilespmem:s9], [sflag:$0x3], $0x80, s19, s7, $0xb8;
	[tilespmem:$0x1F400] =	vst v63  }
0x96: {  	_ =	swait.ge [sflag:s0], $0x4000  }
0x97: {  	s14 =	simm.s32 $0x100;
	s15 =	simm.s32 $0x800;
	[sflag:s0] =	ssyncset.done $0x0  }
.LBB2_4:
0x98: {  	s16 =	sadd.s32 $0x80, s14  }
0x99: {  	[sflag:s0] =	ssyncadd.s32 $0xFFFFC000;
	s18 =	smov.u32 s15;
	s19 =	sadd.s32 $0x400, s15  }
0x9a: {  	[tilespmem:s9], [sflag:$0x2] =	stream.indirect.gather [hbm4b:s4+s7], $0x80, s16, s7, $0xb8;
	[tilespmem:$0x1F400] =	vst v63  }
0x9b: {  	p0 =	sne.s32 s15, $0x4800;
	_ =	swait.ge [sflag:s10], $0x4000  }
0x9c: {  	[sflag:s10] =	ssyncset.done $0x0  }
0x9d: {  	s15 =	sadd.s32 $0x1400, s14;
	[sflag:s10] =	ssyncadd.s32 $0xFFFFC000  }
0x9e: {  	[spmem:s2] =	stream.indirect.scatter.add.f32 [tilespmem:s8], [sflag:$0x3], $0x80, s15, s7, $0xb8;
	[tilespmem:$0x1F400] =	vst v63  }
0x9f: {  	_ =	swait.ge [sflag:s0], $0x4000  }
0xa0: {  	[sflag:s0] =	ssyncset.done $0x0  }
0xa1: {  	s15 =	sadd.s32 $0x100, s14;
	[sflag:s0] =	ssyncadd.s32 $0xFFFFC000  }
0xa2: {  	[tilespmem:s8], [sflag:$0x1] =	stream.indirect.gather [hbm4b:s4+s7], $0x80, s15, s7, $0xb8;
	[tilespmem:$0x1F400] =	vst v63  }
0xa3: {  	_ =	swait.ge [sflag:s11], $0x4000  }
.Ltmp1:
0xa4: {  	[sflag:s11] =	ssyncset.done $0x0;
	(pc) =	sbr.rel @p0 .LBB2_4-.Ltmp1, $4  }
0xa5: {  	s14 =	sadd.s32 $0x1480, s14;
	[sflag:s11] =	ssyncadd.s32 $0xFFFFC000  }
0xa6: {  	[spmem:s2] =	stream.indirect.scatter.add.f32 [tilespmem:s9], [sflag:$0x3], $0x80, s14, s7, $0xb8;
	[tilespmem:$0x1F400] =	vst v63  }
0xa7: {  	_ =	swait.ge [sflag:s0], $0x4000  }
0xa8: {  	s15 =	smov.u32 s19;
	s14 =	sshra.s32 s18, $0x2;
	[sflag:s0] =	ssyncset.done $0x0  }
0xa9: {  	s15 =	sadd.s32 $0x80, s14;
	[sflag:s0] =	ssyncadd.s32 $0xFFFFC000  }
0xaa: {  	[tilespmem:s9], [sflag:$0x2] =	stream.indirect.gather [hbm4b:s4+s7], $0x80, s15, s7, $0xb8;
	[tilespmem:$0x1F400] =	vst v63  }
0xab: {  	_ =	swait.ge [sflag:s10], $0x4000  }
0xac: {  	[sflag:s10] =	ssyncset.done $0x0  }
0xad: {  	s19 =	sadd.s32 $0x1400, s14;
	[sflag:s10] =	ssyncadd.s32 $0xFFFFC000  }
0xae: {  	[spmem:s2] =	stream.indirect.scatter.add.f32 [tilespmem:s8], [sflag:$0x3], $0x80, s19, s7, $0xb8;
	[tilespmem:$0x1F400] =	vst v63  }
0xaf: {  	_ =	swait.ge [sflag:s0], $0x4000  }
0xb0: {  	[sflag:s0] =	ssyncset.done $0x0  }
0xb1: {  	s16 =	sadd.s32 $0x100, s14;
	[sflag:s0] =	ssyncadd.s32 $0xFFFFC000  }
0xb2: {  	[tilespmem:s8], [sflag:$0x1] =	stream.indirect.gather [hbm4b:s4+s7], $0x80, s16, s7, $0xb8;
	[tilespmem:$0x1F400] =	vst v63  }
0xb3: {  	_ =	swait.ge [sflag:s11], $0x4000  }
0xb4: {  	[sflag:s11] =	ssyncset.done $0x0  }
0xb5: {  	s18 =	sadd.s32 $0x1480, s14;
	[sflag:s11] =	ssyncadd.s32 $0xFFFFC000  }
0xb6: {  	[spmem:s2] =	stream.indirect.scatter.add.f32 [tilespmem:s9], [sflag:$0x3], $0x80, s18, s7, $0xb8;
	[tilespmem:$0x1F400] =	vst v63  }
0xb7: {  	_ =	swait.ge [sflag:s0], $0x4000  }
0xb8: {  	[sflag:s0] =	ssyncset.done $0x0  }
0xb9: {  	s19 =	simm.s32 $0x1380;
	[sflag:s0] =	ssyncadd.s32 $0xFFFFC000  }
0xba: {  	[tilespmem:s9], [sflag:$0x2] =	stream.indirect.gather [hbm4b:s4+s7], $0x80, s19, s7, $0xb8;
	[tilespmem:$0x1F400] =	vst v63  }
0xbb: {  	_ =	swait.ge [sflag:s10], $0x4000  }
0xbc: {  	[sflag:s10] =	ssyncset.done $0x0  }
0xbd: {  	s15 =	simm.s32 $0x2700;
	[sflag:s10] =	ssyncadd.s32 $0xFFFFC000  }
0xbe: {  	[spmem:s2] =	stream.indirect.scatter.add.f32 [tilespmem:s8], [sflag:$0x3], $0x80, s15, s7, $0xb8;
	[tilespmem:$0x1F400] =	vst v63  }
0xbf: {  	_ =	swait.ge [sflag:s0], $0x4000  }
0xc0: {  	[sflag:s0] =	ssyncset.done $0x0  }
0xc1: {  	[sflag:s0] =	ssyncadd.s32 $0xFFFFC000  }
0xc2: {  	[tilespmem:s8], [sflag:$0x1] =	stream.indirect.gather [hbm4b:s4+s7], $0x80, s3, s7, $0xb8;
	[tilespmem:$0x1F400] =	vst v63  }
0xc3: {  	_ =	swait.ge [sflag:s11], $0x4000  }
0xc4: {  	[sflag:s11] =	ssyncset.done $0x0  }
0xc5: {  	s16 =	simm.s32 $0x2780;
	[sflag:s11] =	ssyncadd.s32 $0xFFFFC000  }
0xc6: {  	[spmem:s2] =	stream.indirect.scatter.add.f32 [tilespmem:s9], [sflag:$0x3], $0x80, s16, s7, $0xb8;
	[tilespmem:$0x1F400] =	vst v63  }
0xc7: {  	_ =	swait.ge [sflag:s0], $0x4000  }
0xc8: {  	[sflag:s0] =	ssyncset.done $0x0  }
0xc9: {  	[sflag:s0] =	ssyncadd.s32 $0xFFFFC000  }
0xca: {  	_ =	swait.ge [sflag:s10], $0x4000  }
0xcb: {  	[sflag:s10] =	ssyncset.done $0x0  }
0xcc: {  	s18 =	stileid.u32;
	[sflag:s10] =	ssyncadd.s32 $0xFFFFC000  }
0xcd: {  	s14 =	sshll.u32 s18, $0x6;
	[bflag:$0x0] =	sbarrier.arrive $0xFFFF  }
0xce: {  	s14 =	sor.u32 $0x1C03, s14;
	s19 =	sshrl.u32 s6, $0x3;
	s16 =	rddreg [dreg:$0xe]  }
0xcf: {  	[hbm:s16], [sflag:s14] =	dma.local [spmem:s19], $0xA00  }
0xd0: {  	_ =	swait.ge [sflag:s0], $0xA00  }
0xd1: {  	[sflag:s0] =	ssyncset.done $0x0  }
0xd2: {  	s16 =	sshrl.u32 s12, $0x3;
	[sflag:s0] =	ssyncadd.s32 $0xFFFFF600  }
0xd3: {  	[hbm:s20], [sflag:s14] =	dma.local [spmem:s16], $0xA00  }
0xd4: {  	_ =	swait.ge [sflag:s0], $0xA00  }
0xd5: {  	[sflag:s0] =	ssyncset.done $0x0  }
0xd6: {  	s18 =	sshrl.u32 s17, $0x3;
	[sflag:s0] =	ssyncadd.s32 $0xFFFFF600  }
0xd7: {  	[hbm:s21], [sflag:s14] =	dma.local [spmem:s18], $0xA00  }
0xd8: {  	s13 =	sadd.s32 $0x1, s13;
	_ =	swait.ge [sflag:s0], $0xA00  }
0xd9: {  	p0 =	sne.s32 s13, s25;
	[sflag:s0] =	ssyncset.done $0x0  }
.Ltmp2:
0xda: {  	s19 =	sshrl.u32 s24, $0x3;
	[sflag:s0] =	ssyncadd.s32 $0xFFFFF600;
	(pc) =	sbr.rel @p0 .LBB2_1-.Ltmp2, $4  }
0xdb: {  	[hbm:s22], [sflag:s14] =	dma.local [spmem:s19], $0x980  }
0xdc: {  	_ =	swait.ge [sflag:s0], $0x980  }
0xdd: {  	[sflag:s0] =	ssyncset.done $0x0  }
0xde: {  	[sflag:s0] =	ssyncadd.s32 $0xFFFFF680  }
0xdf: {  	_ =	sfence.sel $0x180000  }
0xe0: {  	[bflag:$0x0] =	sbarrier.arrive $0xFFFF  }
0xe1: {  	_ =	strace $0x90000047  }
0xe2: {  	s0 =	stileid.u32;
	[bflag:$0x2] =	sbarrier.arrive $0xFFFF  }
0xe3: {  	p0 =	sne.s32 s0, $0x0;
	s0 =	rddreg [dreg:$0x2]  }
0xe4: {  	s0 =	sadd.s32 @!p0 $0x100000, s0  }
0xe5: {  	[sflag:s0] =	ssyncadd.tile.s32 @!p0 $0x1;
	_ =	shalt  }
.Lfunc_end2:
_tile_overlayer_lowered:
.L_overlay_start_2:
0xe6: {  	(tag) =	ssettag $0x2  }
0xe7: {  	s0 =	rddreg [dreg:$0x0];
	s2 =	stileid.u32  }
0xe8: {  	s1 =	rddreg [dreg:$0x1];
	p0 =	sne.s32 s2, $0x0  }
0xe9: {  	s3 =	rddreg [dreg:$0x2];
	[bflag:$0x3] =	sbarrier.arrive $0xFFFF;
	s2 =	simm.s32 @!p0 $0x1C03  }
0xea: {  	[timem:s3], [sflag:s2] =	dma.local @!p0 [hbm:s0], s1  }
0xeb: {  	s0 =	simm.s32 @!p0 $0x3  }
0xec: {  	_ =	swait.ge @!p0 [sflag:s0], s1  }
0xed: {  	s1 =	ssub.s32 @!p0 $0x0, s1;
	[sflag:s0] =	ssyncset.done @!p0 $0x0  }
0xee: {  	[sflag:s0] =	ssyncadd.s32 @!p0 s1  }
0xef: {  	[bflag:$0x3] =	sbarrier.arrive $0xFFFF  }
0xf0: {  	_ =	shalt  }

// kernel: kernel.21.cloned.1.call-start
scs
__scs_entry_jumppad:
0x0: {  	(pc) =	sbr.rel $0x88, $3  }
0x1: {  	(tag) =	ssettag $0x0;
	lr =	simm.s32 $0x1  }
0x2: {  	[smem:$0x3F9B] =	sst lr;
	_ =	strace $0xD0000000  }
0x3: {  	_ = 	snop  }
0x4: {  	_ = 	snop  }
0x5: {  	_ = 	snop  }
0x6: {  	_ = 	snop  }
0x7: {  	_ = 	snop  }
__scs_overlays_trampoline_lowered:
0x8: {  	[smem:$0x3FAA] =	sst s0  }
0x9: {  	[smem:$0x3FAB] =	sst s1  }
0xa: {  	[smem:$0x3FAC] =	sst s2  }
0xb: {  	[smem:$0x3FAD] =	sst s3  }
0xc: {  	[smem:$0x3FAE] =	sst s4  }
0xd: {  	[smem:$0x3FAF] =	sst s5  }
0xe: {  	[smem:$0x3FB0] =	sst s6  }
0xf: {  	[smem:$0x3FB1] =	sst s7  }
0x10: {  	[smem:$0x3FB2] =	sst s8  }
0x11: {  	[smem:$0x3FB3] =	sst s9;
	s0 =	simm.s32 @!p0 $0x0  }
0x12: {  	s1 =	sld [smem:$0x3F99];
	s0 =	simm.s32 @p0 $0x1  }
0x13: {  	[smem:$0x3FB4] =	sst s0;
	s0 =	simm.s32 @!p1 $0x0  }
0x14: {  	s2 =	sld [smem:$0x3F98];
	s0 =	simm.s32 @p1 $0x1  }
0x15: {  	[smem:$0x3FB5] =	sst s0;
	s0 =	simm.s32 @!p2 $0x0  }
0x16: {  	s3 =	sld [smem:$0x3FDB];
	s0 =	simm.s32 @p2 $0x1  }
0x17: {  	s4 =	simm.s32 $0x1BF5;
	[smem:$0x3FB7] =	sst s0  }
0x18: {  	s0 =	sld [smem:$0x3F9A];
	_ =	swait.ge [sflag:s4], $0x0  }
0x19: {  	s7 =	sld [smem:$0x3F9B]  }
0x1a: {  	s8 =	sadd.s32 $0xFFFFE003, lr  }
0x1b: {  	s9 =	sadd.s32 $0xFFFFFEF7, lr;
	s5 =	simm.s32 $0xFFFFFFFF;
	p2 =	slt.u32 s8, $0xFFFFF086  }
0x1c: {  	p1 =	slt.u32 s9, $0xF7A;
	s5 =	simm.s32 @!p2 $0x0  }
0x1d: {  	s5 =	simm.s32 @p1 $0x1;
	p0 =	seq.s32 s7, s2  }
0x1e: {  	s7 =	smul.u32 @!p0 $0xF7A, s2;
	p2 =	seq.s32 @!p0 s5, $0x0  }
0x1f: {  	s9 =	smul.u32 $0xF7A, s1;
	s8 =	simm.s32 @!p0 $0x1BF5;
	p2 =	por !p2, p0  }
0x20: {  	[sflag:s8] =	ssyncset.s32 @!p0 $0xFFFFF086;
	s6 =	sadd.s32 @!p0 s3, s7;
	s7 =	simm.s32 @!p0 $0x108  }
0x21: {  	s3 =	sadd.s32 s3, s9;
	s6 =	sadd.s32 @!p0 $0x88, s6;
	s7 =	simm.s32 @p2 $0x1082  }
0x22: {  	[simem:s7], [sflag:s8] =	dma.local @!p0 [hbm:s6], $0xF7A  }
0x23: {  	s9 =	sor.u32 $0xD0000000, s2;
	s6 =	simm.s32 $0x108;
	_ =	swait.ge @!p0 [sflag:s8], $0x0  }
0x24: {  	s3 =	sadd.s32 $0x88, s3;
	s6 =	simm.s32 @!p1 $0x1082;
	[sflag:s4] =	ssyncset.s32 $0xFFFFF086  }
0x25: {  	[simem:s6], [sflag:s4] =	dma.local [hbm:s3], $0xF7A  }
0x26: {  	[smem:$0x3F9B] =	sst s1;
	(tag) =	ssettag s2;
	_ =	strace s9  }
0x27: {  	s1 =	sld [smem:$0x3FAB]  }
0x28: {  	s2 =	sld [smem:$0x3FAC]  }
0x29: {  	s4 =	sld [smem:$0x3FAE]  }
0x2a: {  	p0 =	seq.s32 s5, $0x0;
	s5 =	sld [smem:$0x3FAF]  }
0x2b: {  	s6 =	sld [smem:$0x3FB0]  }
0x2c: {  	s7 =	sld [smem:$0x3FB1]  }
0x2d: {  	s3 =	simm.s32 $0x108;
	s8 =	sld [smem:$0x3FB2]  }
0x2e: {  	s3 =	simm.s32 @!p0 $0x1082;
	s9 =	sld [smem:$0x3FB3]  }
0x2f: {  	lr =	sadd.s32 s0, s3;
	s0 =	sld [smem:$0x3FAA]  }
0x30: {  	s3 =	sld [smem:$0x3FAD]  }
0x31: {  	[smem:$0x3FB6] =	sst s10  }
0x32: {  	s10 =	sld [smem:$0x3FB4];
	_ =	sdelay $0x3  }
0x33: {  	p0 =	seq.s32 s10, $0x1;
	s10 =	sld [smem:$0x3FB6];
	_ =	sdelay $0x3  }
0x34: {  	[smem:$0x3FB6] =	sst s10  }
0x35: {  	s10 =	sld [smem:$0x3FB5];
	_ =	sdelay $0x3  }
0x36: {  	p1 =	seq.s32 s10, $0x1;
	s10 =	sld [smem:$0x3FB6];
	_ =	sdelay $0x3  }
0x37: {  	[smem:$0x3FB6] =	sst s10  }
0x38: {  	s10 =	sld [smem:$0x3FB7]  }
0x39: {  	_ = 	snop;
	(pc) =	sbr.ind lr, $3  }
0x3a: {  	_ = 	snop  }
0x3b: {  	_ = 	snop  }
0x3c: {  	p2 =	seq.s32 s10, $0x1;
	s10 =	sld [smem:$0x3FB6]  }
0x3d: {  	_ =	shalt  }
0x3e: {  	_ =	shalt  }
0x3f: {  	_ =	shalt  }
0x40: {  	_ =	shalt  }
0x41: {  	_ =	shalt  }
0x42: {  	_ =	shalt  }
0x43: {  	_ =	shalt  }
0x44: {  	_ =	shalt  }
0x45: {  	_ =	shalt  }
0x46: {  	_ =	shalt  }
0x47: {  	_ =	shalt  }
0x48: {  	_ =	shalt  }
0x49: {  	_ =	shalt  }
0x4a: {  	_ =	shalt  }
0x4b: {  	_ =	shalt  }
0x4c: {  	_ =	shalt  }
0x4d: {  	_ =	shalt  }
0x4e: {  	_ =	shalt  }
0x4f: {  	_ =	shalt  }
0x50: {  	_ =	shalt  }
0x51: {  	_ =	shalt  }
0x52: {  	_ =	shalt  }
0x53: {  	_ =	shalt  }
0x54: {  	_ =	shalt  }
0x55: {  	_ =	shalt  }
0x56: {  	_ =	shalt  }
0x57: {  	_ =	shalt  }
0x58: {  	_ =	shalt  }
0x59: {  	_ =	shalt  }
0x5a: {  	_ =	shalt  }
0x5b: {  	_ =	shalt  }
0x5c: {  	_ =	shalt  }
0x5d: {  	_ =	shalt  }
0x5e: {  	_ =	shalt  }
0x5f: {  	_ =	shalt  }
0x60: {  	_ =	shalt  }
0x61: {  	_ =	shalt  }
0x62: {  	_ =	shalt  }
0x63: {  	_ =	shalt  }
0x64: {  	_ =	shalt  }
0x65: {  	_ =	shalt  }
0x66: {  	_ =	shalt  }
0x67: {  	_ =	shalt  }
0x68: {  	_ =	shalt  }
0x69: {  	_ =	shalt  }
0x6a: {  	_ =	shalt  }
0x6b: {  	_ =	shalt  }
0x6c: {  	_ =	shalt  }
0x6d: {  	_ =	shalt  }
0x6e: {  	_ =	shalt  }
0x6f: {  	_ =	shalt  }
0x70: {  	_ =	shalt  }
0x71: {  	_ =	shalt  }
0x72: {  	_ =	shalt  }
0x73: {  	_ =	shalt  }
0x74: {  	_ =	shalt  }
0x75: {  	_ =	shalt  }
0x76: {  	_ =	shalt  }
0x77: {  	_ =	shalt  }
0x78: {  	_ =	shalt  }
0x79: {  	_ =	shalt  }
0x7a: {  	_ =	shalt  }
0x7b: {  	_ =	shalt  }
0x7c: {  	_ =	shalt  }
0x7d: {  	_ =	shalt  }
0x7e: {  	_ =	shalt  }
0x7f: {  	_ =	shalt  }
0x80: {  	_ =	shalt  }
0x81: {  	_ =	shalt  }
0x82: {  	_ =	shalt  }
0x83: {  	_ =	shalt  }
0x84: {  	_ =	shalt  }
0x85: {  	_ =	shalt  }
0x86: {  	_ =	shalt  }
0x87: {  	_ =	shalt  }
.Lfunc_end0:
.L_simem_size_0:
called_computation.3_lowered:
.L_overlay_start_0:
0x88: {  	s2 =	sld [smem:$0x3FD9]  }
0x89: {  	s3 =	sld [smem:$0x3FFE];
	_ =	sdelay $0x1  }
0x8a: {  	s1 =	srdreg.scid  }
0x8b: {  	s0 =	sand.u32 $0x1, s1  }
0x8c: {  	s17 =	sshll.u32 s0, $0xA;
	s2 =	sadd.s32 s3, s2  }
0x8d: {  	s2 =	sadd.s32 s2, s17  }
0x8e: {  	[smem:$0x3FC2] =	sst s2  }
0x8f: {  	_ = 	snop  }
0x90: {  	(tm) =	ssettm $0x1  }
0x91: {  	s18 =	sld [smem:$0x3FFB];
	_ =	sdelay $0x3  }
0x92: {  	_ =	strace s18  }
0x93: {  	s2 =	sld [smem:$0x3FFC];
	_ =	sdelay $0x3  }
0x94: {  	_ =	strace s2  }
0x95: {  	s2 =	sld [smem:$0x3FFD];
	_ =	sdelay $0x3  }
0x96: {  	_ =	strace s2  }
0x97: {  	_ =	strace $0x8FFFFFFF  }
0x98: {  	s19 =	sld [smem:$0x3FDB];
	_ =	sdelay $0x1  }
0x99: {  	s20 =	simm.s32 $_scs_section_size  }
0x9a: {  	s4 =	simm.s32 $_size__tile_overlayer_lowered;
	s5 =	simm.s32 $_tile_overlayer_lowered  }
0x9b: {  	s6 =	simm.s32 $0x1BFF;
	s21 =	sshll.u32 s5, $0x1;
	s3 =	sadd.s32 s20, s19  }
0x9c: {  	s22 =	simm.s32 $0x0;
	s4 =	sshll.u32 s4, $0x1;
	s5 =	sadd.s32 s21, s3  }
0x9d: {  	[timem:s22], [sflag:s6] =	dma.local [hbm:s5], s4  }
0x9e: {  	_ =	swait.ge [sflag:s6], s4  }
0x9f: {  	s4 =	ssub.s32 $0x0, s4;
	[sflag:s6] =	ssyncset.done $0x0  }
0xa0: {  	[sflag:s6] =	ssyncadd.s32 s4;
	_ =	sdelay $0x1  }
0xa1: {  	s23 =	simm.s32 $0x1B8B  }
0xa2: {  	_ =	swait.ge [sflag:s23], $0x1  }
0xa3: {  	[sflag:s23] =	ssyncset.done $0x0  }
0xa4: {  	[sflag:s23] =	ssyncadd.s32 $0xFFFFFFFF  }
0xa5: {  	s4 =	sld [smem:$0x0]  }
0xa6: {  	s5 =	sand.u32 $0xFFFFFFFE, s1  }
0xa7: {  	p0 =	sne.s32 s1, s5  }
0xa8: {  	s5 =	sshll.u32 @p0 s5, $0xE  }
0xa9: {  	s5 =	sadd.s32 @p0 $0x11B8D, s5;
	s6 =	sshll.u32 @p0 s4, $0x11  }
0xaa: {  	s5 =	sor.u32 @p0 s6, s5  }
0xab: {  	[sflag:s5] =	ssyncadd.remote.s32 @p0 $0x1;
	_ =	sdelay $0x1  }
0xac: {  	s5 =	simm.s32 @p0 $0x1B8D  }
0xad: {  	_ =	swait.eq @p0 [sflag:s5], $0x1  }
0xae: {  	[sflag:s5] =	ssyncadd.s32 @p0 $0xFFFFFFFF  }
0xaf: {  	s6 =	sshll.u32 @!p0 s1, $0xE  }
0xb0: {  	s6 =	sor.u32 @!p0 $0x4000, s6;
	s5 =	simm.s32 @!p0 $0x1B8D  }
0xb1: {  	s4 =	sshll.u32 @!p0 s4, $0x11;
	s6 =	sadd.s32 @!p0 $0x11B8D, s6;
	_ =	swait.eq @!p0 [sflag:s5], $0x1  }
0xb2: {  	s4 =	sor.u32 @!p0 s4, s6;
	[sflag:s5] =	ssyncadd.s32 @!p0 $0xFFFFFFFF  }
0xb3: {  	s25 =	simm.s32 $0x1B8E;
	s24 =	sld [smem:$0x3FFE];
	[sflag:s4] =	ssyncadd.remote.s32 @!p0 $0x1  }
0xb4: {  	s26 =	simm.s32 $execute0_lowered;
	[smem:$0x3FD2] =	sst s25  }
0xb5: {  	s5 =	sshll.u32 s26, $0x1;
	_ =	strace $0x80000049;
	[dreg:$0x1] =	wrdreg $0xFFFFFFFF  }
0xb6: {  	s28 =	simm.s32 $_size_execute0_lowered;
	s3 =	sadd.s32 s3, s5;
	[dreg:$0x0] =	wrdreg $0x0  }
0xb7: {  	s5 =	sshll.u32 s28, $0x1;
	[dreg:$0x2] =	wrdreg s3  }
0xb8: {  	[dreg:$0x3] =	wrdreg s5  }
0xb9: {  	[dreg:$0x4] =	wrdreg $0xC0  }
0xba: {  	_ =	task [dreg:s22], $0x5FFFF  }
0xbb: {  	[dreg:$0x1] =	wrdreg $0xFFFFFFFF  }
0xbc: {  	[dreg:$0x0] =	wrdreg $0x60  }
0xbd: {  	[dreg:$0x2] =	wrdreg s24  }
0xbe: {  	[dreg:$0x3] =	wrdreg $0xB8000  }
0xbf: {  	[dreg:$0x4] =	wrdreg $0xC  }
0xc0: {  	_ =	task.clear_ibuf [dreg:s22], $0x5FFFF;
	_ =	strace $0x90000049  }
0xc1: {  	s29 =	simm.s32 $0xC;
	_ =	strace $0x8000004B  }
0xc2: {  	_ =	swait.ge [sflag:s29], $0x1  }
0xc3: {  	[sflag:s29] =	ssyncadd.s32 $0xFFFFFFFF  }
0xc4: {  	_ =	strace $0x9000004B  }
0xc5: {  	_ =	sfence  }
0xc6: {  	s30 =	sld [smem:$0x0];
	_ =	sdelay $0x2  }
0xc7: {  	s31 =	sshll.u32 s1, $0xD;
	s1 =	sshrl.u32 s1, $0x2  }
0xc8: {  	s4 =	sand.u32 $0x4000, s31;
	s1 =	sadd.s32 s1, s30  }
0xc9: {  	s0 =	sor.u32 s4, s0;
	s1 =	sshll.u32 s1, $0x11  }
0xca: {  	s0 =	sor.u32 s1, s0  }
0xcb: {  	s0 =	sadd.s32 $0x8F2B, s0  }
0xcc: {  	[sflag:s0] =	ssyncadd.remote.s32 $0x1  }
0xcd: {  	_ =	sfence.sel $0xFFFF  }
0xce: {  	[dreg:$0x0] =	wrdreg $0xFFFFFFFF;
	(pc) =	sbr.abs _section_cstart, $3  }
0xcf: {  	[dreg:$0x1] =	wrdreg $0xFFFFFFFF  }
0xd0: {  	_ =	task.clear_ibuf [dreg:s22], $0x2FFFF;
	_ =	strace $0x9FFFFFFF  }
0xd1: {  	(tm) =	ssettm $0x7FFFFFFF  }
tec
execute0_lowered:
.L_overlay_start_1:
0x0: {  	(tag) =	ssettag $0x1  }
0x1: {  	s0 =	srdreg.scid;
	s10 =	stileid.u32  }
0x2: {  	s1 =	rddreg [dreg:$0x0];
	s7 =	smul.u32 $0x4F000, s10  }
0x3: {  	s2 =	rddreg [dreg:$0x1];
	s3 =	simm.s32 $0x0;
	s8 =	smul.u32 $0x278, s10  }
0x4: {  	s0 =	sand.u32 $0x1, s0;
	[smem:$0x7FF] =	sst s3;
	s25 =	smul.u32 $0x2780, s10  }
0x5: {  	s4 =	sshll.u32 s0, $0x4;
	s6 =	smul.u32 $0x27800, s0;
	s0 =	ssub.s32 $0x2, s0  }
0x6: {  	_ =	strace $0x8000004A;
	s4 =	sor.u32 s10, s4;
	s13 =	sshrl.u32 s0, $0x1  }
0x7: {  	s7 =	sshrl.u32 s7, $0x2;
	s16 =	sadd.s32 $0xA0, s8;
	s5 =	smul.u32 $0x280, s4  }
0x8: {  	s19 =	sadd.s32 $0x140, s8;
	s8 =	sadd.s32 $0x1E0, s8;
	s10 =	simm.s32 $0x1  }
0x9: {  	s4 =	sadd.s32 $0x1BAE00, s1;
	s0 =	ssub.s32 s0, s13;
	s5 =	sadd.s32 s5, s1  }
0xa: {  	s18 =	sshll.u32 s16, $0x7;
	s1 =	sadd.s32 s6, s1;
	s14 =	sadd.s32 $0xCAA00, s5  }
0xb: {  	s6 =	sadd.s32 s7, s2;
	s5 =	sadd.s32 $0xC5A00, s5;
	[dreg:$0x3] =	wrdreg s14  }
0xc: {  	s22 =	sshll.u32 s19, $0x7;
	s15 =	sadd.s32 $0x1000, s6;
	[dreg:$0x4] =	wrdreg s5  }
0xd: {  	s26 =	sshll.u32 s8, $0x7;
	s7 =	sadd.s32 $0x2000, s6;
	[dreg:$0x5] =	wrdreg s15  }
0xe: {  	s8 =	sshll.u32 s8, $0x4;
	s17 =	sadd.s32 $0x3000, s6;
	[dreg:$0x6] =	wrdreg s7  }
0xf: {  	s13 =	simm.s32 $0x0;
	s9 =	sadd.s32 $0x4000, s6;
	[dreg:$0x7] =	wrdreg s17  }
0x10: {  	s12 =	sadd.s32 s18, s2;
	s20 =	sadd.s32 $0x6000, s6;
	[dreg:$0x8] =	wrdreg s9  }
0x11: {  	s21 =	sadd.s32 $0x7000, s6;
	s11 =	sadd.s32 $0x8000, s6;
	[dreg:$0x9] =	wrdreg s20  }
0x12: {  	s23 =	sadd.s32 $0x9000, s6;
	s24 =	sadd.s32 $0xB000, s6;
	[dreg:$0xa] =	wrdreg s21  }
0x13: {  	s1 =	sadd.s32 $0x257200, s1;
	s28 =	sadd.s32 $0xE000, s6;
	[dreg:$0xb] =	wrdreg s11  }
0x14: {  	s29 =	sadd.s32 $0x10000, s6;
	s30 =	sadd.s32 $0x11000, s6;
	[dreg:$0xc] =	wrdreg s23  }
0x15: {  	s31 =	sadd.s32 $0x12000, s6;
	s17 =	sadd.s32 s22, s2;
	[dreg:$0xd] =	wrdreg s24  }
0x16: {  	s5 =	sshll.u32 s16, $0x4;
	s7 =	sshll.u32 s19, $0x4;
	s9 =	sadd.s32 s25, s1  }
0x17: {  	s22 =	sadd.s32 s8, s1;
	s23 =	sadd.s32 $0xC000, s6;
	s24 =	sadd.s32 s26, s2  }
0x18: {  	s25 =	smax.u32 s0, $0x1;
	s26 =	sadd.s32 $0xD000, s6;
	s0 =	sadd.s32 $0x13000, s6  }
0x19: {  	s8 =	simm.s32 $0x2800;
	s11 =	simm.s32 $0x2;
	[dreg:$0xe] =	wrdreg s9  }
0x1a: {  	s20 =	sadd.s32 s5, s1;
	s21 =	sadd.s32 s7, s1;
	s1 =	simm.s32 $0x3  }
0x1b: {  	v0 =	vimm.f32 $0.0e+00;
	s5 =	simm.s32 $0xA800;
	s7 =	simm.s32 $0x80;
	s9 =	simm.s32 $0x6800  }
.LBB2_1:
0x1c: {  	s14 =	rddreg [dreg:$0x3]  }
0x1d: {  	[tilespmem:s3], [sflag:$0x3] =	stream.linear.gather [hbm4b:s14+s3], $0x1400, $0x38;
	[tilespmem:$0x1F400] =	vst v63  }
0x1e: {  	_ =	swait.ge [sflag:s1], $0x1400  }
0x1f: {  	[sflag:s1] =	ssyncset.done $0x0  }
0x20: {  	s15 =	simm.s32 $0x1400;
	s19 =	rddreg [dreg:$0x4];
	[sflag:s1] =	ssyncadd.s32 $0xFFFFEC00  }
0x21: {  	[tilespmem:s15], [sflag:$0x3] =	stream.linear.gather [hbm4b:s19+s3], $0x1400, $0x38;
	[tilespmem:$0x1F400] =	vst v63  }
0x22: {  	_ =	swait.ge [sflag:s1], $0x1400  }
0x23: {  	[sflag:s1] =	ssyncset.done $0x0  }
0x24: {  	s14 =	simm.s32 $0x0;
	s15 =	simm.s32 $0x200;
	[sflag:s1] =	ssyncadd.s32 $0xFFFFEC00  }
.LBB2_2:
0x25: {  	p0 =	sne.s32 s15, $0x3E00;
	[tilespmem:s14+$0xA870] =	vst v0  }
0x26: {  	[tilespmem:s14+$0xA800] =	vst v0  }
0x27: {  	[tilespmem:s14+$0xA810] =	vst v0  }
.Ltmp0:
0x28: {  	[tilespmem:s14+$0xA820] =	vst v0;
	(pc) =	sbr.rel @p0 .LBB2_2-.Ltmp0, $4  }
0x29: {  	[tilespmem:s14+$0xA830] =	vst v0  }
0x2a: {  	[tilespmem:s14+$0xA840] =	vst v0  }
0x2b: {  	[tilespmem:s14+$0xA850] =	vst v0  }
0x2c: {  	[tilespmem:s14+$0xA860] =	vst v0;
	s14 =	sshra.s32 s15, $0x2;
	s15 =	sadd.s32 $0x200, s15  }
0x2d: {  	[tilespmem:s14+$0xA870] =	vst v0  }
0x2e: {  	[tilespmem:s14+$0xA800] =	vst v0  }
0x2f: {  	[tilespmem:s14+$0xA810] =	vst v0  }
0x30: {  	[tilespmem:s14+$0xA820] =	vst v0  }
0x31: {  	[tilespmem:s14+$0xA830] =	vst v0  }
0x32: {  	[tilespmem:s14+$0xA840] =	vst v0  }
0x33: {  	[tilespmem:s14+$0xA850] =	vst v0  }
0x34: {  	[tilespmem:s14+$0xA860] =	vst v0  }
0x35: {  	[spmem:s6] =	stream.linear.scatter [tilespmem:s5], [sflag:$0x3], $0x1000, $0x38;
	[tilespmem:$0x1F400] =	vst v63  }
0x36: {  	_ =	swait.ge [sflag:s1], $0x1000  }
0x37: {  	[sflag:s1] =	ssyncset.done $0x0  }
0x38: {  	s18 =	rddreg [dreg:$0x5];
	[sflag:s1] =	ssyncadd.s32 $0xFFFFF000  }
0x39: {  	[spmem:s18] =	stream.linear.scatter [tilespmem:s5], [sflag:$0x3], $0x1000, $0x38;
	[tilespmem:$0x1F400] =	vst v63  }
0x3a: {  	_ =	swait.ge [sflag:s1], $0x1000  }
0x3b: {  	[sflag:s1] =	ssyncset.done $0x0  }
0x3c: {  	s19 =	rddreg [dreg:$0x6];
	[sflag:s1] =	ssyncadd.s32 $0xFFFFF000  }
0x3d: {  	[spmem:s19] =	stream.linear.scatter [tilespmem:s5], [sflag:$0x3], $0x1000, $0x38;
	[tilespmem:$0x1F400] =	vst v63  }
0x3e: {  	_ =	swait.ge [sflag:s1], $0x1000  }
0x3f: {  	[sflag:s1] =	ssyncset.done $0x0  }
0x40: {  	s15 =	rddreg [dreg:$0x7];
	[sflag:s1] =	ssyncadd.s32 $0xFFFFF000  }
0x41: {  	[spmem:s15] =	stream.linear.scatter [tilespmem:s5], [sflag:$0x3], $0x1000, $0x38;
	[tilespmem:$0x1F400] =	vst v63  }
0x42: {  	_ =	swait.ge [sflag:s1], $0x1000  }
0x43: {  	[sflag:s1] =	ssyncset.done $0x0  }
0x44: {  	s16 =	rddreg [dreg:$0x8];
	[sflag:s1] =	ssyncadd.s32 $0xFFFFF000  }
0x45: {  	[spmem:s16] =	stream.linear.scatter [tilespmem:s5], [sflag:$0x3], $0x1000, $0x38;
	[tilespmem:$0x1F400] =	vst v63  }
0x46: {  	_ =	swait.ge [sflag:s1], $0x1000  }
0x47: {  	[sflag:s1] =	ssyncset.done $0x0  }
0x48: {  	[sflag:s1] =	ssyncadd.s32 $0xFFFFF000  }
0x49: {  	[spmem:s12] =	stream.linear.scatter [tilespmem:s5], [sflag:$0x3], $0x1000, $0x38;
	[tilespmem:$0x1F400] =	vst v63  }
0x4a: {  	_ =	swait.ge [sflag:s1], $0x1000  }
0x4b: {  	[sflag:s1] =	ssyncset.done $0x0  }
0x4c: {  	s18 =	rddreg [dreg:$0x9];
	[sflag:s1] =	ssyncadd.s32 $0xFFFFF000  }
0x4d: {  	[spmem:s18] =	stream.linear.scatter [tilespmem:s5], [sflag:$0x3], $0x1000, $0x38;
	[tilespmem:$0x1F400] =	vst v63  }
0x4e: {  	_ =	swait.ge [sflag:s1], $0x1000  }
0x4f: {  	[sflag:s1] =	ssyncset.done $0x0  }
0x50: {  	s19 =	rddreg [dreg:$0xa];
	[sflag:s1] =	ssyncadd.s32 $0xFFFFF000  }
0x51: {  	[spmem:s19] =	stream.linear.scatter [tilespmem:s5], [sflag:$0x3], $0x1000, $0x38;
	[tilespmem:$0x1F400] =	vst v63  }
0x52: {  	_ =	swait.ge [sflag:s1], $0x1000  }
0x53: {  	[sflag:s1] =	ssyncset.done $0x0  }
0x54: {  	s15 =	rddreg [dreg:$0xb];
	[sflag:s1] =	ssyncadd.s32 $0xFFFFF000  }
0x55: {  	[spmem:s15] =	stream.linear.scatter [tilespmem:s5], [sflag:$0x3], $0x1000, $0x38;
	[tilespmem:$0x1F400] =	vst v63  }
0x56: {  	_ =	swait.ge [sflag:s1], $0x1000  }
0x57: {  	[sflag:s1] =	ssyncset.done $0x0  }
0x58: {  	s16 =	rddreg [dreg:$0xc];
	[sflag:s1] =	ssyncadd.s32 $0xFFFFF000  }
0x59: {  	[spmem:s16] =	stream.linear.scatter [tilespmem:s5], [sflag:$0x3], $0x1000, $0x38;
	[tilespmem:$0x1F400] =	vst v63  }
0x5a: {  	_ =	swait.ge [sflag:s1], $0x1000  }
0x5b: {  	[sflag:s1] =	ssyncset.done $0x0  }
0x5c: {  	[sflag:s1] =	ssyncadd.s32 $0xFFFFF000  }
0x5d: {  	[spmem:s17] =	stream.linear.scatter [tilespmem:s5], [sflag:$0x3], $0x1000, $0x38;
	[tilespmem:$0x1F400] =	vst v63  }
0x5e: {  	_ =	swait.ge [sflag:s1], $0x1000  }
0x5f: {  	[sflag:s1] =	ssyncset.done $0x0  }
0x60: {  	s18 =	rddreg [dreg:$0xd];
	[sflag:s1] =	ssyncadd.s32 $0xFFFFF000  }
0x61: {  	[spmem:s18] =	stream.linear.scatter [tilespmem:s5], [sflag:$0x3], $0x1000, $0x38;
	[tilespmem:$0x1F400] =	vst v63  }
0x62: {  	_ =	swait.ge [sflag:s1], $0x1000  }
0x63: {  	[sflag:s1] =	ssyncset.done $0x0  }
0x64: {  	[sflag:s1] =	ssyncadd.s32 $0xFFFFF000  }
0x65: {  	[spmem:s23] =	stream.linear.scatter [tilespmem:s5], [sflag:$0x3], $0x1000, $0x38;
	[tilespmem:$0x1F400] =	vst v63  }
0x66: {  	_ =	swait.ge [sflag:s1], $0x1000  }
0x67: {  	[sflag:s1] =	ssyncset.done $0x0  }
0x68: {  	[sflag:s1] =	ssyncadd.s32 $0xFFFFF000  }
0x69: {  	[spmem:s26] =	stream.linear.scatter [tilespmem:s5], [sflag:$0x3], $0x1000, $0x38;
	[tilespmem:$0x1F400] =	vst v63  }
0x6a: {  	_ =	swait.ge [sflag:s1], $0x1000  }
0x6b: {  	[sflag:s1] =	ssyncset.done $0x0  }
0x6c: {  	[sflag:s1] =	ssyncadd.s32 $0xFFFFF000  }
0x6d: {  	[spmem:s28] =	stream.linear.scatter [tilespmem:s5], [sflag:$0x3], $0x1000, $0x38;
	[tilespmem:$0x1F400] =	vst v63  }
0x6e: {  	_ =	swait.ge [sflag:s1], $0x1000  }
0x6f: {  	[sflag:s1] =	ssyncset.done $0x0  }
0x70: {  	[sflag:s1] =	ssyncadd.s32 $0xFFFFF000  }
0x71: {  	[spmem:s24] =	stream.linear.scatter [tilespmem:s5], [sflag:$0x3], $0x1000, $0x38;
	[tilespmem:$0x1F400] =	vst v63  }
0x72: {  	_ =	swait.ge [sflag:s1], $0x1000  }
0x73: {  	[sflag:s1] =	ssyncset.done $0x0  }
0x74: {  	[sflag:s1] =	ssyncadd.s32 $0xFFFFF000  }
0x75: {  	[spmem:s29] =	stream.linear.scatter [tilespmem:s5], [sflag:$0x3], $0x1000, $0x38;
	[tilespmem:$0x1F400] =	vst v63  }
0x76: {  	_ =	swait.ge [sflag:s1], $0x1000  }
0x77: {  	[sflag:s1] =	ssyncset.done $0x0  }
0x78: {  	[sflag:s1] =	ssyncadd.s32 $0xFFFFF000  }
0x79: {  	[spmem:s30] =	stream.linear.scatter [tilespmem:s5], [sflag:$0x3], $0x1000, $0x38;
	[tilespmem:$0x1F400] =	vst v63  }
0x7a: {  	_ =	swait.ge [sflag:s1], $0x1000  }
0x7b: {  	[sflag:s1] =	ssyncset.done $0x0  }
0x7c: {  	[sflag:s1] =	ssyncadd.s32 $0xFFFFF000  }
0x7d: {  	[spmem:s31] =	stream.linear.scatter [tilespmem:s5], [sflag:$0x3], $0x1000, $0x38;
	[tilespmem:$0x1F400] =	vst v63  }
0x7e: {  	_ =	swait.ge [sflag:s1], $0x1000  }
0x7f: {  	[sflag:s1] =	ssyncset.done $0x0  }
0x80: {  	[sflag:s1] =	ssyncadd.s32 $0xFFFFF000  }
0x81: {  	[spmem:s0] =	stream.linear.scatter [tilespmem:s5], [sflag:$0x3], $0xC00, $0x38;
	[tilespmem:$0x1F400] =	vst v63  }
0x82: {  	_ =	swait.ge [sflag:s1], $0xC00  }
0x83: {  	[sflag:s1] =	ssyncset.done $0x0  }
0x84: {  	[sflag:s1] =	ssyncadd.s32 $0xFFFFF400  }
0x85: {  	s19 =	simm.s32 $0x0;
	[bflag:$0x0] =	sbarrier.arrive $0xFFFF  }
0x86: {  	[tilespmem:s8], [sflag:$0x1] =	stream.indirect.gather [hbm4b:s4+s7], $0x80, s19, s7, $0xb8;
	[tilespmem:$0x1F400] =	vst v63  }
0x87: {  	s15 =	simm.s32 $0x80  }
0x88: {  	[tilespmem:s9], [sflag:$0x2] =	stream.indirect.gather [hbm4b:s4+s7], $0x80, s15, s7, $0xb8;
	[tilespmem:$0x1F400] =	vst v63  }
0x89: {  	_ =	swait.ge [sflag:s10], $0x4000  }
0x8a: {  	[sflag:s10] =	ssyncset.done $0x0  }
0x8b: {  	s16 =	simm.s32 $0x1400;
	[sflag:s10] =	ssyncadd.s32 $0xFFFFC000  }
0x8c: {  	[spmem:s2] =	stream.indirect.scatter.add.f32 [tilespmem:s8], [sflag:$0x3], $0x80, s16, s7, $0xb8;
	[tilespmem:$0x1F400] =	vst v63  }
0x8d: {  	_ =	swait.ge [sflag:s1], $0x4000  }
0x8e: {  	[sflag:s1] =	ssyncset.done $0x0  }
0x8f: {  	s18 =	simm.s32 $0x100;
	[sflag:s1] =	ssyncadd.s32 $0xFFFFC000  }
0x90: {  	[tilespmem:s8], [sflag:$0x1] =	stream.indirect.gather [hbm4b:s4+s7], $0x80, s18, s7, $0xb8;
	[tilespmem:$0x1F400] =	vst v63  }
0x91: {  	_ =	swait.ge [sflag:s11], $0x4000  }
0x92: {  	[sflag:s11] =	ssyncset.done $0x0  }
0x93: {  	s19 =	simm.s32 $0x1480;
	[sflag:s11] =	ssyncadd.s32 $0xFFFFC000  }
0x94: {  	[spmem:s2] =	stream.indirect.scatter.add.f32 [tilespmem:s9], [sflag:$0x3], $0x80, s19, s7, $0xb8;
	[tilespmem:$0x1F400] =	vst v63  }
0x95: {  	_ =	swait.ge [sflag:s1], $0x4000  }
0x96: {  	s14 =	simm.s32 $0x100;
	s15 =	simm.s32 $0x800;
	[sflag:s1] =	ssyncset.done $0x0  }
.LBB2_4:
0x97: {  	s16 =	sadd.s32 $0x80, s14  }
0x98: {  	[sflag:s1] =	ssyncadd.s32 $0xFFFFC000;
	s18 =	smov.u32 s15;
	s19 =	sadd.s32 $0x400, s15  }
0x99: {  	[tilespmem:s9], [sflag:$0x2] =	stream.indirect.gather [hbm4b:s4+s7], $0x80, s16, s7, $0xb8;
	[tilespmem:$0x1F400] =	vst v63  }
0x9a: {  	p0 =	sne.s32 s15, $0x4800;
	_ =	swait.ge [sflag:s10], $0x4000  }
0x9b: {  	[sflag:s10] =	ssyncset.done $0x0  }
0x9c: {  	s15 =	sadd.s32 $0x1400, s14;
	[sflag:s10] =	ssyncadd.s32 $0xFFFFC000  }
0x9d: {  	[spmem:s2] =	stream.indirect.scatter.add.f32 [tilespmem:s8], [sflag:$0x3], $0x80, s15, s7, $0xb8;
	[tilespmem:$0x1F400] =	vst v63  }
0x9e: {  	_ =	swait.ge [sflag:s1], $0x4000  }
0x9f: {  	[sflag:s1] =	ssyncset.done $0x0  }
0xa0: {  	s15 =	sadd.s32 $0x100, s14;
	[sflag:s1] =	ssyncadd.s32 $0xFFFFC000  }
0xa1: {  	[tilespmem:s8], [sflag:$0x1] =	stream.indirect.gather [hbm4b:s4+s7], $0x80, s15, s7, $0xb8;
	[tilespmem:$0x1F400] =	vst v63  }
0xa2: {  	_ =	swait.ge [sflag:s11], $0x4000  }
.Ltmp1:
0xa3: {  	[sflag:s11] =	ssyncset.done $0x0;
	(pc) =	sbr.rel @p0 .LBB2_4-.Ltmp1, $4  }
0xa4: {  	s14 =	sadd.s32 $0x1480, s14;
	[sflag:s11] =	ssyncadd.s32 $0xFFFFC000  }
0xa5: {  	[spmem:s2] =	stream.indirect.scatter.add.f32 [tilespmem:s9], [sflag:$0x3], $0x80, s14, s7, $0xb8;
	[tilespmem:$0x1F400] =	vst v63  }
0xa6: {  	_ =	swait.ge [sflag:s1], $0x4000  }
0xa7: {  	s15 =	smov.u32 s19;
	s14 =	sshra.s32 s18, $0x2;
	[sflag:s1] =	ssyncset.done $0x0  }
0xa8: {  	s15 =	sadd.s32 $0x80, s14;
	[sflag:s1] =	ssyncadd.s32 $0xFFFFC000  }
0xa9: {  	[tilespmem:s9], [sflag:$0x2] =	stream.indirect.gather [hbm4b:s4+s7], $0x80, s15, s7, $0xb8;
	[tilespmem:$0x1F400] =	vst v63  }
0xaa: {  	_ =	swait.ge [sflag:s10], $0x4000  }
0xab: {  	[sflag:s10] =	ssyncset.done $0x0  }
0xac: {  	s19 =	sadd.s32 $0x1400, s14;
	[sflag:s10] =	ssyncadd.s32 $0xFFFFC000  }
0xad: {  	[spmem:s2] =	stream.indirect.scatter.add.f32 [tilespmem:s8], [sflag:$0x3], $0x80, s19, s7, $0xb8;
	[tilespmem:$0x1F400] =	vst v63  }
0xae: {  	_ =	swait.ge [sflag:s1], $0x4000  }
0xaf: {  	[sflag:s1] =	ssyncset.done $0x0  }
0xb0: {  	s16 =	sadd.s32 $0x100, s14;
	[sflag:s1] =	ssyncadd.s32 $0xFFFFC000  }
0xb1: {  	[tilespmem:s8], [sflag:$0x1] =	stream.indirect.gather [hbm4b:s4+s7], $0x80, s16, s7, $0xb8;
	[tilespmem:$0x1F400] =	vst v63  }
0xb2: {  	_ =	swait.ge [sflag:s11], $0x4000  }
0xb3: {  	[sflag:s11] =	ssyncset.done $0x0  }
0xb4: {  	s18 =	sadd.s32 $0x1480, s14;
	[sflag:s11] =	ssyncadd.s32 $0xFFFFC000  }
0xb5: {  	[spmem:s2] =	stream.indirect.scatter.add.f32 [tilespmem:s9], [sflag:$0x3], $0x80, s18, s7, $0xb8;
	[tilespmem:$0x1F400] =	vst v63  }
0xb6: {  	_ =	swait.ge [sflag:s1], $0x4000  }
0xb7: {  	[sflag:s1] =	ssyncset.done $0x0  }
0xb8: {  	s19 =	simm.s32 $0x1380;
	[sflag:s1] =	ssyncadd.s32 $0xFFFFC000  }
0xb9: {  	[tilespmem:s9], [sflag:$0x2] =	stream.indirect.gather [hbm4b:s4+s7], $0x80, s19, s7, $0xb8;
	[tilespmem:$0x1F400] =	vst v63  }
0xba: {  	_ =	swait.ge [sflag:s10], $0x4000  }
0xbb: {  	[sflag:s10] =	ssyncset.done $0x0  }
0xbc: {  	s15 =	simm.s32 $0x2700;
	[sflag:s10] =	ssyncadd.s32 $0xFFFFC000  }
0xbd: {  	[spmem:s2] =	stream.indirect.scatter.add.f32 [tilespmem:s8], [sflag:$0x3], $0x80, s15, s7, $0xb8;
	[tilespmem:$0x1F400] =	vst v63  }
0xbe: {  	_ =	swait.ge [sflag:s1], $0x4000  }
0xbf: {  	[sflag:s1] =	ssyncset.done $0x0  }
0xc0: {  	[sflag:s1] =	ssyncadd.s32 $0xFFFFC000  }
0xc1: {  	[tilespmem:s8], [sflag:$0x1] =	stream.indirect.gather [hbm4b:s4+s7], $0x80, s3, s7, $0xb8;
	[tilespmem:$0x1F400] =	vst v63  }
0xc2: {  	_ =	swait.ge [sflag:s11], $0x4000  }
0xc3: {  	[sflag:s11] =	ssyncset.done $0x0  }
0xc4: {  	s16 =	simm.s32 $0x2780;
	[sflag:s11] =	ssyncadd.s32 $0xFFFFC000  }
0xc5: {  	[spmem:s2] =	stream.indirect.scatter.add.f32 [tilespmem:s9], [sflag:$0x3], $0x80, s16, s7, $0xb8;
	[tilespmem:$0x1F400] =	vst v63  }
0xc6: {  	_ =	swait.ge [sflag:s1], $0x4000  }
0xc7: {  	[sflag:s1] =	ssyncset.done $0x0  }
0xc8: {  	[sflag:s1] =	ssyncadd.s32 $0xFFFFC000  }
0xc9: {  	_ =	swait.ge [sflag:s10], $0x4000  }
0xca: {  	[sflag:s10] =	ssyncset.done $0x0  }
0xcb: {  	s18 =	stileid.u32;
	[sflag:s10] =	ssyncadd.s32 $0xFFFFC000  }
0xcc: {  	s14 =	sshll.u32 s18, $0x6;
	[bflag:$0x0] =	sbarrier.arrive $0xFFFF  }
0xcd: {  	s14 =	sor.u32 $0x1C03, s14;
	s19 =	sshrl.u32 s6, $0x3;
	s16 =	rddreg [dreg:$0xe]  }
0xce: {  	[hbm:s16], [sflag:s14] =	dma.local [spmem:s19], $0xA00  }
0xcf: {  	_ =	swait.ge [sflag:s1], $0xA00  }
0xd0: {  	[sflag:s1] =	ssyncset.done $0x0  }
0xd1: {  	s16 =	sshrl.u32 s12, $0x3;
	[sflag:s1] =	ssyncadd.s32 $0xFFFFF600  }
0xd2: {  	[hbm:s20], [sflag:s14] =	dma.local [spmem:s16], $0xA00  }
0xd3: {  	_ =	swait.ge [sflag:s1], $0xA00  }
0xd4: {  	[sflag:s1] =	ssyncset.done $0x0  }
0xd5: {  	s18 =	sshrl.u32 s17, $0x3;
	[sflag:s1] =	ssyncadd.s32 $0xFFFFF600  }
0xd6: {  	[hbm:s21], [sflag:s14] =	dma.local [spmem:s18], $0xA00  }
0xd7: {  	s13 =	sadd.s32 $0x1, s13;
	_ =	swait.ge [sflag:s1], $0xA00  }
0xd8: {  	p0 =	sne.s32 s13, s25;
	[sflag:s1] =	ssyncset.done $0x0  }
.Ltmp2:
0xd9: {  	s19 =	sshrl.u32 s24, $0x3;
	[sflag:s1] =	ssyncadd.s32 $0xFFFFF600;
	(pc) =	sbr.rel @p0 .LBB2_1-.Ltmp2, $4  }
0xda: {  	[hbm:s22], [sflag:s14] =	dma.local [spmem:s19], $0x980  }
0xdb: {  	_ =	swait.ge [sflag:s1], $0x980  }
0xdc: {  	[sflag:s1] =	ssyncset.done $0x0  }
0xdd: {  	[sflag:s1] =	ssyncadd.s32 $0xFFFFF680  }
0xde: {  	_ =	sfence.sel $0x180000  }
0xdf: {  	[bflag:$0x0] =	sbarrier.arrive $0xFFFF  }
0xe0: {  	_ =	strace $0x9000004A  }
0xe1: {  	s0 =	stileid.u32;
	[bflag:$0x2] =	sbarrier.arrive $0xFFFF  }
0xe2: {  	p0 =	sne.s32 s0, $0x0;
	s0 =	rddreg [dreg:$0x2]  }
0xe3: {  	s0 =	sadd.s32 @!p0 $0x100000, s0  }
0xe4: {  	[sflag:s0] =	ssyncadd.tile.s32 @!p0 $0x1;
	_ =	shalt  }
.Lfunc_end2:
_tile_overlayer_lowered:
.L_overlay_start_2:
0xe5: {  	(tag) =	ssettag $0x2  }
0xe6: {  	s0 =	rddreg [dreg:$0x0];
	s2 =	stileid.u32  }
0xe7: {  	s1 =	rddreg [dreg:$0x1];
	p0 =	sne.s32 s2, $0x0  }
0xe8: {  	s3 =	rddreg [dreg:$0x2];
	[bflag:$0x3] =	sbarrier.arrive $0xFFFF;
	s2 =	simm.s32 @!p0 $0x1C03  }
0xe9: {  	[timem:s3], [sflag:s2] =	dma.local @!p0 [hbm:s0], s1  }
0xea: {  	s0 =	simm.s32 @!p0 $0x3  }
0xeb: {  	_ =	swait.ge @!p0 [sflag:s0], s1  }
0xec: {  	s1 =	ssub.s32 @!p0 $0x0, s1;
	[sflag:s0] =	ssyncset.done @!p0 $0x0  }
0xed: {  	[sflag:s0] =	ssyncadd.s32 @!p0 s1  }
0xee: {  	[bflag:$0x3] =	sbarrier.arrive $0xFFFF  }
0xef: {  	_ =	shalt  }

// kernel: kernel.24.cloned.1.call-start
scs
__scs_entry_jumppad:
0x0: {  	(pc) =	sbr.rel $0x88, $3  }
0x1: {  	(tag) =	ssettag $0x0;
	lr =	simm.s32 $0x1  }
0x2: {  	[smem:$0x3F9B] =	sst lr;
	_ =	strace $0xD0000000  }
0x3: {  	_ = 	snop  }
0x4: {  	_ = 	snop  }
0x5: {  	_ = 	snop  }
0x6: {  	_ = 	snop  }
0x7: {  	_ = 	snop  }
__scs_overlays_trampoline_lowered:
0x8: {  	[smem:$0x3FAA] =	sst s0  }
0x9: {  	[smem:$0x3FAB] =	sst s1  }
0xa: {  	[smem:$0x3FAC] =	sst s2  }
0xb: {  	[smem:$0x3FAD] =	sst s3  }
0xc: {  	[smem:$0x3FAE] =	sst s4  }
0xd: {  	[smem:$0x3FAF] =	sst s5  }
0xe: {  	[smem:$0x3FB0] =	sst s6  }
0xf: {  	[smem:$0x3FB1] =	sst s7  }
0x10: {  	[smem:$0x3FB2] =	sst s8  }
0x11: {  	[smem:$0x3FB3] =	sst s9;
	s0 =	simm.s32 @!p0 $0x0  }
0x12: {  	s1 =	sld [smem:$0x3F99];
	s0 =	simm.s32 @p0 $0x1  }
0x13: {  	[smem:$0x3FB4] =	sst s0;
	s0 =	simm.s32 @!p1 $0x0  }
0x14: {  	s2 =	sld [smem:$0x3F98];
	s0 =	simm.s32 @p1 $0x1  }
0x15: {  	[smem:$0x3FB5] =	sst s0;
	s0 =	simm.s32 @!p2 $0x0  }
0x16: {  	s3 =	sld [smem:$0x3FDB];
	s0 =	simm.s32 @p2 $0x1  }
0x17: {  	s4 =	simm.s32 $0x1BF5;
	[smem:$0x3FB7] =	sst s0  }
0x18: {  	s0 =	sld [smem:$0x3F9A];
	_ =	swait.ge [sflag:s4], $0x0  }
0x19: {  	s7 =	sld [smem:$0x3F9B]  }
0x1a: {  	s8 =	sadd.s32 $0xFFFFE003, lr  }
0x1b: {  	s9 =	sadd.s32 $0xFFFFFEF7, lr;
	s5 =	simm.s32 $0xFFFFFFFF;
	p2 =	slt.u32 s8, $0xFFFFF086  }
0x1c: {  	p1 =	slt.u32 s9, $0xF7A;
	s5 =	simm.s32 @!p2 $0x0  }
0x1d: {  	s5 =	simm.s32 @p1 $0x1;
	p0 =	seq.s32 s7, s2  }
0x1e: {  	s7 =	smul.u32 @!p0 $0xF7A, s2;
	p2 =	seq.s32 @!p0 s5, $0x0  }
0x1f: {  	s9 =	smul.u32 $0xF7A, s1;
	s8 =	simm.s32 @!p0 $0x1BF5;
	p2 =	por !p2, p0  }
0x20: {  	[sflag:s8] =	ssyncset.s32 @!p0 $0xFFFFF086;
	s6 =	sadd.s32 @!p0 s3, s7;
	s7 =	simm.s32 @!p0 $0x108  }
0x21: {  	s3 =	sadd.s32 s3, s9;
	s6 =	sadd.s32 @!p0 $0x88, s6;
	s7 =	simm.s32 @p2 $0x1082  }
0x22: {  	[simem:s7], [sflag:s8] =	dma.local @!p0 [hbm:s6], $0xF7A  }
0x23: {  	s9 =	sor.u32 $0xD0000000, s2;
	s6 =	simm.s32 $0x108;
	_ =	swait.ge @!p0 [sflag:s8], $0x0  }
0x24: {  	s3 =	sadd.s32 $0x88, s3;
	s6 =	simm.s32 @!p1 $0x1082;
	[sflag:s4] =	ssyncset.s32 $0xFFFFF086  }
0x25: {  	[simem:s6], [sflag:s4] =	dma.local [hbm:s3], $0xF7A  }
0x26: {  	[smem:$0x3F9B] =	sst s1;
	(tag) =	ssettag s2;
	_ =	strace s9  }
0x27: {  	s1 =	sld [smem:$0x3FAB]  }
0x28: {  	s2 =	sld [smem:$0x3FAC]  }
0x29: {  	s4 =	sld [smem:$0x3FAE]  }
0x2a: {  	p0 =	seq.s32 s5, $0x0;
	s5 =	sld [smem:$0x3FAF]  }
0x2b: {  	s6 =	sld [smem:$0x3FB0]  }
0x2c: {  	s7 =	sld [smem:$0x3FB1]  }
0x2d: {  	s3 =	simm.s32 $0x108;
	s8 =	sld [smem:$0x3FB2]  }
0x2e: {  	s3 =	simm.s32 @!p0 $0x1082;
	s9 =	sld [smem:$0x3FB3]  }
0x2f: {  	lr =	sadd.s32 s0, s3;
	s0 =	sld [smem:$0x3FAA]  }
0x30: {  	s3 =	sld [smem:$0x3FAD]  }
0x31: {  	[smem:$0x3FB6] =	sst s10  }
0x32: {  	s10 =	sld [smem:$0x3FB4];
	_ =	sdelay $0x3  }
0x33: {  	p0 =	seq.s32 s10, $0x1;
	s10 =	sld [smem:$0x3FB6];
	_ =	sdelay $0x3  }
0x34: {  	[smem:$0x3FB6] =	sst s10  }
0x35: {  	s10 =	sld [smem:$0x3FB5];
	_ =	sdelay $0x3  }
0x36: {  	p1 =	seq.s32 s10, $0x1;
	s10 =	sld [smem:$0x3FB6];
	_ =	sdelay $0x3  }
0x37: {  	[smem:$0x3FB6] =	sst s10  }
0x38: {  	s10 =	sld [smem:$0x3FB7]  }
0x39: {  	_ = 	snop;
	(pc) =	sbr.ind lr, $3  }
0x3a: {  	_ = 	snop  }
0x3b: {  	_ = 	snop  }
0x3c: {  	p2 =	seq.s32 s10, $0x1;
	s10 =	sld [smem:$0x3FB6]  }
0x3d: {  	_ =	shalt  }
0x3e: {  	_ =	shalt  }
0x3f: {  	_ =	shalt  }
0x40: {  	_ =	shalt  }
0x41: {  	_ =	shalt  }
0x42: {  	_ =	shalt  }
0x43: {  	_ =	shalt  }
0x44: {  	_ =	shalt  }
0x45: {  	_ =	shalt  }
0x46: {  	_ =	shalt  }
0x47: {  	_ =	shalt  }
0x48: {  	_ =	shalt  }
0x49: {  	_ =	shalt  }
0x4a: {  	_ =	shalt  }
0x4b: {  	_ =	shalt  }
0x4c: {  	_ =	shalt  }
0x4d: {  	_ =	shalt  }
0x4e: {  	_ =	shalt  }
0x4f: {  	_ =	shalt  }
0x50: {  	_ =	shalt  }
0x51: {  	_ =	shalt  }
0x52: {  	_ =	shalt  }
0x53: {  	_ =	shalt  }
0x54: {  	_ =	shalt  }
0x55: {  	_ =	shalt  }
0x56: {  	_ =	shalt  }
0x57: {  	_ =	shalt  }
0x58: {  	_ =	shalt  }
0x59: {  	_ =	shalt  }
0x5a: {  	_ =	shalt  }
0x5b: {  	_ =	shalt  }
0x5c: {  	_ =	shalt  }
0x5d: {  	_ =	shalt  }
0x5e: {  	_ =	shalt  }
0x5f: {  	_ =	shalt  }
0x60: {  	_ =	shalt  }
0x61: {  	_ =	shalt  }
0x62: {  	_ =	shalt  }
0x63: {  	_ =	shalt  }
0x64: {  	_ =	shalt  }
0x65: {  	_ =	shalt  }
0x66: {  	_ =	shalt  }
0x67: {  	_ =	shalt  }
0x68: {  	_ =	shalt  }
0x69: {  	_ =	shalt  }
0x6a: {  	_ =	shalt  }
0x6b: {  	_ =	shalt  }
0x6c: {  	_ =	shalt  }
0x6d: {  	_ =	shalt  }
0x6e: {  	_ =	shalt  }
0x6f: {  	_ =	shalt  }
0x70: {  	_ =	shalt  }
0x71: {  	_ =	shalt  }
0x72: {  	_ =	shalt  }
0x73: {  	_ =	shalt  }
0x74: {  	_ =	shalt  }
0x75: {  	_ =	shalt  }
0x76: {  	_ =	shalt  }
0x77: {  	_ =	shalt  }
0x78: {  	_ =	shalt  }
0x79: {  	_ =	shalt  }
0x7a: {  	_ =	shalt  }
0x7b: {  	_ =	shalt  }
0x7c: {  	_ =	shalt  }
0x7d: {  	_ =	shalt  }
0x7e: {  	_ =	shalt  }
0x7f: {  	_ =	shalt  }
0x80: {  	_ =	shalt  }
0x81: {  	_ =	shalt  }
0x82: {  	_ =	shalt  }
0x83: {  	_ =	shalt  }
0x84: {  	_ =	shalt  }
0x85: {  	_ =	shalt  }
0x86: {  	_ =	shalt  }
0x87: {  	_ =	shalt  }
.Lfunc_end0:
.L_simem_size_0:
called_computation.4_lowered:
.L_overlay_start_0:
0x88: {  	s2 =	sld [smem:$0x3FD9]  }
0x89: {  	s3 =	sld [smem:$0x3FFE];
	_ =	sdelay $0x1  }
0x8a: {  	s1 =	srdreg.scid  }
0x8b: {  	s0 =	sand.u32 $0x1, s1  }
0x8c: {  	s17 =	sshll.u32 s0, $0xA;
	s2 =	sadd.s32 s3, s2  }
0x8d: {  	s2 =	sadd.s32 s2, s17  }
0x8e: {  	[smem:$0x3FC2] =	sst s2  }
0x8f: {  	_ = 	snop  }
0x90: {  	(tm) =	ssettm $0x1  }
0x91: {  	s18 =	sld [smem:$0x3FFB];
	_ =	sdelay $0x3  }
0x92: {  	_ =	strace s18  }
0x93: {  	s2 =	sld [smem:$0x3FFC];
	_ =	sdelay $0x3  }
0x94: {  	_ =	strace s2  }
0x95: {  	s2 =	sld [smem:$0x3FFD];
	_ =	sdelay $0x3  }
0x96: {  	_ =	strace s2  }
0x97: {  	_ =	strace $0x8FFFFFFF  }
0x98: {  	s19 =	sld [smem:$0x3FDB];
	_ =	sdelay $0x1  }
0x99: {  	s20 =	simm.s32 $_scs_section_size  }
0x9a: {  	s4 =	simm.s32 $_size__tile_overlayer_lowered;
	s5 =	simm.s32 $_tile_overlayer_lowered  }
0x9b: {  	s6 =	simm.s32 $0x1BFF;
	s21 =	sshll.u32 s5, $0x1;
	s3 =	sadd.s32 s20, s19  }
0x9c: {  	s22 =	simm.s32 $0x0;
	s4 =	sshll.u32 s4, $0x1;
	s5 =	sadd.s32 s21, s3  }
0x9d: {  	[timem:s22], [sflag:s6] =	dma.local [hbm:s5], s4  }
0x9e: {  	_ =	swait.ge [sflag:s6], s4  }
0x9f: {  	s4 =	ssub.s32 $0x0, s4;
	[sflag:s6] =	ssyncset.done $0x0  }
0xa0: {  	[sflag:s6] =	ssyncadd.s32 s4;
	_ =	sdelay $0x1  }
0xa1: {  	s23 =	simm.s32 $0x1B8B  }
0xa2: {  	_ =	swait.ge [sflag:s23], $0x1  }
0xa3: {  	[sflag:s23] =	ssyncset.done $0x0  }
0xa4: {  	[sflag:s23] =	ssyncadd.s32 $0xFFFFFFFF  }
0xa5: {  	s4 =	sld [smem:$0x0]  }
0xa6: {  	s5 =	sand.u32 $0xFFFFFFFE, s1  }
0xa7: {  	p0 =	sne.s32 s1, s5  }
0xa8: {  	s5 =	sshll.u32 @p0 s5, $0xE  }
0xa9: {  	s5 =	sadd.s32 @p0 $0x11B8D, s5;
	s6 =	sshll.u32 @p0 s4, $0x11  }
0xaa: {  	s5 =	sor.u32 @p0 s6, s5  }
0xab: {  	[sflag:s5] =	ssyncadd.remote.s32 @p0 $0x1;
	_ =	sdelay $0x1  }
0xac: {  	s5 =	simm.s32 @p0 $0x1B8D  }
0xad: {  	_ =	swait.eq @p0 [sflag:s5], $0x1  }
0xae: {  	[sflag:s5] =	ssyncadd.s32 @p0 $0xFFFFFFFF  }
0xaf: {  	s6 =	sshll.u32 @!p0 s1, $0xE  }
0xb0: {  	s6 =	sor.u32 @!p0 $0x4000, s6;
	s5 =	simm.s32 @!p0 $0x1B8D  }
0xb1: {  	s4 =	sshll.u32 @!p0 s4, $0x11;
	s6 =	sadd.s32 @!p0 $0x11B8D, s6;
	_ =	swait.eq @!p0 [sflag:s5], $0x1  }
0xb2: {  	s4 =	sor.u32 @!p0 s4, s6;
	[sflag:s5] =	ssyncadd.s32 @!p0 $0xFFFFFFFF  }
0xb3: {  	s25 =	simm.s32 $0x1B8E;
	s24 =	sld [smem:$0x3FFE];
	[sflag:s4] =	ssyncadd.remote.s32 @!p0 $0x1  }
0xb4: {  	s26 =	simm.s32 $execute0_lowered;
	[smem:$0x3FD2] =	sst s25  }
0xb5: {  	s5 =	sshll.u32 s26, $0x1;
	_ =	strace $0x8000004C;
	[dreg:$0x1] =	wrdreg $0xFFFFFFFF  }
0xb6: {  	s28 =	simm.s32 $_size_execute0_lowered;
	s3 =	sadd.s32 s3, s5;
	[dreg:$0x0] =	wrdreg $0x0  }
0xb7: {  	s5 =	sshll.u32 s28, $0x1;
	[dreg:$0x2] =	wrdreg s3  }
0xb8: {  	[dreg:$0x3] =	wrdreg s5  }
0xb9: {  	[dreg:$0x4] =	wrdreg $0xC0  }
0xba: {  	_ =	task [dreg:s22], $0x5FFFF  }
0xbb: {  	[dreg:$0x1] =	wrdreg $0xFFFFFFFF  }
0xbc: {  	[dreg:$0x0] =	wrdreg $0x60  }
0xbd: {  	[dreg:$0x2] =	wrdreg s24  }
0xbe: {  	[dreg:$0x3] =	wrdreg $0xB8000  }
0xbf: {  	[dreg:$0x4] =	wrdreg $0xD  }
0xc0: {  	_ =	task.clear_ibuf [dreg:s22], $0x5FFFF;
	_ =	strace $0x9000004C  }
0xc1: {  	s29 =	simm.s32 $0xD;
	_ =	strace $0x8000004E  }
0xc2: {  	_ =	swait.ge [sflag:s29], $0x1  }
0xc3: {  	[sflag:s29] =	ssyncadd.s32 $0xFFFFFFFF  }
0xc4: {  	_ =	strace $0x9000004E  }
0xc5: {  	_ =	sfence  }
0xc6: {  	s30 =	sld [smem:$0x0];
	_ =	sdelay $0x2  }
0xc7: {  	s31 =	sshll.u32 s1, $0xD;
	s1 =	sshrl.u32 s1, $0x2  }
0xc8: {  	s4 =	sand.u32 $0x4000, s31;
	s1 =	sadd.s32 s1, s30  }
0xc9: {  	s0 =	sor.u32 s4, s0;
	s1 =	sshll.u32 s1, $0x11  }
0xca: {  	s0 =	sor.u32 s1, s0  }
0xcb: {  	s0 =	sadd.s32 $0x8F2B, s0  }
0xcc: {  	[sflag:s0] =	ssyncadd.remote.s32 $0x1  }
0xcd: {  	_ =	sfence.sel $0xFFFF  }
0xce: {  	[dreg:$0x0] =	wrdreg $0xFFFFFFFF;
	(pc) =	sbr.abs _section_cstart, $3  }
0xcf: {  	[dreg:$0x1] =	wrdreg $0xFFFFFFFF  }
0xd0: {  	_ =	task.clear_ibuf [dreg:s22], $0x2FFFF;
	_ =	strace $0x9FFFFFFF  }
0xd1: {  	(tm) =	ssettm $0x7FFFFFFF  }
tec
execute0_lowered:
.L_overlay_start_1:
0x0: {  	(tag) =	ssettag $0x1  }
0x1: {  	s0 =	srdreg.scid;
	s10 =	stileid.u32  }
0x2: {  	s1 =	rddreg [dreg:$0x0];
	s7 =	smul.u32 $0x4F000, s10  }
0x3: {  	s2 =	rddreg [dreg:$0x1];
	s3 =	simm.s32 $0x0;
	s8 =	smul.u32 $0x278, s10  }
0x4: {  	s0 =	sand.u32 $0x1, s0;
	[smem:$0x7FF] =	sst s3;
	s25 =	smul.u32 $0x2780, s10  }
0x5: {  	s4 =	sshll.u32 s0, $0x4;
	s6 =	smul.u32 $0x27800, s0;
	s0 =	ssub.s32 $0x2, s0  }
0x6: {  	_ =	strace $0x8000004D;
	s4 =	sor.u32 s10, s4;
	s13 =	sshrl.u32 s0, $0x1  }
0x7: {  	s7 =	sshrl.u32 s7, $0x2;
	s16 =	sadd.s32 $0xA0, s8;
	s5 =	smul.u32 $0x280, s4  }
0x8: {  	s19 =	sadd.s32 $0x140, s8;
	s8 =	sadd.s32 $0x1E0, s8;
	s10 =	simm.s32 $0x1  }
0x9: {  	s4 =	sadd.s32 $0x2A6200, s1;
	s0 =	ssub.s32 s0, s13;
	s5 =	sadd.s32 s5, s1  }
0xa: {  	s18 =	sshll.u32 s16, $0x7;
	s1 =	sadd.s32 s6, s1;
	s14 =	sadd.s32 $0xCAA00, s5  }
0xb: {  	s6 =	sadd.s32 s7, s2;
	s5 =	sadd.s32 $0xC5A00, s5;
	[dreg:$0x3] =	wrdreg s14  }
0xc: {  	s22 =	sshll.u32 s19, $0x7;
	s15 =	sadd.s32 $0x1000, s6;
	[dreg:$0x4] =	wrdreg s5  }
0xd: {  	s26 =	sshll.u32 s8, $0x7;
	s7 =	sadd.s32 $0x2000, s6;
	[dreg:$0x5] =	wrdreg s15  }
0xe: {  	s8 =	sshll.u32 s8, $0x4;
	s17 =	sadd.s32 $0x3000, s6;
	[dreg:$0x6] =	wrdreg s7  }
0xf: {  	s13 =	simm.s32 $0x0;
	s9 =	sadd.s32 $0x4000, s6;
	[dreg:$0x7] =	wrdreg s17  }
0x10: {  	s12 =	sadd.s32 s18, s2;
	s20 =	sadd.s32 $0x6000, s6;
	[dreg:$0x8] =	wrdreg s9  }
0x11: {  	s21 =	sadd.s32 $0x7000, s6;
	s11 =	sadd.s32 $0x8000, s6;
	[dreg:$0x9] =	wrdreg s20  }
0x12: {  	s23 =	sadd.s32 $0x9000, s6;
	s24 =	sadd.s32 $0xB000, s6;
	[dreg:$0xa] =	wrdreg s21  }
0x13: {  	s1 =	sadd.s32 $0x342600, s1;
	s28 =	sadd.s32 $0xE000, s6;
	[dreg:$0xb] =	wrdreg s11  }
0x14: {  	s29 =	sadd.s32 $0x10000, s6;
	s30 =	sadd.s32 $0x11000, s6;
	[dreg:$0xc] =	wrdreg s23  }
0x15: {  	s31 =	sadd.s32 $0x12000, s6;
	s17 =	sadd.s32 s22, s2;
	[dreg:$0xd] =	wrdreg s24  }
0x16: {  	s5 =	sshll.u32 s16, $0x4;
	s7 =	sshll.u32 s19, $0x4;
	s9 =	sadd.s32 s25, s1  }
0x17: {  	s22 =	sadd.s32 s8, s1;
	s23 =	sadd.s32 $0xC000, s6;
	s24 =	sadd.s32 s26, s2  }
0x18: {  	s25 =	smax.u32 s0, $0x1;
	s26 =	sadd.s32 $0xD000, s6;
	s0 =	sadd.s32 $0x13000, s6  }
0x19: {  	s8 =	simm.s32 $0x2800;
	s11 =	simm.s32 $0x2;
	[dreg:$0xe] =	wrdreg s9  }
0x1a: {  	s20 =	sadd.s32 s5, s1;
	s21 =	sadd.s32 s7, s1;
	s1 =	simm.s32 $0x3  }
0x1b: {  	v0 =	vimm.f32 $0.0e+00;
	s5 =	simm.s32 $0xA800;
	s7 =	simm.s32 $0x80;
	s9 =	simm.s32 $0x6800  }
.LBB2_1:
0x1c: {  	s14 =	rddreg [dreg:$0x3]  }
0x1d: {  	[tilespmem:s3], [sflag:$0x3] =	stream.linear.gather [hbm4b:s14+s3], $0x1400, $0x38;
	[tilespmem:$0x1F400] =	vst v63  }
0x1e: {  	_ =	swait.ge [sflag:s1], $0x1400  }
0x1f: {  	[sflag:s1] =	ssyncset.done $0x0  }
0x20: {  	s15 =	simm.s32 $0x1400;
	s19 =	rddreg [dreg:$0x4];
	[sflag:s1] =	ssyncadd.s32 $0xFFFFEC00  }
0x21: {  	[tilespmem:s15], [sflag:$0x3] =	stream.linear.gather [hbm4b:s19+s3], $0x1400, $0x38;
	[tilespmem:$0x1F400] =	vst v63  }
0x22: {  	_ =	swait.ge [sflag:s1], $0x1400  }
0x23: {  	[sflag:s1] =	ssyncset.done $0x0  }
0x24: {  	s14 =	simm.s32 $0x0;
	s15 =	simm.s32 $0x200;
	[sflag:s1] =	ssyncadd.s32 $0xFFFFEC00  }
.LBB2_2:
0x25: {  	p0 =	sne.s32 s15, $0x3E00;
	[tilespmem:s14+$0xA870] =	vst v0  }
0x26: {  	[tilespmem:s14+$0xA800] =	vst v0  }
0x27: {  	[tilespmem:s14+$0xA810] =	vst v0  }
.Ltmp0:
0x28: {  	[tilespmem:s14+$0xA820] =	vst v0;
	(pc) =	sbr.rel @p0 .LBB2_2-.Ltmp0, $4  }
0x29: {  	[tilespmem:s14+$0xA830] =	vst v0  }
0x2a: {  	[tilespmem:s14+$0xA840] =	vst v0  }
0x2b: {  	[tilespmem:s14+$0xA850] =	vst v0  }
0x2c: {  	[tilespmem:s14+$0xA860] =	vst v0;
	s14 =	sshra.s32 s15, $0x2;
	s15 =	sadd.s32 $0x200, s15  }
0x2d: {  	[tilespmem:s14+$0xA870] =	vst v0  }
0x2e: {  	[tilespmem:s14+$0xA800] =	vst v0  }
0x2f: {  	[tilespmem:s14+$0xA810] =	vst v0  }
0x30: {  	[tilespmem:s14+$0xA820] =	vst v0  }
0x31: {  	[tilespmem:s14+$0xA830] =	vst v0  }
0x32: {  	[tilespmem:s14+$0xA840] =	vst v0  }
0x33: {  	[tilespmem:s14+$0xA850] =	vst v0  }
0x34: {  	[tilespmem:s14+$0xA860] =	vst v0  }
0x35: {  	[spmem:s6] =	stream.linear.scatter [tilespmem:s5], [sflag:$0x3], $0x1000, $0x38;
	[tilespmem:$0x1F400] =	vst v63  }
0x36: {  	_ =	swait.ge [sflag:s1], $0x1000  }
0x37: {  	[sflag:s1] =	ssyncset.done $0x0  }
0x38: {  	s18 =	rddreg [dreg:$0x5];
	[sflag:s1] =	ssyncadd.s32 $0xFFFFF000  }
0x39: {  	[spmem:s18] =	stream.linear.scatter [tilespmem:s5], [sflag:$0x3], $0x1000, $0x38;
	[tilespmem:$0x1F400] =	vst v63  }
0x3a: {  	_ =	swait.ge [sflag:s1], $0x1000  }
0x3b: {  	[sflag:s1] =	ssyncset.done $0x0  }
0x3c: {  	s19 =	rddreg [dreg:$0x6];
	[sflag:s1] =	ssyncadd.s32 $0xFFFFF000  }
0x3d: {  	[spmem:s19] =	stream.linear.scatter [tilespmem:s5], [sflag:$0x3], $0x1000, $0x38;
	[tilespmem:$0x1F400] =	vst v63  }
0x3e: {  	_ =	swait.ge [sflag:s1], $0x1000  }
0x3f: {  	[sflag:s1] =	ssyncset.done $0x0  }
0x40: {  	s15 =	rddreg [dreg:$0x7];
	[sflag:s1] =	ssyncadd.s32 $0xFFFFF000  }
0x41: {  	[spmem:s15] =	stream.linear.scatter [tilespmem:s5], [sflag:$0x3], $0x1000, $0x38;
	[tilespmem:$0x1F400] =	vst v63  }
0x42: {  	_ =	swait.ge [sflag:s1], $0x1000  }
0x43: {  	[sflag:s1] =	ssyncset.done $0x0  }
0x44: {  	s16 =	rddreg [dreg:$0x8];
	[sflag:s1] =	ssyncadd.s32 $0xFFFFF000  }
0x45: {  	[spmem:s16] =	stream.linear.scatter [tilespmem:s5], [sflag:$0x3], $0x1000, $0x38;
	[tilespmem:$0x1F400] =	vst v63  }
0x46: {  	_ =	swait.ge [sflag:s1], $0x1000  }
0x47: {  	[sflag:s1] =	ssyncset.done $0x0  }
0x48: {  	[sflag:s1] =	ssyncadd.s32 $0xFFFFF000  }
0x49: {  	[spmem:s12] =	stream.linear.scatter [tilespmem:s5], [sflag:$0x3], $0x1000, $0x38;
	[tilespmem:$0x1F400] =	vst v63  }
0x4a: {  	_ =	swait.ge [sflag:s1], $0x1000  }
0x4b: {  	[sflag:s1] =	ssyncset.done $0x0  }
0x4c: {  	s18 =	rddreg [dreg:$0x9];
	[sflag:s1] =	ssyncadd.s32 $0xFFFFF000  }
0x4d: {  	[spmem:s18] =	stream.linear.scatter [tilespmem:s5], [sflag:$0x3], $0x1000, $0x38;
	[tilespmem:$0x1F400] =	vst v63  }
0x4e: {  	_ =	swait.ge [sflag:s1], $0x1000  }
0x4f: {  	[sflag:s1] =	ssyncset.done $0x0  }
0x50: {  	s19 =	rddreg [dreg:$0xa];
	[sflag:s1] =	ssyncadd.s32 $0xFFFFF000  }
0x51: {  	[spmem:s19] =	stream.linear.scatter [tilespmem:s5], [sflag:$0x3], $0x1000, $0x38;
	[tilespmem:$0x1F400] =	vst v63  }
0x52: {  	_ =	swait.ge [sflag:s1], $0x1000  }
0x53: {  	[sflag:s1] =	ssyncset.done $0x0  }
0x54: {  	s15 =	rddreg [dreg:$0xb];
	[sflag:s1] =	ssyncadd.s32 $0xFFFFF000  }
0x55: {  	[spmem:s15] =	stream.linear.scatter [tilespmem:s5], [sflag:$0x3], $0x1000, $0x38;
	[tilespmem:$0x1F400] =	vst v63  }
0x56: {  	_ =	swait.ge [sflag:s1], $0x1000  }
0x57: {  	[sflag:s1] =	ssyncset.done $0x0  }
0x58: {  	s16 =	rddreg [dreg:$0xc];
	[sflag:s1] =	ssyncadd.s32 $0xFFFFF000  }
0x59: {  	[spmem:s16] =	stream.linear.scatter [tilespmem:s5], [sflag:$0x3], $0x1000, $0x38;
	[tilespmem:$0x1F400] =	vst v63  }
0x5a: {  	_ =	swait.ge [sflag:s1], $0x1000  }
0x5b: {  	[sflag:s1] =	ssyncset.done $0x0  }
0x5c: {  	[sflag:s1] =	ssyncadd.s32 $0xFFFFF000  }
0x5d: {  	[spmem:s17] =	stream.linear.scatter [tilespmem:s5], [sflag:$0x3], $0x1000, $0x38;
	[tilespmem:$0x1F400] =	vst v63  }
0x5e: {  	_ =	swait.ge [sflag:s1], $0x1000  }
0x5f: {  	[sflag:s1] =	ssyncset.done $0x0  }
0x60: {  	s18 =	rddreg [dreg:$0xd];
	[sflag:s1] =	ssyncadd.s32 $0xFFFFF000  }
0x61: {  	[spmem:s18] =	stream.linear.scatter [tilespmem:s5], [sflag:$0x3], $0x1000, $0x38;
	[tilespmem:$0x1F400] =	vst v63  }
0x62: {  	_ =	swait.ge [sflag:s1], $0x1000  }
0x63: {  	[sflag:s1] =	ssyncset.done $0x0  }
0x64: {  	[sflag:s1] =	ssyncadd.s32 $0xFFFFF000  }
0x65: {  	[spmem:s23] =	stream.linear.scatter [tilespmem:s5], [sflag:$0x3], $0x1000, $0x38;
	[tilespmem:$0x1F400] =	vst v63  }
0x66: {  	_ =	swait.ge [sflag:s1], $0x1000  }
0x67: {  	[sflag:s1] =	ssyncset.done $0x0  }
0x68: {  	[sflag:s1] =	ssyncadd.s32 $0xFFFFF000  }
0x69: {  	[spmem:s26] =	stream.linear.scatter [tilespmem:s5], [sflag:$0x3], $0x1000, $0x38;
	[tilespmem:$0x1F400] =	vst v63  }
0x6a: {  	_ =	swait.ge [sflag:s1], $0x1000  }
0x6b: {  	[sflag:s1] =	ssyncset.done $0x0  }
0x6c: {  	[sflag:s1] =	ssyncadd.s32 $0xFFFFF000  }
0x6d: {  	[spmem:s28] =	stream.linear.scatter [tilespmem:s5], [sflag:$0x3], $0x1000, $0x38;
	[tilespmem:$0x1F400] =	vst v63  }
0x6e: {  	_ =	swait.ge [sflag:s1], $0x1000  }
0x6f: {  	[sflag:s1] =	ssyncset.done $0x0  }
0x70: {  	[sflag:s1] =	ssyncadd.s32 $0xFFFFF000  }
0x71: {  	[spmem:s24] =	stream.linear.scatter [tilespmem:s5], [sflag:$0x3], $0x1000, $0x38;
	[tilespmem:$0x1F400] =	vst v63  }
0x72: {  	_ =	swait.ge [sflag:s1], $0x1000  }
0x73: {  	[sflag:s1] =	ssyncset.done $0x0  }
0x74: {  	[sflag:s1] =	ssyncadd.s32 $0xFFFFF000  }
0x75: {  	[spmem:s29] =	stream.linear.scatter [tilespmem:s5], [sflag:$0x3], $0x1000, $0x38;
	[tilespmem:$0x1F400] =	vst v63  }
0x76: {  	_ =	swait.ge [sflag:s1], $0x1000  }
0x77: {  	[sflag:s1] =	ssyncset.done $0x0  }
0x78: {  	[sflag:s1] =	ssyncadd.s32 $0xFFFFF000  }
0x79: {  	[spmem:s30] =	stream.linear.scatter [tilespmem:s5], [sflag:$0x3], $0x1000, $0x38;
	[tilespmem:$0x1F400] =	vst v63  }
0x7a: {  	_ =	swait.ge [sflag:s1], $0x1000  }
0x7b: {  	[sflag:s1] =	ssyncset.done $0x0  }
0x7c: {  	[sflag:s1] =	ssyncadd.s32 $0xFFFFF000  }
0x7d: {  	[spmem:s31] =	stream.linear.scatter [tilespmem:s5], [sflag:$0x3], $0x1000, $0x38;
	[tilespmem:$0x1F400] =	vst v63  }
0x7e: {  	_ =	swait.ge [sflag:s1], $0x1000  }
0x7f: {  	[sflag:s1] =	ssyncset.done $0x0  }
0x80: {  	[sflag:s1] =	ssyncadd.s32 $0xFFFFF000  }
0x81: {  	[spmem:s0] =	stream.linear.scatter [tilespmem:s5], [sflag:$0x3], $0xC00, $0x38;
	[tilespmem:$0x1F400] =	vst v63  }
0x82: {  	_ =	swait.ge [sflag:s1], $0xC00  }
0x83: {  	[sflag:s1] =	ssyncset.done $0x0  }
0x84: {  	[sflag:s1] =	ssyncadd.s32 $0xFFFFF400  }
0x85: {  	s19 =	simm.s32 $0x0;
	[bflag:$0x0] =	sbarrier.arrive $0xFFFF  }
0x86: {  	[tilespmem:s8], [sflag:$0x1] =	stream.indirect.gather [hbm4b:s4+s7], $0x80, s19, s7, $0xb8;
	[tilespmem:$0x1F400] =	vst v63  }
0x87: {  	s15 =	simm.s32 $0x80  }
0x88: {  	[tilespmem:s9], [sflag:$0x2] =	stream.indirect.gather [hbm4b:s4+s7], $0x80, s15, s7, $0xb8;
	[tilespmem:$0x1F400] =	vst v63  }
0x89: {  	_ =	swait.ge [sflag:s10], $0x4000  }
0x8a: {  	[sflag:s10] =	ssyncset.done $0x0  }
0x8b: {  	s16 =	simm.s32 $0x1400;
	[sflag:s10] =	ssyncadd.s32 $0xFFFFC000  }
0x8c: {  	[spmem:s2] =	stream.indirect.scatter.add.f32 [tilespmem:s8], [sflag:$0x3], $0x80, s16, s7, $0xb8;
	[tilespmem:$0x1F400] =	vst v63  }
0x8d: {  	_ =	swait.ge [sflag:s1], $0x4000  }
0x8e: {  	[sflag:s1] =	ssyncset.done $0x0  }
0x8f: {  	s18 =	simm.s32 $0x100;
	[sflag:s1] =	ssyncadd.s32 $0xFFFFC000  }
0x90: {  	[tilespmem:s8], [sflag:$0x1] =	stream.indirect.gather [hbm4b:s4+s7], $0x80, s18, s7, $0xb8;
	[tilespmem:$0x1F400] =	vst v63  }
0x91: {  	_ =	swait.ge [sflag:s11], $0x4000  }
0x92: {  	[sflag:s11] =	ssyncset.done $0x0  }
0x93: {  	s19 =	simm.s32 $0x1480;
	[sflag:s11] =	ssyncadd.s32 $0xFFFFC000  }
0x94: {  	[spmem:s2] =	stream.indirect.scatter.add.f32 [tilespmem:s9], [sflag:$0x3], $0x80, s19, s7, $0xb8;
	[tilespmem:$0x1F400] =	vst v63  }
0x95: {  	_ =	swait.ge [sflag:s1], $0x4000  }
0x96: {  	s14 =	simm.s32 $0x100;
	s15 =	simm.s32 $0x800;
	[sflag:s1] =	ssyncset.done $0x0  }
.LBB2_4:
0x97: {  	s16 =	sadd.s32 $0x80, s14  }
0x98: {  	[sflag:s1] =	ssyncadd.s32 $0xFFFFC000;
	s18 =	smov.u32 s15;
	s19 =	sadd.s32 $0x400, s15  }
0x99: {  	[tilespmem:s9], [sflag:$0x2] =	stream.indirect.gather [hbm4b:s4+s7], $0x80, s16, s7, $0xb8;
	[tilespmem:$0x1F400] =	vst v63  }
0x9a: {  	p0 =	sne.s32 s15, $0x4800;
	_ =	swait.ge [sflag:s10], $0x4000  }
0x9b: {  	[sflag:s10] =	ssyncset.done $0x0  }
0x9c: {  	s15 =	sadd.s32 $0x1400, s14;
	[sflag:s10] =	ssyncadd.s32 $0xFFFFC000  }
0x9d: {  	[spmem:s2] =	stream.indirect.scatter.add.f32 [tilespmem:s8], [sflag:$0x3], $0x80, s15, s7, $0xb8;
	[tilespmem:$0x1F400] =	vst v63  }
0x9e: {  	_ =	swait.ge [sflag:s1], $0x4000  }
0x9f: {  	[sflag:s1] =	ssyncset.done $0x0  }
0xa0: {  	s15 =	sadd.s32 $0x100, s14;
	[sflag:s1] =	ssyncadd.s32 $0xFFFFC000  }
0xa1: {  	[tilespmem:s8], [sflag:$0x1] =	stream.indirect.gather [hbm4b:s4+s7], $0x80, s15, s7, $0xb8;
	[tilespmem:$0x1F400] =	vst v63  }
0xa2: {  	_ =	swait.ge [sflag:s11], $0x4000  }
.Ltmp1:
0xa3: {  	[sflag:s11] =	ssyncset.done $0x0;
	(pc) =	sbr.rel @p0 .LBB2_4-.Ltmp1, $4  }
0xa4: {  	s14 =	sadd.s32 $0x1480, s14;
	[sflag:s11] =	ssyncadd.s32 $0xFFFFC000  }
0xa5: {  	[spmem:s2] =	stream.indirect.scatter.add.f32 [tilespmem:s9], [sflag:$0x3], $0x80, s14, s7, $0xb8;
	[tilespmem:$0x1F400] =	vst v63  }
0xa6: {  	_ =	swait.ge [sflag:s1], $0x4000  }
0xa7: {  	s15 =	smov.u32 s19;
	s14 =	sshra.s32 s18, $0x2;
	[sflag:s1] =	ssyncset.done $0x0  }
0xa8: {  	s15 =	sadd.s32 $0x80, s14;
	[sflag:s1] =	ssyncadd.s32 $0xFFFFC000  }
0xa9: {  	[tilespmem:s9], [sflag:$0x2] =	stream.indirect.gather [hbm4b:s4+s7], $0x80, s15, s7, $0xb8;
	[tilespmem:$0x1F400] =	vst v63  }
0xaa: {  	_ =	swait.ge [sflag:s10], $0x4000  }
0xab: {  	[sflag:s10] =	ssyncset.done $0x0  }
0xac: {  	s19 =	sadd.s32 $0x1400, s14;
	[sflag:s10] =	ssyncadd.s32 $0xFFFFC000  }
0xad: {  	[spmem:s2] =	stream.indirect.scatter.add.f32 [tilespmem:s8], [sflag:$0x3], $0x80, s19, s7, $0xb8;
	[tilespmem:$0x1F400] =	vst v63  }
0xae: {  	_ =	swait.ge [sflag:s1], $0x4000  }
0xaf: {  	[sflag:s1] =	ssyncset.done $0x0  }
0xb0: {  	s16 =	sadd.s32 $0x100, s14;
	[sflag:s1] =	ssyncadd.s32 $0xFFFFC000  }
0xb1: {  	[tilespmem:s8], [sflag:$0x1] =	stream.indirect.gather [hbm4b:s4+s7], $0x80, s16, s7, $0xb8;
	[tilespmem:$0x1F400] =	vst v63  }
0xb2: {  	_ =	swait.ge [sflag:s11], $0x4000  }
0xb3: {  	[sflag:s11] =	ssyncset.done $0x0  }
0xb4: {  	s18 =	sadd.s32 $0x1480, s14;
	[sflag:s11] =	ssyncadd.s32 $0xFFFFC000  }
0xb5: {  	[spmem:s2] =	stream.indirect.scatter.add.f32 [tilespmem:s9], [sflag:$0x3], $0x80, s18, s7, $0xb8;
	[tilespmem:$0x1F400] =	vst v63  }
0xb6: {  	_ =	swait.ge [sflag:s1], $0x4000  }
0xb7: {  	[sflag:s1] =	ssyncset.done $0x0  }
0xb8: {  	s19 =	simm.s32 $0x1380;
	[sflag:s1] =	ssyncadd.s32 $0xFFFFC000  }
0xb9: {  	[tilespmem:s9], [sflag:$0x2] =	stream.indirect.gather [hbm4b:s4+s7], $0x80, s19, s7, $0xb8;
	[tilespmem:$0x1F400] =	vst v63  }
0xba: {  	_ =	swait.ge [sflag:s10], $0x4000  }
0xbb: {  	[sflag:s10] =	ssyncset.done $0x0  }
0xbc: {  	s15 =	simm.s32 $0x2700;
	[sflag:s10] =	ssyncadd.s32 $0xFFFFC000  }
0xbd: {  	[spmem:s2] =	stream.indirect.scatter.add.f32 [tilespmem:s8], [sflag:$0x3], $0x80, s15, s7, $0xb8;
	[tilespmem:$0x1F400] =	vst v63  }
0xbe: {  	_ =	swait.ge [sflag:s1], $0x4000  }
0xbf: {  	[sflag:s1] =	ssyncset.done $0x0  }
0xc0: {  	[sflag:s1] =	ssyncadd.s32 $0xFFFFC000  }
0xc1: {  	[tilespmem:s8], [sflag:$0x1] =	stream.indirect.gather [hbm4b:s4+s7], $0x80, s3, s7, $0xb8;
	[tilespmem:$0x1F400] =	vst v63  }
0xc2: {  	_ =	swait.ge [sflag:s11], $0x4000  }
0xc3: {  	[sflag:s11] =	ssyncset.done $0x0  }
0xc4: {  	s16 =	simm.s32 $0x2780;
	[sflag:s11] =	ssyncadd.s32 $0xFFFFC000  }
0xc5: {  	[spmem:s2] =	stream.indirect.scatter.add.f32 [tilespmem:s9], [sflag:$0x3], $0x80, s16, s7, $0xb8;
	[tilespmem:$0x1F400] =	vst v63  }
0xc6: {  	_ =	swait.ge [sflag:s1], $0x4000  }
0xc7: {  	[sflag:s1] =	ssyncset.done $0x0  }
0xc8: {  	[sflag:s1] =	ssyncadd.s32 $0xFFFFC000  }
0xc9: {  	_ =	swait.ge [sflag:s10], $0x4000  }
0xca: {  	[sflag:s10] =	ssyncset.done $0x0  }
0xcb: {  	s18 =	stileid.u32;
	[sflag:s10] =	ssyncadd.s32 $0xFFFFC000  }
0xcc: {  	s14 =	sshll.u32 s18, $0x6;
	[bflag:$0x0] =	sbarrier.arrive $0xFFFF  }
0xcd: {  	s14 =	sor.u32 $0x1C03, s14;
	s19 =	sshrl.u32 s6, $0x3;
	s16 =	rddreg [dreg:$0xe]  }
0xce: {  	[hbm:s16], [sflag:s14] =	dma.local [spmem:s19], $0xA00  }
0xcf: {  	_ =	swait.ge [sflag:s1], $0xA00  }
0xd0: {  	[sflag:s1] =	ssyncset.done $0x0  }
0xd1: {  	s16 =	sshrl.u32 s12, $0x3;
	[sflag:s1] =	ssyncadd.s32 $0xFFFFF600  }
0xd2: {  	[hbm:s20], [sflag:s14] =	dma.local [spmem:s16], $0xA00  }
0xd3: {  	_ =	swait.ge [sflag:s1], $0xA00  }
0xd4: {  	[sflag:s1] =	ssyncset.done $0x0  }
0xd5: {  	s18 =	sshrl.u32 s17, $0x3;
	[sflag:s1] =	ssyncadd.s32 $0xFFFFF600  }
0xd6: {  	[hbm:s21], [sflag:s14] =	dma.local [spmem:s18], $0xA00  }
0xd7: {  	s13 =	sadd.s32 $0x1, s13;
	_ =	swait.ge [sflag:s1], $0xA00  }
0xd8: {  	p0 =	sne.s32 s13, s25;
	[sflag:s1] =	ssyncset.done $0x0  }
.Ltmp2:
0xd9: {  	s19 =	sshrl.u32 s24, $0x3;
	[sflag:s1] =	ssyncadd.s32 $0xFFFFF600;
	(pc) =	sbr.rel @p0 .LBB2_1-.Ltmp2, $4  }
0xda: {  	[hbm:s22], [sflag:s14] =	dma.local [spmem:s19], $0x980  }
0xdb: {  	_ =	swait.ge [sflag:s1], $0x980  }
0xdc: {  	[sflag:s1] =	ssyncset.done $0x0  }
0xdd: {  	[sflag:s1] =	ssyncadd.s32 $0xFFFFF680  }
0xde: {  	_ =	sfence.sel $0x180000  }
0xdf: {  	[bflag:$0x0] =	sbarrier.arrive $0xFFFF  }
0xe0: {  	_ =	strace $0x9000004D  }
0xe1: {  	s0 =	stileid.u32;
	[bflag:$0x2] =	sbarrier.arrive $0xFFFF  }
0xe2: {  	p0 =	sne.s32 s0, $0x0;
	s0 =	rddreg [dreg:$0x2]  }
0xe3: {  	s0 =	sadd.s32 @!p0 $0x100000, s0  }
0xe4: {  	[sflag:s0] =	ssyncadd.tile.s32 @!p0 $0x1;
	_ =	shalt  }
.Lfunc_end2:
_tile_overlayer_lowered:
.L_overlay_start_2:
0xe5: {  	(tag) =	ssettag $0x2  }
0xe6: {  	s0 =	rddreg [dreg:$0x0];
	s2 =	stileid.u32  }
0xe7: {  	s1 =	rddreg [dreg:$0x1];
	p0 =	sne.s32 s2, $0x0  }
0xe8: {  	s3 =	rddreg [dreg:$0x2];
	[bflag:$0x3] =	sbarrier.arrive $0xFFFF;
	s2 =	simm.s32 @!p0 $0x1C03  }
0xe9: {  	[timem:s3], [sflag:s2] =	dma.local @!p0 [hbm:s0], s1  }
0xea: {  	s0 =	simm.s32 @!p0 $0x3  }
0xeb: {  	_ =	swait.ge @!p0 [sflag:s0], s1  }
0xec: {  	s1 =	ssub.s32 @!p0 $0x0, s1;
	[sflag:s0] =	ssyncset.done @!p0 $0x0  }
0xed: {  	[sflag:s0] =	ssyncadd.s32 @!p0 s1  }
0xee: {  	[bflag:$0x3] =	sbarrier.arrive $0xFFFF  }
0xef: {  	_ =	shalt  }

</sc_bundles>
